<compile_context>
chip_gen: v7x
topology: tpu7x:2x2x1
jax: 0.10.2.dev20260603
libtpu: 0.0.44.dev20260713+nightly
codegen_flags: <defaults>
</compile_context>

<pallas_src>
import math

import jax
import jax.numpy as jnp
from jax import lax
from jax.experimental import pallas as pl
from jax.experimental.pallas import tpu as pltpu
from jax.experimental.pallas import tpu_sc as plsc

NLAYER = 2
NT = 2
DIM = 128
H = 4
D = 32
N = 10000
E = 160000
NP = 10240
NC = 2
NS = 16
NW = NC * NS
B = 32
NB = E // B
ROWS_PER_TILE = NP // NS



def _proj_body(x_ref, w_ref, b_ref, q_ref, k_ref, v_ref):
    acc = jnp.dot(x_ref[...], w_ref[...], preferred_element_type=jnp.float32)
    acc = acc + b_ref[...]
    q_ref[...] = acc[:, :DIM]
    k_ref[...] = acc[:, DIM:2 * DIM]
    v_ref[...] = acc[:, 2 * DIM:]


def _proj(x, w, b):
    rb = 1280
    return pl.pallas_call(
        _proj_body,
        grid=(NP // rb,),
        in_specs=[
            pl.BlockSpec((rb, DIM), lambda i: (i, 0)),
            pl.BlockSpec((DIM, 3 * DIM), lambda i: (0, 0)),
            pl.BlockSpec((1, 3 * DIM), lambda i: (0, 0)),
        ],
        out_specs=[
            pl.BlockSpec((rb, DIM), lambda i: (i, 0)),
            pl.BlockSpec((rb, DIM), lambda i: (i, 0)),
            pl.BlockSpec((rb, DIM), lambda i: (i, 0)),
        ],
        out_shape=[
            jax.ShapeDtypeStruct((NP, DIM), jnp.float32),
            jax.ShapeDtypeStruct((NP, DIM), jnp.float32),
            jax.ShapeDtypeStruct((NP, DIM), jnp.float32),
        ],
    )(x, w, b)


def _out_body(num_ref, den_ref, x_ref, aw_ref, ab_ref, gate_ref, xn_ref):
    num = num_ref[0] + num_ref[1]
    den = den_ref[0] + den_ref[1]
    rr = lax.broadcasted_iota(jnp.int32, (16, DIM), 0)
    cc = lax.broadcasted_iota(jnp.int32, (16, DIM), 1) // D
    rmat = (rr == cc).astype(jnp.float32)
    den128 = jnp.dot(den, rmat, preferred_element_type=jnp.float32)
    g = num / (den128 + 1e-16)
    c0 = 0.7978845608028654
    t = jnp.tanh(c0 * (g + 0.044715 * g * g * g))
    gel = 0.5 * g * (1.0 + t)
    o = jnp.dot(gel, aw_ref[...], preferred_element_type=jnp.float32) + ab_ref[...]
    a = gate_ref[...]
    xn_ref[...] = a * o + (1.0 - a) * x_ref[...]


def _out(num, den, x, aw, abias, gate):
    rb = 1280
    return pl.pallas_call(
        _out_body,
        grid=(NP // rb,),
        in_specs=[
            pl.BlockSpec((NC, rb, DIM), lambda i: (0, i, 0)),
            pl.BlockSpec((NC, rb, 16), lambda i: (0, i, 0)),
            pl.BlockSpec((rb, DIM), lambda i: (i, 0)),
            pl.BlockSpec((DIM, DIM), lambda i: (0, 0)),
            pl.BlockSpec((1, DIM), lambda i: (0, 0)),
            pl.BlockSpec((1, DIM), lambda i: (0, 0)),
        ],
        out_specs=pl.BlockSpec((rb, DIM), lambda i: (i, 0)),
        out_shape=jax.ShapeDtypeStruct((NP, DIM), jnp.float32),
    )(num, den, x, aw, abias, gate)



def _edge_body(q_hbm, k_hbm, v_hbm, src_hbm, dst_hbm, idx_hbm, zo_hbm, zd_hbm,
               out_hbm, den_hbm,
               out_sh, den_sh, sbuf, dbuf, ibuf, qbuf, kbuf, vbuf, denbuf, sem):
    c_id = lax.axis_index("c")
    s_id = lax.axis_index("s")
    wid = s_id * NC + c_id
    row0 = s_id * ROWS_PER_TILE
    lane = lax.iota(jnp.int32, 16)

    pltpu.sync_copy(zo_hbm, qbuf)
    pltpu.sync_copy(zd_hbm, denbuf)

    def set_ibuf(j):
        pltpu.sync_copy(idx_hbm.at[pl.ds(row0 + j * B, B)], ibuf)

    def zslice(j, _):
        set_ibuf(j)
        pltpu.sync_copy(qbuf, out_sh.at[ibuf])
        pltpu.sync_copy(denbuf, den_sh.at[ibuf])
        return 0

    lax.fori_loop(0, ROWS_PER_TILE // B, zslice, 0)
    plsc.subcore_barrier()

    nb = (NB - 1 - wid) // NW + 1

    def batch_body(k, _):
        base = (wid + k * NW) * B
        pltpu.sync_copy(src_hbm.at[pl.ds(base, B)], sbuf)
        pltpu.sync_copy(dst_hbm.at[pl.ds(base, B)], dbuf)
        cq = pltpu.async_copy(q_hbm.at[dbuf], qbuf, sem)
        ck = pltpu.async_copy(k_hbm.at[sbuf], kbuf, sem)
        cv = pltpu.async_copy(v_hbm.at[sbuf], vbuf, sem)
        cq.wait()
        ck.wait()
        cv.wait()

        lane = lax.iota(jnp.int32, 16)

        def edge_one(i, _):
            tail = jnp.zeros((16,), jnp.float32)
            for h in range(H):
                p0 = qbuf[i, pl.ds(D * h, 16)] * kbuf[i, pl.ds(D * h, 16)]
                p1 = qbuf[i, pl.ds(D * h + 16, 16)] * kbuf[i, pl.ds(D * h + 16, 16)]
                s = jnp.sum(p0 + p1)
                ex = jnp.exp(jnp.full((16,), s, jnp.float32))
                qbuf[i, pl.ds(D * h, 16)] = vbuf[i, pl.ds(D * h, 16)] * ex
                qbuf[i, pl.ds(D * h + 16, 16)] = vbuf[i, pl.ds(D * h + 16, 16)] * ex
                tail = tail + jnp.where(lane == h, ex, 0.0)
            denbuf[i, pl.ds(0, 16)] = tail
            return 0

        lax.fori_loop(0, B, edge_one, 0)
        pltpu.sync_copy(qbuf, out_sh.at[dbuf], add=True)
        pltpu.sync_copy(denbuf, den_sh.at[dbuf], add=True)
        return 0

    lax.fori_loop(0, nb, batch_body, 0)
    plsc.subcore_barrier()

    def oslice(j, _):
        set_ibuf(j)
        co = pltpu.async_copy(out_sh.at[ibuf], qbuf, sem)
        cd = pltpu.async_copy(den_sh.at[ibuf], denbuf, sem)
        co.wait()
        cd.wait()
        pltpu.sync_copy(qbuf, out_hbm.at[c_id, pl.ds(row0 + j * B, B)])
        pltpu.sync_copy(denbuf, den_hbm.at[c_id, pl.ds(row0 + j * B, B)])
        return 0

    lax.fori_loop(0, ROWS_PER_TILE // B, oslice, 0)


_edge = pl.kernel(
    _edge_body,
    out_type=[
        jax.ShapeDtypeStruct((NC, NP, DIM), jnp.float32),
        jax.ShapeDtypeStruct((NC, NP, 16), jnp.float32),
    ],
    mesh=plsc.VectorSubcoreMesh(core_axis_name="c", subcore_axis_name="s"),
    compiler_params=pltpu.CompilerParams(needs_layout_passes=False),
    scratch_types=[
        pltpu.VMEM_SHARED((NP, DIM), jnp.float32),
        pltpu.VMEM_SHARED((NP, 16), jnp.float32),
        pltpu.VMEM((B,), jnp.int32),
        pltpu.VMEM((B,), jnp.int32),
        pltpu.VMEM((B,), jnp.int32),
        pltpu.VMEM((B, DIM), jnp.float32),
        pltpu.VMEM((B, DIM), jnp.float32),
        pltpu.VMEM((B, DIM), jnp.float32),
        pltpu.VMEM((B, 16), jnp.float32),
        pltpu.SemaphoreType.DMA,
    ],
)



def kernel(x_mirna, x_disease, edge_index_family, edge_index_fatherson,
           kW, kb, qW, qb, vW, vb, aW, ab, skip, relA, relM, relP):
    xs = [
        jnp.pad(x_mirna, ((0, NP - N), (0, 0))),
        jnp.pad(x_disease, ((0, NP - N), (0, 0))),
    ]
    edges = [
        (edge_index_family[0], edge_index_family[1]),
        (edge_index_fatherson[0], edge_index_fatherson[1]),
    ]
    scale = 1.0 / math.sqrt(D)
    for l in range(NLAYER):
        nxt = []
        for t in range(NT):
            kWr = kW[l, t].reshape(DIM, H, D)
            vWr = vW[l, t].reshape(DIM, H, D)
            kbr = kb[l, t].reshape(H, D)
            vbr = vb[l, t].reshape(H, D)
            sc = relP[l, t] * scale
            wk = jnp.einsum('chd,hde->che', kWr, relA[l, t]) * sc[None, :, None]
            bk = jnp.einsum('hd,hde->he', kbr, relA[l, t]) * sc[:, None]
            wv = jnp.einsum('chd,hde->che', vWr, relM[l, t])
            bv = jnp.einsum('hd,hde->he', vbr, relM[l, t])
            w = jnp.concatenate(
                [qW[l, t], wk.reshape(DIM, DIM), wv.reshape(DIM, DIM)], axis=1)
            bb = jnp.concatenate(
                [qb[l, t], bk.reshape(DIM), bv.reshape(DIM)])[None, :]
            q, kk2, vv2 = _proj(xs[t], w, bb)
            src, dst = edges[t]
            idxs = jnp.arange(NP, dtype=jnp.int32)
            zo = jnp.zeros((B, DIM), jnp.float32)
            zd = jnp.zeros((B, 16), jnp.float32)
            num, den = _edge(q, kk2, vv2, src, dst, idxs, zo, zd)
            gate = jax.nn.sigmoid(skip[l, t])
            gatev = jnp.full((1, DIM), gate, jnp.float32)
            xn = _out(num, den, xs[t], aW[l, t], ab[l, t][None, :], gatev)
            nxt.append(xn)
        xs = nxt
    return xs[0][:N], xs[1][:N]

# --- scband reference (transcript-rebuilt; emitter-appended) ---
"""Pipeline reference for scband-gnn-44633300140131 (READ-ONLY COPY).

The authoritative reference and input builder live on the scoring server;
editing this copy changes nothing except your own understanding.
"""

import jax, jax.numpy as jnp
import numpy as np

L = 2; NT = 2; ET = 2; DIM = 128; H = 4; D = DIM // H
N_MIRNA = 10000; N_DISEASE = 10000; E_FAM = 160000; E_FS = 160000

def setup_inputs(seed: int = 0):
    key = jax.random.key(seed)
    ks = jax.random.split(key, 14)
    s = 0.05
    inp = {}
    inp['x_mirna'] = jax.random.normal(ks[0], (N_MIRNA, DIM), dtype=jnp.float32)
    inp['x_disease'] = jax.random.normal(ks[1], (N_DISEASE, DIM), dtype=jnp.float32)
    inp['edge_index_family'] = jax.random.randint(ks[2], (2, E_FAM), 0, N_MIRNA, dtype=jnp.int32)
    inp['edge_index_fatherson'] = jax.random.randint(ks[3], (2, E_FS), 0, N_DISEASE, dtype=jnp.int32)
    inp['kW'] = jax.random.normal(ks[4], (L, NT, DIM, DIM), dtype=jnp.float32) * s
    inp['kb'] = jnp.zeros((L, NT, DIM), dtype=jnp.float32)
    inp['qW'] = jax.random.normal(ks[5], (L, NT, DIM, DIM), dtype=jnp.float32) * s
    inp['qb'] = jnp.zeros((L, NT, DIM), dtype=jnp.float32)
    inp['vW'] = jax.random.normal(ks[6], (L, NT, DIM, DIM), dtype=jnp.float32) * s
    inp['vb'] = jnp.zeros((L, NT, DIM), dtype=jnp.float32)
    inp['aW'] = jax.random.normal(ks[7], (L, NT, DIM, DIM), dtype=jnp.float32) * s
    inp['ab'] = jnp.zeros((L, NT, DIM), dtype=jnp.float32)
    inp['skip'] = jnp.ones((L, NT), dtype=jnp.float32)
    inp['relA'] = jax.random.normal(ks[8], (L, ET, H, D, D), dtype=jnp.float32) * s
    inp['relM'] = jax.random.normal(ks[9], (L, ET, H, D, D), dtype=jnp.float32) * s
    inp['relP'] = jnp.ones((L, ET, H), dtype=jnp.float32)
    return inp

def _segment_softmax(alpha, index, num_segments):
    amax = jax.ops.segment_max(alpha, index, num_segments=num_segments)
    amax = jnp.where(jnp.isfinite(amax), amax, 0.0)
    ex = jnp.exp(alpha - amax[index])
    den = jax.ops.segment_sum(ex, index, num_segments=num_segments)
    return ex / (den[index] + 1e-16)

def _forward(x_mirna, x_disease, eif, eifs, kW, kb, qW, qb, vW, vb, aW, ab, skip, relA, relM, relP):
    xs = [x_mirna, x_disease]
    edges = [(0, 0, eif), (1, 1, eifs)]
    for l in range(L):
        kk = [(xs[i] @ kW[l, i] + kb[l, i]).reshape(-1, H, D) for i in range(NT)]
        qq = [(xs[i] @ qW[l, i] + qb[l, i]).reshape(-1, H, D) for i in range(NT)]
        vv = [(xs[i] @ vW[l, i] + vb[l, i]).reshape(-1, H, D) for i in range(NT)]
        out = [jnp.zeros((xs[i].shape[0], DIM), dtype=jnp.float32) for i in range(NT)]
        for e in range(ET):
            st, dt, eidx = edges[e]
            src, dst = eidx[0], eidx[1]
            k_e = jnp.einsum('nhd,hde->nhe', kk[st], relA[l, e])
            v_e = jnp.einsum('nhd,hde->nhe', vv[st], relM[l, e])
            q_i = qq[dt][dst]
            k_j = k_e[src]
            alpha = (q_i * k_j).sum(-1) * relP[l, e] / jnp.sqrt(jnp.float32(D))
            n_dst = xs[dt].shape[0]
            alpha = _segment_softmax(alpha, dst, n_dst)
            msg = v_e[src] * alpha[:, :, None]
            out[dt] = out[dt] + jax.ops.segment_sum(msg.reshape(-1, DIM), dst, num_segments=n_dst)
        nxt = []
        for i in range(NT):
            o = jax.nn.gelu(out[i]) @ aW[l, i] + ab[l, i]
            a = jax.nn.sigmoid(skip[l, i])
            nxt.append(a * o + (1.0 - a) * xs[i])
        xs = nxt
    return (xs[0], xs[1])

def reference(x_mirna, x_disease, edge_index_family, edge_index_fatherson, kW, kb, qW, qb, vW, vb, aW, ab, skip, relA, relM, relP):
    return _forward(x_mirna, x_disease, edge_index_family, edge_index_fatherson, kW, kb, qW, qb, vW, vb, aW, ab, skip, relA, relM, relP)

if __name__ == "__main__":
    import jax
    _d = setup_inputs()
    print(jax.jit(kernel)(*tuple(_d.values())))

</pallas_src>

<mosaic_0001>
#map = affine_map<(d0, d1) -> (0, 0)>
#map1 = affine_map<(d0, d1) -> (0)>
#map2 = affine_map<(d0, d1) -> (0, 0, 0)>
module attributes {stable_mosaic.version = 14 : i64} {
  func.func @_edge_body(%arg0: i32, %arg1: i32, %arg2: memref<10240x128xf32, #tpu.memory_space<hbm>>, %arg3: memref<10240x128xf32, #tpu.memory_space<hbm>>, %arg4: memref<10240x128xf32, #tpu.memory_space<hbm>>, %arg5: memref<160000xi32, #tpu.memory_space<hbm>>, %arg6: memref<160000xi32, #tpu.memory_space<hbm>>, %arg7: memref<10240xi32, #tpu.memory_space<hbm>>, %arg8: memref<32x128xf32, #tpu.memory_space<hbm>>, %arg9: memref<32x16xf32, #tpu.memory_space<hbm>>, %arg10: memref<2x10240x128xf32, #tpu.memory_space<hbm>>, %arg11: memref<2x10240x16xf32, #tpu.memory_space<hbm>>, %arg12: memref<10240x128xf32, #tpu.memory_space<vmem_shared>>, %arg13: memref<10240x16xf32, #tpu.memory_space<vmem_shared>>, %arg14: memref<32xi32, #tpu.memory_space<vmem>>, %arg15: memref<32xi32, #tpu.memory_space<vmem>>, %arg16: memref<32xi32, #tpu.memory_space<vmem>>, %arg17: memref<32x128xf32, #tpu.memory_space<vmem>>, %arg18: memref<32x128xf32, #tpu.memory_space<vmem>>, %arg19: memref<32x128xf32, #tpu.memory_space<vmem>>, %arg20: memref<32x16xf32, #tpu.memory_space<vmem>>, %arg21: memref<!tpu.dma_semaphore, #tpu.memory_space<semaphore_mem>>) attributes {dimension_semantics = [#tpu.dimension_semantics<core_parallel>, #tpu.dimension_semantics<subcore_parallel>], iteration_bounds = array<i64: 2, 16>, scalar_prefetch = 0 : i64, scratch_operands = 10 : i64, tpu.core_type = #tpu.core_type<sc_vector_subcore>, window_params = [{transform_indices = #map}, {transform_indices = #map}, {transform_indices = #map}, {transform_indices = #map1}, {transform_indices = #map1}, {transform_indices = #map1}, {transform_indices = #map}, {transform_indices = #map}, {transform_indices = #map2}, {transform_indices = #map2}]} {
    %mul3A = arith.constant 2 : i32
    %mul3A_0 = arith.muli %arg1, %mul3A : i32
    %add3A = arith.addi %mul3A_0, %arg0 : i32
    %mul3A_1 = arith.constant 640 : i32
    %mul3A_2 = arith.muli %arg1, %mul3A_1 : i32
    %iota3A = tpu.iota {dimensions = array<i32: 0>} : vector<16xi32>
    "tpu.region"() ({
      %run_scoped3A = tpu.sem_alloc : memref<!tpu.dma_semaphore, #tpu.memory_space<semaphore_mem>>
      tpu.enqueue_dma source(%arg8 : memref<32x128xf32, #tpu.memory_space<hbm>>) target(%arg17 : memref<32x128xf32, #tpu.memory_space<vmem>>) target_semaphore(%run_scoped3A : memref<!tpu.dma_semaphore, #tpu.memory_space<semaphore_mem>>)
      tpu.wait_dma2 semaphore(%run_scoped3A : memref<!tpu.dma_semaphore, #tpu.memory_space<semaphore_mem>>) src(%arg8 : memref<32x128xf32, #tpu.memory_space<hbm>>) dst(%arg17 : memref<32x128xf32, #tpu.memory_space<vmem>>)
      tpu.yield
    }) : () -> ()
    "tpu.region"() ({
      %run_scoped3A = tpu.sem_alloc : memref<!tpu.dma_semaphore, #tpu.memory_space<semaphore_mem>>
      tpu.enqueue_dma source(%arg9 : memref<32x16xf32, #tpu.memory_space<hbm>>) target(%arg20 : memref<32x16xf32, #tpu.memory_space<vmem>>) target_semaphore(%run_scoped3A : memref<!tpu.dma_semaphore, #tpu.memory_space<semaphore_mem>>)
      tpu.wait_dma2 semaphore(%run_scoped3A : memref<!tpu.dma_semaphore, #tpu.memory_space<semaphore_mem>>) src(%arg9 : memref<32x16xf32, #tpu.memory_space<hbm>>) dst(%arg20 : memref<32x16xf32, #tpu.memory_space<vmem>>)
      tpu.yield
    }) : () -> ()
    %scan3A = arith.constant 0 : i32
    %scan3A_3 = arith.constant 0 : i32
    %scan3A_4 = arith.constant 20 : i32
    %scan3A_5 = arith.addi %scan3A_3, %scan3A_4 : i32
    %scan3A_6 = arith.constant 1 : i32
    %scan3A_7 = scf.for %scan3A_48 = %scan3A_3 to %scan3A_5 step %scan3A_6 iter_args(%scan3A_49 = %scan3A) -> (i32)  : i32 {
      %mul3A_50 = arith.constant 32 : i32
      %mul3A_51 = arith.muli %scan3A_48, %mul3A_50 : i32
      %add3A_52 = arith.addi %mul3A_2, %mul3A_51 : i32
      "tpu.region"() ({
        %run_scoped3A = tpu.sem_alloc : memref<!tpu.dma_semaphore, #tpu.memory_space<semaphore_mem>>
        %dma_start3A = tpu.memref_slice %arg7[%add3A_52] : memref<10240xi32, #tpu.memory_space<hbm>> -> memref<32xi32, #tpu.memory_space<hbm>>
        %dma_start3A_54 = tpu.memref_slice %arg7[%add3A_52] : memref<10240xi32, #tpu.memory_space<hbm>> -> memref<32xi32, #tpu.memory_space<hbm>>
        tpu.enqueue_dma source(%dma_start3A_54 : memref<32xi32, #tpu.memory_space<hbm>>) target(%arg16 : memref<32xi32, #tpu.memory_space<vmem>>) target_semaphore(%run_scoped3A : memref<!tpu.dma_semaphore, #tpu.memory_space<semaphore_mem>>)
        %dma_wait3A = tpu.memref_slice %arg7[%add3A_52] : memref<10240xi32, #tpu.memory_space<hbm>> -> memref<32xi32, #tpu.memory_space<hbm>>
        %dma_wait3A_55 = tpu.memref_slice %arg7[%add3A_52] : memref<10240xi32, #tpu.memory_space<hbm>> -> memref<32xi32, #tpu.memory_space<hbm>>
        tpu.wait_dma2 semaphore(%run_scoped3A : memref<!tpu.dma_semaphore, #tpu.memory_space<semaphore_mem>>) src(%dma_wait3A_55 : memref<32xi32, #tpu.memory_space<hbm>>) dst(%arg16 : memref<32xi32, #tpu.memory_space<vmem>>)
        tpu.yield
      }) : () -> ()
      "tpu.region"() ({
        %run_scoped3A = tpu.sem_alloc : memref<!tpu.dma_semaphore, #tpu.memory_space<semaphore_mem>>
        %dma_start3A = arith.constant 0 : i32
        %dma_start3A_54 = arith.constant 0 : i32
        %dma_start3A_55 = tpu.memref_slice %arg12[%dma_start3A, %dma_start3A_54] : memref<10240x128xf32, #tpu.memory_space<vmem_shared>> -> memref<10240x128xf32, #tpu.memory_space<vmem_shared>>
        tpu.enqueue_indirect_dma source(%arg17 : memref<32x128xf32, #tpu.memory_space<vmem>>) target(%dma_start3A_55 : memref<10240x128xf32, #tpu.memory_space<vmem_shared>>) offsets(%arg16 : memref<32xi32, #tpu.memory_space<vmem>>) semaphore(%run_scoped3A : memref<!tpu.dma_semaphore, #tpu.memory_space<semaphore_mem>>)
        %dma_wait3A = arith.constant 0 : i32
        %dma_wait3A_56 = arith.constant 0 : i32
        %dma_wait3A_57 = tpu.memref_slice %arg12[%dma_wait3A, %dma_wait3A_56] : memref<10240x128xf32, #tpu.memory_space<vmem_shared>> -> memref<10240x128xf32, #tpu.memory_space<vmem_shared>>
        tpu.wait_indirect_dma semaphore(%run_scoped3A : memref<!tpu.dma_semaphore, #tpu.memory_space<semaphore_mem>>) src(%arg17 : memref<32x128xf32, #tpu.memory_space<vmem>>) dst(%dma_wait3A_57 : memref<10240x128xf32, #tpu.memory_space<vmem_shared>>)
        tpu.yield
      }) : () -> ()
      "tpu.region"() ({
        %run_scoped3A = tpu.sem_alloc : memref<!tpu.dma_semaphore, #tpu.memory_space<semaphore_mem>>
        %dma_start3A = arith.constant 0 : i32
        %dma_start3A_54 = arith.constant 0 : i32
        %dma_start3A_55 = tpu.memref_slice %arg13[%dma_start3A, %dma_start3A_54] : memref<10240x16xf32, #tpu.memory_space<vmem_shared>> -> memref<10240x16xf32, #tpu.memory_space<vmem_shared>>
        tpu.enqueue_indirect_dma source(%arg20 : memref<32x16xf32, #tpu.memory_space<vmem>>) target(%dma_start3A_55 : memref<10240x16xf32, #tpu.memory_space<vmem_shared>>) offsets(%arg16 : memref<32xi32, #tpu.memory_space<vmem>>) semaphore(%run_scoped3A : memref<!tpu.dma_semaphore, #tpu.memory_space<semaphore_mem>>)
        %dma_wait3A = arith.constant 0 : i32
        %dma_wait3A_56 = arith.constant 0 : i32
        %dma_wait3A_57 = tpu.memref_slice %arg13[%dma_wait3A, %dma_wait3A_56] : memref<10240x16xf32, #tpu.memory_space<vmem_shared>> -> memref<10240x16xf32, #tpu.memory_space<vmem_shared>>
        tpu.wait_indirect_dma semaphore(%run_scoped3A : memref<!tpu.dma_semaphore, #tpu.memory_space<semaphore_mem>>) src(%arg20 : memref<32x16xf32, #tpu.memory_space<vmem>>) dst(%dma_wait3A_57 : memref<10240x16xf32, #tpu.memory_space<vmem_shared>>)
        tpu.yield
      }) : () -> ()
      %scan3A_53 = arith.constant 0 : i32
      scf.yield %scan3A_53 : i32
    }
    %scan3A_8 = arith.constant 20 : i32
    %barrier3A = arith.constant 0 : index
    tpu.barrier barrier_id(%barrier3A)
    %sub3A = arith.constant 4999 : i32
    %sub3A_9 = arith.subi %sub3A, %add3A : i32
    %jit3A = arith.constant 32 : i32
    %div3A = arith.divsi %sub3A_9, %jit3A : i32
    %sign3A = arith.constant 0 : i32
    %sign3A_10 = arith.cmpi sgt, %sub3A_9, %sign3A : i32
    %sign3A_11 = arith.extui %sign3A_10 : i1 to i32
    %sign3A_12 = arith.constant 0 : i32
    %sign3A_13 = arith.cmpi slt, %sub3A_9, %sign3A_12 : i32
    %sign3A_14 = arith.extui %sign3A_13 : i1 to i32
    %sign3A_15 = arith.subi %sign3A_11, %sign3A_14 : i32
    %sign3A_16 = arith.constant 0 : i32
    %sign3A_17 = arith.cmpi sgt, %jit3A, %sign3A_16 : i32
    %sign3A_18 = arith.extui %sign3A_17 : i1 to i32
    %sign3A_19 = arith.constant 0 : i32
    %sign3A_20 = arith.cmpi slt, %jit3A, %sign3A_19 : i32
    %sign3A_21 = arith.extui %sign3A_20 : i1 to i32
    %sign3A_22 = arith.subi %sign3A_18, %sign3A_21 : i32
    %ne3A = arith.cmpi ne, %sign3A_15, %sign3A_22 : i32
    %rem3A = arith.remsi %sub3A_9, %jit3A : i32
    %ne3A_23 = arith.constant 0 : i32
    %ne3A_24 = arith.cmpi ne, %rem3A, %ne3A_23 : i32
    %and3A = arith.andi %ne3A, %ne3A_24 : i1
    %sub3A_25 = arith.constant 1 : i32
    %sub3A_26 = arith.subi %div3A, %sub3A_25 : i32
    %select_n3A = arith.select %and3A, %sub3A_26, %div3A : i32
    %add3A_27 = arith.constant 1 : i32
    %add3A_28 = arith.addi %select_n3A, %add3A_27 : i32
    %while3A = arith.constant 0 : i32
    %while3A_29 = arith.constant 0 : i32
    %while3A_30 = arith.subi %add3A_28, %while3A : i32
    %while3A_31 = arith.addi %while3A, %while3A_30 : i32
    %while3A_32 = arith.constant 1 : i32
    %while3A_33 = arith.divsi %while3A_30, %while3A_32 : i32
    %while3A_34 = arith.muli %while3A_33, %while3A_32 : i32
    %while3A_35 = arith.addi %while3A, %while3A_34 : i32
    %while3A_36 = arith.constant 1 : i32
    %while3A_37 = scf.for %while3A_48 = %while3A to %while3A_35 step %while3A_36 iter_args(%while3A_49 = %while3A_29) -> (i32)  : i32 {
      %mul3A_50 = arith.constant 32 : i32
      %mul3A_51 = arith.muli %while3A_48, %mul3A_50 : i32
      %add3A_52 = arith.addi %add3A, %mul3A_51 : i32
      %mul3A_53 = arith.constant 32 : i32
      %mul3A_54 = arith.muli %add3A_52, %mul3A_53 : i32
      "tpu.region"() ({
        %run_scoped3A = tpu.sem_alloc : memref<!tpu.dma_semaphore, #tpu.memory_space<semaphore_mem>>
        %dma_start3A_80 = tpu.memref_slice %arg5[%mul3A_54] : memref<160000xi32, #tpu.memory_space<hbm>> -> memref<32xi32, #tpu.memory_space<hbm>>
        %dma_start3A_81 = tpu.memref_slice %arg5[%mul3A_54] : memref<160000xi32, #tpu.memory_space<hbm>> -> memref<32xi32, #tpu.memory_space<hbm>>
        tpu.enqueue_dma source(%dma_start3A_81 : memref<32xi32, #tpu.memory_space<hbm>>) target(%arg14 : memref<32xi32, #tpu.memory_space<vmem>>) target_semaphore(%run_scoped3A : memref<!tpu.dma_semaphore, #tpu.memory_space<semaphore_mem>>)
        %dma_wait3A_82 = tpu.memref_slice %arg5[%mul3A_54] : memref<160000xi32, #tpu.memory_space<hbm>> -> memref<32xi32, #tpu.memory_space<hbm>>
        %dma_wait3A_83 = tpu.memref_slice %arg5[%mul3A_54] : memref<160000xi32, #tpu.memory_space<hbm>> -> memref<32xi32, #tpu.memory_space<hbm>>
        tpu.wait_dma2 semaphore(%run_scoped3A : memref<!tpu.dma_semaphore, #tpu.memory_space<semaphore_mem>>) src(%dma_wait3A_83 : memref<32xi32, #tpu.memory_space<hbm>>) dst(%arg14 : memref<32xi32, #tpu.memory_space<vmem>>)
        tpu.yield
      }) : () -> ()
      "tpu.region"() ({
        %run_scoped3A = tpu.sem_alloc : memref<!tpu.dma_semaphore, #tpu.memory_space<semaphore_mem>>
        %dma_start3A_80 = tpu.memref_slice %arg6[%mul3A_54] : memref<160000xi32, #tpu.memory_space<hbm>> -> memref<32xi32, #tpu.memory_space<hbm>>
        %dma_start3A_81 = tpu.memref_slice %arg6[%mul3A_54] : memref<160000xi32, #tpu.memory_space<hbm>> -> memref<32xi32, #tpu.memory_space<hbm>>
        tpu.enqueue_dma source(%dma_start3A_81 : memref<32xi32, #tpu.memory_space<hbm>>) target(%arg15 : memref<32xi32, #tpu.memory_space<vmem>>) target_semaphore(%run_scoped3A : memref<!tpu.dma_semaphore, #tpu.memory_space<semaphore_mem>>)
        %dma_wait3A_82 = tpu.memref_slice %arg6[%mul3A_54] : memref<160000xi32, #tpu.memory_space<hbm>> -> memref<32xi32, #tpu.memory_space<hbm>>
        %dma_wait3A_83 = tpu.memref_slice %arg6[%mul3A_54] : memref<160000xi32, #tpu.memory_space<hbm>> -> memref<32xi32, #tpu.memory_space<hbm>>
        tpu.wait_dma2 semaphore(%run_scoped3A : memref<!tpu.dma_semaphore, #tpu.memory_space<semaphore_mem>>) src(%dma_wait3A_83 : memref<32xi32, #tpu.memory_space<hbm>>) dst(%arg15 : memref<32xi32, #tpu.memory_space<vmem>>)
        tpu.yield
      }) : () -> ()
      %dma_start3A = arith.constant 0 : i32
      %dma_start3A_55 = arith.constant 0 : i32
      %dma_start3A_56 = tpu.memref_slice %arg2[%dma_start3A, %dma_start3A_55] : memref<10240x128xf32, #tpu.memory_space<hbm>> -> memref<10240x128xf32, #tpu.memory_space<hbm>>
      tpu.enqueue_indirect_dma source(%dma_start3A_56 : memref<10240x128xf32, #tpu.memory_space<hbm>>) target(%arg17 : memref<32x128xf32, #tpu.memory_space<vmem>>) offsets(%arg15 : memref<32xi32, #tpu.memory_space<vmem>>) semaphore(%arg21 : memref<!tpu.dma_semaphore, #tpu.memory_space<semaphore_mem>>)
      %dma_start3A_57 = arith.constant 0 : i32
      %dma_start3A_58 = arith.constant 0 : i32
      %dma_start3A_59 = tpu.memref_slice %arg3[%dma_start3A_57, %dma_start3A_58] : memref<10240x128xf32, #tpu.memory_space<hbm>> -> memref<10240x128xf32, #tpu.memory_space<hbm>>
      tpu.enqueue_indirect_dma source(%dma_start3A_59 : memref<10240x128xf32, #tpu.memory_space<hbm>>) target(%arg18 : memref<32x128xf32, #tpu.memory_space<vmem>>) offsets(%arg14 : memref<32xi32, #tpu.memory_space<vmem>>) semaphore(%arg21 : memref<!tpu.dma_semaphore, #tpu.memory_space<semaphore_mem>>)
      %dma_start3A_60 = arith.constant 0 : i32
      %dma_start3A_61 = arith.constant 0 : i32
      %dma_start3A_62 = tpu.memref_slice %arg4[%dma_start3A_60, %dma_start3A_61] : memref<10240x128xf32, #tpu.memory_space<hbm>> -> memref<10240x128xf32, #tpu.memory_space<hbm>>
      tpu.enqueue_indirect_dma source(%dma_start3A_62 : memref<10240x128xf32, #tpu.memory_space<hbm>>) target(%arg19 : memref<32x128xf32, #tpu.memory_space<vmem>>) offsets(%arg14 : memref<32xi32, #tpu.memory_space<vmem>>) semaphore(%arg21 : memref<!tpu.dma_semaphore, #tpu.memory_space<semaphore_mem>>)
      %dma_wait3A = arith.constant 0 : i32
      %dma_wait3A_63 = arith.constant 0 : i32
      %dma_wait3A_64 = tpu.memref_slice %arg2[%dma_wait3A, %dma_wait3A_63] : memref<10240x128xf32, #tpu.memory_space<hbm>> -> memref<10240x128xf32, #tpu.memory_space<hbm>>
      tpu.wait_indirect_dma semaphore(%arg21 : memref<!tpu.dma_semaphore, #tpu.memory_space<semaphore_mem>>) src(%dma_wait3A_64 : memref<10240x128xf32, #tpu.memory_space<hbm>>) dst(%arg17 : memref<32x128xf32, #tpu.memory_space<vmem>>)
      %dma_wait3A_65 = arith.constant 0 : i32
      %dma_wait3A_66 = arith.constant 0 : i32
      %dma_wait3A_67 = tpu.memref_slice %arg3[%dma_wait3A_65, %dma_wait3A_66] : memref<10240x128xf32, #tpu.memory_space<hbm>> -> memref<10240x128xf32, #tpu.memory_space<hbm>>
      tpu.wait_indirect_dma semaphore(%arg21 : memref<!tpu.dma_semaphore, #tpu.memory_space<semaphore_mem>>) src(%dma_wait3A_67 : memref<10240x128xf32, #tpu.memory_space<hbm>>) dst(%arg18 : memref<32x128xf32, #tpu.memory_space<vmem>>)
      %dma_wait3A_68 = arith.constant 0 : i32
      %dma_wait3A_69 = arith.constant 0 : i32
      %dma_wait3A_70 = tpu.memref_slice %arg4[%dma_wait3A_68, %dma_wait3A_69] : memref<10240x128xf32, #tpu.memory_space<hbm>> -> memref<10240x128xf32, #tpu.memory_space<hbm>>
      tpu.wait_indirect_dma semaphore(%arg21 : memref<!tpu.dma_semaphore, #tpu.memory_space<semaphore_mem>>) src(%dma_wait3A_70 : memref<10240x128xf32, #tpu.memory_space<hbm>>) dst(%arg19 : memref<32x128xf32, #tpu.memory_space<vmem>>)
      %iota3A_71 = tpu.iota {dimensions = array<i32: 0>} : vector<16xi32>
      %scan3A_72 = arith.constant 0 : i32
      %scan3A_73 = arith.constant 0 : i32
      %scan3A_74 = arith.constant 32 : i32
      %scan3A_75 = arith.addi %scan3A_73, %scan3A_74 : i32
      %scan3A_76 = arith.constant 1 : i32
      %scan3A_77 = scf.for %scan3A_80 = %scan3A_73 to %scan3A_75 step %scan3A_76 iter_args(%scan3A_81 = %scan3A_72) -> (i32)  : i32 {
        %broadcast_in_dim3A = arith.constant 0.000000e+00 : f32
        %broadcast_in_dim3A_82 = vector.broadcast %broadcast_in_dim3A : f32 to vector<16xf32>
        %get3A = arith.index_cast %scan3A_80 : i32 to index
        %get3A_83 = arith.constant 0 : index
        %get3A_84 = tpu.vector_load %arg17[%get3A, %get3A_83] {strides = array<i32>} : memref<32x128xf32, #tpu.memory_space<vmem>>, vector<16xf32>,
        %get3A_85 = arith.index_cast %scan3A_80 : i32 to index
        %get3A_86 = arith.constant 0 : index
        %get3A_87 = tpu.vector_load %arg18[%get3A_85, %get3A_86] {strides = array<i32>} : memref<32x128xf32, #tpu.memory_space<vmem>>, vector<16xf32>,
        %mul3A_88 = arith.mulf %get3A_84, %get3A_87 : vector<16xf32>
        %get3A_89 = arith.index_cast %scan3A_80 : i32 to index
        %get3A_90 = arith.constant 16 : index
        %get3A_91 = tpu.vector_load %arg17[%get3A_89, %get3A_90] {strides = array<i32>} : memref<32x128xf32, #tpu.memory_space<vmem>>, vector<16xf32>,
        %get3A_92 = arith.index_cast %scan3A_80 : i32 to index
        %get3A_93 = arith.constant 16 : index
        %get3A_94 = tpu.vector_load %arg18[%get3A_92, %get3A_93] {strides = array<i32>} : memref<32x128xf32, #tpu.memory_space<vmem>>, vector<16xf32>,
        %mul3A_95 = arith.mulf %get3A_91, %get3A_94 : vector<16xf32>
        %add3A_96 = arith.addf %mul3A_88, %mul3A_95 : vector<16xf32>
        %reduce_sum3A = arith.constant true
        %reduce_sum3A_97 = vector.broadcast %reduce_sum3A : i1 to vector<16xi1>
        %reduce_sum3A_98 = tpu.scan <sum>, %add3A_96 masked %reduce_sum3A_97 : vector<16xf32>, vector<16xi1> -> vector<16xf32>
        %reduce_sum3A_99 = vector.extract %reduce_sum3A_98[15] : f32 from vector<16xf32>
        %broadcast_in_dim3A_100 = vector.broadcast %reduce_sum3A_99 : f32 to vector<16xf32>
        %exp3A = math.exp %broadcast_in_dim3A_100 : vector<16xf32>
        %get3A_101 = arith.index_cast %scan3A_80 : i32 to index
        %get3A_102 = arith.constant 0 : index
        %get3A_103 = tpu.vector_load %arg19[%get3A_101, %get3A_102] {strides = array<i32>} : memref<32x128xf32, #tpu.memory_space<vmem>>, vector<16xf32>,
        %mul3A_104 = arith.mulf %get3A_103, %exp3A : vector<16xf32>
        %swap3A = arith.index_cast %scan3A_80 : i32 to index
        %swap3A_105 = arith.constant 0 : index
        %swap3A_106 = tpu.vector_load %arg17[%swap3A, %swap3A_105] {strides = array<i32>} : memref<32x128xf32, #tpu.memory_space<vmem>>, vector<16xf32>,
        tpu.vector_store %arg17[%swap3A, %swap3A_105], %mul3A_104 {strides = array<i32>} : memref<32x128xf32, #tpu.memory_space<vmem>>, vector<16xf32>,
        %get3A_107 = arith.index_cast %scan3A_80 : i32 to index
        %get3A_108 = arith.constant 16 : index
        %get3A_109 = tpu.vector_load %arg19[%get3A_107, %get3A_108] {strides = array<i32>} : memref<32x128xf32, #tpu.memory_space<vmem>>, vector<16xf32>,
        %mul3A_110 = arith.mulf %get3A_109, %exp3A : vector<16xf32>
        %swap3A_111 = arith.index_cast %scan3A_80 : i32 to index
        %swap3A_112 = arith.constant 16 : index
        %swap3A_113 = tpu.vector_load %arg17[%swap3A_111, %swap3A_112] {strides = array<i32>} : memref<32x128xf32, #tpu.memory_space<vmem>>, vector<16xf32>,
        tpu.vector_store %arg17[%swap3A_111, %swap3A_112], %mul3A_110 {strides = array<i32>} : memref<32x128xf32, #tpu.memory_space<vmem>>, vector<16xf32>,
        %eq3A = arith.constant 0 : i32
        %eq3A_114 = vector.broadcast %eq3A : i32 to vector<16xi32>
        %eq3A_115 = arith.cmpi eq, %iota3A_71, %eq3A_114 : vector<16xi32>
        %jit3A_116 = arith.constant 0.000000e+00 : f32
        %broadcast_in_dim3A_117 = vector.broadcast %jit3A_116 : f32 to vector<16xf32>
        %select_n3A_118 = arith.select %eq3A_115, %exp3A, %broadcast_in_dim3A_117 : vector<16xi1>, vector<16xf32>
        %add3A_119 = arith.addf %broadcast_in_dim3A_82, %select_n3A_118 : vector<16xf32>
        %get3A_120 = arith.index_cast %scan3A_80 : i32 to index
        %get3A_121 = arith.constant 32 : index
        %get3A_122 = tpu.vector_load %arg17[%get3A_120, %get3A_121] {strides = array<i32>} : memref<32x128xf32, #tpu.memory_space<vmem>>, vector<16xf32>,
        %get3A_123 = arith.index_cast %scan3A_80 : i32 to index
        %get3A_124 = arith.constant 32 : index
        %get3A_125 = tpu.vector_load %arg18[%get3A_123, %get3A_124] {strides = array<i32>} : memref<32x128xf32, #tpu.memory_space<vmem>>, vector<16xf32>,
        %mul3A_126 = arith.mulf %get3A_122, %get3A_125 : vector<16xf32>
        %get3A_127 = arith.index_cast %scan3A_80 : i32 to index
        %get3A_128 = arith.constant 48 : index
        %get3A_129 = tpu.vector_load %arg17[%get3A_127, %get3A_128] {strides = array<i32>} : memref<32x128xf32, #tpu.memory_space<vmem>>, vector<16xf32>,
        %get3A_130 = arith.index_cast %scan3A_80 : i32 to index
        %get3A_131 = arith.constant 48 : index
        %get3A_132 = tpu.vector_load %arg18[%get3A_130, %get3A_131] {strides = array<i32>} : memref<32x128xf32, #tpu.memory_space<vmem>>, vector<16xf32>,
        %mul3A_133 = arith.mulf %get3A_129, %get3A_132 : vector<16xf32>
        %add3A_134 = arith.addf %mul3A_126, %mul3A_133 : vector<16xf32>
        %reduce_sum3A_135 = arith.constant true
        %reduce_sum3A_136 = vector.broadcast %reduce_sum3A_135 : i1 to vector<16xi1>
        %reduce_sum3A_137 = tpu.scan <sum>, %add3A_134 masked %reduce_sum3A_136 : vector<16xf32>, vector<16xi1> -> vector<16xf32>
        %reduce_sum3A_138 = vector.extract %reduce_sum3A_137[15] : f32 from vector<16xf32>
        %broadcast_in_dim3A_139 = vector.broadcast %reduce_sum3A_138 : f32 to vector<16xf32>
        %exp3A_140 = math.exp %broadcast_in_dim3A_139 : vector<16xf32>
        %get3A_141 = arith.index_cast %scan3A_80 : i32 to index
        %get3A_142 = arith.constant 32 : index
        %get3A_143 = tpu.vector_load %arg19[%get3A_141, %get3A_142] {strides = array<i32>} : memref<32x128xf32, #tpu.memory_space<vmem>>, vector<16xf32>,
        %mul3A_144 = arith.mulf %get3A_143, %exp3A_140 : vector<16xf32>
        %swap3A_145 = arith.index_cast %scan3A_80 : i32 to index
        %swap3A_146 = arith.constant 32 : index
        %swap3A_147 = tpu.vector_load %arg17[%swap3A_145, %swap3A_146] {strides = array<i32>} : memref<32x128xf32, #tpu.memory_space<vmem>>, vector<16xf32>,
        tpu.vector_store %arg17[%swap3A_145, %swap3A_146], %mul3A_144 {strides = array<i32>} : memref<32x128xf32, #tpu.memory_space<vmem>>, vector<16xf32>,
        %get3A_148 = arith.index_cast %scan3A_80 : i32 to index
        %get3A_149 = arith.constant 48 : index
        %get3A_150 = tpu.vector_load %arg19[%get3A_148, %get3A_149] {strides = array<i32>} : memref<32x128xf32, #tpu.memory_space<vmem>>, vector<16xf32>,
        %mul3A_151 = arith.mulf %get3A_150, %exp3A_140 : vector<16xf32>
        %swap3A_152 = arith.index_cast %scan3A_80 : i32 to index
        %swap3A_153 = arith.constant 48 : index
        %swap3A_154 = tpu.vector_load %arg17[%swap3A_152, %swap3A_153] {strides = array<i32>} : memref<32x128xf32, #tpu.memory_space<vmem>>, vector<16xf32>,
        tpu.vector_store %arg17[%swap3A_152, %swap3A_153], %mul3A_151 {strides = array<i32>} : memref<32x128xf32, #tpu.memory_space<vmem>>, vector<16xf32>,
        %eq3A_155 = arith.constant 1 : i32
        %eq3A_156 = vector.broadcast %eq3A_155 : i32 to vector<16xi32>
        %eq3A_157 = arith.cmpi eq, %iota3A_71, %eq3A_156 : vector<16xi32>
        %jit3A_158 = arith.constant 0.000000e+00 : f32
        %broadcast_in_dim3A_159 = vector.broadcast %jit3A_158 : f32 to vector<16xf32>
        %select_n3A_160 = arith.select %eq3A_157, %exp3A_140, %broadcast_in_dim3A_159 : vector<16xi1>, vector<16xf32>
        %add3A_161 = arith.addf %add3A_119, %select_n3A_160 : vector<16xf32>
        %get3A_162 = arith.index_cast %scan3A_80 : i32 to index
        %get3A_163 = arith.constant 64 : index
        %get3A_164 = tpu.vector_load %arg17[%get3A_162, %get3A_163] {strides = array<i32>} : memref<32x128xf32, #tpu.memory_space<vmem>>, vector<16xf32>,
        %get3A_165 = arith.index_cast %scan3A_80 : i32 to index
        %get3A_166 = arith.constant 64 : index
        %get3A_167 = tpu.vector_load %arg18[%get3A_165, %get3A_166] {strides = array<i32>} : memref<32x128xf32, #tpu.memory_space<vmem>>, vector<16xf32>,
        %mul3A_168 = arith.mulf %get3A_164, %get3A_167 : vector<16xf32>
        %get3A_169 = arith.index_cast %scan3A_80 : i32 to index
        %get3A_170 = arith.constant 80 : index
        %get3A_171 = tpu.vector_load %arg17[%get3A_169, %get3A_170] {strides = array<i32>} : memref<32x128xf32, #tpu.memory_space<vmem>>, vector<16xf32>,
        %get3A_172 = arith.index_cast %scan3A_80 : i32 to index
        %get3A_173 = arith.constant 80 : index
        %get3A_174 = tpu.vector_load %arg18[%get3A_172, %get3A_173] {strides = array<i32>} : memref<32x128xf32, #tpu.memory_space<vmem>>, vector<16xf32>,
        %mul3A_175 = arith.mulf %get3A_171, %get3A_174 : vector<16xf32>
        %add3A_176 = arith.addf %mul3A_168, %mul3A_175 : vector<16xf32>
        %reduce_sum3A_177 = arith.constant true
        %reduce_sum3A_178 = vector.broadcast %reduce_sum3A_177 : i1 to vector<16xi1>
        %reduce_sum3A_179 = tpu.scan <sum>, %add3A_176 masked %reduce_sum3A_178 : vector<16xf32>, vector<16xi1> -> vector<16xf32>
        %reduce_sum3A_180 = vector.extract %reduce_sum3A_179[15] : f32 from vector<16xf32>
        %broadcast_in_dim3A_181 = vector.broadcast %reduce_sum3A_180 : f32 to vector<16xf32>
        %exp3A_182 = math.exp %broadcast_in_dim3A_181 : vector<16xf32>
        %get3A_183 = arith.index_cast %scan3A_80 : i32 to index
        %get3A_184 = arith.constant 64 : index
        %get3A_185 = tpu.vector_load %arg19[%get3A_183, %get3A_184] {strides = array<i32>} : memref<32x128xf32, #tpu.memory_space<vmem>>, vector<16xf32>,
        %mul3A_186 = arith.mulf %get3A_185, %exp3A_182 : vector<16xf32>
        %swap3A_187 = arith.index_cast %scan3A_80 : i32 to index
        %swap3A_188 = arith.constant 64 : index
        %swap3A_189 = tpu.vector_load %arg17[%swap3A_187, %swap3A_188] {strides = array<i32>} : memref<32x128xf32, #tpu.memory_space<vmem>>, vector<16xf32>,
        tpu.vector_store %arg17[%swap3A_187, %swap3A_188], %mul3A_186 {strides = array<i32>} : memref<32x128xf32, #tpu.memory_space<vmem>>, vector<16xf32>,
        %get3A_190 = arith.index_cast %scan3A_80 : i32 to index
        %get3A_191 = arith.constant 80 : index
        %get3A_192 = tpu.vector_load %arg19[%get3A_190, %get3A_191] {strides = array<i32>} : memref<32x128xf32, #tpu.memory_space<vmem>>, vector<16xf32>,
        %mul3A_193 = arith.mulf %get3A_192, %exp3A_182 : vector<16xf32>
        %swap3A_194 = arith.index_cast %scan3A_80 : i32 to index
        %swap3A_195 = arith.constant 80 : index
        %swap3A_196 = tpu.vector_load %arg17[%swap3A_194, %swap3A_195] {strides = array<i32>} : memref<32x128xf32, #tpu.memory_space<vmem>>, vector<16xf32>,
        tpu.vector_store %arg17[%swap3A_194, %swap3A_195], %mul3A_193 {strides = array<i32>} : memref<32x128xf32, #tpu.memory_space<vmem>>, vector<16xf32>,
        %eq3A_197 = arith.constant 2 : i32
        %eq3A_198 = vector.broadcast %eq3A_197 : i32 to vector<16xi32>
        %eq3A_199 = arith.cmpi eq, %iota3A_71, %eq3A_198 : vector<16xi32>
        %jit3A_200 = arith.constant 0.000000e+00 : f32
        %broadcast_in_dim3A_201 = vector.broadcast %jit3A_200 : f32 to vector<16xf32>
        %select_n3A_202 = arith.select %eq3A_199, %exp3A_182, %broadcast_in_dim3A_201 : vector<16xi1>, vector<16xf32>
        %add3A_203 = arith.addf %add3A_161, %select_n3A_202 : vector<16xf32>
        %get3A_204 = arith.index_cast %scan3A_80 : i32 to index
        %get3A_205 = arith.constant 96 : index
        %get3A_206 = tpu.vector_load %arg17[%get3A_204, %get3A_205] {strides = array<i32>} : memref<32x128xf32, #tpu.memory_space<vmem>>, vector<16xf32>,
        %get3A_207 = arith.index_cast %scan3A_80 : i32 to index
        %get3A_208 = arith.constant 96 : index
        %get3A_209 = tpu.vector_load %arg18[%get3A_207, %get3A_208] {strides = array<i32>} : memref<32x128xf32, #tpu.memory_space<vmem>>, vector<16xf32>,
        %mul3A_210 = arith.mulf %get3A_206, %get3A_209 : vector<16xf32>
        %get3A_211 = arith.index_cast %scan3A_80 : i32 to index
        %get3A_212 = arith.constant 112 : index
        %get3A_213 = tpu.vector_load %arg17[%get3A_211, %get3A_212] {strides = array<i32>} : memref<32x128xf32, #tpu.memory_space<vmem>>, vector<16xf32>,
        %get3A_214 = arith.index_cast %scan3A_80 : i32 to index
        %get3A_215 = arith.constant 112 : index
        %get3A_216 = tpu.vector_load %arg18[%get3A_214, %get3A_215] {strides = array<i32>} : memref<32x128xf32, #tpu.memory_space<vmem>>, vector<16xf32>,
        %mul3A_217 = arith.mulf %get3A_213, %get3A_216 : vector<16xf32>
        %add3A_218 = arith.addf %mul3A_210, %mul3A_217 : vector<16xf32>
        %reduce_sum3A_219 = arith.constant true
        %reduce_sum3A_220 = vector.broadcast %reduce_sum3A_219 : i1 to vector<16xi1>
        %reduce_sum3A_221 = tpu.scan <sum>, %add3A_218 masked %reduce_sum3A_220 : vector<16xf32>, vector<16xi1> -> vector<16xf32>
        %reduce_sum3A_222 = vector.extract %reduce_sum3A_221[15] : f32 from vector<16xf32>
        %broadcast_in_dim3A_223 = vector.broadcast %reduce_sum3A_222 : f32 to vector<16xf32>
        %exp3A_224 = math.exp %broadcast_in_dim3A_223 : vector<16xf32>
        %get3A_225 = arith.index_cast %scan3A_80 : i32 to index
        %get3A_226 = arith.constant 96 : index
        %get3A_227 = tpu.vector_load %arg19[%get3A_225, %get3A_226] {strides = array<i32>} : memref<32x128xf32, #tpu.memory_space<vmem>>, vector<16xf32>,
        %mul3A_228 = arith.mulf %get3A_227, %exp3A_224 : vector<16xf32>
        %swap3A_229 = arith.index_cast %scan3A_80 : i32 to index
        %swap3A_230 = arith.constant 96 : index
        %swap3A_231 = tpu.vector_load %arg17[%swap3A_229, %swap3A_230] {strides = array<i32>} : memref<32x128xf32, #tpu.memory_space<vmem>>, vector<16xf32>,
        tpu.vector_store %arg17[%swap3A_229, %swap3A_230], %mul3A_228 {strides = array<i32>} : memref<32x128xf32, #tpu.memory_space<vmem>>, vector<16xf32>,
        %get3A_232 = arith.index_cast %scan3A_80 : i32 to index
        %get3A_233 = arith.constant 112 : index
        %get3A_234 = tpu.vector_load %arg19[%get3A_232, %get3A_233] {strides = array<i32>} : memref<32x128xf32, #tpu.memory_space<vmem>>, vector<16xf32>,
        %mul3A_235 = arith.mulf %get3A_234, %exp3A_224 : vector<16xf32>
        %swap3A_236 = arith.index_cast %scan3A_80 : i32 to index
        %swap3A_237 = arith.constant 112 : index
        %swap3A_238 = tpu.vector_load %arg17[%swap3A_236, %swap3A_237] {strides = array<i32>} : memref<32x128xf32, #tpu.memory_space<vmem>>, vector<16xf32>,
        tpu.vector_store %arg17[%swap3A_236, %swap3A_237], %mul3A_235 {strides = array<i32>} : memref<32x128xf32, #tpu.memory_space<vmem>>, vector<16xf32>,
        %eq3A_239 = arith.constant 3 : i32
        %eq3A_240 = vector.broadcast %eq3A_239 : i32 to vector<16xi32>
        %eq3A_241 = arith.cmpi eq, %iota3A_71, %eq3A_240 : vector<16xi32>
        %jit3A_242 = arith.constant 0.000000e+00 : f32
        %broadcast_in_dim3A_243 = vector.broadcast %jit3A_242 : f32 to vector<16xf32>
        %select_n3A_244 = arith.select %eq3A_241, %exp3A_224, %broadcast_in_dim3A_243 : vector<16xi1>, vector<16xf32>
        %add3A_245 = arith.addf %add3A_203, %select_n3A_244 : vector<16xf32>
        %swap3A_246 = arith.index_cast %scan3A_80 : i32 to index
        %swap3A_247 = arith.constant 0 : index
        %swap3A_248 = tpu.vector_load %arg20[%swap3A_246, %swap3A_247] {strides = array<i32>} : memref<32x16xf32, #tpu.memory_space<vmem>>, vector<16xf32>,
        tpu.vector_store %arg20[%swap3A_246, %swap3A_247], %add3A_245 {strides = array<i32>} : memref<32x16xf32, #tpu.memory_space<vmem>>, vector<16xf32>,
        %scan3A_249 = arith.constant 0 : i32
        scf.yield %scan3A_249 : i32
      }
      %scan3A_78 = arith.constant 32 : i32
      "tpu.region"() ({
        %run_scoped3A = tpu.sem_alloc : memref<!tpu.dma_semaphore, #tpu.memory_space<semaphore_mem>>
        %dma_start3A_80 = arith.constant 0 : i32
        %dma_start3A_81 = arith.constant 0 : i32
        %dma_start3A_82 = tpu.memref_slice %arg12[%dma_start3A_80, %dma_start3A_81] : memref<10240x128xf32, #tpu.memory_space<vmem_shared>> -> memref<10240x128xf32, #tpu.memory_space<vmem_shared>>
        tpu.enqueue_indirect_dma source(%arg17 : memref<32x128xf32, #tpu.memory_space<vmem>>) target(%dma_start3A_82 : memref<10240x128xf32, #tpu.memory_space<vmem_shared>>) offsets(%arg15 : memref<32xi32, #tpu.memory_space<vmem>>) semaphore(%run_scoped3A : memref<!tpu.dma_semaphore, #tpu.memory_space<semaphore_mem>>) {add = true}
        %dma_wait3A_83 = arith.constant 0 : i32
        %dma_wait3A_84 = arith.constant 0 : i32
        %dma_wait3A_85 = tpu.memref_slice %arg12[%dma_wait3A_83, %dma_wait3A_84] : memref<10240x128xf32, #tpu.memory_space<vmem_shared>> -> memref<10240x128xf32, #tpu.memory_space<vmem_shared>>
        tpu.wait_indirect_dma semaphore(%run_scoped3A : memref<!tpu.dma_semaphore, #tpu.memory_space<semaphore_mem>>) src(%arg17 : memref<32x128xf32, #tpu.memory_space<vmem>>) dst(%dma_wait3A_85 : memref<10240x128xf32, #tpu.memory_space<vmem_shared>>)
        tpu.yield
      }) : () -> ()
      "tpu.region"() ({
        %run_scoped3A = tpu.sem_alloc : memref<!tpu.dma_semaphore, #tpu.memory_space<semaphore_mem>>
        %dma_start3A_80 = arith.constant 0 : i32
        %dma_start3A_81 = arith.constant 0 : i32
        %dma_start3A_82 = tpu.memref_slice %arg13[%dma_start3A_80, %dma_start3A_81] : memref<10240x16xf32, #tpu.memory_space<vmem_shared>> -> memref<10240x16xf32, #tpu.memory_space<vmem_shared>>
        tpu.enqueue_indirect_dma source(%arg20 : memref<32x16xf32, #tpu.memory_space<vmem>>) target(%dma_start3A_82 : memref<10240x16xf32, #tpu.memory_space<vmem_shared>>) offsets(%arg15 : memref<32xi32, #tpu.memory_space<vmem>>) semaphore(%run_scoped3A : memref<!tpu.dma_semaphore, #tpu.memory_space<semaphore_mem>>) {add = true}
        %dma_wait3A_83 = arith.constant 0 : i32
        %dma_wait3A_84 = arith.constant 0 : i32
        %dma_wait3A_85 = tpu.memref_slice %arg13[%dma_wait3A_83, %dma_wait3A_84] : memref<10240x16xf32, #tpu.memory_space<vmem_shared>> -> memref<10240x16xf32, #tpu.memory_space<vmem_shared>>
        tpu.wait_indirect_dma semaphore(%run_scoped3A : memref<!tpu.dma_semaphore, #tpu.memory_space<semaphore_mem>>) src(%arg20 : memref<32x16xf32, #tpu.memory_space<vmem>>) dst(%dma_wait3A_85 : memref<10240x16xf32, #tpu.memory_space<vmem_shared>>)
        tpu.yield
      }) : () -> ()
      %while3A_79 = arith.constant 0 : i32
      scf.yield %while3A_79 : i32
    }
    %while3A_38 = arith.constant 1 : i32
    %while3A_39 = scf.for %while3A_48 = %while3A_35 to %while3A_31 step %while3A_38 iter_args(%while3A_49 = %while3A_37) -> (i32)  : i32 {
      %mul3A_50 = arith.constant 32 : i32
      %mul3A_51 = arith.muli %while3A_48, %mul3A_50 : i32
      %add3A_52 = arith.addi %add3A, %mul3A_51 : i32
      %mul3A_53 = arith.constant 32 : i32
      %mul3A_54 = arith.muli %add3A_52, %mul3A_53 : i32
      "tpu.region"() ({
        %run_scoped3A = tpu.sem_alloc : memref<!tpu.dma_semaphore, #tpu.memory_space<semaphore_mem>>
        %dma_start3A_80 = tpu.memref_slice %arg5[%mul3A_54] : memref<160000xi32, #tpu.memory_space<hbm>> -> memref<32xi32, #tpu.memory_space<hbm>>
        %dma_start3A_81 = tpu.memref_slice %arg5[%mul3A_54] : memref<160000xi32, #tpu.memory_space<hbm>> -> memref<32xi32, #tpu.memory_space<hbm>>
        tpu.enqueue_dma source(%dma_start3A_81 : memref<32xi32, #tpu.memory_space<hbm>>) target(%arg14 : memref<32xi32, #tpu.memory_space<vmem>>) target_semaphore(%run_scoped3A : memref<!tpu.dma_semaphore, #tpu.memory_space<semaphore_mem>>)
        %dma_wait3A_82 = tpu.memref_slice %arg5[%mul3A_54] : memref<160000xi32, #tpu.memory_space<hbm>> -> memref<32xi32, #tpu.memory_space<hbm>>
        %dma_wait3A_83 = tpu.memref_slice %arg5[%mul3A_54] : memref<160000xi32, #tpu.memory_space<hbm>> -> memref<32xi32, #tpu.memory_space<hbm>>
        tpu.wait_dma2 semaphore(%run_scoped3A : memref<!tpu.dma_semaphore, #tpu.memory_space<semaphore_mem>>) src(%dma_wait3A_83 : memref<32xi32, #tpu.memory_space<hbm>>) dst(%arg14 : memref<32xi32, #tpu.memory_space<vmem>>)
        tpu.yield
      }) : () -> ()
      "tpu.region"() ({
        %run_scoped3A = tpu.sem_alloc : memref<!tpu.dma_semaphore, #tpu.memory_space<semaphore_mem>>
        %dma_start3A_80 = tpu.memref_slice %arg6[%mul3A_54] : memref<160000xi32, #tpu.memory_space<hbm>> -> memref<32xi32, #tpu.memory_space<hbm>>
        %dma_start3A_81 = tpu.memref_slice %arg6[%mul3A_54] : memref<160000xi32, #tpu.memory_space<hbm>> -> memref<32xi32, #tpu.memory_space<hbm>>
        tpu.enqueue_dma source(%dma_start3A_81 : memref<32xi32, #tpu.memory_space<hbm>>) target(%arg15 : memref<32xi32, #tpu.memory_space<vmem>>) target_semaphore(%run_scoped3A : memref<!tpu.dma_semaphore, #tpu.memory_space<semaphore_mem>>)
        %dma_wait3A_82 = tpu.memref_slice %arg6[%mul3A_54] : memref<160000xi32, #tpu.memory_space<hbm>> -> memref<32xi32, #tpu.memory_space<hbm>>
        %dma_wait3A_83 = tpu.memref_slice %arg6[%mul3A_54] : memref<160000xi32, #tpu.memory_space<hbm>> -> memref<32xi32, #tpu.memory_space<hbm>>
        tpu.wait_dma2 semaphore(%run_scoped3A : memref<!tpu.dma_semaphore, #tpu.memory_space<semaphore_mem>>) src(%dma_wait3A_83 : memref<32xi32, #tpu.memory_space<hbm>>) dst(%arg15 : memref<32xi32, #tpu.memory_space<vmem>>)
        tpu.yield
      }) : () -> ()
      %dma_start3A = arith.constant 0 : i32
      %dma_start3A_55 = arith.constant 0 : i32
      %dma_start3A_56 = tpu.memref_slice %arg2[%dma_start3A, %dma_start3A_55] : memref<10240x128xf32, #tpu.memory_space<hbm>> -> memref<10240x128xf32, #tpu.memory_space<hbm>>
      tpu.enqueue_indirect_dma source(%dma_start3A_56 : memref<10240x128xf32, #tpu.memory_space<hbm>>) target(%arg17 : memref<32x128xf32, #tpu.memory_space<vmem>>) offsets(%arg15 : memref<32xi32, #tpu.memory_space<vmem>>) semaphore(%arg21 : memref<!tpu.dma_semaphore, #tpu.memory_space<semaphore_mem>>)
      %dma_start3A_57 = arith.constant 0 : i32
      %dma_start3A_58 = arith.constant 0 : i32
      %dma_start3A_59 = tpu.memref_slice %arg3[%dma_start3A_57, %dma_start3A_58] : memref<10240x128xf32, #tpu.memory_space<hbm>> -> memref<10240x128xf32, #tpu.memory_space<hbm>>
      tpu.enqueue_indirect_dma source(%dma_start3A_59 : memref<10240x128xf32, #tpu.memory_space<hbm>>) target(%arg18 : memref<32x128xf32, #tpu.memory_space<vmem>>) offsets(%arg14 : memref<32xi32, #tpu.memory_space<vmem>>) semaphore(%arg21 : memref<!tpu.dma_semaphore, #tpu.memory_space<semaphore_mem>>)
      %dma_start3A_60 = arith.constant 0 : i32
      %dma_start3A_61 = arith.constant 0 : i32
      %dma_start3A_62 = tpu.memref_slice %arg4[%dma_start3A_60, %dma_start3A_61] : memref<10240x128xf32, #tpu.memory_space<hbm>> -> memref<10240x128xf32, #tpu.memory_space<hbm>>
      tpu.enqueue_indirect_dma source(%dma_start3A_62 : memref<10240x128xf32, #tpu.memory_space<hbm>>) target(%arg19 : memref<32x128xf32, #tpu.memory_space<vmem>>) offsets(%arg14 : memref<32xi32, #tpu.memory_space<vmem>>) semaphore(%arg21 : memref<!tpu.dma_semaphore, #tpu.memory_space<semaphore_mem>>)
      %dma_wait3A = arith.constant 0 : i32
      %dma_wait3A_63 = arith.constant 0 : i32
      %dma_wait3A_64 = tpu.memref_slice %arg2[%dma_wait3A, %dma_wait3A_63] : memref<10240x128xf32, #tpu.memory_space<hbm>> -> memref<10240x128xf32, #tpu.memory_space<hbm>>
      tpu.wait_indirect_dma semaphore(%arg21 : memref<!tpu.dma_semaphore, #tpu.memory_space<semaphore_mem>>) src(%dma_wait3A_64 : memref<10240x128xf32, #tpu.memory_space<hbm>>) dst(%arg17 : memref<32x128xf32, #tpu.memory_space<vmem>>)
      %dma_wait3A_65 = arith.constant 0 : i32
      %dma_wait3A_66 = arith.constant 0 : i32
      %dma_wait3A_67 = tpu.memref_slice %arg3[%dma_wait3A_65, %dma_wait3A_66] : memref<10240x128xf32, #tpu.memory_space<hbm>> -> memref<10240x128xf32, #tpu.memory_space<hbm>>
      tpu.wait_indirect_dma semaphore(%arg21 : memref<!tpu.dma_semaphore, #tpu.memory_space<semaphore_mem>>) src(%dma_wait3A_67 : memref<10240x128xf32, #tpu.memory_space<hbm>>) dst(%arg18 : memref<32x128xf32, #tpu.memory_space<vmem>>)
      %dma_wait3A_68 = arith.constant 0 : i32
      %dma_wait3A_69 = arith.constant 0 : i32
      %dma_wait3A_70 = tpu.memref_slice %arg4[%dma_wait3A_68, %dma_wait3A_69] : memref<10240x128xf32, #tpu.memory_space<hbm>> -> memref<10240x128xf32, #tpu.memory_space<hbm>>
      tpu.wait_indirect_dma semaphore(%arg21 : memref<!tpu.dma_semaphore, #tpu.memory_space<semaphore_mem>>) src(%dma_wait3A_70 : memref<10240x128xf32, #tpu.memory_space<hbm>>) dst(%arg19 : memref<32x128xf32, #tpu.memory_space<vmem>>)
      %iota3A_71 = tpu.iota {dimensions = array<i32: 0>} : vector<16xi32>
      %scan3A_72 = arith.constant 0 : i32
      %scan3A_73 = arith.constant 0 : i32
      %scan3A_74 = arith.constant 32 : i32
      %scan3A_75 = arith.addi %scan3A_73, %scan3A_74 : i32
      %scan3A_76 = arith.constant 1 : i32
      %scan3A_77 = scf.for %scan3A_80 = %scan3A_73 to %scan3A_75 step %scan3A_76 iter_args(%scan3A_81 = %scan3A_72) -> (i32)  : i32 {
        %broadcast_in_dim3A = arith.constant 0.000000e+00 : f32
        %broadcast_in_dim3A_82 = vector.broadcast %broadcast_in_dim3A : f32 to vector<16xf32>
        %get3A = arith.index_cast %scan3A_80 : i32 to index
        %get3A_83 = arith.constant 0 : index
        %get3A_84 = tpu.vector_load %arg17[%get3A, %get3A_83] {strides = array<i32>} : memref<32x128xf32, #tpu.memory_space<vmem>>, vector<16xf32>,
        %get3A_85 = arith.index_cast %scan3A_80 : i32 to index
        %get3A_86 = arith.constant 0 : index
        %get3A_87 = tpu.vector_load %arg18[%get3A_85, %get3A_86] {strides = array<i32>} : memref<32x128xf32, #tpu.memory_space<vmem>>, vector<16xf32>,
        %mul3A_88 = arith.mulf %get3A_84, %get3A_87 : vector<16xf32>
        %get3A_89 = arith.index_cast %scan3A_80 : i32 to index
        %get3A_90 = arith.constant 16 : index
        %get3A_91 = tpu.vector_load %arg17[%get3A_89, %get3A_90] {strides = array<i32>} : memref<32x128xf32, #tpu.memory_space<vmem>>, vector<16xf32>,
        %get3A_92 = arith.index_cast %scan3A_80 : i32 to index
        %get3A_93 = arith.constant 16 : index
        %get3A_94 = tpu.vector_load %arg18[%get3A_92, %get3A_93] {strides = array<i32>} : memref<32x128xf32, #tpu.memory_space<vmem>>, vector<16xf32>,
        %mul3A_95 = arith.mulf %get3A_91, %get3A_94 : vector<16xf32>
        %add3A_96 = arith.addf %mul3A_88, %mul3A_95 : vector<16xf32>
        %reduce_sum3A = arith.constant true
        %reduce_sum3A_97 = vector.broadcast %reduce_sum3A : i1 to vector<16xi1>
        %reduce_sum3A_98 = tpu.scan <sum>, %add3A_96 masked %reduce_sum3A_97 : vector<16xf32>, vector<16xi1> -> vector<16xf32>
        %reduce_sum3A_99 = vector.extract %reduce_sum3A_98[15] : f32 from vector<16xf32>
        %broadcast_in_dim3A_100 = vector.broadcast %reduce_sum3A_99 : f32 to vector<16xf32>
        %exp3A = math.exp %broadcast_in_dim3A_100 : vector<16xf32>
        %get3A_101 = arith.index_cast %scan3A_80 : i32 to index
        %get3A_102 = arith.constant 0 : index
        %get3A_103 = tpu.vector_load %arg19[%get3A_101, %get3A_102] {strides = array<i32>} : memref<32x128xf32, #tpu.memory_space<vmem>>, vector<16xf32>,
        %mul3A_104 = arith.mulf %get3A_103, %exp3A : vector<16xf32>
        %swap3A = arith.index_cast %scan3A_80 : i32 to index
        %swap3A_105 = arith.constant 0 : index
        %swap3A_106 = tpu.vector_load %arg17[%swap3A, %swap3A_105] {strides = array<i32>} : memref<32x128xf32, #tpu.memory_space<vmem>>, vector<16xf32>,
        tpu.vector_store %arg17[%swap3A, %swap3A_105], %mul3A_104 {strides = array<i32>} : memref<32x128xf32, #tpu.memory_space<vmem>>, vector<16xf32>,
        %get3A_107 = arith.index_cast %scan3A_80 : i32 to index
        %get3A_108 = arith.constant 16 : index
        %get3A_109 = tpu.vector_load %arg19[%get3A_107, %get3A_108] {strides = array<i32>} : memref<32x128xf32, #tpu.memory_space<vmem>>, vector<16xf32>,
        %mul3A_110 = arith.mulf %get3A_109, %exp3A : vector<16xf32>
        %swap3A_111 = arith.index_cast %scan3A_80 : i32 to index
        %swap3A_112 = arith.constant 16 : index
        %swap3A_113 = tpu.vector_load %arg17[%swap3A_111, %swap3A_112] {strides = array<i32>} : memref<32x128xf32, #tpu.memory_space<vmem>>, vector<16xf32>,
        tpu.vector_store %arg17[%swap3A_111, %swap3A_112], %mul3A_110 {strides = array<i32>} : memref<32x128xf32, #tpu.memory_space<vmem>>, vector<16xf32>,
        %eq3A = arith.constant 0 : i32
        %eq3A_114 = vector.broadcast %eq3A : i32 to vector<16xi32>
        %eq3A_115 = arith.cmpi eq, %iota3A_71, %eq3A_114 : vector<16xi32>
        %jit3A_116 = arith.constant 0.000000e+00 : f32
        %broadcast_in_dim3A_117 = vector.broadcast %jit3A_116 : f32 to vector<16xf32>
        %select_n3A_118 = arith.select %eq3A_115, %exp3A, %broadcast_in_dim3A_117 : vector<16xi1>, vector<16xf32>
        %add3A_119 = arith.addf %broadcast_in_dim3A_82, %select_n3A_118 : vector<16xf32>
        %get3A_120 = arith.index_cast %scan3A_80 : i32 to index
        %get3A_121 = arith.constant 32 : index
        %get3A_122 = tpu.vector_load %arg17[%get3A_120, %get3A_121] {strides = array<i32>} : memref<32x128xf32, #tpu.memory_space<vmem>>, vector<16xf32>,
        %get3A_123 = arith.index_cast %scan3A_80 : i32 to index
        %get3A_124 = arith.constant 32 : index
        %get3A_125 = tpu.vector_load %arg18[%get3A_123, %get3A_124] {strides = array<i32>} : memref<32x128xf32, #tpu.memory_space<vmem>>, vector<16xf32>,
        %mul3A_126 = arith.mulf %get3A_122, %get3A_125 : vector<16xf32>
        %get3A_127 = arith.index_cast %scan3A_80 : i32 to index
        %get3A_128 = arith.constant 48 : index
        %get3A_129 = tpu.vector_load %arg17[%get3A_127, %get3A_128] {strides = array<i32>} : memref<32x128xf32, #tpu.memory_space<vmem>>, vector<16xf32>,
        %get3A_130 = arith.index_cast %scan3A_80 : i32 to index
        %get3A_131 = arith.constant 48 : index
        %get3A_132 = tpu.vector_load %arg18[%get3A_130, %get3A_131] {strides = array<i32>} : memref<32x128xf32, #tpu.memory_space<vmem>>, vector<16xf32>,
        %mul3A_133 = arith.mulf %get3A_129, %get3A_132 : vector<16xf32>
        %add3A_134 = arith.addf %mul3A_126, %mul3A_133 : vector<16xf32>
        %reduce_sum3A_135 = arith.constant true
        %reduce_sum3A_136 = vector.broadcast %reduce_sum3A_135 : i1 to vector<16xi1>
        %reduce_sum3A_137 = tpu.scan <sum>, %add3A_134 masked %reduce_sum3A_136 : vector<16xf32>, vector<16xi1> -> vector<16xf32>
        %reduce_sum3A_138 = vector.extract %reduce_sum3A_137[15] : f32 from vector<16xf32>
        %broadcast_in_dim3A_139 = vector.broadcast %reduce_sum3A_138 : f32 to vector<16xf32>
        %exp3A_140 = math.exp %broadcast_in_dim3A_139 : vector<16xf32>
        %get3A_141 = arith.index_cast %scan3A_80 : i32 to index
        %get3A_142 = arith.constant 32 : index
        %get3A_143 = tpu.vector_load %arg19[%get3A_141, %get3A_142] {strides = array<i32>} : memref<32x128xf32, #tpu.memory_space<vmem>>, vector<16xf32>,
        %mul3A_144 = arith.mulf %get3A_143, %exp3A_140 : vector<16xf32>
        %swap3A_145 = arith.index_cast %scan3A_80 : i32 to index
        %swap3A_146 = arith.constant 32 : index
        %swap3A_147 = tpu.vector_load %arg17[%swap3A_145, %swap3A_146] {strides = array<i32>} : memref<32x128xf32, #tpu.memory_space<vmem>>, vector<16xf32>,
        tpu.vector_store %arg17[%swap3A_145, %swap3A_146], %mul3A_144 {strides = array<i32>} : memref<32x128xf32, #tpu.memory_space<vmem>>, vector<16xf32>,
        %get3A_148 = arith.index_cast %scan3A_80 : i32 to index
        %get3A_149 = arith.constant 48 : index
        %get3A_150 = tpu.vector_load %arg19[%get3A_148, %get3A_149] {strides = array<i32>} : memref<32x128xf32, #tpu.memory_space<vmem>>, vector<16xf32>,
        %mul3A_151 = arith.mulf %get3A_150, %exp3A_140 : vector<16xf32>
        %swap3A_152 = arith.index_cast %scan3A_80 : i32 to index
        %swap3A_153 = arith.constant 48 : index
        %swap3A_154 = tpu.vector_load %arg17[%swap3A_152, %swap3A_153] {strides = array<i32>} : memref<32x128xf32, #tpu.memory_space<vmem>>, vector<16xf32>,
        tpu.vector_store %arg17[%swap3A_152, %swap3A_153], %mul3A_151 {strides = array<i32>} : memref<32x128xf32, #tpu.memory_space<vmem>>, vector<16xf32>,
        %eq3A_155 = arith.constant 1 : i32
        %eq3A_156 = vector.broadcast %eq3A_155 : i32 to vector<16xi32>
        %eq3A_157 = arith.cmpi eq, %iota3A_71, %eq3A_156 : vector<16xi32>
        %jit3A_158 = arith.constant 0.000000e+00 : f32
        %broadcast_in_dim3A_159 = vector.broadcast %jit3A_158 : f32 to vector<16xf32>
        %select_n3A_160 = arith.select %eq3A_157, %exp3A_140, %broadcast_in_dim3A_159 : vector<16xi1>, vector<16xf32>
        %add3A_161 = arith.addf %add3A_119, %select_n3A_160 : vector<16xf32>
        %get3A_162 = arith.index_cast %scan3A_80 : i32 to index
        %get3A_163 = arith.constant 64 : index
        %get3A_164 = tpu.vector_load %arg17[%get3A_162, %get3A_163] {strides = array<i32>} : memref<32x128xf32, #tpu.memory_space<vmem>>, vector<16xf32>,
        %get3A_165 = arith.index_cast %scan3A_80 : i32 to index
        %get3A_166 = arith.constant 64 : index
        %get3A_167 = tpu.vector_load %arg18[%get3A_165, %get3A_166] {strides = array<i32>} : memref<32x128xf32, #tpu.memory_space<vmem>>, vector<16xf32>,
        %mul3A_168 = arith.mulf %get3A_164, %get3A_167 : vector<16xf32>
        %get3A_169 = arith.index_cast %scan3A_80 : i32 to index
        %get3A_170 = arith.constant 80 : index
        %get3A_171 = tpu.vector_load %arg17[%get3A_169, %get3A_170] {strides = array<i32>} : memref<32x128xf32, #tpu.memory_space<vmem>>, vector<16xf32>,
        %get3A_172 = arith.index_cast %scan3A_80 : i32 to index
        %get3A_173 = arith.constant 80 : index
        %get3A_174 = tpu.vector_load %arg18[%get3A_172, %get3A_173] {strides = array<i32>} : memref<32x128xf32, #tpu.memory_space<vmem>>, vector<16xf32>,
        %mul3A_175 = arith.mulf %get3A_171, %get3A_174 : vector<16xf32>
        %add3A_176 = arith.addf %mul3A_168, %mul3A_175 : vector<16xf32>
        %reduce_sum3A_177 = arith.constant true
        %reduce_sum3A_178 = vector.broadcast %reduce_sum3A_177 : i1 to vector<16xi1>
        %reduce_sum3A_179 = tpu.scan <sum>, %add3A_176 masked %reduce_sum3A_178 : vector<16xf32>, vector<16xi1> -> vector<16xf32>
        %reduce_sum3A_180 = vector.extract %reduce_sum3A_179[15] : f32 from vector<16xf32>
        %broadcast_in_dim3A_181 = vector.broadcast %reduce_sum3A_180 : f32 to vector<16xf32>
        %exp3A_182 = math.exp %broadcast_in_dim3A_181 : vector<16xf32>
        %get3A_183 = arith.index_cast %scan3A_80 : i32 to index
        %get3A_184 = arith.constant 64 : index
        %get3A_185 = tpu.vector_load %arg19[%get3A_183, %get3A_184] {strides = array<i32>} : memref<32x128xf32, #tpu.memory_space<vmem>>, vector<16xf32>,
        %mul3A_186 = arith.mulf %get3A_185, %exp3A_182 : vector<16xf32>
        %swap3A_187 = arith.index_cast %scan3A_80 : i32 to index
        %swap3A_188 = arith.constant 64 : index
        %swap3A_189 = tpu.vector_load %arg17[%swap3A_187, %swap3A_188] {strides = array<i32>} : memref<32x128xf32, #tpu.memory_space<vmem>>, vector<16xf32>,
        tpu.vector_store %arg17[%swap3A_187, %swap3A_188], %mul3A_186 {strides = array<i32>} : memref<32x128xf32, #tpu.memory_space<vmem>>, vector<16xf32>,
        %get3A_190 = arith.index_cast %scan3A_80 : i32 to index
        %get3A_191 = arith.constant 80 : index
        %get3A_192 = tpu.vector_load %arg19[%get3A_190, %get3A_191] {strides = array<i32>} : memref<32x128xf32, #tpu.memory_space<vmem>>, vector<16xf32>,
        %mul3A_193 = arith.mulf %get3A_192, %exp3A_182 : vector<16xf32>
        %swap3A_194 = arith.index_cast %scan3A_80 : i32 to index
        %swap3A_195 = arith.constant 80 : index
        %swap3A_196 = tpu.vector_load %arg17[%swap3A_194, %swap3A_195] {strides = array<i32>} : memref<32x128xf32, #tpu.memory_space<vmem>>, vector<16xf32>,
        tpu.vector_store %arg17[%swap3A_194, %swap3A_195], %mul3A_193 {strides = array<i32>} : memref<32x128xf32, #tpu.memory_space<vmem>>, vector<16xf32>,
        %eq3A_197 = arith.constant 2 : i32
        %eq3A_198 = vector.broadcast %eq3A_197 : i32 to vector<16xi32>
        %eq3A_199 = arith.cmpi eq, %iota3A_71, %eq3A_198 : vector<16xi32>
        %jit3A_200 = arith.constant 0.000000e+00 : f32
        %broadcast_in_dim3A_201 = vector.broadcast %jit3A_200 : f32 to vector<16xf32>
        %select_n3A_202 = arith.select %eq3A_199, %exp3A_182, %broadcast_in_dim3A_201 : vector<16xi1>, vector<16xf32>
        %add3A_203 = arith.addf %add3A_161, %select_n3A_202 : vector<16xf32>
        %get3A_204 = arith.index_cast %scan3A_80 : i32 to index
        %get3A_205 = arith.constant 96 : index
        %get3A_206 = tpu.vector_load %arg17[%get3A_204, %get3A_205] {strides = array<i32>} : memref<32x128xf32, #tpu.memory_space<vmem>>, vector<16xf32>,
        %get3A_207 = arith.index_cast %scan3A_80 : i32 to index
        %get3A_208 = arith.constant 96 : index
        %get3A_209 = tpu.vector_load %arg18[%get3A_207, %get3A_208] {strides = array<i32>} : memref<32x128xf32, #tpu.memory_space<vmem>>, vector<16xf32>,
        %mul3A_210 = arith.mulf %get3A_206, %get3A_209 : vector<16xf32>
        %get3A_211 = arith.index_cast %scan3A_80 : i32 to index
        %get3A_212 = arith.constant 112 : index
        %get3A_213 = tpu.vector_load %arg17[%get3A_211, %get3A_212] {strides = array<i32>} : memref<32x128xf32, #tpu.memory_space<vmem>>, vector<16xf32>,
        %get3A_214 = arith.index_cast %scan3A_80 : i32 to index
        %get3A_215 = arith.constant 112 : index
        %get3A_216 = tpu.vector_load %arg18[%get3A_214, %get3A_215] {strides = array<i32>} : memref<32x128xf32, #tpu.memory_space<vmem>>, vector<16xf32>,
        %mul3A_217 = arith.mulf %get3A_213, %get3A_216 : vector<16xf32>
        %add3A_218 = arith.addf %mul3A_210, %mul3A_217 : vector<16xf32>
        %reduce_sum3A_219 = arith.constant true
        %reduce_sum3A_220 = vector.broadcast %reduce_sum3A_219 : i1 to vector<16xi1>
        %reduce_sum3A_221 = tpu.scan <sum>, %add3A_218 masked %reduce_sum3A_220 : vector<16xf32>, vector<16xi1> -> vector<16xf32>
        %reduce_sum3A_222 = vector.extract %reduce_sum3A_221[15] : f32 from vector<16xf32>
        %broadcast_in_dim3A_223 = vector.broadcast %reduce_sum3A_222 : f32 to vector<16xf32>
        %exp3A_224 = math.exp %broadcast_in_dim3A_223 : vector<16xf32>
        %get3A_225 = arith.index_cast %scan3A_80 : i32 to index
        %get3A_226 = arith.constant 96 : index
        %get3A_227 = tpu.vector_load %arg19[%get3A_225, %get3A_226] {strides = array<i32>} : memref<32x128xf32, #tpu.memory_space<vmem>>, vector<16xf32>,
        %mul3A_228 = arith.mulf %get3A_227, %exp3A_224 : vector<16xf32>
        %swap3A_229 = arith.index_cast %scan3A_80 : i32 to index
        %swap3A_230 = arith.constant 96 : index
        %swap3A_231 = tpu.vector_load %arg17[%swap3A_229, %swap3A_230] {strides = array<i32>} : memref<32x128xf32, #tpu.memory_space<vmem>>, vector<16xf32>,
        tpu.vector_store %arg17[%swap3A_229, %swap3A_230], %mul3A_228 {strides = array<i32>} : memref<32x128xf32, #tpu.memory_space<vmem>>, vector<16xf32>,
        %get3A_232 = arith.index_cast %scan3A_80 : i32 to index
        %get3A_233 = arith.constant 112 : index
        %get3A_234 = tpu.vector_load %arg19[%get3A_232, %get3A_233] {strides = array<i32>} : memref<32x128xf32, #tpu.memory_space<vmem>>, vector<16xf32>,
        %mul3A_235 = arith.mulf %get3A_234, %exp3A_224 : vector<16xf32>
        %swap3A_236 = arith.index_cast %scan3A_80 : i32 to index
        %swap3A_237 = arith.constant 112 : index
        %swap3A_238 = tpu.vector_load %arg17[%swap3A_236, %swap3A_237] {strides = array<i32>} : memref<32x128xf32, #tpu.memory_space<vmem>>, vector<16xf32>,
        tpu.vector_store %arg17[%swap3A_236, %swap3A_237], %mul3A_235 {strides = array<i32>} : memref<32x128xf32, #tpu.memory_space<vmem>>, vector<16xf32>,
        %eq3A_239 = arith.constant 3 : i32
        %eq3A_240 = vector.broadcast %eq3A_239 : i32 to vector<16xi32>
        %eq3A_241 = arith.cmpi eq, %iota3A_71, %eq3A_240 : vector<16xi32>
        %jit3A_242 = arith.constant 0.000000e+00 : f32
        %broadcast_in_dim3A_243 = vector.broadcast %jit3A_242 : f32 to vector<16xf32>
        %select_n3A_244 = arith.select %eq3A_241, %exp3A_224, %broadcast_in_dim3A_243 : vector<16xi1>, vector<16xf32>
        %add3A_245 = arith.addf %add3A_203, %select_n3A_244 : vector<16xf32>
        %swap3A_246 = arith.index_cast %scan3A_80 : i32 to index
        %swap3A_247 = arith.constant 0 : index
        %swap3A_248 = tpu.vector_load %arg20[%swap3A_246, %swap3A_247] {strides = array<i32>} : memref<32x16xf32, #tpu.memory_space<vmem>>, vector<16xf32>,
        tpu.vector_store %arg20[%swap3A_246, %swap3A_247], %add3A_245 {strides = array<i32>} : memref<32x16xf32, #tpu.memory_space<vmem>>, vector<16xf32>,
        %scan3A_249 = arith.constant 0 : i32
        scf.yield %scan3A_249 : i32
      }
      %scan3A_78 = arith.constant 32 : i32
      "tpu.region"() ({
        %run_scoped3A = tpu.sem_alloc : memref<!tpu.dma_semaphore, #tpu.memory_space<semaphore_mem>>
        %dma_start3A_80 = arith.constant 0 : i32
        %dma_start3A_81 = arith.constant 0 : i32
        %dma_start3A_82 = tpu.memref_slice %arg12[%dma_start3A_80, %dma_start3A_81] : memref<10240x128xf32, #tpu.memory_space<vmem_shared>> -> memref<10240x128xf32, #tpu.memory_space<vmem_shared>>
        tpu.enqueue_indirect_dma source(%arg17 : memref<32x128xf32, #tpu.memory_space<vmem>>) target(%dma_start3A_82 : memref<10240x128xf32, #tpu.memory_space<vmem_shared>>) offsets(%arg15 : memref<32xi32, #tpu.memory_space<vmem>>) semaphore(%run_scoped3A : memref<!tpu.dma_semaphore, #tpu.memory_space<semaphore_mem>>) {add = true}
        %dma_wait3A_83 = arith.constant 0 : i32
        %dma_wait3A_84 = arith.constant 0 : i32
        %dma_wait3A_85 = tpu.memref_slice %arg12[%dma_wait3A_83, %dma_wait3A_84] : memref<10240x128xf32, #tpu.memory_space<vmem_shared>> -> memref<10240x128xf32, #tpu.memory_space<vmem_shared>>
        tpu.wait_indirect_dma semaphore(%run_scoped3A : memref<!tpu.dma_semaphore, #tpu.memory_space<semaphore_mem>>) src(%arg17 : memref<32x128xf32, #tpu.memory_space<vmem>>) dst(%dma_wait3A_85 : memref<10240x128xf32, #tpu.memory_space<vmem_shared>>)
        tpu.yield
      }) : () -> ()
      "tpu.region"() ({
        %run_scoped3A = tpu.sem_alloc : memref<!tpu.dma_semaphore, #tpu.memory_space<semaphore_mem>>
        %dma_start3A_80 = arith.constant 0 : i32
        %dma_start3A_81 = arith.constant 0 : i32
        %dma_start3A_82 = tpu.memref_slice %arg13[%dma_start3A_80, %dma_start3A_81] : memref<10240x16xf32, #tpu.memory_space<vmem_shared>> -> memref<10240x16xf32, #tpu.memory_space<vmem_shared>>
        tpu.enqueue_indirect_dma source(%arg20 : memref<32x16xf32, #tpu.memory_space<vmem>>) target(%dma_start3A_82 : memref<10240x16xf32, #tpu.memory_space<vmem_shared>>) offsets(%arg15 : memref<32xi32, #tpu.memory_space<vmem>>) semaphore(%run_scoped3A : memref<!tpu.dma_semaphore, #tpu.memory_space<semaphore_mem>>) {add = true}
        %dma_wait3A_83 = arith.constant 0 : i32
        %dma_wait3A_84 = arith.constant 0 : i32
        %dma_wait3A_85 = tpu.memref_slice %arg13[%dma_wait3A_83, %dma_wait3A_84] : memref<10240x16xf32, #tpu.memory_space<vmem_shared>> -> memref<10240x16xf32, #tpu.memory_space<vmem_shared>>
        tpu.wait_indirect_dma semaphore(%run_scoped3A : memref<!tpu.dma_semaphore, #tpu.memory_space<semaphore_mem>>) src(%arg20 : memref<32x16xf32, #tpu.memory_space<vmem>>) dst(%dma_wait3A_85 : memref<10240x16xf32, #tpu.memory_space<vmem_shared>>)
        tpu.yield
      }) : () -> ()
      %while3A_79 = arith.constant 0 : i32
      scf.yield %while3A_79 : i32
    }
    %barrier3A_40 = arith.constant 0 : index
    tpu.barrier barrier_id(%barrier3A_40)
    %scan3A_41 = arith.constant 0 : i32
    %scan3A_42 = arith.constant 0 : i32
    %scan3A_43 = arith.constant 20 : i32
    %scan3A_44 = arith.addi %scan3A_42, %scan3A_43 : i32
    %scan3A_45 = arith.constant 1 : i32
    %scan3A_46 = scf.for %scan3A_48 = %scan3A_42 to %scan3A_44 step %scan3A_45 iter_args(%scan3A_49 = %scan3A_41) -> (i32)  : i32 {
      %mul3A_50 = arith.constant 32 : i32
      %mul3A_51 = arith.muli %scan3A_48, %mul3A_50 : i32
      %add3A_52 = arith.addi %mul3A_2, %mul3A_51 : i32
      "tpu.region"() ({
        %run_scoped3A = tpu.sem_alloc : memref<!tpu.dma_semaphore, #tpu.memory_space<semaphore_mem>>
        %dma_start3A_70 = tpu.memref_slice %arg7[%add3A_52] : memref<10240xi32, #tpu.memory_space<hbm>> -> memref<32xi32, #tpu.memory_space<hbm>>
        %dma_start3A_71 = tpu.memref_slice %arg7[%add3A_52] : memref<10240xi32, #tpu.memory_space<hbm>> -> memref<32xi32, #tpu.memory_space<hbm>>
        tpu.enqueue_dma source(%dma_start3A_71 : memref<32xi32, #tpu.memory_space<hbm>>) target(%arg16 : memref<32xi32, #tpu.memory_space<vmem>>) target_semaphore(%run_scoped3A : memref<!tpu.dma_semaphore, #tpu.memory_space<semaphore_mem>>)
        %dma_wait3A_72 = tpu.memref_slice %arg7[%add3A_52] : memref<10240xi32, #tpu.memory_space<hbm>> -> memref<32xi32, #tpu.memory_space<hbm>>
        %dma_wait3A_73 = tpu.memref_slice %arg7[%add3A_52] : memref<10240xi32, #tpu.memory_space<hbm>> -> memref<32xi32, #tpu.memory_space<hbm>>
        tpu.wait_dma2 semaphore(%run_scoped3A : memref<!tpu.dma_semaphore, #tpu.memory_space<semaphore_mem>>) src(%dma_wait3A_73 : memref<32xi32, #tpu.memory_space<hbm>>) dst(%arg16 : memref<32xi32, #tpu.memory_space<vmem>>)
        tpu.yield
      }) : () -> ()
      %dma_start3A = arith.constant 0 : i32
      %dma_start3A_53 = arith.constant 0 : i32
      %dma_start3A_54 = tpu.memref_slice %arg12[%dma_start3A, %dma_start3A_53] : memref<10240x128xf32, #tpu.memory_space<vmem_shared>> -> memref<10240x128xf32, #tpu.memory_space<vmem_shared>>
      tpu.enqueue_indirect_dma source(%dma_start3A_54 : memref<10240x128xf32, #tpu.memory_space<vmem_shared>>) target(%arg17 : memref<32x128xf32, #tpu.memory_space<vmem>>) offsets(%arg16 : memref<32xi32, #tpu.memory_space<vmem>>) semaphore(%arg21 : memref<!tpu.dma_semaphore, #tpu.memory_space<semaphore_mem>>)
      %dma_start3A_55 = arith.constant 0 : i32
      %dma_start3A_56 = arith.constant 0 : i32
      %dma_start3A_57 = tpu.memref_slice %arg13[%dma_start3A_55, %dma_start3A_56] : memref<10240x16xf32, #tpu.memory_space<vmem_shared>> -> memref<10240x16xf32, #tpu.memory_space<vmem_shared>>
      tpu.enqueue_indirect_dma source(%dma_start3A_57 : memref<10240x16xf32, #tpu.memory_space<vmem_shared>>) target(%arg20 : memref<32x16xf32, #tpu.memory_space<vmem>>) offsets(%arg16 : memref<32xi32, #tpu.memory_space<vmem>>) semaphore(%arg21 : memref<!tpu.dma_semaphore, #tpu.memory_space<semaphore_mem>>)
      %dma_wait3A = arith.constant 0 : i32
      %dma_wait3A_58 = arith.constant 0 : i32
      %dma_wait3A_59 = tpu.memref_slice %arg12[%dma_wait3A, %dma_wait3A_58] : memref<10240x128xf32, #tpu.memory_space<vmem_shared>> -> memref<10240x128xf32, #tpu.memory_space<vmem_shared>>
      tpu.wait_indirect_dma semaphore(%arg21 : memref<!tpu.dma_semaphore, #tpu.memory_space<semaphore_mem>>) src(%dma_wait3A_59 : memref<10240x128xf32, #tpu.memory_space<vmem_shared>>) dst(%arg17 : memref<32x128xf32, #tpu.memory_space<vmem>>)
      %dma_wait3A_60 = arith.constant 0 : i32
      %dma_wait3A_61 = arith.constant 0 : i32
      %dma_wait3A_62 = tpu.memref_slice %arg13[%dma_wait3A_60, %dma_wait3A_61] : memref<10240x16xf32, #tpu.memory_space<vmem_shared>> -> memref<10240x16xf32, #tpu.memory_space<vmem_shared>>
      tpu.wait_indirect_dma semaphore(%arg21 : memref<!tpu.dma_semaphore, #tpu.memory_space<semaphore_mem>>) src(%dma_wait3A_62 : memref<10240x16xf32, #tpu.memory_space<vmem_shared>>) dst(%arg20 : memref<32x16xf32, #tpu.memory_space<vmem>>)
      %mul3A_63 = arith.constant 32 : i32
      %mul3A_64 = arith.muli %scan3A_48, %mul3A_63 : i32
      %add3A_65 = arith.addi %mul3A_2, %mul3A_64 : i32
      "tpu.region"() ({
        %run_scoped3A = tpu.sem_alloc : memref<!tpu.dma_semaphore, #tpu.memory_space<semaphore_mem>>
        %dma_start3A_70 = arith.constant 0 : i32
        %dma_start3A_71 = tpu.memref_slice %arg10[%arg0, %add3A_65, %dma_start3A_70] : memref<2x10240x128xf32, #tpu.memory_space<hbm>> -> memref<1x32x128xf32, #tpu.memory_space<hbm>>
        %dma_start3A_72 = tpu.memref_squeeze %dma_start3A_71 : memref<1x32x128xf32, #tpu.memory_space<hbm>> -> memref<32x128xf32, #tpu.memory_space<hbm>>
        %dma_start3A_73 = arith.constant 0 : i32
        %dma_start3A_74 = tpu.memref_slice %arg10[%arg0, %add3A_65, %dma_start3A_73] : memref<2x10240x128xf32, #tpu.memory_space<hbm>> -> memref<1x32x128xf32, #tpu.memory_space<hbm>>
        %dma_start3A_75 = tpu.memref_squeeze %dma_start3A_74 : memref<1x32x128xf32, #tpu.memory_space<hbm>> -> memref<32x128xf32, #tpu.memory_space<hbm>>
        tpu.enqueue_dma source(%arg17 : memref<32x128xf32, #tpu.memory_space<vmem>>) target(%dma_start3A_75 : memref<32x128xf32, #tpu.memory_space<hbm>>) target_semaphore(%run_scoped3A : memref<!tpu.dma_semaphore, #tpu.memory_space<semaphore_mem>>)
        %dma_wait3A_76 = arith.constant 0 : i32
        %dma_wait3A_77 = tpu.memref_slice %arg10[%arg0, %add3A_65, %dma_wait3A_76] : memref<2x10240x128xf32, #tpu.memory_space<hbm>> -> memref<1x32x128xf32, #tpu.memory_space<hbm>>
        %dma_wait3A_78 = tpu.memref_squeeze %dma_wait3A_77 : memref<1x32x128xf32, #tpu.memory_space<hbm>> -> memref<32x128xf32, #tpu.memory_space<hbm>>
        %dma_wait3A_79 = arith.constant 0 : i32
        %dma_wait3A_80 = tpu.memref_slice %arg10[%arg0, %add3A_65, %dma_wait3A_79] : memref<2x10240x128xf32, #tpu.memory_space<hbm>> -> memref<1x32x128xf32, #tpu.memory_space<hbm>>
        %dma_wait3A_81 = tpu.memref_squeeze %dma_wait3A_80 : memref<1x32x128xf32, #tpu.memory_space<hbm>> -> memref<32x128xf32, #tpu.memory_space<hbm>>
        tpu.wait_dma2 semaphore(%run_scoped3A : memref<!tpu.dma_semaphore, #tpu.memory_space<semaphore_mem>>) src(%arg17 : memref<32x128xf32, #tpu.memory_space<vmem>>) dst(%dma_wait3A_81 : memref<32x128xf32, #tpu.memory_space<hbm>>)
        tpu.yield
      }) : () -> ()
      %mul3A_66 = arith.constant 32 : i32
      %mul3A_67 = arith.muli %scan3A_48, %mul3A_66 : i32
      %add3A_68 = arith.addi %mul3A_2, %mul3A_67 : i32
      "tpu.region"() ({
        %run_scoped3A = tpu.sem_alloc : memref<!tpu.dma_semaphore, #tpu.memory_space<semaphore_mem>>
        %dma_start3A_70 = arith.constant 0 : i32
        %dma_start3A_71 = tpu.memref_slice %arg11[%arg0, %add3A_68, %dma_start3A_70] : memref<2x10240x16xf32, #tpu.memory_space<hbm>> -> memref<1x32x16xf32, #tpu.memory_space<hbm>>
        %dma_start3A_72 = tpu.memref_squeeze %dma_start3A_71 : memref<1x32x16xf32, #tpu.memory_space<hbm>> -> memref<32x16xf32, #tpu.memory_space<hbm>>
        %dma_start3A_73 = arith.constant 0 : i32
        %dma_start3A_74 = tpu.memref_slice %arg11[%arg0, %add3A_68, %dma_start3A_73] : memref<2x10240x16xf32, #tpu.memory_space<hbm>> -> memref<1x32x16xf32, #tpu.memory_space<hbm>>
        %dma_start3A_75 = tpu.memref_squeeze %dma_start3A_74 : memref<1x32x16xf32, #tpu.memory_space<hbm>> -> memref<32x16xf32, #tpu.memory_space<hbm>>
        tpu.enqueue_dma source(%arg20 : memref<32x16xf32, #tpu.memory_space<vmem>>) target(%dma_start3A_75 : memref<32x16xf32, #tpu.memory_space<hbm>>) target_semaphore(%run_scoped3A : memref<!tpu.dma_semaphore, #tpu.memory_space<semaphore_mem>>)
        %dma_wait3A_76 = arith.constant 0 : i32
        %dma_wait3A_77 = tpu.memref_slice %arg11[%arg0, %add3A_68, %dma_wait3A_76] : memref<2x10240x16xf32, #tpu.memory_space<hbm>> -> memref<1x32x16xf32, #tpu.memory_space<hbm>>
        %dma_wait3A_78 = tpu.memref_squeeze %dma_wait3A_77 : memref<1x32x16xf32, #tpu.memory_space<hbm>> -> memref<32x16xf32, #tpu.memory_space<hbm>>
        %dma_wait3A_79 = arith.constant 0 : i32
        %dma_wait3A_80 = tpu.memref_slice %arg11[%arg0, %add3A_68, %dma_wait3A_79] : memref<2x10240x16xf32, #tpu.memory_space<hbm>> -> memref<1x32x16xf32, #tpu.memory_space<hbm>>
        %dma_wait3A_81 = tpu.memref_squeeze %dma_wait3A_80 : memref<1x32x16xf32, #tpu.memory_space<hbm>> -> memref<32x16xf32, #tpu.memory_space<hbm>>
        tpu.wait_dma2 semaphore(%run_scoped3A : memref<!tpu.dma_semaphore, #tpu.memory_space<semaphore_mem>>) src(%arg20 : memref<32x16xf32, #tpu.memory_space<vmem>>) dst(%dma_wait3A_81 : memref<32x16xf32, #tpu.memory_space<hbm>>)
        tpu.yield
      }) : () -> ()
      %scan3A_69 = arith.constant 0 : i32
      scf.yield %scan3A_69 : i32
    }
    %scan3A_47 = arith.constant 20 : i32
    return
  }
}

#map = affine_map<(d0, d1) -> (0, 0)>
#map1 = affine_map<(d0, d1) -> (0)>
#map2 = affine_map<(d0, d1) -> (0, 0, 0)>
module attributes {stable_mosaic.version = 14 : i64} {
  func.func @_edge_body(%arg0: i32, %arg1: i32, %arg2: memref<10240x128xf32, #tpu.memory_space<hbm>>, %arg3: memref<10240x128xf32, #tpu.memory_space<hbm>>, %arg4: memref<10240x128xf32, #tpu.memory_space<hbm>>, %arg5: memref<160000xi32, #tpu.memory_space<hbm>>, %arg6: memref<160000xi32, #tpu.memory_space<hbm>>, %arg7: memref<10240xi32, #tpu.memory_space<hbm>>, %arg8: memref<32x128xf32, #tpu.memory_space<hbm>>, %arg9: memref<32x16xf32, #tpu.memory_space<hbm>>, %arg10: memref<2x10240x128xf32, #tpu.memory_space<hbm>>, %arg11: memref<2x10240x16xf32, #tpu.memory_space<hbm>>, %arg12: memref<10240x128xf32, #tpu.memory_space<vmem_shared>>, %arg13: memref<10240x16xf32, #tpu.memory_space<vmem_shared>>, %arg14: memref<32xi32, #tpu.memory_space<vmem>>, %arg15: memref<32xi32, #tpu.memory_space<vmem>>, %arg16: memref<32xi32, #tpu.memory_space<vmem>>, %arg17: memref<32x128xf32, #tpu.memory_space<vmem>>, %arg18: memref<32x128xf32, #tpu.memory_space<vmem>>, %arg19: memref<32x128xf32, #tpu.memory_space<vmem>>, %arg20: memref<32x16xf32, #tpu.memory_space<vmem>>, %arg21: memref<!tpu.dma_semaphore, #tpu.memory_space<semaphore_mem>>) attributes {dimension_semantics = [#tpu.dimension_semantics<core_parallel>, #tpu.dimension_semantics<subcore_parallel>], iteration_bounds = array<i64: 2, 16>, scalar_prefetch = 0 : i64, scratch_operands = 10 : i64, tpu.core_type = #tpu.core_type<sc_vector_subcore>, window_params = [{transform_indices = #map}, {transform_indices = #map}, {transform_indices = #map}, {transform_indices = #map1}, {transform_indices = #map1}, {transform_indices = #map1}, {transform_indices = #map}, {transform_indices = #map}, {transform_indices = #map2}, {transform_indices = #map2}]} {
    %mul3A = arith.constant 2 : i32
    %mul3A_0 = arith.muli %arg1, %mul3A : i32
    %add3A = arith.addi %mul3A_0, %arg0 : i32
    %mul3A_1 = arith.constant 640 : i32
    %mul3A_2 = arith.muli %arg1, %mul3A_1 : i32
    %iota3A = tpu.iota {dimensions = array<i32: 0>} : vector<16xi32>
    "tpu.region"() ({
      %run_scoped3A = tpu.sem_alloc : memref<!tpu.dma_semaphore, #tpu.memory_space<semaphore_mem>>
      tpu.enqueue_dma source(%arg8 : memref<32x128xf32, #tpu.memory_space<hbm>>) target(%arg17 : memref<32x128xf32, #tpu.memory_space<vmem>>) target_semaphore(%run_scoped3A : memref<!tpu.dma_semaphore, #tpu.memory_space<semaphore_mem>>)
      tpu.wait_dma2 semaphore(%run_scoped3A : memref<!tpu.dma_semaphore, #tpu.memory_space<semaphore_mem>>) src(%arg8 : memref<32x128xf32, #tpu.memory_space<hbm>>) dst(%arg17 : memref<32x128xf32, #tpu.memory_space<vmem>>)
      tpu.yield
    }) : () -> ()
    "tpu.region"() ({
      %run_scoped3A = tpu.sem_alloc : memref<!tpu.dma_semaphore, #tpu.memory_space<semaphore_mem>>
      tpu.enqueue_dma source(%arg9 : memref<32x16xf32, #tpu.memory_space<hbm>>) target(%arg20 : memref<32x16xf32, #tpu.memory_space<vmem>>) target_semaphore(%run_scoped3A : memref<!tpu.dma_semaphore, #tpu.memory_space<semaphore_mem>>)
      tpu.wait_dma2 semaphore(%run_scoped3A : memref<!tpu.dma_semaphore, #tpu.memory_space<semaphore_mem>>) src(%arg9 : memref<32x16xf32, #tpu.memory_space<hbm>>) dst(%arg20 : memref<32x16xf32, #tpu.memory_space<vmem>>)
      tpu.yield
    }) : () -> ()
    %scan3A = arith.constant 0 : i32
    %scan3A_3 = arith.constant 0 : i32
    %scan3A_4 = arith.constant 20 : i32
    %scan3A_5 = arith.addi %scan3A_3, %scan3A_4 : i32
    %scan3A_6 = arith.constant 1 : i32
    %scan3A_7 = scf.for %scan3A_48 = %scan3A_3 to %scan3A_5 step %scan3A_6 iter_args(%scan3A_49 = %scan3A) -> (i32)  : i32 {
      %mul3A_50 = arith.constant 32 : i32
      %mul3A_51 = arith.muli %scan3A_48, %mul3A_50 : i32
      %add3A_52 = arith.addi %mul3A_2, %mul3A_51 : i32
      "tpu.region"() ({
        %run_scoped3A = tpu.sem_alloc : memref<!tpu.dma_semaphore, #tpu.memory_space<semaphore_mem>>
        %dma_start3A = tpu.memref_slice %arg7[%add3A_52] : memref<10240xi32, #tpu.memory_space<hbm>> -> memref<32xi32, #tpu.memory_space<hbm>>
        %dma_start3A_54 = tpu.memref_slice %arg7[%add3A_52] : memref<10240xi32, #tpu.memory_space<hbm>> -> memref<32xi32, #tpu.memory_space<hbm>>
        tpu.enqueue_dma source(%dma_start3A_54 : memref<32xi32, #tpu.memory_space<hbm>>) target(%arg16 : memref<32xi32, #tpu.memory_space<vmem>>) target_semaphore(%run_scoped3A : memref<!tpu.dma_semaphore, #tpu.memory_space<semaphore_mem>>)
        %dma_wait3A = tpu.memref_slice %arg7[%add3A_52] : memref<10240xi32, #tpu.memory_space<hbm>> -> memref<32xi32, #tpu.memory_space<hbm>>
        %dma_wait3A_55 = tpu.memref_slice %arg7[%add3A_52] : memref<10240xi32, #tpu.memory_space<hbm>> -> memref<32xi32, #tpu.memory_space<hbm>>
        tpu.wait_dma2 semaphore(%run_scoped3A : memref<!tpu.dma_semaphore, #tpu.memory_space<semaphore_mem>>) src(%dma_wait3A_55 : memref<32xi32, #tpu.memory_space<hbm>>) dst(%arg16 : memref<32xi32, #tpu.memory_space<vmem>>)
        tpu.yield
      }) : () -> ()
      "tpu.region"() ({
        %run_scoped3A = tpu.sem_alloc : memref<!tpu.dma_semaphore, #tpu.memory_space<semaphore_mem>>
        %dma_start3A = arith.constant 0 : i32
        %dma_start3A_54 = arith.constant 0 : i32
        %dma_start3A_55 = tpu.memref_slice %arg12[%dma_start3A, %dma_start3A_54] : memref<10240x128xf32, #tpu.memory_space<vmem_shared>> -> memref<10240x128xf32, #tpu.memory_space<vmem_shared>>
        tpu.enqueue_indirect_dma source(%arg17 : memref<32x128xf32, #tpu.memory_space<vmem>>) target(%dma_start3A_55 : memref<10240x128xf32, #tpu.memory_space<vmem_shared>>) offsets(%arg16 : memref<32xi32, #tpu.memory_space<vmem>>) semaphore(%run_scoped3A : memref<!tpu.dma_semaphore, #tpu.memory_space<semaphore_mem>>)
        %dma_wait3A = arith.constant 0 : i32
        %dma_wait3A_56 = arith.constant 0 : i32
        %dma_wait3A_57 = tpu.memref_slice %arg12[%dma_wait3A, %dma_wait3A_56] : memref<10240x128xf32, #tpu.memory_space<vmem_shared>> -> memref<10240x128xf32, #tpu.memory_space<vmem_shared>>
        tpu.wait_indirect_dma semaphore(%run_scoped3A : memref<!tpu.dma_semaphore, #tpu.memory_space<semaphore_mem>>) src(%arg17 : memref<32x128xf32, #tpu.memory_space<vmem>>) dst(%dma_wait3A_57 : memref<10240x128xf32, #tpu.memory_space<vmem_shared>>)
        tpu.yield
      }) : () -> ()
      "tpu.region"() ({
        %run_scoped3A = tpu.sem_alloc : memref<!tpu.dma_semaphore, #tpu.memory_space<semaphore_mem>>
        %dma_start3A = arith.constant 0 : i32
        %dma_start3A_54 = arith.constant 0 : i32
        %dma_start3A_55 = tpu.memref_slice %arg13[%dma_start3A, %dma_start3A_54] : memref<10240x16xf32, #tpu.memory_space<vmem_shared>> -> memref<10240x16xf32, #tpu.memory_space<vmem_shared>>
        tpu.enqueue_indirect_dma source(%arg20 : memref<32x16xf32, #tpu.memory_space<vmem>>) target(%dma_start3A_55 : memref<10240x16xf32, #tpu.memory_space<vmem_shared>>) offsets(%arg16 : memref<32xi32, #tpu.memory_space<vmem>>) semaphore(%run_scoped3A : memref<!tpu.dma_semaphore, #tpu.memory_space<semaphore_mem>>)
        %dma_wait3A = arith.constant 0 : i32
        %dma_wait3A_56 = arith.constant 0 : i32
        %dma_wait3A_57 = tpu.memref_slice %arg13[%dma_wait3A, %dma_wait3A_56] : memref<10240x16xf32, #tpu.memory_space<vmem_shared>> -> memref<10240x16xf32, #tpu.memory_space<vmem_shared>>
        tpu.wait_indirect_dma semaphore(%run_scoped3A : memref<!tpu.dma_semaphore, #tpu.memory_space<semaphore_mem>>) src(%arg20 : memref<32x16xf32, #tpu.memory_space<vmem>>) dst(%dma_wait3A_57 : memref<10240x16xf32, #tpu.memory_space<vmem_shared>>)
        tpu.yield
      }) : () -> ()
      %scan3A_53 = arith.constant 0 : i32
      scf.yield %scan3A_53 : i32
    }
    %scan3A_8 = arith.constant 20 : i32
    %barrier3A = arith.constant 0 : index
    tpu.barrier barrier_id(%barrier3A)
    %sub3A = arith.constant 4999 : i32
    %sub3A_9 = arith.subi %sub3A, %add3A : i32
    %jit3A = arith.constant 32 : i32
    %div3A = arith.divsi %sub3A_9, %jit3A : i32
    %sign3A = arith.constant 0 : i32
    %sign3A_10 = arith.cmpi sgt, %sub3A_9, %sign3A : i32
    %sign3A_11 = arith.extui %sign3A_10 : i1 to i32
    %sign3A_12 = arith.constant 0 : i32
    %sign3A_13 = arith.cmpi slt, %sub3A_9, %sign3A_12 : i32
    %sign3A_14 = arith.extui %sign3A_13 : i1 to i32
    %sign3A_15 = arith.subi %sign3A_11, %sign3A_14 : i32
    %sign3A_16 = arith.constant 0 : i32
    %sign3A_17 = arith.cmpi sgt, %jit3A, %sign3A_16 : i32
    %sign3A_18 = arith.extui %sign3A_17 : i1 to i32
    %sign3A_19 = arith.constant 0 : i32
    %sign3A_20 = arith.cmpi slt, %jit3A, %sign3A_19 : i32
    %sign3A_21 = arith.extui %sign3A_20 : i1 to i32
    %sign3A_22 = arith.subi %sign3A_18, %sign3A_21 : i32
    %ne3A = arith.cmpi ne, %sign3A_15, %sign3A_22 : i32
    %rem3A = arith.remsi %sub3A_9, %jit3A : i32
    %ne3A_23 = arith.constant 0 : i32
    %ne3A_24 = arith.cmpi ne, %rem3A, %ne3A_23 : i32
    %and3A = arith.andi %ne3A, %ne3A_24 : i1
    %sub3A_25 = arith.constant 1 : i32
    %sub3A_26 = arith.subi %div3A, %sub3A_25 : i32
    %select_n3A = arith.select %and3A, %sub3A_26, %div3A : i32
    %add3A_27 = arith.constant 1 : i32
    %add3A_28 = arith.addi %select_n3A, %add3A_27 : i32
    %while3A = arith.constant 0 : i32
    %while3A_29 = arith.constant 0 : i32
    %while3A_30 = arith.subi %add3A_28, %while3A : i32
    %while3A_31 = arith.addi %while3A, %while3A_30 : i32
    %while3A_32 = arith.constant 1 : i32
    %while3A_33 = arith.divsi %while3A_30, %while3A_32 : i32
    %while3A_34 = arith.muli %while3A_33, %while3A_32 : i32
    %while3A_35 = arith.addi %while3A, %while3A_34 : i32
    %while3A_36 = arith.constant 1 : i32
    %while3A_37 = scf.for %while3A_48 = %while3A to %while3A_35 step %while3A_36 iter_args(%while3A_49 = %while3A_29) -> (i32)  : i32 {
      %mul3A_50 = arith.constant 32 : i32
      %mul3A_51 = arith.muli %while3A_48, %mul3A_50 : i32
      %add3A_52 = arith.addi %add3A, %mul3A_51 : i32
      %mul3A_53 = arith.constant 32 : i32
      %mul3A_54 = arith.muli %add3A_52, %mul3A_53 : i32
      "tpu.region"() ({
        %run_scoped3A = tpu.sem_alloc : memref<!tpu.dma_semaphore, #tpu.memory_space<semaphore_mem>>
        %dma_start3A_80 = tpu.memref_slice %arg5[%mul3A_54] : memref<160000xi32, #tpu.memory_space<hbm>> -> memref<32xi32, #tpu.memory_space<hbm>>
        %dma_start3A_81 = tpu.memref_slice %arg5[%mul3A_54] : memref<160000xi32, #tpu.memory_space<hbm>> -> memref<32xi32, #tpu.memory_space<hbm>>
        tpu.enqueue_dma source(%dma_start3A_81 : memref<32xi32, #tpu.memory_space<hbm>>) target(%arg14 : memref<32xi32, #tpu.memory_space<vmem>>) target_semaphore(%run_scoped3A : memref<!tpu.dma_semaphore, #tpu.memory_space<semaphore_mem>>)
        %dma_wait3A_82 = tpu.memref_slice %arg5[%mul3A_54] : memref<160000xi32, #tpu.memory_space<hbm>> -> memref<32xi32, #tpu.memory_space<hbm>>
        %dma_wait3A_83 = tpu.memref_slice %arg5[%mul3A_54] : memref<160000xi32, #tpu.memory_space<hbm>> -> memref<32xi32, #tpu.memory_space<hbm>>
        tpu.wait_dma2 semaphore(%run_scoped3A : memref<!tpu.dma_semaphore, #tpu.memory_space<semaphore_mem>>) src(%dma_wait3A_83 : memref<32xi32, #tpu.memory_space<hbm>>) dst(%arg14 : memref<32xi32, #tpu.memory_space<vmem>>)
        tpu.yield
      }) : () -> ()
      "tpu.region"() ({
        %run_scoped3A = tpu.sem_alloc : memref<!tpu.dma_semaphore, #tpu.memory_space<semaphore_mem>>
        %dma_start3A_80 = tpu.memref_slice %arg6[%mul3A_54] : memref<160000xi32, #tpu.memory_space<hbm>> -> memref<32xi32, #tpu.memory_space<hbm>>
        %dma_start3A_81 = tpu.memref_slice %arg6[%mul3A_54] : memref<160000xi32, #tpu.memory_space<hbm>> -> memref<32xi32, #tpu.memory_space<hbm>>
        tpu.enqueue_dma source(%dma_start3A_81 : memref<32xi32, #tpu.memory_space<hbm>>) target(%arg15 : memref<32xi32, #tpu.memory_space<vmem>>) target_semaphore(%run_scoped3A : memref<!tpu.dma_semaphore, #tpu.memory_space<semaphore_mem>>)
        %dma_wait3A_82 = tpu.memref_slice %arg6[%mul3A_54] : memref<160000xi32, #tpu.memory_space<hbm>> -> memref<32xi32, #tpu.memory_space<hbm>>
        %dma_wait3A_83 = tpu.memref_slice %arg6[%mul3A_54] : memref<160000xi32, #tpu.memory_space<hbm>> -> memref<32xi32, #tpu.memory_space<hbm>>
        tpu.wait_dma2 semaphore(%run_scoped3A : memref<!tpu.dma_semaphore, #tpu.memory_space<semaphore_mem>>) src(%dma_wait3A_83 : memref<32xi32, #tpu.memory_space<hbm>>) dst(%arg15 : memref<32xi32, #tpu.memory_space<vmem>>)
        tpu.yield
      }) : () -> ()
      %dma_start3A = arith.constant 0 : i32
      %dma_start3A_55 = arith.constant 0 : i32
      %dma_start3A_56 = tpu.memref_slice %arg2[%dma_start3A, %dma_start3A_55] : memref<10240x128xf32, #tpu.memory_space<hbm>> -> memref<10240x128xf32, #tpu.memory_space<hbm>>
      tpu.enqueue_indirect_dma source(%dma_start3A_56 : memref<10240x128xf32, #tpu.memory_space<hbm>>) target(%arg17 : memref<32x128xf32, #tpu.memory_space<vmem>>) offsets(%arg15 : memref<32xi32, #tpu.memory_space<vmem>>) semaphore(%arg21 : memref<!tpu.dma_semaphore, #tpu.memory_space<semaphore_mem>>)
      %dma_start3A_57 = arith.constant 0 : i32
      %dma_start3A_58 = arith.constant 0 : i32
      %dma_start3A_59 = tpu.memref_slice %arg3[%dma_start3A_57, %dma_start3A_58] : memref<10240x128xf32, #tpu.memory_space<hbm>> -> memref<10240x128xf32, #tpu.memory_space<hbm>>
      tpu.enqueue_indirect_dma source(%dma_start3A_59 : memref<10240x128xf32, #tpu.memory_space<hbm>>) target(%arg18 : memref<32x128xf32, #tpu.memory_space<vmem>>) offsets(%arg14 : memref<32xi32, #tpu.memory_space<vmem>>) semaphore(%arg21 : memref<!tpu.dma_semaphore, #tpu.memory_space<semaphore_mem>>)
      %dma_start3A_60 = arith.constant 0 : i32
      %dma_start3A_61 = arith.constant 0 : i32
      %dma_start3A_62 = tpu.memref_slice %arg4[%dma_start3A_60, %dma_start3A_61] : memref<10240x128xf32, #tpu.memory_space<hbm>> -> memref<10240x128xf32, #tpu.memory_space<hbm>>
      tpu.enqueue_indirect_dma source(%dma_start3A_62 : memref<10240x128xf32, #tpu.memory_space<hbm>>) target(%arg19 : memref<32x128xf32, #tpu.memory_space<vmem>>) offsets(%arg14 : memref<32xi32, #tpu.memory_space<vmem>>) semaphore(%arg21 : memref<!tpu.dma_semaphore, #tpu.memory_space<semaphore_mem>>)
      %dma_wait3A = arith.constant 0 : i32
      %dma_wait3A_63 = arith.constant 0 : i32
      %dma_wait3A_64 = tpu.memref_slice %arg2[%dma_wait3A, %dma_wait3A_63] : memref<10240x128xf32, #tpu.memory_space<hbm>> -> memref<10240x128xf32, #tpu.memory_space<hbm>>
      tpu.wait_indirect_dma semaphore(%arg21 : memref<!tpu.dma_semaphore, #tpu.memory_space<semaphore_mem>>) src(%dma_wait3A_64 : memref<10240x128xf32, #tpu.memory_space<hbm>>) dst(%arg17 : memref<32x128xf32, #tpu.memory_space<vmem>>)
      %dma_wait3A_65 = arith.constant 0 : i32
      %dma_wait3A_66 = arith.constant 0 : i32
      %dma_wait3A_67 = tpu.memref_slice %arg3[%dma_wait3A_65, %dma_wait3A_66] : memref<10240x128xf32, #tpu.memory_space<hbm>> -> memref<10240x128xf32, #tpu.memory_space<hbm>>
      tpu.wait_indirect_dma semaphore(%arg21 : memref<!tpu.dma_semaphore, #tpu.memory_space<semaphore_mem>>) src(%dma_wait3A_67 : memref<10240x128xf32, #tpu.memory_space<hbm>>) dst(%arg18 : memref<32x128xf32, #tpu.memory_space<vmem>>)
      %dma_wait3A_68 = arith.constant 0 : i32
      %dma_wait3A_69 = arith.constant 0 : i32
      %dma_wait3A_70 = tpu.memref_slice %arg4[%dma_wait3A_68, %dma_wait3A_69] : memref<10240x128xf32, #tpu.memory_space<hbm>> -> memref<10240x128xf32, #tpu.memory_space<hbm>>
      tpu.wait_indirect_dma semaphore(%arg21 : memref<!tpu.dma_semaphore, #tpu.memory_space<semaphore_mem>>) src(%dma_wait3A_70 : memref<10240x128xf32, #tpu.memory_space<hbm>>) dst(%arg19 : memref<32x128xf32, #tpu.memory_space<vmem>>)
      %iota3A_71 = tpu.iota {dimensions = array<i32: 0>} : vector<16xi32>
      %scan3A_72 = arith.constant 0 : i32
      %scan3A_73 = arith.constant 0 : i32
      %scan3A_74 = arith.constant 32 : i32
      %scan3A_75 = arith.addi %scan3A_73, %scan3A_74 : i32
      %scan3A_76 = arith.constant 1 : i32
      %scan3A_77 = scf.for %scan3A_80 = %scan3A_73 to %scan3A_75 step %scan3A_76 iter_args(%scan3A_81 = %scan3A_72) -> (i32)  : i32 {
        %broadcast_in_dim3A = arith.constant 0.000000e+00 : f32
        %broadcast_in_dim3A_82 = vector.broadcast %broadcast_in_dim3A : f32 to vector<16xf32>
        %get3A = arith.index_cast %scan3A_80 : i32 to index
        %get3A_83 = arith.constant 0 : index
        %get3A_84 = tpu.vector_load %arg17[%get3A, %get3A_83] {strides = array<i32>} : memref<32x128xf32, #tpu.memory_space<vmem>>, vector<16xf32>,
        %get3A_85 = arith.index_cast %scan3A_80 : i32 to index
        %get3A_86 = arith.constant 0 : index
        %get3A_87 = tpu.vector_load %arg18[%get3A_85, %get3A_86] {strides = array<i32>} : memref<32x128xf32, #tpu.memory_space<vmem>>, vector<16xf32>,
        %mul3A_88 = arith.mulf %get3A_84, %get3A_87 : vector<16xf32>
        %get3A_89 = arith.index_cast %scan3A_80 : i32 to index
        %get3A_90 = arith.constant 16 : index
        %get3A_91 = tpu.vector_load %arg17[%get3A_89, %get3A_90] {strides = array<i32>} : memref<32x128xf32, #tpu.memory_space<vmem>>, vector<16xf32>,
        %get3A_92 = arith.index_cast %scan3A_80 : i32 to index
        %get3A_93 = arith.constant 16 : index
        %get3A_94 = tpu.vector_load %arg18[%get3A_92, %get3A_93] {strides = array<i32>} : memref<32x128xf32, #tpu.memory_space<vmem>>, vector<16xf32>,
        %mul3A_95 = arith.mulf %get3A_91, %get3A_94 : vector<16xf32>
        %add3A_96 = arith.addf %mul3A_88, %mul3A_95 : vector<16xf32>
        %reduce_sum3A = arith.constant true
        %reduce_sum3A_97 = vector.broadcast %reduce_sum3A : i1 to vector<16xi1>
        %reduce_sum3A_98 = tpu.scan <sum>, %add3A_96 masked %reduce_sum3A_97 : vector<16xf32>, vector<16xi1> -> vector<16xf32>
        %reduce_sum3A_99 = vector.extract %reduce_sum3A_98[15] : f32 from vector<16xf32>
        %broadcast_in_dim3A_100 = vector.broadcast %reduce_sum3A_99 : f32 to vector<16xf32>
        %exp3A = math.exp %broadcast_in_dim3A_100 : vector<16xf32>
        %get3A_101 = arith.index_cast %scan3A_80 : i32 to index
        %get3A_102 = arith.constant 0 : index
        %get3A_103 = tpu.vector_load %arg19[%get3A_101, %get3A_102] {strides = array<i32>} : memref<32x128xf32, #tpu.memory_space<vmem>>, vector<16xf32>,
        %mul3A_104 = arith.mulf %get3A_103, %exp3A : vector<16xf32>
        %swap3A = arith.index_cast %scan3A_80 : i32 to index
        %swap3A_105 = arith.constant 0 : index
        %swap3A_106 = tpu.vector_load %arg17[%swap3A, %swap3A_105] {strides = array<i32>} : memref<32x128xf32, #tpu.memory_space<vmem>>, vector<16xf32>,
        tpu.vector_store %arg17[%swap3A, %swap3A_105], %mul3A_104 {strides = array<i32>} : memref<32x128xf32, #tpu.memory_space<vmem>>, vector<16xf32>,
        %get3A_107 = arith.index_cast %scan3A_80 : i32 to index
        %get3A_108 = arith.constant 16 : index
        %get3A_109 = tpu.vector_load %arg19[%get3A_107, %get3A_108] {strides = array<i32>} : memref<32x128xf32, #tpu.memory_space<vmem>>, vector<16xf32>,
        %mul3A_110 = arith.mulf %get3A_109, %exp3A : vector<16xf32>
        %swap3A_111 = arith.index_cast %scan3A_80 : i32 to index
        %swap3A_112 = arith.constant 16 : index
        %swap3A_113 = tpu.vector_load %arg17[%swap3A_111, %swap3A_112] {strides = array<i32>} : memref<32x128xf32, #tpu.memory_space<vmem>>, vector<16xf32>,
        tpu.vector_store %arg17[%swap3A_111, %swap3A_112], %mul3A_110 {strides = array<i32>} : memref<32x128xf32, #tpu.memory_space<vmem>>, vector<16xf32>,
        %eq3A = arith.constant 0 : i32
        %eq3A_114 = vector.broadcast %eq3A : i32 to vector<16xi32>
        %eq3A_115 = arith.cmpi eq, %iota3A_71, %eq3A_114 : vector<16xi32>
        %jit3A_116 = arith.constant 0.000000e+00 : f32
        %broadcast_in_dim3A_117 = vector.broadcast %jit3A_116 : f32 to vector<16xf32>
        %select_n3A_118 = arith.select %eq3A_115, %exp3A, %broadcast_in_dim3A_117 : vector<16xi1>, vector<16xf32>
        %add3A_119 = arith.addf %broadcast_in_dim3A_82, %select_n3A_118 : vector<16xf32>
        %get3A_120 = arith.index_cast %scan3A_80 : i32 to index
        %get3A_121 = arith.constant 32 : index
        %get3A_122 = tpu.vector_load %arg17[%get3A_120, %get3A_121] {strides = array<i32>} : memref<32x128xf32, #tpu.memory_space<vmem>>, vector<16xf32>,
        %get3A_123 = arith.index_cast %scan3A_80 : i32 to index
        %get3A_124 = arith.constant 32 : index
        %get3A_125 = tpu.vector_load %arg18[%get3A_123, %get3A_124] {strides = array<i32>} : memref<32x128xf32, #tpu.memory_space<vmem>>, vector<16xf32>,
        %mul3A_126 = arith.mulf %get3A_122, %get3A_125 : vector<16xf32>
        %get3A_127 = arith.index_cast %scan3A_80 : i32 to index
        %get3A_128 = arith.constant 48 : index
        %get3A_129 = tpu.vector_load %arg17[%get3A_127, %get3A_128] {strides = array<i32>} : memref<32x128xf32, #tpu.memory_space<vmem>>, vector<16xf32>,
        %get3A_130 = arith.index_cast %scan3A_80 : i32 to index
        %get3A_131 = arith.constant 48 : index
        %get3A_132 = tpu.vector_load %arg18[%get3A_130, %get3A_131] {strides = array<i32>} : memref<32x128xf32, #tpu.memory_space<vmem>>, vector<16xf32>,
        %mul3A_133 = arith.mulf %get3A_129, %get3A_132 : vector<16xf32>
        %add3A_134 = arith.addf %mul3A_126, %mul3A_133 : vector<16xf32>
        %reduce_sum3A_135 = arith.constant true
        %reduce_sum3A_136 = vector.broadcast %reduce_sum3A_135 : i1 to vector<16xi1>
        %reduce_sum3A_137 = tpu.scan <sum>, %add3A_134 masked %reduce_sum3A_136 : vector<16xf32>, vector<16xi1> -> vector<16xf32>
        %reduce_sum3A_138 = vector.extract %reduce_sum3A_137[15] : f32 from vector<16xf32>
        %broadcast_in_dim3A_139 = vector.broadcast %reduce_sum3A_138 : f32 to vector<16xf32>
        %exp3A_140 = math.exp %broadcast_in_dim3A_139 : vector<16xf32>
        %get3A_141 = arith.index_cast %scan3A_80 : i32 to index
        %get3A_142 = arith.constant 32 : index
        %get3A_143 = tpu.vector_load %arg19[%get3A_141, %get3A_142] {strides = array<i32>} : memref<32x128xf32, #tpu.memory_space<vmem>>, vector<16xf32>,
        %mul3A_144 = arith.mulf %get3A_143, %exp3A_140 : vector<16xf32>
        %swap3A_145 = arith.index_cast %scan3A_80 : i32 to index
        %swap3A_146 = arith.constant 32 : index
        %swap3A_147 = tpu.vector_load %arg17[%swap3A_145, %swap3A_146] {strides = array<i32>} : memref<32x128xf32, #tpu.memory_space<vmem>>, vector<16xf32>,
        tpu.vector_store %arg17[%swap3A_145, %swap3A_146], %mul3A_144 {strides = array<i32>} : memref<32x128xf32, #tpu.memory_space<vmem>>, vector<16xf32>,
        %get3A_148 = arith.index_cast %scan3A_80 : i32 to index
        %get3A_149 = arith.constant 48 : index
        %get3A_150 = tpu.vector_load %arg19[%get3A_148, %get3A_149] {strides = array<i32>} : memref<32x128xf32, #tpu.memory_space<vmem>>, vector<16xf32>,
        %mul3A_151 = arith.mulf %get3A_150, %exp3A_140 : vector<16xf32>
        %swap3A_152 = arith.index_cast %scan3A_80 : i32 to index
        %swap3A_153 = arith.constant 48 : index
        %swap3A_154 = tpu.vector_load %arg17[%swap3A_152, %swap3A_153] {strides = array<i32>} : memref<32x128xf32, #tpu.memory_space<vmem>>, vector<16xf32>,
        tpu.vector_store %arg17[%swap3A_152, %swap3A_153], %mul3A_151 {strides = array<i32>} : memref<32x128xf32, #tpu.memory_space<vmem>>, vector<16xf32>,
        %eq3A_155 = arith.constant 1 : i32
        %eq3A_156 = vector.broadcast %eq3A_155 : i32 to vector<16xi32>
        %eq3A_157 = arith.cmpi eq, %iota3A_71, %eq3A_156 : vector<16xi32>
        %jit3A_158 = arith.constant 0.000000e+00 : f32
        %broadcast_in_dim3A_159 = vector.broadcast %jit3A_158 : f32 to vector<16xf32>
        %select_n3A_160 = arith.select %eq3A_157, %exp3A_140, %broadcast_in_dim3A_159 : vector<16xi1>, vector<16xf32>
        %add3A_161 = arith.addf %add3A_119, %select_n3A_160 : vector<16xf32>
        %get3A_162 = arith.index_cast %scan3A_80 : i32 to index
        %get3A_163 = arith.constant 64 : index
        %get3A_164 = tpu.vector_load %arg17[%get3A_162, %get3A_163] {strides = array<i32>} : memref<32x128xf32, #tpu.memory_space<vmem>>, vector<16xf32>,
        %get3A_165 = arith.index_cast %scan3A_80 : i32 to index
        %get3A_166 = arith.constant 64 : index
        %get3A_167 = tpu.vector_load %arg18[%get3A_165, %get3A_166] {strides = array<i32>} : memref<32x128xf32, #tpu.memory_space<vmem>>, vector<16xf32>,
        %mul3A_168 = arith.mulf %get3A_164, %get3A_167 : vector<16xf32>
        %get3A_169 = arith.index_cast %scan3A_80 : i32 to index
        %get3A_170 = arith.constant 80 : index
        %get3A_171 = tpu.vector_load %arg17[%get3A_169, %get3A_170] {strides = array<i32>} : memref<32x128xf32, #tpu.memory_space<vmem>>, vector<16xf32>,
        %get3A_172 = arith.index_cast %scan3A_80 : i32 to index
        %get3A_173 = arith.constant 80 : index
        %get3A_174 = tpu.vector_load %arg18[%get3A_172, %get3A_173] {strides = array<i32>} : memref<32x128xf32, #tpu.memory_space<vmem>>, vector<16xf32>,
        %mul3A_175 = arith.mulf %get3A_171, %get3A_174 : vector<16xf32>
        %add3A_176 = arith.addf %mul3A_168, %mul3A_175 : vector<16xf32>
        %reduce_sum3A_177 = arith.constant true
        %reduce_sum3A_178 = vector.broadcast %reduce_sum3A_177 : i1 to vector<16xi1>
        %reduce_sum3A_179 = tpu.scan <sum>, %add3A_176 masked %reduce_sum3A_178 : vector<16xf32>, vector<16xi1> -> vector<16xf32>
        %reduce_sum3A_180 = vector.extract %reduce_sum3A_179[15] : f32 from vector<16xf32>
        %broadcast_in_dim3A_181 = vector.broadcast %reduce_sum3A_180 : f32 to vector<16xf32>
        %exp3A_182 = math.exp %broadcast_in_dim3A_181 : vector<16xf32>
        %get3A_183 = arith.index_cast %scan3A_80 : i32 to index
        %get3A_184 = arith.constant 64 : index
        %get3A_185 = tpu.vector_load %arg19[%get3A_183, %get3A_184] {strides = array<i32>} : memref<32x128xf32, #tpu.memory_space<vmem>>, vector<16xf32>,
        %mul3A_186 = arith.mulf %get3A_185, %exp3A_182 : vector<16xf32>
        %swap3A_187 = arith.index_cast %scan3A_80 : i32 to index
        %swap3A_188 = arith.constant 64 : index
        %swap3A_189 = tpu.vector_load %arg17[%swap3A_187, %swap3A_188] {strides = array<i32>} : memref<32x128xf32, #tpu.memory_space<vmem>>, vector<16xf32>,
        tpu.vector_store %arg17[%swap3A_187, %swap3A_188], %mul3A_186 {strides = array<i32>} : memref<32x128xf32, #tpu.memory_space<vmem>>, vector<16xf32>,
        %get3A_190 = arith.index_cast %scan3A_80 : i32 to index
        %get3A_191 = arith.constant 80 : index
        %get3A_192 = tpu.vector_load %arg19[%get3A_190, %get3A_191] {strides = array<i32>} : memref<32x128xf32, #tpu.memory_space<vmem>>, vector<16xf32>,
        %mul3A_193 = arith.mulf %get3A_192, %exp3A_182 : vector<16xf32>
        %swap3A_194 = arith.index_cast %scan3A_80 : i32 to index
        %swap3A_195 = arith.constant 80 : index
        %swap3A_196 = tpu.vector_load %arg17[%swap3A_194, %swap3A_195] {strides = array<i32>} : memref<32x128xf32, #tpu.memory_space<vmem>>, vector<16xf32>,
        tpu.vector_store %arg17[%swap3A_194, %swap3A_195], %mul3A_193 {strides = array<i32>} : memref<32x128xf32, #tpu.memory_space<vmem>>, vector<16xf32>,
        %eq3A_197 = arith.constant 2 : i32
        %eq3A_198 = vector.broadcast %eq3A_197 : i32 to vector<16xi32>
        %eq3A_199 = arith.cmpi eq, %iota3A_71, %eq3A_198 : vector<16xi32>
        %jit3A_200 = arith.constant 0.000000e+00 : f32
        %broadcast_in_dim3A_201 = vector.broadcast %jit3A_200 : f32 to vector<16xf32>
        %select_n3A_202 = arith.select %eq3A_199, %exp3A_182, %broadcast_in_dim3A_201 : vector<16xi1>, vector<16xf32>
        %add3A_203 = arith.addf %add3A_161, %select_n3A_202 : vector<16xf32>
        %get3A_204 = arith.index_cast %scan3A_80 : i32 to index
        %get3A_205 = arith.constant 96 : index
        %get3A_206 = tpu.vector_load %arg17[%get3A_204, %get3A_205] {strides = array<i32>} : memref<32x128xf32, #tpu.memory_space<vmem>>, vector<16xf32>,
        %get3A_207 = arith.index_cast %scan3A_80 : i32 to index
        %get3A_208 = arith.constant 96 : index
        %get3A_209 = tpu.vector_load %arg18[%get3A_207, %get3A_208] {strides = array<i32>} : memref<32x128xf32, #tpu.memory_space<vmem>>, vector<16xf32>,
        %mul3A_210 = arith.mulf %get3A_206, %get3A_209 : vector<16xf32>
        %get3A_211 = arith.index_cast %scan3A_80 : i32 to index
        %get3A_212 = arith.constant 112 : index
        %get3A_213 = tpu.vector_load %arg17[%get3A_211, %get3A_212] {strides = array<i32>} : memref<32x128xf32, #tpu.memory_space<vmem>>, vector<16xf32>,
        %get3A_214 = arith.index_cast %scan3A_80 : i32 to index
        %get3A_215 = arith.constant 112 : index
        %get3A_216 = tpu.vector_load %arg18[%get3A_214, %get3A_215] {strides = array<i32>} : memref<32x128xf32, #tpu.memory_space<vmem>>, vector<16xf32>,
        %mul3A_217 = arith.mulf %get3A_213, %get3A_216 : vector<16xf32>
        %add3A_218 = arith.addf %mul3A_210, %mul3A_217 : vector<16xf32>
        %reduce_sum3A_219 = arith.constant true
        %reduce_sum3A_220 = vector.broadcast %reduce_sum3A_219 : i1 to vector<16xi1>
        %reduce_sum3A_221 = tpu.scan <sum>, %add3A_218 masked %reduce_sum3A_220 : vector<16xf32>, vector<16xi1> -> vector<16xf32>
        %reduce_sum3A_222 = vector.extract %reduce_sum3A_221[15] : f32 from vector<16xf32>
        %broadcast_in_dim3A_223 = vector.broadcast %reduce_sum3A_222 : f32 to vector<16xf32>
        %exp3A_224 = math.exp %broadcast_in_dim3A_223 : vector<16xf32>
        %get3A_225 = arith.index_cast %scan3A_80 : i32 to index
        %get3A_226 = arith.constant 96 : index
        %get3A_227 = tpu.vector_load %arg19[%get3A_225, %get3A_226] {strides = array<i32>} : memref<32x128xf32, #tpu.memory_space<vmem>>, vector<16xf32>,
        %mul3A_228 = arith.mulf %get3A_227, %exp3A_224 : vector<16xf32>
        %swap3A_229 = arith.index_cast %scan3A_80 : i32 to index
        %swap3A_230 = arith.constant 96 : index
        %swap3A_231 = tpu.vector_load %arg17[%swap3A_229, %swap3A_230] {strides = array<i32>} : memref<32x128xf32, #tpu.memory_space<vmem>>, vector<16xf32>,
        tpu.vector_store %arg17[%swap3A_229, %swap3A_230], %mul3A_228 {strides = array<i32>} : memref<32x128xf32, #tpu.memory_space<vmem>>, vector<16xf32>,
        %get3A_232 = arith.index_cast %scan3A_80 : i32 to index
        %get3A_233 = arith.constant 112 : index
        %get3A_234 = tpu.vector_load %arg19[%get3A_232, %get3A_233] {strides = array<i32>} : memref<32x128xf32, #tpu.memory_space<vmem>>, vector<16xf32>,
        %mul3A_235 = arith.mulf %get3A_234, %exp3A_224 : vector<16xf32>
        %swap3A_236 = arith.index_cast %scan3A_80 : i32 to index
        %swap3A_237 = arith.constant 112 : index
        %swap3A_238 = tpu.vector_load %arg17[%swap3A_236, %swap3A_237] {strides = array<i32>} : memref<32x128xf32, #tpu.memory_space<vmem>>, vector<16xf32>,
        tpu.vector_store %arg17[%swap3A_236, %swap3A_237], %mul3A_235 {strides = array<i32>} : memref<32x128xf32, #tpu.memory_space<vmem>>, vector<16xf32>,
        %eq3A_239 = arith.constant 3 : i32
        %eq3A_240 = vector.broadcast %eq3A_239 : i32 to vector<16xi32>
        %eq3A_241 = arith.cmpi eq, %iota3A_71, %eq3A_240 : vector<16xi32>
        %jit3A_242 = arith.constant 0.000000e+00 : f32
        %broadcast_in_dim3A_243 = vector.broadcast %jit3A_242 : f32 to vector<16xf32>
        %select_n3A_244 = arith.select %eq3A_241, %exp3A_224, %broadcast_in_dim3A_243 : vector<16xi1>, vector<16xf32>
        %add3A_245 = arith.addf %add3A_203, %select_n3A_244 : vector<16xf32>
        %swap3A_246 = arith.index_cast %scan3A_80 : i32 to index
        %swap3A_247 = arith.constant 0 : index
        %swap3A_248 = tpu.vector_load %arg20[%swap3A_246, %swap3A_247] {strides = array<i32>} : memref<32x16xf32, #tpu.memory_space<vmem>>, vector<16xf32>,
        tpu.vector_store %arg20[%swap3A_246, %swap3A_247], %add3A_245 {strides = array<i32>} : memref<32x16xf32, #tpu.memory_space<vmem>>, vector<16xf32>,
        %scan3A_249 = arith.constant 0 : i32
        scf.yield %scan3A_249 : i32
      }
      %scan3A_78 = arith.constant 32 : i32
      "tpu.region"() ({
        %run_scoped3A = tpu.sem_alloc : memref<!tpu.dma_semaphore, #tpu.memory_space<semaphore_mem>>
        %dma_start3A_80 = arith.constant 0 : i32
        %dma_start3A_81 = arith.constant 0 : i32
        %dma_start3A_82 = tpu.memref_slice %arg12[%dma_start3A_80, %dma_start3A_81] : memref<10240x128xf32, #tpu.memory_space<vmem_shared>> -> memref<10240x128xf32, #tpu.memory_space<vmem_shared>>
        tpu.enqueue_indirect_dma source(%arg17 : memref<32x128xf32, #tpu.memory_space<vmem>>) target(%dma_start3A_82 : memref<10240x128xf32, #tpu.memory_space<vmem_shared>>) offsets(%arg15 : memref<32xi32, #tpu.memory_space<vmem>>) semaphore(%run_scoped3A : memref<!tpu.dma_semaphore, #tpu.memory_space<semaphore_mem>>) {add = true}
        %dma_wait3A_83 = arith.constant 0 : i32
        %dma_wait3A_84 = arith.constant 0 : i32
        %dma_wait3A_85 = tpu.memref_slice %arg12[%dma_wait3A_83, %dma_wait3A_84] : memref<10240x128xf32, #tpu.memory_space<vmem_shared>> -> memref<10240x128xf32, #tpu.memory_space<vmem_shared>>
        tpu.wait_indirect_dma semaphore(%run_scoped3A : memref<!tpu.dma_semaphore, #tpu.memory_space<semaphore_mem>>) src(%arg17 : memref<32x128xf32, #tpu.memory_space<vmem>>) dst(%dma_wait3A_85 : memref<10240x128xf32, #tpu.memory_space<vmem_shared>>)
        tpu.yield
      }) : () -> ()
      "tpu.region"() ({
        %run_scoped3A = tpu.sem_alloc : memref<!tpu.dma_semaphore, #tpu.memory_space<semaphore_mem>>
        %dma_start3A_80 = arith.constant 0 : i32
        %dma_start3A_81 = arith.constant 0 : i32
        %dma_start3A_82 = tpu.memref_slice %arg13[%dma_start3A_80, %dma_start3A_81] : memref<10240x16xf32, #tpu.memory_space<vmem_shared>> -> memref<10240x16xf32, #tpu.memory_space<vmem_shared>>
        tpu.enqueue_indirect_dma source(%arg20 : memref<32x16xf32, #tpu.memory_space<vmem>>) target(%dma_start3A_82 : memref<10240x16xf32, #tpu.memory_space<vmem_shared>>) offsets(%arg15 : memref<32xi32, #tpu.memory_space<vmem>>) semaphore(%run_scoped3A : memref<!tpu.dma_semaphore, #tpu.memory_space<semaphore_mem>>) {add = true}
        %dma_wait3A_83 = arith.constant 0 : i32
        %dma_wait3A_84 = arith.constant 0 : i32
        %dma_wait3A_85 = tpu.memref_slice %arg13[%dma_wait3A_83, %dma_wait3A_84] : memref<10240x16xf32, #tpu.memory_space<vmem_shared>> -> memref<10240x16xf32, #tpu.memory_space<vmem_shared>>
        tpu.wait_indirect_dma semaphore(%run_scoped3A : memref<!tpu.dma_semaphore, #tpu.memory_space<semaphore_mem>>) src(%arg20 : memref<32x16xf32, #tpu.memory_space<vmem>>) dst(%dma_wait3A_85 : memref<10240x16xf32, #tpu.memory_space<vmem_shared>>)
        tpu.yield
      }) : () -> ()
      %while3A_79 = arith.constant 0 : i32
      scf.yield %while3A_79 : i32
    }
    %while3A_38 = arith.constant 1 : i32
    %while3A_39 = scf.for %while3A_48 = %while3A_35 to %while3A_31 step %while3A_38 iter_args(%while3A_49 = %while3A_37) -> (i32)  : i32 {
      %mul3A_50 = arith.constant 32 : i32
      %mul3A_51 = arith.muli %while3A_48, %mul3A_50 : i32
      %add3A_52 = arith.addi %add3A, %mul3A_51 : i32
      %mul3A_53 = arith.constant 32 : i32
      %mul3A_54 = arith.muli %add3A_52, %mul3A_53 : i32
      "tpu.region"() ({
        %run_scoped3A = tpu.sem_alloc : memref<!tpu.dma_semaphore, #tpu.memory_space<semaphore_mem>>
        %dma_start3A_80 = tpu.memref_slice %arg5[%mul3A_54] : memref<160000xi32, #tpu.memory_space<hbm>> -> memref<32xi32, #tpu.memory_space<hbm>>
        %dma_start3A_81 = tpu.memref_slice %arg5[%mul3A_54] : memref<160000xi32, #tpu.memory_space<hbm>> -> memref<32xi32, #tpu.memory_space<hbm>>
        tpu.enqueue_dma source(%dma_start3A_81 : memref<32xi32, #tpu.memory_space<hbm>>) target(%arg14 : memref<32xi32, #tpu.memory_space<vmem>>) target_semaphore(%run_scoped3A : memref<!tpu.dma_semaphore, #tpu.memory_space<semaphore_mem>>)
        %dma_wait3A_82 = tpu.memref_slice %arg5[%mul3A_54] : memref<160000xi32, #tpu.memory_space<hbm>> -> memref<32xi32, #tpu.memory_space<hbm>>
        %dma_wait3A_83 = tpu.memref_slice %arg5[%mul3A_54] : memref<160000xi32, #tpu.memory_space<hbm>> -> memref<32xi32, #tpu.memory_space<hbm>>
        tpu.wait_dma2 semaphore(%run_scoped3A : memref<!tpu.dma_semaphore, #tpu.memory_space<semaphore_mem>>) src(%dma_wait3A_83 : memref<32xi32, #tpu.memory_space<hbm>>) dst(%arg14 : memref<32xi32, #tpu.memory_space<vmem>>)
        tpu.yield
      }) : () -> ()
      "tpu.region"() ({
        %run_scoped3A = tpu.sem_alloc : memref<!tpu.dma_semaphore, #tpu.memory_space<semaphore_mem>>
        %dma_start3A_80 = tpu.memref_slice %arg6[%mul3A_54] : memref<160000xi32, #tpu.memory_space<hbm>> -> memref<32xi32, #tpu.memory_space<hbm>>
        %dma_start3A_81 = tpu.memref_slice %arg6[%mul3A_54] : memref<160000xi32, #tpu.memory_space<hbm>> -> memref<32xi32, #tpu.memory_space<hbm>>
        tpu.enqueue_dma source(%dma_start3A_81 : memref<32xi32, #tpu.memory_space<hbm>>) target(%arg15 : memref<32xi32, #tpu.memory_space<vmem>>) target_semaphore(%run_scoped3A : memref<!tpu.dma_semaphore, #tpu.memory_space<semaphore_mem>>)
        %dma_wait3A_82 = tpu.memref_slice %arg6[%mul3A_54] : memref<160000xi32, #tpu.memory_space<hbm>> -> memref<32xi32, #tpu.memory_space<hbm>>
        %dma_wait3A_83 = tpu.memref_slice %arg6[%mul3A_54] : memref<160000xi32, #tpu.memory_space<hbm>> -> memref<32xi32, #tpu.memory_space<hbm>>
        tpu.wait_dma2 semaphore(%run_scoped3A : memref<!tpu.dma_semaphore, #tpu.memory_space<semaphore_mem>>) src(%dma_wait3A_83 : memref<32xi32, #tpu.memory_space<hbm>>) dst(%arg15 : memref<32xi32, #tpu.memory_space<vmem>>)
        tpu.yield
      }) : () -> ()
      %dma_start3A = arith.constant 0 : i32
      %dma_start3A_55 = arith.constant 0 : i32
      %dma_start3A_56 = tpu.memref_slice %arg2[%dma_start3A, %dma_start3A_55] : memref<10240x128xf32, #tpu.memory_space<hbm>> -> memref<10240x128xf32, #tpu.memory_space<hbm>>
      tpu.enqueue_indirect_dma source(%dma_start3A_56 : memref<10240x128xf32, #tpu.memory_space<hbm>>) target(%arg17 : memref<32x128xf32, #tpu.memory_space<vmem>>) offsets(%arg15 : memref<32xi32, #tpu.memory_space<vmem>>) semaphore(%arg21 : memref<!tpu.dma_semaphore, #tpu.memory_space<semaphore_mem>>)
      %dma_start3A_57 = arith.constant 0 : i32
      %dma_start3A_58 = arith.constant 0 : i32
      %dma_start3A_59 = tpu.memref_slice %arg3[%dma_start3A_57, %dma_start3A_58] : memref<10240x128xf32, #tpu.memory_space<hbm>> -> memref<10240x128xf32, #tpu.memory_space<hbm>>
      tpu.enqueue_indirect_dma source(%dma_start3A_59 : memref<10240x128xf32, #tpu.memory_space<hbm>>) target(%arg18 : memref<32x128xf32, #tpu.memory_space<vmem>>) offsets(%arg14 : memref<32xi32, #tpu.memory_space<vmem>>) semaphore(%arg21 : memref<!tpu.dma_semaphore, #tpu.memory_space<semaphore_mem>>)
      %dma_start3A_60 = arith.constant 0 : i32
      %dma_start3A_61 = arith.constant 0 : i32
      %dma_start3A_62 = tpu.memref_slice %arg4[%dma_start3A_60, %dma_start3A_61] : memref<10240x128xf32, #tpu.memory_space<hbm>> -> memref<10240x128xf32, #tpu.memory_space<hbm>>
      tpu.enqueue_indirect_dma source(%dma_start3A_62 : memref<10240x128xf32, #tpu.memory_space<hbm>>) target(%arg19 : memref<32x128xf32, #tpu.memory_space<vmem>>) offsets(%arg14 : memref<32xi32, #tpu.memory_space<vmem>>) semaphore(%arg21 : memref<!tpu.dma_semaphore, #tpu.memory_space<semaphore_mem>>)
      %dma_wait3A = arith.constant 0 : i32
      %dma_wait3A_63 = arith.constant 0 : i32
      %dma_wait3A_64 = tpu.memref_slice %arg2[%dma_wait3A, %dma_wait3A_63] : memref<10240x128xf32, #tpu.memory_space<hbm>> -> memref<10240x128xf32, #tpu.memory_space<hbm>>
      tpu.wait_indirect_dma semaphore(%arg21 : memref<!tpu.dma_semaphore, #tpu.memory_space<semaphore_mem>>) src(%dma_wait3A_64 : memref<10240x128xf32, #tpu.memory_space<hbm>>) dst(%arg17 : memref<32x128xf32, #tpu.memory_space<vmem>>)
      %dma_wait3A_65 = arith.constant 0 : i32
      %dma_wait3A_66 = arith.constant 0 : i32
      %dma_wait3A_67 = tpu.memref_slice %arg3[%dma_wait3A_65, %dma_wait3A_66] : memref<10240x128xf32, #tpu.memory_space<hbm>> -> memref<10240x128xf32, #tpu.memory_space<hbm>>
      tpu.wait_indirect_dma semaphore(%arg21 : memref<!tpu.dma_semaphore, #tpu.memory_space<semaphore_mem>>) src(%dma_wait3A_67 : memref<10240x128xf32, #tpu.memory_space<hbm>>) dst(%arg18 : memref<32x128xf32, #tpu.memory_space<vmem>>)
      %dma_wait3A_68 = arith.constant 0 : i32
      %dma_wait3A_69 = arith.constant 0 : i32
      %dma_wait3A_70 = tpu.memref_slice %arg4[%dma_wait3A_68, %dma_wait3A_69] : memref<10240x128xf32, #tpu.memory_space<hbm>> -> memref<10240x128xf32, #tpu.memory_space<hbm>>
      tpu.wait_indirect_dma semaphore(%arg21 : memref<!tpu.dma_semaphore, #tpu.memory_space<semaphore_mem>>) src(%dma_wait3A_70 : memref<10240x128xf32, #tpu.memory_space<hbm>>) dst(%arg19 : memref<32x128xf32, #tpu.memory_space<vmem>>)
      %iota3A_71 = tpu.iota {dimensions = array<i32: 0>} : vector<16xi32>
      %scan3A_72 = arith.constant 0 : i32
      %scan3A_73 = arith.constant 0 : i32
      %scan3A_74 = arith.constant 32 : i32
      %scan3A_75 = arith.addi %scan3A_73, %scan3A_74 : i32
      %scan3A_76 = arith.constant 1 : i32
      %scan3A_77 = scf.for %scan3A_80 = %scan3A_73 to %scan3A_75 step %scan3A_76 iter_args(%scan3A_81 = %scan3A_72) -> (i32)  : i32 {
        %broadcast_in_dim3A = arith.constant 0.000000e+00 : f32
        %broadcast_in_dim3A_82 = vector.broadcast %broadcast_in_dim3A : f32 to vector<16xf32>
        %get3A = arith.index_cast %scan3A_80 : i32 to index
        %get3A_83 = arith.constant 0 : index
        %get3A_84 = tpu.vector_load %arg17[%get3A, %get3A_83] {strides = array<i32>} : memref<32x128xf32, #tpu.memory_space<vmem>>, vector<16xf32>,
        %get3A_85 = arith.index_cast %scan3A_80 : i32 to index
        %get3A_86 = arith.constant 0 : index
        %get3A_87 = tpu.vector_load %arg18[%get3A_85, %get3A_86] {strides = array<i32>} : memref<32x128xf32, #tpu.memory_space<vmem>>, vector<16xf32>,
        %mul3A_88 = arith.mulf %get3A_84, %get3A_87 : vector<16xf32>
        %get3A_89 = arith.index_cast %scan3A_80 : i32 to index
        %get3A_90 = arith.constant 16 : index
        %get3A_91 = tpu.vector_load %arg17[%get3A_89, %get3A_90] {strides = array<i32>} : memref<32x128xf32, #tpu.memory_space<vmem>>, vector<16xf32>,
        %get3A_92 = arith.index_cast %scan3A_80 : i32 to index
        %get3A_93 = arith.constant 16 : index
        %get3A_94 = tpu.vector_load %arg18[%get3A_92, %get3A_93] {strides = array<i32>} : memref<32x128xf32, #tpu.memory_space<vmem>>, vector<16xf32>,
        %mul3A_95 = arith.mulf %get3A_91, %get3A_94 : vector<16xf32>
        %add3A_96 = arith.addf %mul3A_88, %mul3A_95 : vector<16xf32>
        %reduce_sum3A = arith.constant true
        %reduce_sum3A_97 = vector.broadcast %reduce_sum3A : i1 to vector<16xi1>
        %reduce_sum3A_98 = tpu.scan <sum>, %add3A_96 masked %reduce_sum3A_97 : vector<16xf32>, vector<16xi1> -> vector<16xf32>
        %reduce_sum3A_99 = vector.extract %reduce_sum3A_98[15] : f32 from vector<16xf32>
        %broadcast_in_dim3A_100 = vector.broadcast %reduce_sum3A_99 : f32 to vector<16xf32>
        %exp3A = math.exp %broadcast_in_dim3A_100 : vector<16xf32>
        %get3A_101 = arith.index_cast %scan3A_80 : i32 to index
        %get3A_102 = arith.constant 0 : index
        %get3A_103 = tpu.vector_load %arg19[%get3A_101, %get3A_102] {strides = array<i32>} : memref<32x128xf32, #tpu.memory_space<vmem>>, vector<16xf32>,
        %mul3A_104 = arith.mulf %get3A_103, %exp3A : vector<16xf32>
        %swap3A = arith.index_cast %scan3A_80 : i32 to index
        %swap3A_105 = arith.constant 0 : index
        %swap3A_106 = tpu.vector_load %arg17[%swap3A, %swap3A_105] {strides = array<i32>} : memref<32x128xf32, #tpu.memory_space<vmem>>, vector<16xf32>,
        tpu.vector_store %arg17[%swap3A, %swap3A_105], %mul3A_104 {strides = array<i32>} : memref<32x128xf32, #tpu.memory_space<vmem>>, vector<16xf32>,
        %get3A_107 = arith.index_cast %scan3A_80 : i32 to index
        %get3A_108 = arith.constant 16 : index
        %get3A_109 = tpu.vector_load %arg19[%get3A_107, %get3A_108] {strides = array<i32>} : memref<32x128xf32, #tpu.memory_space<vmem>>, vector<16xf32>,
        %mul3A_110 = arith.mulf %get3A_109, %exp3A : vector<16xf32>
        %swap3A_111 = arith.index_cast %scan3A_80 : i32 to index
        %swap3A_112 = arith.constant 16 : index
        %swap3A_113 = tpu.vector_load %arg17[%swap3A_111, %swap3A_112] {strides = array<i32>} : memref<32x128xf32, #tpu.memory_space<vmem>>, vector<16xf32>,
        tpu.vector_store %arg17[%swap3A_111, %swap3A_112], %mul3A_110 {strides = array<i32>} : memref<32x128xf32, #tpu.memory_space<vmem>>, vector<16xf32>,
        %eq3A = arith.constant 0 : i32
        %eq3A_114 = vector.broadcast %eq3A : i32 to vector<16xi32>
        %eq3A_115 = arith.cmpi eq, %iota3A_71, %eq3A_114 : vector<16xi32>
        %jit3A_116 = arith.constant 0.000000e+00 : f32
        %broadcast_in_dim3A_117 = vector.broadcast %jit3A_116 : f32 to vector<16xf32>
        %select_n3A_118 = arith.select %eq3A_115, %exp3A, %broadcast_in_dim3A_117 : vector<16xi1>, vector<16xf32>
        %add3A_119 = arith.addf %broadcast_in_dim3A_82, %select_n3A_118 : vector<16xf32>
        %get3A_120 = arith.index_cast %scan3A_80 : i32 to index
        %get3A_121 = arith.constant 32 : index
        %get3A_122 = tpu.vector_load %arg17[%get3A_120, %get3A_121] {strides = array<i32>} : memref<32x128xf32, #tpu.memory_space<vmem>>, vector<16xf32>,
        %get3A_123 = arith.index_cast %scan3A_80 : i32 to index
        %get3A_124 = arith.constant 32 : index
        %get3A_125 = tpu.vector_load %arg18[%get3A_123, %get3A_124] {strides = array<i32>} : memref<32x128xf32, #tpu.memory_space<vmem>>, vector<16xf32>,
        %mul3A_126 = arith.mulf %get3A_122, %get3A_125 : vector<16xf32>
        %get3A_127 = arith.index_cast %scan3A_80 : i32 to index
        %get3A_128 = arith.constant 48 : index
        %get3A_129 = tpu.vector_load %arg17[%get3A_127, %get3A_128] {strides = array<i32>} : memref<32x128xf32, #tpu.memory_space<vmem>>, vector<16xf32>,
        %get3A_130 = arith.index_cast %scan3A_80 : i32 to index
        %get3A_131 = arith.constant 48 : index
        %get3A_132 = tpu.vector_load %arg18[%get3A_130, %get3A_131] {strides = array<i32>} : memref<32x128xf32, #tpu.memory_space<vmem>>, vector<16xf32>,
        %mul3A_133 = arith.mulf %get3A_129, %get3A_132 : vector<16xf32>
        %add3A_134 = arith.addf %mul3A_126, %mul3A_133 : vector<16xf32>
        %reduce_sum3A_135 = arith.constant true
        %reduce_sum3A_136 = vector.broadcast %reduce_sum3A_135 : i1 to vector<16xi1>
        %reduce_sum3A_137 = tpu.scan <sum>, %add3A_134 masked %reduce_sum3A_136 : vector<16xf32>, vector<16xi1> -> vector<16xf32>
        %reduce_sum3A_138 = vector.extract %reduce_sum3A_137[15] : f32 from vector<16xf32>
        %broadcast_in_dim3A_139 = vector.broadcast %reduce_sum3A_138 : f32 to vector<16xf32>
        %exp3A_140 = math.exp %broadcast_in_dim3A_139 : vector<16xf32>
        %get3A_141 = arith.index_cast %scan3A_80 : i32 to index
        %get3A_142 = arith.constant 32 : index
        %get3A_143 = tpu.vector_load %arg19[%get3A_141, %get3A_142] {strides = array<i32>} : memref<32x128xf32, #tpu.memory_space<vmem>>, vector<16xf32>,
        %mul3A_144 = arith.mulf %get3A_143, %exp3A_140 : vector<16xf32>
        %swap3A_145 = arith.index_cast %scan3A_80 : i32 to index
        %swap3A_146 = arith.constant 32 : index
        %swap3A_147 = tpu.vector_load %arg17[%swap3A_145, %swap3A_146] {strides = array<i32>} : memref<32x128xf32, #tpu.memory_space<vmem>>, vector<16xf32>,
        tpu.vector_store %arg17[%swap3A_145, %swap3A_146], %mul3A_144 {strides = array<i32>} : memref<32x128xf32, #tpu.memory_space<vmem>>, vector<16xf32>,
        %get3A_148 = arith.index_cast %scan3A_80 : i32 to index
        %get3A_149 = arith.constant 48 : index
        %get3A_150 = tpu.vector_load %arg19[%get3A_148, %get3A_149] {strides = array<i32>} : memref<32x128xf32, #tpu.memory_space<vmem>>, vector<16xf32>,
        %mul3A_151 = arith.mulf %get3A_150, %exp3A_140 : vector<16xf32>
        %swap3A_152 = arith.index_cast %scan3A_80 : i32 to index
        %swap3A_153 = arith.constant 48 : index
        %swap3A_154 = tpu.vector_load %arg17[%swap3A_152, %swap3A_153] {strides = array<i32>} : memref<32x128xf32, #tpu.memory_space<vmem>>, vector<16xf32>,
        tpu.vector_store %arg17[%swap3A_152, %swap3A_153], %mul3A_151 {strides = array<i32>} : memref<32x128xf32, #tpu.memory_space<vmem>>, vector<16xf32>,
        %eq3A_155 = arith.constant 1 : i32
        %eq3A_156 = vector.broadcast %eq3A_155 : i32 to vector<16xi32>
        %eq3A_157 = arith.cmpi eq, %iota3A_71, %eq3A_156 : vector<16xi32>
        %jit3A_158 = arith.constant 0.000000e+00 : f32
        %broadcast_in_dim3A_159 = vector.broadcast %jit3A_158 : f32 to vector<16xf32>
        %select_n3A_160 = arith.select %eq3A_157, %exp3A_140, %broadcast_in_dim3A_159 : vector<16xi1>, vector<16xf32>
        %add3A_161 = arith.addf %add3A_119, %select_n3A_160 : vector<16xf32>
        %get3A_162 = arith.index_cast %scan3A_80 : i32 to index
        %get3A_163 = arith.constant 64 : index
        %get3A_164 = tpu.vector_load %arg17[%get3A_162, %get3A_163] {strides = array<i32>} : memref<32x128xf32, #tpu.memory_space<vmem>>, vector<16xf32>,
        %get3A_165 = arith.index_cast %scan3A_80 : i32 to index
        %get3A_166 = arith.constant 64 : index
        %get3A_167 = tpu.vector_load %arg18[%get3A_165, %get3A_166] {strides = array<i32>} : memref<32x128xf32, #tpu.memory_space<vmem>>, vector<16xf32>,
        %mul3A_168 = arith.mulf %get3A_164, %get3A_167 : vector<16xf32>
        %get3A_169 = arith.index_cast %scan3A_80 : i32 to index
        %get3A_170 = arith.constant 80 : index
        %get3A_171 = tpu.vector_load %arg17[%get3A_169, %get3A_170] {strides = array<i32>} : memref<32x128xf32, #tpu.memory_space<vmem>>, vector<16xf32>,
        %get3A_172 = arith.index_cast %scan3A_80 : i32 to index
        %get3A_173 = arith.constant 80 : index
        %get3A_174 = tpu.vector_load %arg18[%get3A_172, %get3A_173] {strides = array<i32>} : memref<32x128xf32, #tpu.memory_space<vmem>>, vector<16xf32>,
        %mul3A_175 = arith.mulf %get3A_171, %get3A_174 : vector<16xf32>
        %add3A_176 = arith.addf %mul3A_168, %mul3A_175 : vector<16xf32>
        %reduce_sum3A_177 = arith.constant true
        %reduce_sum3A_178 = vector.broadcast %reduce_sum3A_177 : i1 to vector<16xi1>
        %reduce_sum3A_179 = tpu.scan <sum>, %add3A_176 masked %reduce_sum3A_178 : vector<16xf32>, vector<16xi1> -> vector<16xf32>
        %reduce_sum3A_180 = vector.extract %reduce_sum3A_179[15] : f32 from vector<16xf32>
        %broadcast_in_dim3A_181 = vector.broadcast %reduce_sum3A_180 : f32 to vector<16xf32>
        %exp3A_182 = math.exp %broadcast_in_dim3A_181 : vector<16xf32>
        %get3A_183 = arith.index_cast %scan3A_80 : i32 to index
        %get3A_184 = arith.constant 64 : index
        %get3A_185 = tpu.vector_load %arg19[%get3A_183, %get3A_184] {strides = array<i32>} : memref<32x128xf32, #tpu.memory_space<vmem>>, vector<16xf32>,
        %mul3A_186 = arith.mulf %get3A_185, %exp3A_182 : vector<16xf32>
        %swap3A_187 = arith.index_cast %scan3A_80 : i32 to index
        %swap3A_188 = arith.constant 64 : index
        %swap3A_189 = tpu.vector_load %arg17[%swap3A_187, %swap3A_188] {strides = array<i32>} : memref<32x128xf32, #tpu.memory_space<vmem>>, vector<16xf32>,
        tpu.vector_store %arg17[%swap3A_187, %swap3A_188], %mul3A_186 {strides = array<i32>} : memref<32x128xf32, #tpu.memory_space<vmem>>, vector<16xf32>,
        %get3A_190 = arith.index_cast %scan3A_80 : i32 to index
        %get3A_191 = arith.constant 80 : index
        %get3A_192 = tpu.vector_load %arg19[%get3A_190, %get3A_191] {strides = array<i32>} : memref<32x128xf32, #tpu.memory_space<vmem>>, vector<16xf32>,
        %mul3A_193 = arith.mulf %get3A_192, %exp3A_182 : vector<16xf32>
        %swap3A_194 = arith.index_cast %scan3A_80 : i32 to index
        %swap3A_195 = arith.constant 80 : index
        %swap3A_196 = tpu.vector_load %arg17[%swap3A_194, %swap3A_195] {strides = array<i32>} : memref<32x128xf32, #tpu.memory_space<vmem>>, vector<16xf32>,
        tpu.vector_store %arg17[%swap3A_194, %swap3A_195], %mul3A_193 {strides = array<i32>} : memref<32x128xf32, #tpu.memory_space<vmem>>, vector<16xf32>,
        %eq3A_197 = arith.constant 2 : i32
        %eq3A_198 = vector.broadcast %eq3A_197 : i32 to vector<16xi32>
        %eq3A_199 = arith.cmpi eq, %iota3A_71, %eq3A_198 : vector<16xi32>
        %jit3A_200 = arith.constant 0.000000e+00 : f32
        %broadcast_in_dim3A_201 = vector.broadcast %jit3A_200 : f32 to vector<16xf32>
        %select_n3A_202 = arith.select %eq3A_199, %exp3A_182, %broadcast_in_dim3A_201 : vector<16xi1>, vector<16xf32>
        %add3A_203 = arith.addf %add3A_161, %select_n3A_202 : vector<16xf32>
        %get3A_204 = arith.index_cast %scan3A_80 : i32 to index
        %get3A_205 = arith.constant 96 : index
        %get3A_206 = tpu.vector_load %arg17[%get3A_204, %get3A_205] {strides = array<i32>} : memref<32x128xf32, #tpu.memory_space<vmem>>, vector<16xf32>,
        %get3A_207 = arith.index_cast %scan3A_80 : i32 to index
        %get3A_208 = arith.constant 96 : index
        %get3A_209 = tpu.vector_load %arg18[%get3A_207, %get3A_208] {strides = array<i32>} : memref<32x128xf32, #tpu.memory_space<vmem>>, vector<16xf32>,
        %mul3A_210 = arith.mulf %get3A_206, %get3A_209 : vector<16xf32>
        %get3A_211 = arith.index_cast %scan3A_80 : i32 to index
        %get3A_212 = arith.constant 112 : index
        %get3A_213 = tpu.vector_load %arg17[%get3A_211, %get3A_212] {strides = array<i32>} : memref<32x128xf32, #tpu.memory_space<vmem>>, vector<16xf32>,
        %get3A_214 = arith.index_cast %scan3A_80 : i32 to index
        %get3A_215 = arith.constant 112 : index
        %get3A_216 = tpu.vector_load %arg18[%get3A_214, %get3A_215] {strides = array<i32>} : memref<32x128xf32, #tpu.memory_space<vmem>>, vector<16xf32>,
        %mul3A_217 = arith.mulf %get3A_213, %get3A_216 : vector<16xf32>
        %add3A_218 = arith.addf %mul3A_210, %mul3A_217 : vector<16xf32>
        %reduce_sum3A_219 = arith.constant true
        %reduce_sum3A_220 = vector.broadcast %reduce_sum3A_219 : i1 to vector<16xi1>
        %reduce_sum3A_221 = tpu.scan <sum>, %add3A_218 masked %reduce_sum3A_220 : vector<16xf32>, vector<16xi1> -> vector<16xf32>
        %reduce_sum3A_222 = vector.extract %reduce_sum3A_221[15] : f32 from vector<16xf32>
        %broadcast_in_dim3A_223 = vector.broadcast %reduce_sum3A_222 : f32 to vector<16xf32>
        %exp3A_224 = math.exp %broadcast_in_dim3A_223 : vector<16xf32>
        %get3A_225 = arith.index_cast %scan3A_80 : i32 to index
        %get3A_226 = arith.constant 96 : index
        %get3A_227 = tpu.vector_load %arg19[%get3A_225, %get3A_226] {strides = array<i32>} : memref<32x128xf32, #tpu.memory_space<vmem>>, vector<16xf32>,
        %mul3A_228 = arith.mulf %get3A_227, %exp3A_224 : vector<16xf32>
        %swap3A_229 = arith.index_cast %scan3A_80 : i32 to index
        %swap3A_230 = arith.constant 96 : index
        %swap3A_231 = tpu.vector_load %arg17[%swap3A_229, %swap3A_230] {strides = array<i32>} : memref<32x128xf32, #tpu.memory_space<vmem>>, vector<16xf32>,
        tpu.vector_store %arg17[%swap3A_229, %swap3A_230], %mul3A_228 {strides = array<i32>} : memref<32x128xf32, #tpu.memory_space<vmem>>, vector<16xf32>,
        %get3A_232 = arith.index_cast %scan3A_80 : i32 to index
        %get3A_233 = arith.constant 112 : index
        %get3A_234 = tpu.vector_load %arg19[%get3A_232, %get3A_233] {strides = array<i32>} : memref<32x128xf32, #tpu.memory_space<vmem>>, vector<16xf32>,
        %mul3A_235 = arith.mulf %get3A_234, %exp3A_224 : vector<16xf32>
        %swap3A_236 = arith.index_cast %scan3A_80 : i32 to index
        %swap3A_237 = arith.constant 112 : index
        %swap3A_238 = tpu.vector_load %arg17[%swap3A_236, %swap3A_237] {strides = array<i32>} : memref<32x128xf32, #tpu.memory_space<vmem>>, vector<16xf32>,
        tpu.vector_store %arg17[%swap3A_236, %swap3A_237], %mul3A_235 {strides = array<i32>} : memref<32x128xf32, #tpu.memory_space<vmem>>, vector<16xf32>,
        %eq3A_239 = arith.constant 3 : i32
        %eq3A_240 = vector.broadcast %eq3A_239 : i32 to vector<16xi32>
        %eq3A_241 = arith.cmpi eq, %iota3A_71, %eq3A_240 : vector<16xi32>
        %jit3A_242 = arith.constant 0.000000e+00 : f32
        %broadcast_in_dim3A_243 = vector.broadcast %jit3A_242 : f32 to vector<16xf32>
        %select_n3A_244 = arith.select %eq3A_241, %exp3A_224, %broadcast_in_dim3A_243 : vector<16xi1>, vector<16xf32>
        %add3A_245 = arith.addf %add3A_203, %select_n3A_244 : vector<16xf32>
        %swap3A_246 = arith.index_cast %scan3A_80 : i32 to index
        %swap3A_247 = arith.constant 0 : index
        %swap3A_248 = tpu.vector_load %arg20[%swap3A_246, %swap3A_247] {strides = array<i32>} : memref<32x16xf32, #tpu.memory_space<vmem>>, vector<16xf32>,
        tpu.vector_store %arg20[%swap3A_246, %swap3A_247], %add3A_245 {strides = array<i32>} : memref<32x16xf32, #tpu.memory_space<vmem>>, vector<16xf32>,
        %scan3A_249 = arith.constant 0 : i32
        scf.yield %scan3A_249 : i32
      }
      %scan3A_78 = arith.constant 32 : i32
      "tpu.region"() ({
        %run_scoped3A = tpu.sem_alloc : memref<!tpu.dma_semaphore, #tpu.memory_space<semaphore_mem>>
        %dma_start3A_80 = arith.constant 0 : i32
        %dma_start3A_81 = arith.constant 0 : i32
        %dma_start3A_82 = tpu.memref_slice %arg12[%dma_start3A_80, %dma_start3A_81] : memref<10240x128xf32, #tpu.memory_space<vmem_shared>> -> memref<10240x128xf32, #tpu.memory_space<vmem_shared>>
        tpu.enqueue_indirect_dma source(%arg17 : memref<32x128xf32, #tpu.memory_space<vmem>>) target(%dma_start3A_82 : memref<10240x128xf32, #tpu.memory_space<vmem_shared>>) offsets(%arg15 : memref<32xi32, #tpu.memory_space<vmem>>) semaphore(%run_scoped3A : memref<!tpu.dma_semaphore, #tpu.memory_space<semaphore_mem>>) {add = true}
        %dma_wait3A_83 = arith.constant 0 : i32
        %dma_wait3A_84 = arith.constant 0 : i32
        %dma_wait3A_85 = tpu.memref_slice %arg12[%dma_wait3A_83, %dma_wait3A_84] : memref<10240x128xf32, #tpu.memory_space<vmem_shared>> -> memref<10240x128xf32, #tpu.memory_space<vmem_shared>>
        tpu.wait_indirect_dma semaphore(%run_scoped3A : memref<!tpu.dma_semaphore, #tpu.memory_space<semaphore_mem>>) src(%arg17 : memref<32x128xf32, #tpu.memory_space<vmem>>) dst(%dma_wait3A_85 : memref<10240x128xf32, #tpu.memory_space<vmem_shared>>)
        tpu.yield
      }) : () -> ()
      "tpu.region"() ({
        %run_scoped3A = tpu.sem_alloc : memref<!tpu.dma_semaphore, #tpu.memory_space<semaphore_mem>>
        %dma_start3A_80 = arith.constant 0 : i32
        %dma_start3A_81 = arith.constant 0 : i32
        %dma_start3A_82 = tpu.memref_slice %arg13[%dma_start3A_80, %dma_start3A_81] : memref<10240x16xf32, #tpu.memory_space<vmem_shared>> -> memref<10240x16xf32, #tpu.memory_space<vmem_shared>>
        tpu.enqueue_indirect_dma source(%arg20 : memref<32x16xf32, #tpu.memory_space<vmem>>) target(%dma_start3A_82 : memref<10240x16xf32, #tpu.memory_space<vmem_shared>>) offsets(%arg15 : memref<32xi32, #tpu.memory_space<vmem>>) semaphore(%run_scoped3A : memref<!tpu.dma_semaphore, #tpu.memory_space<semaphore_mem>>) {add = true}
        %dma_wait3A_83 = arith.constant 0 : i32
        %dma_wait3A_84 = arith.constant 0 : i32
        %dma_wait3A_85 = tpu.memref_slice %arg13[%dma_wait3A_83, %dma_wait3A_84] : memref<10240x16xf32, #tpu.memory_space<vmem_shared>> -> memref<10240x16xf32, #tpu.memory_space<vmem_shared>>
        tpu.wait_indirect_dma semaphore(%run_scoped3A : memref<!tpu.dma_semaphore, #tpu.memory_space<semaphore_mem>>) src(%arg20 : memref<32x16xf32, #tpu.memory_space<vmem>>) dst(%dma_wait3A_85 : memref<10240x16xf32, #tpu.memory_space<vmem_shared>>)
        tpu.yield
      }) : () -> ()
      %while3A_79 = arith.constant 0 : i32
      scf.yield %while3A_79 : i32
    }
    %barrier3A_40 = arith.constant 0 : index
    tpu.barrier barrier_id(%barrier3A_40)
    %scan3A_41 = arith.constant 0 : i32
    %scan3A_42 = arith.constant 0 : i32
    %scan3A_43 = arith.constant 20 : i32
    %scan3A_44 = arith.addi %scan3A_42, %scan3A_43 : i32
    %scan3A_45 = arith.constant 1 : i32
    %scan3A_46 = scf.for %scan3A_48 = %scan3A_42 to %scan3A_44 step %scan3A_45 iter_args(%scan3A_49 = %scan3A_41) -> (i32)  : i32 {
      %mul3A_50 = arith.constant 32 : i32
      %mul3A_51 = arith.muli %scan3A_48, %mul3A_50 : i32
      %add3A_52 = arith.addi %mul3A_2, %mul3A_51 : i32
      "tpu.region"() ({
        %run_scoped3A = tpu.sem_alloc : memref<!tpu.dma_semaphore, #tpu.memory_space<semaphore_mem>>
        %dma_start3A_70 = tpu.memref_slice %arg7[%add3A_52] : memref<10240xi32, #tpu.memory_space<hbm>> -> memref<32xi32, #tpu.memory_space<hbm>>
        %dma_start3A_71 = tpu.memref_slice %arg7[%add3A_52] : memref<10240xi32, #tpu.memory_space<hbm>> -> memref<32xi32, #tpu.memory_space<hbm>>
        tpu.enqueue_dma source(%dma_start3A_71 : memref<32xi32, #tpu.memory_space<hbm>>) target(%arg16 : memref<32xi32, #tpu.memory_space<vmem>>) target_semaphore(%run_scoped3A : memref<!tpu.dma_semaphore, #tpu.memory_space<semaphore_mem>>)
        %dma_wait3A_72 = tpu.memref_slice %arg7[%add3A_52] : memref<10240xi32, #tpu.memory_space<hbm>> -> memref<32xi32, #tpu.memory_space<hbm>>
        %dma_wait3A_73 = tpu.memref_slice %arg7[%add3A_52] : memref<10240xi32, #tpu.memory_space<hbm>> -> memref<32xi32, #tpu.memory_space<hbm>>
        tpu.wait_dma2 semaphore(%run_scoped3A : memref<!tpu.dma_semaphore, #tpu.memory_space<semaphore_mem>>) src(%dma_wait3A_73 : memref<32xi32, #tpu.memory_space<hbm>>) dst(%arg16 : memref<32xi32, #tpu.memory_space<vmem>>)
        tpu.yield
      }) : () -> ()
      %dma_start3A = arith.constant 0 : i32
      %dma_start3A_53 = arith.constant 0 : i32
      %dma_start3A_54 = tpu.memref_slice %arg12[%dma_start3A, %dma_start3A_53] : memref<10240x128xf32, #tpu.memory_space<vmem_shared>> -> memref<10240x128xf32, #tpu.memory_space<vmem_shared>>
      tpu.enqueue_indirect_dma source(%dma_start3A_54 : memref<10240x128xf32, #tpu.memory_space<vmem_shared>>) target(%arg17 : memref<32x128xf32, #tpu.memory_space<vmem>>) offsets(%arg16 : memref<32xi32, #tpu.memory_space<vmem>>) semaphore(%arg21 : memref<!tpu.dma_semaphore, #tpu.memory_space<semaphore_mem>>)
      %dma_start3A_55 = arith.constant 0 : i32
      %dma_start3A_56 = arith.constant 0 : i32
      %dma_start3A_57 = tpu.memref_slice %arg13[%dma_start3A_55, %dma_start3A_56] : memref<10240x16xf32, #tpu.memory_space<vmem_shared>> -> memref<10240x16xf32, #tpu.memory_space<vmem_shared>>
      tpu.enqueue_indirect_dma source(%dma_start3A_57 : memref<10240x16xf32, #tpu.memory_space<vmem_shared>>) target(%arg20 : memref<32x16xf32, #tpu.memory_space<vmem>>) offsets(%arg16 : memref<32xi32, #tpu.memory_space<vmem>>) semaphore(%arg21 : memref<!tpu.dma_semaphore, #tpu.memory_space<semaphore_mem>>)
      %dma_wait3A = arith.constant 0 : i32
      %dma_wait3A_58 = arith.constant 0 : i32
      %dma_wait3A_59 = tpu.memref_slice %arg12[%dma_wait3A, %dma_wait3A_58] : memref<10240x128xf32, #tpu.memory_space<vmem_shared>> -> memref<10240x128xf32, #tpu.memory_space<vmem_shared>>
      tpu.wait_indirect_dma semaphore(%arg21 : memref<!tpu.dma_semaphore, #tpu.memory_space<semaphore_mem>>) src(%dma_wait3A_59 : memref<10240x128xf32, #tpu.memory_space<vmem_shared>>) dst(%arg17 : memref<32x128xf32, #tpu.memory_space<vmem>>)
      %dma_wait3A_60 = arith.constant 0 : i32
      %dma_wait3A_61 = arith.constant 0 : i32
      %dma_wait3A_62 = tpu.memref_slice %arg13[%dma_wait3A_60, %dma_wait3A_61] : memref<10240x16xf32, #tpu.memory_space<vmem_shared>> -> memref<10240x16xf32, #tpu.memory_space<vmem_shared>>
      tpu.wait_indirect_dma semaphore(%arg21 : memref<!tpu.dma_semaphore, #tpu.memory_space<semaphore_mem>>) src(%dma_wait3A_62 : memref<10240x16xf32, #tpu.memory_space<vmem_shared>>) dst(%arg20 : memref<32x16xf32, #tpu.memory_space<vmem>>)
      %mul3A_63 = arith.constant 32 : i32
      %mul3A_64 = arith.muli %scan3A_48, %mul3A_63 : i32
      %add3A_65 = arith.addi %mul3A_2, %mul3A_64 : i32
      "tpu.region"() ({
        %run_scoped3A = tpu.sem_alloc : memref<!tpu.dma_semaphore, #tpu.memory_space<semaphore_mem>>
        %dma_start3A_70 = arith.constant 0 : i32
        %dma_start3A_71 = tpu.memref_slice %arg10[%arg0, %add3A_65, %dma_start3A_70] : memref<2x10240x128xf32, #tpu.memory_space<hbm>> -> memref<1x32x128xf32, #tpu.memory_space<hbm>>
        %dma_start3A_72 = tpu.memref_squeeze %dma_start3A_71 : memref<1x32x128xf32, #tpu.memory_space<hbm>> -> memref<32x128xf32, #tpu.memory_space<hbm>>
        %dma_start3A_73 = arith.constant 0 : i32
        %dma_start3A_74 = tpu.memref_slice %arg10[%arg0, %add3A_65, %dma_start3A_73] : memref<2x10240x128xf32, #tpu.memory_space<hbm>> -> memref<1x32x128xf32, #tpu.memory_space<hbm>>
        %dma_start3A_75 = tpu.memref_squeeze %dma_start3A_74 : memref<1x32x128xf32, #tpu.memory_space<hbm>> -> memref<32x128xf32, #tpu.memory_space<hbm>>
        tpu.enqueue_dma source(%arg17 : memref<32x128xf32, #tpu.memory_space<vmem>>) target(%dma_start3A_75 : memref<32x128xf32, #tpu.memory_space<hbm>>) target_semaphore(%run_scoped3A : memref<!tpu.dma_semaphore, #tpu.memory_space<semaphore_mem>>)
        %dma_wait3A_76 = arith.constant 0 : i32
        %dma_wait3A_77 = tpu.memref_slice %arg10[%arg0, %add3A_65, %dma_wait3A_76] : memref<2x10240x128xf32, #tpu.memory_space<hbm>> -> memref<1x32x128xf32, #tpu.memory_space<hbm>>
        %dma_wait3A_78 = tpu.memref_squeeze %dma_wait3A_77 : memref<1x32x128xf32, #tpu.memory_space<hbm>> -> memref<32x128xf32, #tpu.memory_space<hbm>>
        %dma_wait3A_79 = arith.constant 0 : i32
        %dma_wait3A_80 = tpu.memref_slice %arg10[%arg0, %add3A_65, %dma_wait3A_79] : memref<2x10240x128xf32, #tpu.memory_space<hbm>> -> memref<1x32x128xf32, #tpu.memory_space<hbm>>
        %dma_wait3A_81 = tpu.memref_squeeze %dma_wait3A_80 : memref<1x32x128xf32, #tpu.memory_space<hbm>> -> memref<32x128xf32, #tpu.memory_space<hbm>>
        tpu.wait_dma2 semaphore(%run_scoped3A : memref<!tpu.dma_semaphore, #tpu.memory_space<semaphore_mem>>) src(%arg17 : memref<32x128xf32, #tpu.memory_space<vmem>>) dst(%dma_wait3A_81 : memref<32x128xf32, #tpu.memory_space<hbm>>)
        tpu.yield
      }) : () -> ()
      %mul3A_66 = arith.constant 32 : i32
      %mul3A_67 = arith.muli %scan3A_48, %mul3A_66 : i32
      %add3A_68 = arith.addi %mul3A_2, %mul3A_67 : i32
      "tpu.region"() ({
        %run_scoped3A = tpu.sem_alloc : memref<!tpu.dma_semaphore, #tpu.memory_space<semaphore_mem>>
        %dma_start3A_70 = arith.constant 0 : i32
        %dma_start3A_71 = tpu.memref_slice %arg11[%arg0, %add3A_68, %dma_start3A_70] : memref<2x10240x16xf32, #tpu.memory_space<hbm>> -> memref<1x32x16xf32, #tpu.memory_space<hbm>>
        %dma_start3A_72 = tpu.memref_squeeze %dma_start3A_71 : memref<1x32x16xf32, #tpu.memory_space<hbm>> -> memref<32x16xf32, #tpu.memory_space<hbm>>
        %dma_start3A_73 = arith.constant 0 : i32
        %dma_start3A_74 = tpu.memref_slice %arg11[%arg0, %add3A_68, %dma_start3A_73] : memref<2x10240x16xf32, #tpu.memory_space<hbm>> -> memref<1x32x16xf32, #tpu.memory_space<hbm>>
        %dma_start3A_75 = tpu.memref_squeeze %dma_start3A_74 : memref<1x32x16xf32, #tpu.memory_space<hbm>> -> memref<32x16xf32, #tpu.memory_space<hbm>>
        tpu.enqueue_dma source(%arg20 : memref<32x16xf32, #tpu.memory_space<vmem>>) target(%dma_start3A_75 : memref<32x16xf32, #tpu.memory_space<hbm>>) target_semaphore(%run_scoped3A : memref<!tpu.dma_semaphore, #tpu.memory_space<semaphore_mem>>)
        %dma_wait3A_76 = arith.constant 0 : i32
        %dma_wait3A_77 = tpu.memref_slice %arg11[%arg0, %add3A_68, %dma_wait3A_76] : memref<2x10240x16xf32, #tpu.memory_space<hbm>> -> memref<1x32x16xf32, #tpu.memory_space<hbm>>
        %dma_wait3A_78 = tpu.memref_squeeze %dma_wait3A_77 : memref<1x32x16xf32, #tpu.memory_space<hbm>> -> memref<32x16xf32, #tpu.memory_space<hbm>>
        %dma_wait3A_79 = arith.constant 0 : i32
        %dma_wait3A_80 = tpu.memref_slice %arg11[%arg0, %add3A_68, %dma_wait3A_79] : memref<2x10240x16xf32, #tpu.memory_space<hbm>> -> memref<1x32x16xf32, #tpu.memory_space<hbm>>
        %dma_wait3A_81 = tpu.memref_squeeze %dma_wait3A_80 : memref<1x32x16xf32, #tpu.memory_space<hbm>> -> memref<32x16xf32, #tpu.memory_space<hbm>>
        tpu.wait_dma2 semaphore(%run_scoped3A : memref<!tpu.dma_semaphore, #tpu.memory_space<semaphore_mem>>) src(%arg20 : memref<32x16xf32, #tpu.memory_space<vmem>>) dst(%dma_wait3A_81 : memref<32x16xf32, #tpu.memory_space<hbm>>)
        tpu.yield
      }) : () -> ()
      %scan3A_69 = arith.constant 0 : i32
      scf.yield %scan3A_69 : i32
    }
    %scan3A_47 = arith.constant 20 : i32
    return
  }
}

#map = affine_map<(d0, d1) -> (0, 0)>
#map1 = affine_map<(d0, d1) -> (0)>
#map2 = affine_map<(d0, d1) -> (0, 0, 0)>
module attributes {stable_mosaic.version = 14 : i64} {
  func.func @_edge_body(%arg0: i32, %arg1: i32, %arg2: memref<10240x128xf32, #tpu.memory_space<hbm>>, %arg3: memref<10240x128xf32, #tpu.memory_space<hbm>>, %arg4: memref<10240x128xf32, #tpu.memory_space<hbm>>, %arg5: memref<160000xi32, #tpu.memory_space<hbm>>, %arg6: memref<160000xi32, #tpu.memory_space<hbm>>, %arg7: memref<10240xi32, #tpu.memory_space<hbm>>, %arg8: memref<32x128xf32, #tpu.memory_space<hbm>>, %arg9: memref<32x16xf32, #tpu.memory_space<hbm>>, %arg10: memref<2x10240x128xf32, #tpu.memory_space<hbm>>, %arg11: memref<2x10240x16xf32, #tpu.memory_space<hbm>>, %arg12: memref<10240x128xf32, #tpu.memory_space<vmem_shared>>, %arg13: memref<10240x16xf32, #tpu.memory_space<vmem_shared>>, %arg14: memref<32xi32, #tpu.memory_space<vmem>>, %arg15: memref<32xi32, #tpu.memory_space<vmem>>, %arg16: memref<32xi32, #tpu.memory_space<vmem>>, %arg17: memref<32x128xf32, #tpu.memory_space<vmem>>, %arg18: memref<32x128xf32, #tpu.memory_space<vmem>>, %arg19: memref<32x128xf32, #tpu.memory_space<vmem>>, %arg20: memref<32x16xf32, #tpu.memory_space<vmem>>, %arg21: memref<!tpu.dma_semaphore, #tpu.memory_space<semaphore_mem>>) attributes {dimension_semantics = [#tpu.dimension_semantics<core_parallel>, #tpu.dimension_semantics<subcore_parallel>], iteration_bounds = array<i64: 2, 16>, scalar_prefetch = 0 : i64, scratch_operands = 10 : i64, tpu.core_type = #tpu.core_type<sc_vector_subcore>, window_params = [{transform_indices = #map}, {transform_indices = #map}, {transform_indices = #map}, {transform_indices = #map1}, {transform_indices = #map1}, {transform_indices = #map1}, {transform_indices = #map}, {transform_indices = #map}, {transform_indices = #map2}, {transform_indices = #map2}]} {
    %mul3A = arith.constant 2 : i32
    %mul3A_0 = arith.muli %arg1, %mul3A : i32
    %add3A = arith.addi %mul3A_0, %arg0 : i32
    %mul3A_1 = arith.constant 640 : i32
    %mul3A_2 = arith.muli %arg1, %mul3A_1 : i32
    %iota3A = tpu.iota {dimensions = array<i32: 0>} : vector<16xi32>
    "tpu.region"() ({
      %run_scoped3A = tpu.sem_alloc : memref<!tpu.dma_semaphore, #tpu.memory_space<semaphore_mem>>
      tpu.enqueue_dma source(%arg8 : memref<32x128xf32, #tpu.memory_space<hbm>>) target(%arg17 : memref<32x128xf32, #tpu.memory_space<vmem>>) target_semaphore(%run_scoped3A : memref<!tpu.dma_semaphore, #tpu.memory_space<semaphore_mem>>)
      tpu.wait_dma2 semaphore(%run_scoped3A : memref<!tpu.dma_semaphore, #tpu.memory_space<semaphore_mem>>) src(%arg8 : memref<32x128xf32, #tpu.memory_space<hbm>>) dst(%arg17 : memref<32x128xf32, #tpu.memory_space<vmem>>)
      tpu.yield
    }) : () -> ()
    "tpu.region"() ({
      %run_scoped3A = tpu.sem_alloc : memref<!tpu.dma_semaphore, #tpu.memory_space<semaphore_mem>>
      tpu.enqueue_dma source(%arg9 : memref<32x16xf32, #tpu.memory_space<hbm>>) target(%arg20 : memref<32x16xf32, #tpu.memory_space<vmem>>) target_semaphore(%run_scoped3A : memref<!tpu.dma_semaphore, #tpu.memory_space<semaphore_mem>>)
      tpu.wait_dma2 semaphore(%run_scoped3A : memref<!tpu.dma_semaphore, #tpu.memory_space<semaphore_mem>>) src(%arg9 : memref<32x16xf32, #tpu.memory_space<hbm>>) dst(%arg20 : memref<32x16xf32, #tpu.memory_space<vmem>>)
      tpu.yield
    }) : () -> ()
    %scan3A = arith.constant 0 : i32
    %scan3A_3 = arith.constant 0 : i32
    %scan3A_4 = arith.constant 20 : i32
    %scan3A_5 = arith.addi %scan3A_3, %scan3A_4 : i32
    %scan3A_6 = arith.constant 1 : i32
    %scan3A_7 = scf.for %scan3A_48 = %scan3A_3 to %scan3A_5 step %scan3A_6 iter_args(%scan3A_49 = %scan3A) -> (i32)  : i32 {
      %mul3A_50 = arith.constant 32 : i32
      %mul3A_51 = arith.muli %scan3A_48, %mul3A_50 : i32
      %add3A_52 = arith.addi %mul3A_2, %mul3A_51 : i32
      "tpu.region"() ({
        %run_scoped3A = tpu.sem_alloc : memref<!tpu.dma_semaphore, #tpu.memory_space<semaphore_mem>>
        %dma_start3A = tpu.memref_slice %arg7[%add3A_52] : memref<10240xi32, #tpu.memory_space<hbm>> -> memref<32xi32, #tpu.memory_space<hbm>>
        %dma_start3A_54 = tpu.memref_slice %arg7[%add3A_52] : memref<10240xi32, #tpu.memory_space<hbm>> -> memref<32xi32, #tpu.memory_space<hbm>>
        tpu.enqueue_dma source(%dma_start3A_54 : memref<32xi32, #tpu.memory_space<hbm>>) target(%arg16 : memref<32xi32, #tpu.memory_space<vmem>>) target_semaphore(%run_scoped3A : memref<!tpu.dma_semaphore, #tpu.memory_space<semaphore_mem>>)
        %dma_wait3A = tpu.memref_slice %arg7[%add3A_52] : memref<10240xi32, #tpu.memory_space<hbm>> -> memref<32xi32, #tpu.memory_space<hbm>>
        %dma_wait3A_55 = tpu.memref_slice %arg7[%add3A_52] : memref<10240xi32, #tpu.memory_space<hbm>> -> memref<32xi32, #tpu.memory_space<hbm>>
        tpu.wait_dma2 semaphore(%run_scoped3A : memref<!tpu.dma_semaphore, #tpu.memory_space<semaphore_mem>>) src(%dma_wait3A_55 : memref<32xi32, #tpu.memory_space<hbm>>) dst(%arg16 : memref<32xi32, #tpu.memory_space<vmem>>)
        tpu.yield
      }) : () -> ()
      "tpu.region"() ({
        %run_scoped3A = tpu.sem_alloc : memref<!tpu.dma_semaphore, #tpu.memory_space<semaphore_mem>>
        %dma_start3A = arith.constant 0 : i32
        %dma_start3A_54 = arith.constant 0 : i32
        %dma_start3A_55 = tpu.memref_slice %arg12[%dma_start3A, %dma_start3A_54] : memref<10240x128xf32, #tpu.memory_space<vmem_shared>> -> memref<10240x128xf32, #tpu.memory_space<vmem_shared>>
        tpu.enqueue_indirect_dma source(%arg17 : memref<32x128xf32, #tpu.memory_space<vmem>>) target(%dma_start3A_55 : memref<10240x128xf32, #tpu.memory_space<vmem_shared>>) offsets(%arg16 : memref<32xi32, #tpu.memory_space<vmem>>) semaphore(%run_scoped3A : memref<!tpu.dma_semaphore, #tpu.memory_space<semaphore_mem>>)
        %dma_wait3A = arith.constant 0 : i32
        %dma_wait3A_56 = arith.constant 0 : i32
        %dma_wait3A_57 = tpu.memref_slice %arg12[%dma_wait3A, %dma_wait3A_56] : memref<10240x128xf32, #tpu.memory_space<vmem_shared>> -> memref<10240x128xf32, #tpu.memory_space<vmem_shared>>
        tpu.wait_indirect_dma semaphore(%run_scoped3A : memref<!tpu.dma_semaphore, #tpu.memory_space<semaphore_mem>>) src(%arg17 : memref<32x128xf32, #tpu.memory_space<vmem>>) dst(%dma_wait3A_57 : memref<10240x128xf32, #tpu.memory_space<vmem_shared>>)
        tpu.yield
      }) : () -> ()
      "tpu.region"() ({
        %run_scoped3A = tpu.sem_alloc : memref<!tpu.dma_semaphore, #tpu.memory_space<semaphore_mem>>
        %dma_start3A = arith.constant 0 : i32
        %dma_start3A_54 = arith.constant 0 : i32
        %dma_start3A_55 = tpu.memref_slice %arg13[%dma_start3A, %dma_start3A_54] : memref<10240x16xf32, #tpu.memory_space<vmem_shared>> -> memref<10240x16xf32, #tpu.memory_space<vmem_shared>>
        tpu.enqueue_indirect_dma source(%arg20 : memref<32x16xf32, #tpu.memory_space<vmem>>) target(%dma_start3A_55 : memref<10240x16xf32, #tpu.memory_space<vmem_shared>>) offsets(%arg16 : memref<32xi32, #tpu.memory_space<vmem>>) semaphore(%run_scoped3A : memref<!tpu.dma_semaphore, #tpu.memory_space<semaphore_mem>>)
        %dma_wait3A = arith.constant 0 : i32
        %dma_wait3A_56 = arith.constant 0 : i32
        %dma_wait3A_57 = tpu.memref_slice %arg13[%dma_wait3A, %dma_wait3A_56] : memref<10240x16xf32, #tpu.memory_space<vmem_shared>> -> memref<10240x16xf32, #tpu.memory_space<vmem_shared>>
        tpu.wait_indirect_dma semaphore(%run_scoped3A : memref<!tpu.dma_semaphore, #tpu.memory_space<semaphore_mem>>) src(%arg20 : memref<32x16xf32, #tpu.memory_space<vmem>>) dst(%dma_wait3A_57 : memref<10240x16xf32, #tpu.memory_space<vmem_shared>>)
        tpu.yield
      }) : () -> ()
      %scan3A_53 = arith.constant 0 : i32
      scf.yield %scan3A_53 : i32
    }
    %scan3A_8 = arith.constant 20 : i32
    %barrier3A = arith.constant 0 : index
    tpu.barrier barrier_id(%barrier3A)
    %sub3A = arith.constant 4999 : i32
    %sub3A_9 = arith.subi %sub3A, %add3A : i32
    %jit3A = arith.constant 32 : i32
    %div3A = arith.divsi %sub3A_9, %jit3A : i32
    %sign3A = arith.constant 0 : i32
    %sign3A_10 = arith.cmpi sgt, %sub3A_9, %sign3A : i32
    %sign3A_11 = arith.extui %sign3A_10 : i1 to i32
    %sign3A_12 = arith.constant 0 : i32
    %sign3A_13 = arith.cmpi slt, %sub3A_9, %sign3A_12 : i32
    %sign3A_14 = arith.extui %sign3A_13 : i1 to i32
    %sign3A_15 = arith.subi %sign3A_11, %sign3A_14 : i32
    %sign3A_16 = arith.constant 0 : i32
    %sign3A_17 = arith.cmpi sgt, %jit3A, %sign3A_16 : i32
    %sign3A_18 = arith.extui %sign3A_17 : i1 to i32
    %sign3A_19 = arith.constant 0 : i32
    %sign3A_20 = arith.cmpi slt, %jit3A, %sign3A_19 : i32
    %sign3A_21 = arith.extui %sign3A_20 : i1 to i32
    %sign3A_22 = arith.subi %sign3A_18, %sign3A_21 : i32
    %ne3A = arith.cmpi ne, %sign3A_15, %sign3A_22 : i32
    %rem3A = arith.remsi %sub3A_9, %jit3A : i32
    %ne3A_23 = arith.constant 0 : i32
    %ne3A_24 = arith.cmpi ne, %rem3A, %ne3A_23 : i32
    %and3A = arith.andi %ne3A, %ne3A_24 : i1
    %sub3A_25 = arith.constant 1 : i32
    %sub3A_26 = arith.subi %div3A, %sub3A_25 : i32
    %select_n3A = arith.select %and3A, %sub3A_26, %div3A : i32
    %add3A_27 = arith.constant 1 : i32
    %add3A_28 = arith.addi %select_n3A, %add3A_27 : i32
    %while3A = arith.constant 0 : i32
    %while3A_29 = arith.constant 0 : i32
    %while3A_30 = arith.subi %add3A_28, %while3A : i32
    %while3A_31 = arith.addi %while3A, %while3A_30 : i32
    %while3A_32 = arith.constant 1 : i32
    %while3A_33 = arith.divsi %while3A_30, %while3A_32 : i32
    %while3A_34 = arith.muli %while3A_33, %while3A_32 : i32
    %while3A_35 = arith.addi %while3A, %while3A_34 : i32
    %while3A_36 = arith.constant 1 : i32
    %while3A_37 = scf.for %while3A_48 = %while3A to %while3A_35 step %while3A_36 iter_args(%while3A_49 = %while3A_29) -> (i32)  : i32 {
      %mul3A_50 = arith.constant 32 : i32
      %mul3A_51 = arith.muli %while3A_48, %mul3A_50 : i32
      %add3A_52 = arith.addi %add3A, %mul3A_51 : i32
      %mul3A_53 = arith.constant 32 : i32
      %mul3A_54 = arith.muli %add3A_52, %mul3A_53 : i32
      "tpu.region"() ({
        %run_scoped3A = tpu.sem_alloc : memref<!tpu.dma_semaphore, #tpu.memory_space<semaphore_mem>>
        %dma_start3A_80 = tpu.memref_slice %arg5[%mul3A_54] : memref<160000xi32, #tpu.memory_space<hbm>> -> memref<32xi32, #tpu.memory_space<hbm>>
        %dma_start3A_81 = tpu.memref_slice %arg5[%mul3A_54] : memref<160000xi32, #tpu.memory_space<hbm>> -> memref<32xi32, #tpu.memory_space<hbm>>
        tpu.enqueue_dma source(%dma_start3A_81 : memref<32xi32, #tpu.memory_space<hbm>>) target(%arg14 : memref<32xi32, #tpu.memory_space<vmem>>) target_semaphore(%run_scoped3A : memref<!tpu.dma_semaphore, #tpu.memory_space<semaphore_mem>>)
        %dma_wait3A_82 = tpu.memref_slice %arg5[%mul3A_54] : memref<160000xi32, #tpu.memory_space<hbm>> -> memref<32xi32, #tpu.memory_space<hbm>>
        %dma_wait3A_83 = tpu.memref_slice %arg5[%mul3A_54] : memref<160000xi32, #tpu.memory_space<hbm>> -> memref<32xi32, #tpu.memory_space<hbm>>
        tpu.wait_dma2 semaphore(%run_scoped3A : memref<!tpu.dma_semaphore, #tpu.memory_space<semaphore_mem>>) src(%dma_wait3A_83 : memref<32xi32, #tpu.memory_space<hbm>>) dst(%arg14 : memref<32xi32, #tpu.memory_space<vmem>>)
        tpu.yield
      }) : () -> ()
      "tpu.region"() ({
        %run_scoped3A = tpu.sem_alloc : memref<!tpu.dma_semaphore, #tpu.memory_space<semaphore_mem>>
        %dma_start3A_80 = tpu.memref_slice %arg6[%mul3A_54] : memref<160000xi32, #tpu.memory_space<hbm>> -> memref<32xi32, #tpu.memory_space<hbm>>
        %dma_start3A_81 = tpu.memref_slice %arg6[%mul3A_54] : memref<160000xi32, #tpu.memory_space<hbm>> -> memref<32xi32, #tpu.memory_space<hbm>>
        tpu.enqueue_dma source(%dma_start3A_81 : memref<32xi32, #tpu.memory_space<hbm>>) target(%arg15 : memref<32xi32, #tpu.memory_space<vmem>>) target_semaphore(%run_scoped3A : memref<!tpu.dma_semaphore, #tpu.memory_space<semaphore_mem>>)
        %dma_wait3A_82 = tpu.memref_slice %arg6[%mul3A_54] : memref<160000xi32, #tpu.memory_space<hbm>> -> memref<32xi32, #tpu.memory_space<hbm>>
        %dma_wait3A_83 = tpu.memref_slice %arg6[%mul3A_54] : memref<160000xi32, #tpu.memory_space<hbm>> -> memref<32xi32, #tpu.memory_space<hbm>>
        tpu.wait_dma2 semaphore(%run_scoped3A : memref<!tpu.dma_semaphore, #tpu.memory_space<semaphore_mem>>) src(%dma_wait3A_83 : memref<32xi32, #tpu.memory_space<hbm>>) dst(%arg15 : memref<32xi32, #tpu.memory_space<vmem>>)
        tpu.yield
      }) : () -> ()
      %dma_start3A = arith.constant 0 : i32
      %dma_start3A_55 = arith.constant 0 : i32
      %dma_start3A_56 = tpu.memref_slice %arg2[%dma_start3A, %dma_start3A_55] : memref<10240x128xf32, #tpu.memory_space<hbm>> -> memref<10240x128xf32, #tpu.memory_space<hbm>>
      tpu.enqueue_indirect_dma source(%dma_start3A_56 : memref<10240x128xf32, #tpu.memory_space<hbm>>) target(%arg17 : memref<32x128xf32, #tpu.memory_space<vmem>>) offsets(%arg15 : memref<32xi32, #tpu.memory_space<vmem>>) semaphore(%arg21 : memref<!tpu.dma_semaphore, #tpu.memory_space<semaphore_mem>>)
      %dma_start3A_57 = arith.constant 0 : i32
      %dma_start3A_58 = arith.constant 0 : i32
      %dma_start3A_59 = tpu.memref_slice %arg3[%dma_start3A_57, %dma_start3A_58] : memref<10240x128xf32, #tpu.memory_space<hbm>> -> memref<10240x128xf32, #tpu.memory_space<hbm>>
      tpu.enqueue_indirect_dma source(%dma_start3A_59 : memref<10240x128xf32, #tpu.memory_space<hbm>>) target(%arg18 : memref<32x128xf32, #tpu.memory_space<vmem>>) offsets(%arg14 : memref<32xi32, #tpu.memory_space<vmem>>) semaphore(%arg21 : memref<!tpu.dma_semaphore, #tpu.memory_space<semaphore_mem>>)
      %dma_start3A_60 = arith.constant 0 : i32
      %dma_start3A_61 = arith.constant 0 : i32
      %dma_start3A_62 = tpu.memref_slice %arg4[%dma_start3A_60, %dma_start3A_61] : memref<10240x128xf32, #tpu.memory_space<hbm>> -> memref<10240x128xf32, #tpu.memory_space<hbm>>
      tpu.enqueue_indirect_dma source(%dma_start3A_62 : memref<10240x128xf32, #tpu.memory_space<hbm>>) target(%arg19 : memref<32x128xf32, #tpu.memory_space<vmem>>) offsets(%arg14 : memref<32xi32, #tpu.memory_space<vmem>>) semaphore(%arg21 : memref<!tpu.dma_semaphore, #tpu.memory_space<semaphore_mem>>)
      %dma_wait3A = arith.constant 0 : i32
      %dma_wait3A_63 = arith.constant 0 : i32
      %dma_wait3A_64 = tpu.memref_slice %arg2[%dma_wait3A, %dma_wait3A_63] : memref<10240x128xf32, #tpu.memory_space<hbm>> -> memref<10240x128xf32, #tpu.memory_space<hbm>>
      tpu.wait_indirect_dma semaphore(%arg21 : memref<!tpu.dma_semaphore, #tpu.memory_space<semaphore_mem>>) src(%dma_wait3A_64 : memref<10240x128xf32, #tpu.memory_space<hbm>>) dst(%arg17 : memref<32x128xf32, #tpu.memory_space<vmem>>)
      %dma_wait3A_65 = arith.constant 0 : i32
      %dma_wait3A_66 = arith.constant 0 : i32
      %dma_wait3A_67 = tpu.memref_slice %arg3[%dma_wait3A_65, %dma_wait3A_66] : memref<10240x128xf32, #tpu.memory_space<hbm>> -> memref<10240x128xf32, #tpu.memory_space<hbm>>
      tpu.wait_indirect_dma semaphore(%arg21 : memref<!tpu.dma_semaphore, #tpu.memory_space<semaphore_mem>>) src(%dma_wait3A_67 : memref<10240x128xf32, #tpu.memory_space<hbm>>) dst(%arg18 : memref<32x128xf32, #tpu.memory_space<vmem>>)
      %dma_wait3A_68 = arith.constant 0 : i32
      %dma_wait3A_69 = arith.constant 0 : i32
      %dma_wait3A_70 = tpu.memref_slice %arg4[%dma_wait3A_68, %dma_wait3A_69] : memref<10240x128xf32, #tpu.memory_space<hbm>> -> memref<10240x128xf32, #tpu.memory_space<hbm>>
      tpu.wait_indirect_dma semaphore(%arg21 : memref<!tpu.dma_semaphore, #tpu.memory_space<semaphore_mem>>) src(%dma_wait3A_70 : memref<10240x128xf32, #tpu.memory_space<hbm>>) dst(%arg19 : memref<32x128xf32, #tpu.memory_space<vmem>>)
      %iota3A_71 = tpu.iota {dimensions = array<i32: 0>} : vector<16xi32>
      %scan3A_72 = arith.constant 0 : i32
      %scan3A_73 = arith.constant 0 : i32
      %scan3A_74 = arith.constant 32 : i32
      %scan3A_75 = arith.addi %scan3A_73, %scan3A_74 : i32
      %scan3A_76 = arith.constant 1 : i32
      %scan3A_77 = scf.for %scan3A_80 = %scan3A_73 to %scan3A_75 step %scan3A_76 iter_args(%scan3A_81 = %scan3A_72) -> (i32)  : i32 {
        %broadcast_in_dim3A = arith.constant 0.000000e+00 : f32
        %broadcast_in_dim3A_82 = vector.broadcast %broadcast_in_dim3A : f32 to vector<16xf32>
        %get3A = arith.index_cast %scan3A_80 : i32 to index
        %get3A_83 = arith.constant 0 : index
        %get3A_84 = tpu.vector_load %arg17[%get3A, %get3A_83] {strides = array<i32>} : memref<32x128xf32, #tpu.memory_space<vmem>>, vector<16xf32>,
        %get3A_85 = arith.index_cast %scan3A_80 : i32 to index
        %get3A_86 = arith.constant 0 : index
        %get3A_87 = tpu.vector_load %arg18[%get3A_85, %get3A_86] {strides = array<i32>} : memref<32x128xf32, #tpu.memory_space<vmem>>, vector<16xf32>,
        %mul3A_88 = arith.mulf %get3A_84, %get3A_87 : vector<16xf32>
        %get3A_89 = arith.index_cast %scan3A_80 : i32 to index
        %get3A_90 = arith.constant 16 : index
        %get3A_91 = tpu.vector_load %arg17[%get3A_89, %get3A_90] {strides = array<i32>} : memref<32x128xf32, #tpu.memory_space<vmem>>, vector<16xf32>,
        %get3A_92 = arith.index_cast %scan3A_80 : i32 to index
        %get3A_93 = arith.constant 16 : index
        %get3A_94 = tpu.vector_load %arg18[%get3A_92, %get3A_93] {strides = array<i32>} : memref<32x128xf32, #tpu.memory_space<vmem>>, vector<16xf32>,
        %mul3A_95 = arith.mulf %get3A_91, %get3A_94 : vector<16xf32>
        %add3A_96 = arith.addf %mul3A_88, %mul3A_95 : vector<16xf32>
        %reduce_sum3A = arith.constant true
        %reduce_sum3A_97 = vector.broadcast %reduce_sum3A : i1 to vector<16xi1>
        %reduce_sum3A_98 = tpu.scan <sum>, %add3A_96 masked %reduce_sum3A_97 : vector<16xf32>, vector<16xi1> -> vector<16xf32>
        %reduce_sum3A_99 = vector.extract %reduce_sum3A_98[15] : f32 from vector<16xf32>
        %broadcast_in_dim3A_100 = vector.broadcast %reduce_sum3A_99 : f32 to vector<16xf32>
        %exp3A = math.exp %broadcast_in_dim3A_100 : vector<16xf32>
        %get3A_101 = arith.index_cast %scan3A_80 : i32 to index
        %get3A_102 = arith.constant 0 : index
        %get3A_103 = tpu.vector_load %arg19[%get3A_101, %get3A_102] {strides = array<i32>} : memref<32x128xf32, #tpu.memory_space<vmem>>, vector<16xf32>,
        %mul3A_104 = arith.mulf %get3A_103, %exp3A : vector<16xf32>
        %swap3A = arith.index_cast %scan3A_80 : i32 to index
        %swap3A_105 = arith.constant 0 : index
        %swap3A_106 = tpu.vector_load %arg17[%swap3A, %swap3A_105] {strides = array<i32>} : memref<32x128xf32, #tpu.memory_space<vmem>>, vector<16xf32>,
        tpu.vector_store %arg17[%swap3A, %swap3A_105], %mul3A_104 {strides = array<i32>} : memref<32x128xf32, #tpu.memory_space<vmem>>, vector<16xf32>,
        %get3A_107 = arith.index_cast %scan3A_80 : i32 to index
        %get3A_108 = arith.constant 16 : index
        %get3A_109 = tpu.vector_load %arg19[%get3A_107, %get3A_108] {strides = array<i32>} : memref<32x128xf32, #tpu.memory_space<vmem>>, vector<16xf32>,
        %mul3A_110 = arith.mulf %get3A_109, %exp3A : vector<16xf32>
        %swap3A_111 = arith.index_cast %scan3A_80 : i32 to index
        %swap3A_112 = arith.constant 16 : index
        %swap3A_113 = tpu.vector_load %arg17[%swap3A_111, %swap3A_112] {strides = array<i32>} : memref<32x128xf32, #tpu.memory_space<vmem>>, vector<16xf32>,
        tpu.vector_store %arg17[%swap3A_111, %swap3A_112], %mul3A_110 {strides = array<i32>} : memref<32x128xf32, #tpu.memory_space<vmem>>, vector<16xf32>,
        %eq3A = arith.constant 0 : i32
        %eq3A_114 = vector.broadcast %eq3A : i32 to vector<16xi32>
        %eq3A_115 = arith.cmpi eq, %iota3A_71, %eq3A_114 : vector<16xi32>
        %jit3A_116 = arith.constant 0.000000e+00 : f32
        %broadcast_in_dim3A_117 = vector.broadcast %jit3A_116 : f32 to vector<16xf32>
        %select_n3A_118 = arith.select %eq3A_115, %exp3A, %broadcast_in_dim3A_117 : vector<16xi1>, vector<16xf32>
        %add3A_119 = arith.addf %broadcast_in_dim3A_82, %select_n3A_118 : vector<16xf32>
        %get3A_120 = arith.index_cast %scan3A_80 : i32 to index
        %get3A_121 = arith.constant 32 : index
        %get3A_122 = tpu.vector_load %arg17[%get3A_120, %get3A_121] {strides = array<i32>} : memref<32x128xf32, #tpu.memory_space<vmem>>, vector<16xf32>,
        %get3A_123 = arith.index_cast %scan3A_80 : i32 to index
        %get3A_124 = arith.constant 32 : index
        %get3A_125 = tpu.vector_load %arg18[%get3A_123, %get3A_124] {strides = array<i32>} : memref<32x128xf32, #tpu.memory_space<vmem>>, vector<16xf32>,
        %mul3A_126 = arith.mulf %get3A_122, %get3A_125 : vector<16xf32>
        %get3A_127 = arith.index_cast %scan3A_80 : i32 to index
        %get3A_128 = arith.constant 48 : index
        %get3A_129 = tpu.vector_load %arg17[%get3A_127, %get3A_128] {strides = array<i32>} : memref<32x128xf32, #tpu.memory_space<vmem>>, vector<16xf32>,
        %get3A_130 = arith.index_cast %scan3A_80 : i32 to index
        %get3A_131 = arith.constant 48 : index
        %get3A_132 = tpu.vector_load %arg18[%get3A_130, %get3A_131] {strides = array<i32>} : memref<32x128xf32, #tpu.memory_space<vmem>>, vector<16xf32>,
        %mul3A_133 = arith.mulf %get3A_129, %get3A_132 : vector<16xf32>
        %add3A_134 = arith.addf %mul3A_126, %mul3A_133 : vector<16xf32>
        %reduce_sum3A_135 = arith.constant true
        %reduce_sum3A_136 = vector.broadcast %reduce_sum3A_135 : i1 to vector<16xi1>
        %reduce_sum3A_137 = tpu.scan <sum>, %add3A_134 masked %reduce_sum3A_136 : vector<16xf32>, vector<16xi1> -> vector<16xf32>
        %reduce_sum3A_138 = vector.extract %reduce_sum3A_137[15] : f32 from vector<16xf32>
        %broadcast_in_dim3A_139 = vector.broadcast %reduce_sum3A_138 : f32 to vector<16xf32>
        %exp3A_140 = math.exp %broadcast_in_dim3A_139 : vector<16xf32>
        %get3A_141 = arith.index_cast %scan3A_80 : i32 to index
        %get3A_142 = arith.constant 32 : index
        %get3A_143 = tpu.vector_load %arg19[%get3A_141, %get3A_142] {strides = array<i32>} : memref<32x128xf32, #tpu.memory_space<vmem>>, vector<16xf32>,
        %mul3A_144 = arith.mulf %get3A_143, %exp3A_140 : vector<16xf32>
        %swap3A_145 = arith.index_cast %scan3A_80 : i32 to index
        %swap3A_146 = arith.constant 32 : index
        %swap3A_147 = tpu.vector_load %arg17[%swap3A_145, %swap3A_146] {strides = array<i32>} : memref<32x128xf32, #tpu.memory_space<vmem>>, vector<16xf32>,
        tpu.vector_store %arg17[%swap3A_145, %swap3A_146], %mul3A_144 {strides = array<i32>} : memref<32x128xf32, #tpu.memory_space<vmem>>, vector<16xf32>,
        %get3A_148 = arith.index_cast %scan3A_80 : i32 to index
        %get3A_149 = arith.constant 48 : index
        %get3A_150 = tpu.vector_load %arg19[%get3A_148, %get3A_149] {strides = array<i32>} : memref<32x128xf32, #tpu.memory_space<vmem>>, vector<16xf32>,
        %mul3A_151 = arith.mulf %get3A_150, %exp3A_140 : vector<16xf32>
        %swap3A_152 = arith.index_cast %scan3A_80 : i32 to index
        %swap3A_153 = arith.constant 48 : index
        %swap3A_154 = tpu.vector_load %arg17[%swap3A_152, %swap3A_153] {strides = array<i32>} : memref<32x128xf32, #tpu.memory_space<vmem>>, vector<16xf32>,
        tpu.vector_store %arg17[%swap3A_152, %swap3A_153], %mul3A_151 {strides = array<i32>} : memref<32x128xf32, #tpu.memory_space<vmem>>, vector<16xf32>,
        %eq3A_155 = arith.constant 1 : i32
        %eq3A_156 = vector.broadcast %eq3A_155 : i32 to vector<16xi32>
        %eq3A_157 = arith.cmpi eq, %iota3A_71, %eq3A_156 : vector<16xi32>
        %jit3A_158 = arith.constant 0.000000e+00 : f32
        %broadcast_in_dim3A_159 = vector.broadcast %jit3A_158 : f32 to vector<16xf32>
        %select_n3A_160 = arith.select %eq3A_157, %exp3A_140, %broadcast_in_dim3A_159 : vector<16xi1>, vector<16xf32>
        %add3A_161 = arith.addf %add3A_119, %select_n3A_160 : vector<16xf32>
        %get3A_162 = arith.index_cast %scan3A_80 : i32 to index
        %get3A_163 = arith.constant 64 : index
        %get3A_164 = tpu.vector_load %arg17[%get3A_162, %get3A_163] {strides = array<i32>} : memref<32x128xf32, #tpu.memory_space<vmem>>, vector<16xf32>,
        %get3A_165 = arith.index_cast %scan3A_80 : i32 to index
        %get3A_166 = arith.constant 64 : index
        %get3A_167 = tpu.vector_load %arg18[%get3A_165, %get3A_166] {strides = array<i32>} : memref<32x128xf32, #tpu.memory_space<vmem>>, vector<16xf32>,
        %mul3A_168 = arith.mulf %get3A_164, %get3A_167 : vector<16xf32>
        %get3A_169 = arith.index_cast %scan3A_80 : i32 to index
        %get3A_170 = arith.constant 80 : index
        %get3A_171 = tpu.vector_load %arg17[%get3A_169, %get3A_170] {strides = array<i32>} : memref<32x128xf32, #tpu.memory_space<vmem>>, vector<16xf32>,
        %get3A_172 = arith.index_cast %scan3A_80 : i32 to index
        %get3A_173 = arith.constant 80 : index
        %get3A_174 = tpu.vector_load %arg18[%get3A_172, %get3A_173] {strides = array<i32>} : memref<32x128xf32, #tpu.memory_space<vmem>>, vector<16xf32>,
        %mul3A_175 = arith.mulf %get3A_171, %get3A_174 : vector<16xf32>
        %add3A_176 = arith.addf %mul3A_168, %mul3A_175 : vector<16xf32>
        %reduce_sum3A_177 = arith.constant true
        %reduce_sum3A_178 = vector.broadcast %reduce_sum3A_177 : i1 to vector<16xi1>
        %reduce_sum3A_179 = tpu.scan <sum>, %add3A_176 masked %reduce_sum3A_178 : vector<16xf32>, vector<16xi1> -> vector<16xf32>
        %reduce_sum3A_180 = vector.extract %reduce_sum3A_179[15] : f32 from vector<16xf32>
        %broadcast_in_dim3A_181 = vector.broadcast %reduce_sum3A_180 : f32 to vector<16xf32>
        %exp3A_182 = math.exp %broadcast_in_dim3A_181 : vector<16xf32>
        %get3A_183 = arith.index_cast %scan3A_80 : i32 to index
        %get3A_184 = arith.constant 64 : index
        %get3A_185 = tpu.vector_load %arg19[%get3A_183, %get3A_184] {strides = array<i32>} : memref<32x128xf32, #tpu.memory_space<vmem>>, vector<16xf32>,
        %mul3A_186 = arith.mulf %get3A_185, %exp3A_182 : vector<16xf32>
        %swap3A_187 = arith.index_cast %scan3A_80 : i32 to index
        %swap3A_188 = arith.constant 64 : index
        %swap3A_189 = tpu.vector_load %arg17[%swap3A_187, %swap3A_188] {strides = array<i32>} : memref<32x128xf32, #tpu.memory_space<vmem>>, vector<16xf32>,
        tpu.vector_store %arg17[%swap3A_187, %swap3A_188], %mul3A_186 {strides = array<i32>} : memref<32x128xf32, #tpu.memory_space<vmem>>, vector<16xf32>,
        %get3A_190 = arith.index_cast %scan3A_80 : i32 to index
        %get3A_191 = arith.constant 80 : index
        %get3A_192 = tpu.vector_load %arg19[%get3A_190, %get3A_191] {strides = array<i32>} : memref<32x128xf32, #tpu.memory_space<vmem>>, vector<16xf32>,
        %mul3A_193 = arith.mulf %get3A_192, %exp3A_182 : vector<16xf32>
        %swap3A_194 = arith.index_cast %scan3A_80 : i32 to index
        %swap3A_195 = arith.constant 80 : index
        %swap3A_196 = tpu.vector_load %arg17[%swap3A_194, %swap3A_195] {strides = array<i32>} : memref<32x128xf32, #tpu.memory_space<vmem>>, vector<16xf32>,
        tpu.vector_store %arg17[%swap3A_194, %swap3A_195], %mul3A_193 {strides = array<i32>} : memref<32x128xf32, #tpu.memory_space<vmem>>, vector<16xf32>,
        %eq3A_197 = arith.constant 2 : i32
        %eq3A_198 = vector.broadcast %eq3A_197 : i32 to vector<16xi32>
        %eq3A_199 = arith.cmpi eq, %iota3A_71, %eq3A_198 : vector<16xi32>
        %jit3A_200 = arith.constant 0.000000e+00 : f32
        %broadcast_in_dim3A_201 = vector.broadcast %jit3A_200 : f32 to vector<16xf32>
        %select_n3A_202 = arith.select %eq3A_199, %exp3A_182, %broadcast_in_dim3A_201 : vector<16xi1>, vector<16xf32>
        %add3A_203 = arith.addf %add3A_161, %select_n3A_202 : vector<16xf32>
        %get3A_204 = arith.index_cast %scan3A_80 : i32 to index
        %get3A_205 = arith.constant 96 : index
        %get3A_206 = tpu.vector_load %arg17[%get3A_204, %get3A_205] {strides = array<i32>} : memref<32x128xf32, #tpu.memory_space<vmem>>, vector<16xf32>,
        %get3A_207 = arith.index_cast %scan3A_80 : i32 to index
        %get3A_208 = arith.constant 96 : index
        %get3A_209 = tpu.vector_load %arg18[%get3A_207, %get3A_208] {strides = array<i32>} : memref<32x128xf32, #tpu.memory_space<vmem>>, vector<16xf32>,
        %mul3A_210 = arith.mulf %get3A_206, %get3A_209 : vector<16xf32>
        %get3A_211 = arith.index_cast %scan3A_80 : i32 to index
        %get3A_212 = arith.constant 112 : index
        %get3A_213 = tpu.vector_load %arg17[%get3A_211, %get3A_212] {strides = array<i32>} : memref<32x128xf32, #tpu.memory_space<vmem>>, vector<16xf32>,
        %get3A_214 = arith.index_cast %scan3A_80 : i32 to index
        %get3A_215 = arith.constant 112 : index
        %get3A_216 = tpu.vector_load %arg18[%get3A_214, %get3A_215] {strides = array<i32>} : memref<32x128xf32, #tpu.memory_space<vmem>>, vector<16xf32>,
        %mul3A_217 = arith.mulf %get3A_213, %get3A_216 : vector<16xf32>
        %add3A_218 = arith.addf %mul3A_210, %mul3A_217 : vector<16xf32>
        %reduce_sum3A_219 = arith.constant true
        %reduce_sum3A_220 = vector.broadcast %reduce_sum3A_219 : i1 to vector<16xi1>
        %reduce_sum3A_221 = tpu.scan <sum>, %add3A_218 masked %reduce_sum3A_220 : vector<16xf32>, vector<16xi1> -> vector<16xf32>
        %reduce_sum3A_222 = vector.extract %reduce_sum3A_221[15] : f32 from vector<16xf32>
        %broadcast_in_dim3A_223 = vector.broadcast %reduce_sum3A_222 : f32 to vector<16xf32>
        %exp3A_224 = math.exp %broadcast_in_dim3A_223 : vector<16xf32>
        %get3A_225 = arith.index_cast %scan3A_80 : i32 to index
        %get3A_226 = arith.constant 96 : index
        %get3A_227 = tpu.vector_load %arg19[%get3A_225, %get3A_226] {strides = array<i32>} : memref<32x128xf32, #tpu.memory_space<vmem>>, vector<16xf32>,
        %mul3A_228 = arith.mulf %get3A_227, %exp3A_224 : vector<16xf32>
        %swap3A_229 = arith.index_cast %scan3A_80 : i32 to index
        %swap3A_230 = arith.constant 96 : index
        %swap3A_231 = tpu.vector_load %arg17[%swap3A_229, %swap3A_230] {strides = array<i32>} : memref<32x128xf32, #tpu.memory_space<vmem>>, vector<16xf32>,
        tpu.vector_store %arg17[%swap3A_229, %swap3A_230], %mul3A_228 {strides = array<i32>} : memref<32x128xf32, #tpu.memory_space<vmem>>, vector<16xf32>,
        %get3A_232 = arith.index_cast %scan3A_80 : i32 to index
        %get3A_233 = arith.constant 112 : index
        %get3A_234 = tpu.vector_load %arg19[%get3A_232, %get3A_233] {strides = array<i32>} : memref<32x128xf32, #tpu.memory_space<vmem>>, vector<16xf32>,
        %mul3A_235 = arith.mulf %get3A_234, %exp3A_224 : vector<16xf32>
        %swap3A_236 = arith.index_cast %scan3A_80 : i32 to index
        %swap3A_237 = arith.constant 112 : index
        %swap3A_238 = tpu.vector_load %arg17[%swap3A_236, %swap3A_237] {strides = array<i32>} : memref<32x128xf32, #tpu.memory_space<vmem>>, vector<16xf32>,
        tpu.vector_store %arg17[%swap3A_236, %swap3A_237], %mul3A_235 {strides = array<i32>} : memref<32x128xf32, #tpu.memory_space<vmem>>, vector<16xf32>,
        %eq3A_239 = arith.constant 3 : i32
        %eq3A_240 = vector.broadcast %eq3A_239 : i32 to vector<16xi32>
        %eq3A_241 = arith.cmpi eq, %iota3A_71, %eq3A_240 : vector<16xi32>
        %jit3A_242 = arith.constant 0.000000e+00 : f32
        %broadcast_in_dim3A_243 = vector.broadcast %jit3A_242 : f32 to vector<16xf32>
        %select_n3A_244 = arith.select %eq3A_241, %exp3A_224, %broadcast_in_dim3A_243 : vector<16xi1>, vector<16xf32>
        %add3A_245 = arith.addf %add3A_203, %select_n3A_244 : vector<16xf32>
        %swap3A_246 = arith.index_cast %scan3A_80 : i32 to index
        %swap3A_247 = arith.constant 0 : index
        %swap3A_248 = tpu.vector_load %arg20[%swap3A_246, %swap3A_247] {strides = array<i32>} : memref<32x16xf32, #tpu.memory_space<vmem>>, vector<16xf32>,
        tpu.vector_store %arg20[%swap3A_246, %swap3A_247], %add3A_245 {strides = array<i32>} : memref<32x16xf32, #tpu.memory_space<vmem>>, vector<16xf32>,
        %scan3A_249 = arith.constant 0 : i32
        scf.yield %scan3A_249 : i32
      }
      %scan3A_78 = arith.constant 32 : i32
      "tpu.region"() ({
        %run_scoped3A = tpu.sem_alloc : memref<!tpu.dma_semaphore, #tpu.memory_space<semaphore_mem>>
        %dma_start3A_80 = arith.constant 0 : i32
        %dma_start3A_81 = arith.constant 0 : i32
        %dma_start3A_82 = tpu.memref_slice %arg12[%dma_start3A_80, %dma_start3A_81] : memref<10240x128xf32, #tpu.memory_space<vmem_shared>> -> memref<10240x128xf32, #tpu.memory_space<vmem_shared>>
        tpu.enqueue_indirect_dma source(%arg17 : memref<32x128xf32, #tpu.memory_space<vmem>>) target(%dma_start3A_82 : memref<10240x128xf32, #tpu.memory_space<vmem_shared>>) offsets(%arg15 : memref<32xi32, #tpu.memory_space<vmem>>) semaphore(%run_scoped3A : memref<!tpu.dma_semaphore, #tpu.memory_space<semaphore_mem>>) {add = true}
        %dma_wait3A_83 = arith.constant 0 : i32
        %dma_wait3A_84 = arith.constant 0 : i32
        %dma_wait3A_85 = tpu.memref_slice %arg12[%dma_wait3A_83, %dma_wait3A_84] : memref<10240x128xf32, #tpu.memory_space<vmem_shared>> -> memref<10240x128xf32, #tpu.memory_space<vmem_shared>>
        tpu.wait_indirect_dma semaphore(%run_scoped3A : memref<!tpu.dma_semaphore, #tpu.memory_space<semaphore_mem>>) src(%arg17 : memref<32x128xf32, #tpu.memory_space<vmem>>) dst(%dma_wait3A_85 : memref<10240x128xf32, #tpu.memory_space<vmem_shared>>)
        tpu.yield
      }) : () -> ()
      "tpu.region"() ({
        %run_scoped3A = tpu.sem_alloc : memref<!tpu.dma_semaphore, #tpu.memory_space<semaphore_mem>>
        %dma_start3A_80 = arith.constant 0 : i32
        %dma_start3A_81 = arith.constant 0 : i32
        %dma_start3A_82 = tpu.memref_slice %arg13[%dma_start3A_80, %dma_start3A_81] : memref<10240x16xf32, #tpu.memory_space<vmem_shared>> -> memref<10240x16xf32, #tpu.memory_space<vmem_shared>>
        tpu.enqueue_indirect_dma source(%arg20 : memref<32x16xf32, #tpu.memory_space<vmem>>) target(%dma_start3A_82 : memref<10240x16xf32, #tpu.memory_space<vmem_shared>>) offsets(%arg15 : memref<32xi32, #tpu.memory_space<vmem>>) semaphore(%run_scoped3A : memref<!tpu.dma_semaphore, #tpu.memory_space<semaphore_mem>>) {add = true}
        %dma_wait3A_83 = arith.constant 0 : i32
        %dma_wait3A_84 = arith.constant 0 : i32
        %dma_wait3A_85 = tpu.memref_slice %arg13[%dma_wait3A_83, %dma_wait3A_84] : memref<10240x16xf32, #tpu.memory_space<vmem_shared>> -> memref<10240x16xf32, #tpu.memory_space<vmem_shared>>
        tpu.wait_indirect_dma semaphore(%run_scoped3A : memref<!tpu.dma_semaphore, #tpu.memory_space<semaphore_mem>>) src(%arg20 : memref<32x16xf32, #tpu.memory_space<vmem>>) dst(%dma_wait3A_85 : memref<10240x16xf32, #tpu.memory_space<vmem_shared>>)
        tpu.yield
      }) : () -> ()
      %while3A_79 = arith.constant 0 : i32
      scf.yield %while3A_79 : i32
    }
    %while3A_38 = arith.constant 1 : i32
    %while3A_39 = scf.for %while3A_48 = %while3A_35 to %while3A_31 step %while3A_38 iter_args(%while3A_49 = %while3A_37) -> (i32)  : i32 {
      %mul3A_50 = arith.constant 32 : i32
      %mul3A_51 = arith.muli %while3A_48, %mul3A_50 : i32
      %add3A_52 = arith.addi %add3A, %mul3A_51 : i32
      %mul3A_53 = arith.constant 32 : i32
      %mul3A_54 = arith.muli %add3A_52, %mul3A_53 : i32
      "tpu.region"() ({
        %run_scoped3A = tpu.sem_alloc : memref<!tpu.dma_semaphore, #tpu.memory_space<semaphore_mem>>
        %dma_start3A_80 = tpu.memref_slice %arg5[%mul3A_54] : memref<160000xi32, #tpu.memory_space<hbm>> -> memref<32xi32, #tpu.memory_space<hbm>>
        %dma_start3A_81 = tpu.memref_slice %arg5[%mul3A_54] : memref<160000xi32, #tpu.memory_space<hbm>> -> memref<32xi32, #tpu.memory_space<hbm>>
        tpu.enqueue_dma source(%dma_start3A_81 : memref<32xi32, #tpu.memory_space<hbm>>) target(%arg14 : memref<32xi32, #tpu.memory_space<vmem>>) target_semaphore(%run_scoped3A : memref<!tpu.dma_semaphore, #tpu.memory_space<semaphore_mem>>)
        %dma_wait3A_82 = tpu.memref_slice %arg5[%mul3A_54] : memref<160000xi32, #tpu.memory_space<hbm>> -> memref<32xi32, #tpu.memory_space<hbm>>
        %dma_wait3A_83 = tpu.memref_slice %arg5[%mul3A_54] : memref<160000xi32, #tpu.memory_space<hbm>> -> memref<32xi32, #tpu.memory_space<hbm>>
        tpu.wait_dma2 semaphore(%run_scoped3A : memref<!tpu.dma_semaphore, #tpu.memory_space<semaphore_mem>>) src(%dma_wait3A_83 : memref<32xi32, #tpu.memory_space<hbm>>) dst(%arg14 : memref<32xi32, #tpu.memory_space<vmem>>)
        tpu.yield
      }) : () -> ()
      "tpu.region"() ({
        %run_scoped3A = tpu.sem_alloc : memref<!tpu.dma_semaphore, #tpu.memory_space<semaphore_mem>>
        %dma_start3A_80 = tpu.memref_slice %arg6[%mul3A_54] : memref<160000xi32, #tpu.memory_space<hbm>> -> memref<32xi32, #tpu.memory_space<hbm>>
        %dma_start3A_81 = tpu.memref_slice %arg6[%mul3A_54] : memref<160000xi32, #tpu.memory_space<hbm>> -> memref<32xi32, #tpu.memory_space<hbm>>
        tpu.enqueue_dma source(%dma_start3A_81 : memref<32xi32, #tpu.memory_space<hbm>>) target(%arg15 : memref<32xi32, #tpu.memory_space<vmem>>) target_semaphore(%run_scoped3A : memref<!tpu.dma_semaphore, #tpu.memory_space<semaphore_mem>>)
        %dma_wait3A_82 = tpu.memref_slice %arg6[%mul3A_54] : memref<160000xi32, #tpu.memory_space<hbm>> -> memref<32xi32, #tpu.memory_space<hbm>>
        %dma_wait3A_83 = tpu.memref_slice %arg6[%mul3A_54] : memref<160000xi32, #tpu.memory_space<hbm>> -> memref<32xi32, #tpu.memory_space<hbm>>
        tpu.wait_dma2 semaphore(%run_scoped3A : memref<!tpu.dma_semaphore, #tpu.memory_space<semaphore_mem>>) src(%dma_wait3A_83 : memref<32xi32, #tpu.memory_space<hbm>>) dst(%arg15 : memref<32xi32, #tpu.memory_space<vmem>>)
        tpu.yield
      }) : () -> ()
      %dma_start3A = arith.constant 0 : i32
      %dma_start3A_55 = arith.constant 0 : i32
      %dma_start3A_56 = tpu.memref_slice %arg2[%dma_start3A, %dma_start3A_55] : memref<10240x128xf32, #tpu.memory_space<hbm>> -> memref<10240x128xf32, #tpu.memory_space<hbm>>
      tpu.enqueue_indirect_dma source(%dma_start3A_56 : memref<10240x128xf32, #tpu.memory_space<hbm>>) target(%arg17 : memref<32x128xf32, #tpu.memory_space<vmem>>) offsets(%arg15 : memref<32xi32, #tpu.memory_space<vmem>>) semaphore(%arg21 : memref<!tpu.dma_semaphore, #tpu.memory_space<semaphore_mem>>)
      %dma_start3A_57 = arith.constant 0 : i32
      %dma_start3A_58 = arith.constant 0 : i32
      %dma_start3A_59 = tpu.memref_slice %arg3[%dma_start3A_57, %dma_start3A_58] : memref<10240x128xf32, #tpu.memory_space<hbm>> -> memref<10240x128xf32, #tpu.memory_space<hbm>>
      tpu.enqueue_indirect_dma source(%dma_start3A_59 : memref<10240x128xf32, #tpu.memory_space<hbm>>) target(%arg18 : memref<32x128xf32, #tpu.memory_space<vmem>>) offsets(%arg14 : memref<32xi32, #tpu.memory_space<vmem>>) semaphore(%arg21 : memref<!tpu.dma_semaphore, #tpu.memory_space<semaphore_mem>>)
      %dma_start3A_60 = arith.constant 0 : i32
      %dma_start3A_61 = arith.constant 0 : i32
      %dma_start3A_62 = tpu.memref_slice %arg4[%dma_start3A_60, %dma_start3A_61] : memref<10240x128xf32, #tpu.memory_space<hbm>> -> memref<10240x128xf32, #tpu.memory_space<hbm>>
      tpu.enqueue_indirect_dma source(%dma_start3A_62 : memref<10240x128xf32, #tpu.memory_space<hbm>>) target(%arg19 : memref<32x128xf32, #tpu.memory_space<vmem>>) offsets(%arg14 : memref<32xi32, #tpu.memory_space<vmem>>) semaphore(%arg21 : memref<!tpu.dma_semaphore, #tpu.memory_space<semaphore_mem>>)
      %dma_wait3A = arith.constant 0 : i32
      %dma_wait3A_63 = arith.constant 0 : i32
      %dma_wait3A_64 = tpu.memref_slice %arg2[%dma_wait3A, %dma_wait3A_63] : memref<10240x128xf32, #tpu.memory_space<hbm>> -> memref<10240x128xf32, #tpu.memory_space<hbm>>
      tpu.wait_indirect_dma semaphore(%arg21 : memref<!tpu.dma_semaphore, #tpu.memory_space<semaphore_mem>>) src(%dma_wait3A_64 : memref<10240x128xf32, #tpu.memory_space<hbm>>) dst(%arg17 : memref<32x128xf32, #tpu.memory_space<vmem>>)
      %dma_wait3A_65 = arith.constant 0 : i32
      %dma_wait3A_66 = arith.constant 0 : i32
      %dma_wait3A_67 = tpu.memref_slice %arg3[%dma_wait3A_65, %dma_wait3A_66] : memref<10240x128xf32, #tpu.memory_space<hbm>> -> memref<10240x128xf32, #tpu.memory_space<hbm>>
      tpu.wait_indirect_dma semaphore(%arg21 : memref<!tpu.dma_semaphore, #tpu.memory_space<semaphore_mem>>) src(%dma_wait3A_67 : memref<10240x128xf32, #tpu.memory_space<hbm>>) dst(%arg18 : memref<32x128xf32, #tpu.memory_space<vmem>>)
      %dma_wait3A_68 = arith.constant 0 : i32
      %dma_wait3A_69 = arith.constant 0 : i32
      %dma_wait3A_70 = tpu.memref_slice %arg4[%dma_wait3A_68, %dma_wait3A_69] : memref<10240x128xf32, #tpu.memory_space<hbm>> -> memref<10240x128xf32, #tpu.memory_space<hbm>>
      tpu.wait_indirect_dma semaphore(%arg21 : memref<!tpu.dma_semaphore, #tpu.memory_space<semaphore_mem>>) src(%dma_wait3A_70 : memref<10240x128xf32, #tpu.memory_space<hbm>>) dst(%arg19 : memref<32x128xf32, #tpu.memory_space<vmem>>)
      %iota3A_71 = tpu.iota {dimensions = array<i32: 0>} : vector<16xi32>
      %scan3A_72 = arith.constant 0 : i32
      %scan3A_73 = arith.constant 0 : i32
      %scan3A_74 = arith.constant 32 : i32
      %scan3A_75 = arith.addi %scan3A_73, %scan3A_74 : i32
      %scan3A_76 = arith.constant 1 : i32
      %scan3A_77 = scf.for %scan3A_80 = %scan3A_73 to %scan3A_75 step %scan3A_76 iter_args(%scan3A_81 = %scan3A_72) -> (i32)  : i32 {
        %broadcast_in_dim3A = arith.constant 0.000000e+00 : f32
        %broadcast_in_dim3A_82 = vector.broadcast %broadcast_in_dim3A : f32 to vector<16xf32>
        %get3A = arith.index_cast %scan3A_80 : i32 to index
        %get3A_83 = arith.constant 0 : index
        %get3A_84 = tpu.vector_load %arg17[%get3A, %get3A_83] {strides = array<i32>} : memref<32x128xf32, #tpu.memory_space<vmem>>, vector<16xf32>,
        %get3A_85 = arith.index_cast %scan3A_80 : i32 to index
        %get3A_86 = arith.constant 0 : index
        %get3A_87 = tpu.vector_load %arg18[%get3A_85, %get3A_86] {strides = array<i32>} : memref<32x128xf32, #tpu.memory_space<vmem>>, vector<16xf32>,
        %mul3A_88 = arith.mulf %get3A_84, %get3A_87 : vector<16xf32>
        %get3A_89 = arith.index_cast %scan3A_80 : i32 to index
        %get3A_90 = arith.constant 16 : index
        %get3A_91 = tpu.vector_load %arg17[%get3A_89, %get3A_90] {strides = array<i32>} : memref<32x128xf32, #tpu.memory_space<vmem>>, vector<16xf32>,
        %get3A_92 = arith.index_cast %scan3A_80 : i32 to index
        %get3A_93 = arith.constant 16 : index
        %get3A_94 = tpu.vector_load %arg18[%get3A_92, %get3A_93] {strides = array<i32>} : memref<32x128xf32, #tpu.memory_space<vmem>>, vector<16xf32>,
        %mul3A_95 = arith.mulf %get3A_91, %get3A_94 : vector<16xf32>
        %add3A_96 = arith.addf %mul3A_88, %mul3A_95 : vector<16xf32>
        %reduce_sum3A = arith.constant true
        %reduce_sum3A_97 = vector.broadcast %reduce_sum3A : i1 to vector<16xi1>
        %reduce_sum3A_98 = tpu.scan <sum>, %add3A_96 masked %reduce_sum3A_97 : vector<16xf32>, vector<16xi1> -> vector<16xf32>
        %reduce_sum3A_99 = vector.extract %reduce_sum3A_98[15] : f32 from vector<16xf32>
        %broadcast_in_dim3A_100 = vector.broadcast %reduce_sum3A_99 : f32 to vector<16xf32>
        %exp3A = math.exp %broadcast_in_dim3A_100 : vector<16xf32>
        %get3A_101 = arith.index_cast %scan3A_80 : i32 to index
        %get3A_102 = arith.constant 0 : index
        %get3A_103 = tpu.vector_load %arg19[%get3A_101, %get3A_102] {strides = array<i32>} : memref<32x128xf32, #tpu.memory_space<vmem>>, vector<16xf32>,
        %mul3A_104 = arith.mulf %get3A_103, %exp3A : vector<16xf32>
        %swap3A = arith.index_cast %scan3A_80 : i32 to index
        %swap3A_105 = arith.constant 0 : index
        %swap3A_106 = tpu.vector_load %arg17[%swap3A, %swap3A_105] {strides = array<i32>} : memref<32x128xf32, #tpu.memory_space<vmem>>, vector<16xf32>,
        tpu.vector_store %arg17[%swap3A, %swap3A_105], %mul3A_104 {strides = array<i32>} : memref<32x128xf32, #tpu.memory_space<vmem>>, vector<16xf32>,
        %get3A_107 = arith.index_cast %scan3A_80 : i32 to index
        %get3A_108 = arith.constant 16 : index
        %get3A_109 = tpu.vector_load %arg19[%get3A_107, %get3A_108] {strides = array<i32>} : memref<32x128xf32, #tpu.memory_space<vmem>>, vector<16xf32>,
        %mul3A_110 = arith.mulf %get3A_109, %exp3A : vector<16xf32>
        %swap3A_111 = arith.index_cast %scan3A_80 : i32 to index
        %swap3A_112 = arith.constant 16 : index
        %swap3A_113 = tpu.vector_load %arg17[%swap3A_111, %swap3A_112] {strides = array<i32>} : memref<32x128xf32, #tpu.memory_space<vmem>>, vector<16xf32>,
        tpu.vector_store %arg17[%swap3A_111, %swap3A_112], %mul3A_110 {strides = array<i32>} : memref<32x128xf32, #tpu.memory_space<vmem>>, vector<16xf32>,
        %eq3A = arith.constant 0 : i32
        %eq3A_114 = vector.broadcast %eq3A : i32 to vector<16xi32>
        %eq3A_115 = arith.cmpi eq, %iota3A_71, %eq3A_114 : vector<16xi32>
        %jit3A_116 = arith.constant 0.000000e+00 : f32
        %broadcast_in_dim3A_117 = vector.broadcast %jit3A_116 : f32 to vector<16xf32>
        %select_n3A_118 = arith.select %eq3A_115, %exp3A, %broadcast_in_dim3A_117 : vector<16xi1>, vector<16xf32>
        %add3A_119 = arith.addf %broadcast_in_dim3A_82, %select_n3A_118 : vector<16xf32>
        %get3A_120 = arith.index_cast %scan3A_80 : i32 to index
        %get3A_121 = arith.constant 32 : index
        %get3A_122 = tpu.vector_load %arg17[%get3A_120, %get3A_121] {strides = array<i32>} : memref<32x128xf32, #tpu.memory_space<vmem>>, vector<16xf32>,
        %get3A_123 = arith.index_cast %scan3A_80 : i32 to index
        %get3A_124 = arith.constant 32 : index
        %get3A_125 = tpu.vector_load %arg18[%get3A_123, %get3A_124] {strides = array<i32>} : memref<32x128xf32, #tpu.memory_space<vmem>>, vector<16xf32>,
        %mul3A_126 = arith.mulf %get3A_122, %get3A_125 : vector<16xf32>
        %get3A_127 = arith.index_cast %scan3A_80 : i32 to index
        %get3A_128 = arith.constant 48 : index
        %get3A_129 = tpu.vector_load %arg17[%get3A_127, %get3A_128] {strides = array<i32>} : memref<32x128xf32, #tpu.memory_space<vmem>>, vector<16xf32>,
        %get3A_130 = arith.index_cast %scan3A_80 : i32 to index
        %get3A_131 = arith.constant 48 : index
        %get3A_132 = tpu.vector_load %arg18[%get3A_130, %get3A_131] {strides = array<i32>} : memref<32x128xf32, #tpu.memory_space<vmem>>, vector<16xf32>,
        %mul3A_133 = arith.mulf %get3A_129, %get3A_132 : vector<16xf32>
        %add3A_134 = arith.addf %mul3A_126, %mul3A_133 : vector<16xf32>
        %reduce_sum3A_135 = arith.constant true
        %reduce_sum3A_136 = vector.broadcast %reduce_sum3A_135 : i1 to vector<16xi1>
        %reduce_sum3A_137 = tpu.scan <sum>, %add3A_134 masked %reduce_sum3A_136 : vector<16xf32>, vector<16xi1> -> vector<16xf32>
        %reduce_sum3A_138 = vector.extract %reduce_sum3A_137[15] : f32 from vector<16xf32>
        %broadcast_in_dim3A_139 = vector.broadcast %reduce_sum3A_138 : f32 to vector<16xf32>
        %exp3A_140 = math.exp %broadcast_in_dim3A_139 : vector<16xf32>
        %get3A_141 = arith.index_cast %scan3A_80 : i32 to index
        %get3A_142 = arith.constant 32 : index
        %get3A_143 = tpu.vector_load %arg19[%get3A_141, %get3A_142] {strides = array<i32>} : memref<32x128xf32, #tpu.memory_space<vmem>>, vector<16xf32>,
        %mul3A_144 = arith.mulf %get3A_143, %exp3A_140 : vector<16xf32>
        %swap3A_145 = arith.index_cast %scan3A_80 : i32 to index
        %swap3A_146 = arith.constant 32 : index
        %swap3A_147 = tpu.vector_load %arg17[%swap3A_145, %swap3A_146] {strides = array<i32>} : memref<32x128xf32, #tpu.memory_space<vmem>>, vector<16xf32>,
        tpu.vector_store %arg17[%swap3A_145, %swap3A_146], %mul3A_144 {strides = array<i32>} : memref<32x128xf32, #tpu.memory_space<vmem>>, vector<16xf32>,
        %get3A_148 = arith.index_cast %scan3A_80 : i32 to index
        %get3A_149 = arith.constant 48 : index
        %get3A_150 = tpu.vector_load %arg19[%get3A_148, %get3A_149] {strides = array<i32>} : memref<32x128xf32, #tpu.memory_space<vmem>>, vector<16xf32>,
        %mul3A_151 = arith.mulf %get3A_150, %exp3A_140 : vector<16xf32>
        %swap3A_152 = arith.index_cast %scan3A_80 : i32 to index
        %swap3A_153 = arith.constant 48 : index
        %swap3A_154 = tpu.vector_load %arg17[%swap3A_152, %swap3A_153] {strides = array<i32>} : memref<32x128xf32, #tpu.memory_space<vmem>>, vector<16xf32>,
        tpu.vector_store %arg17[%swap3A_152, %swap3A_153], %mul3A_151 {strides = array<i32>} : memref<32x128xf32, #tpu.memory_space<vmem>>, vector<16xf32>,
        %eq3A_155 = arith.constant 1 : i32
        %eq3A_156 = vector.broadcast %eq3A_155 : i32 to vector<16xi32>
        %eq3A_157 = arith.cmpi eq, %iota3A_71, %eq3A_156 : vector<16xi32>
        %jit3A_158 = arith.constant 0.000000e+00 : f32
        %broadcast_in_dim3A_159 = vector.broadcast %jit3A_158 : f32 to vector<16xf32>
        %select_n3A_160 = arith.select %eq3A_157, %exp3A_140, %broadcast_in_dim3A_159 : vector<16xi1>, vector<16xf32>
        %add3A_161 = arith.addf %add3A_119, %select_n3A_160 : vector<16xf32>
        %get3A_162 = arith.index_cast %scan3A_80 : i32 to index
        %get3A_163 = arith.constant 64 : index
        %get3A_164 = tpu.vector_load %arg17[%get3A_162, %get3A_163] {strides = array<i32>} : memref<32x128xf32, #tpu.memory_space<vmem>>, vector<16xf32>,
        %get3A_165 = arith.index_cast %scan3A_80 : i32 to index
        %get3A_166 = arith.constant 64 : index
        %get3A_167 = tpu.vector_load %arg18[%get3A_165, %get3A_166] {strides = array<i32>} : memref<32x128xf32, #tpu.memory_space<vmem>>, vector<16xf32>,
        %mul3A_168 = arith.mulf %get3A_164, %get3A_167 : vector<16xf32>
        %get3A_169 = arith.index_cast %scan3A_80 : i32 to index
        %get3A_170 = arith.constant 80 : index
        %get3A_171 = tpu.vector_load %arg17[%get3A_169, %get3A_170] {strides = array<i32>} : memref<32x128xf32, #tpu.memory_space<vmem>>, vector<16xf32>,
        %get3A_172 = arith.index_cast %scan3A_80 : i32 to index
        %get3A_173 = arith.constant 80 : index
        %get3A_174 = tpu.vector_load %arg18[%get3A_172, %get3A_173] {strides = array<i32>} : memref<32x128xf32, #tpu.memory_space<vmem>>, vector<16xf32>,
        %mul3A_175 = arith.mulf %get3A_171, %get3A_174 : vector<16xf32>
        %add3A_176 = arith.addf %mul3A_168, %mul3A_175 : vector<16xf32>
        %reduce_sum3A_177 = arith.constant true
        %reduce_sum3A_178 = vector.broadcast %reduce_sum3A_177 : i1 to vector<16xi1>
        %reduce_sum3A_179 = tpu.scan <sum>, %add3A_176 masked %reduce_sum3A_178 : vector<16xf32>, vector<16xi1> -> vector<16xf32>
        %reduce_sum3A_180 = vector.extract %reduce_sum3A_179[15] : f32 from vector<16xf32>
        %broadcast_in_dim3A_181 = vector.broadcast %reduce_sum3A_180 : f32 to vector<16xf32>
        %exp3A_182 = math.exp %broadcast_in_dim3A_181 : vector<16xf32>
        %get3A_183 = arith.index_cast %scan3A_80 : i32 to index
        %get3A_184 = arith.constant 64 : index
        %get3A_185 = tpu.vector_load %arg19[%get3A_183, %get3A_184] {strides = array<i32>} : memref<32x128xf32, #tpu.memory_space<vmem>>, vector<16xf32>,
        %mul3A_186 = arith.mulf %get3A_185, %exp3A_182 : vector<16xf32>
        %swap3A_187 = arith.index_cast %scan3A_80 : i32 to index
        %swap3A_188 = arith.constant 64 : index
        %swap3A_189 = tpu.vector_load %arg17[%swap3A_187, %swap3A_188] {strides = array<i32>} : memref<32x128xf32, #tpu.memory_space<vmem>>, vector<16xf32>,
        tpu.vector_store %arg17[%swap3A_187, %swap3A_188], %mul3A_186 {strides = array<i32>} : memref<32x128xf32, #tpu.memory_space<vmem>>, vector<16xf32>,
        %get3A_190 = arith.index_cast %scan3A_80 : i32 to index
        %get3A_191 = arith.constant 80 : index
        %get3A_192 = tpu.vector_load %arg19[%get3A_190, %get3A_191] {strides = array<i32>} : memref<32x128xf32, #tpu.memory_space<vmem>>, vector<16xf32>,
        %mul3A_193 = arith.mulf %get3A_192, %exp3A_182 : vector<16xf32>
        %swap3A_194 = arith.index_cast %scan3A_80 : i32 to index
        %swap3A_195 = arith.constant 80 : index
        %swap3A_196 = tpu.vector_load %arg17[%swap3A_194, %swap3A_195] {strides = array<i32>} : memref<32x128xf32, #tpu.memory_space<vmem>>, vector<16xf32>,
        tpu.vector_store %arg17[%swap3A_194, %swap3A_195], %mul3A_193 {strides = array<i32>} : memref<32x128xf32, #tpu.memory_space<vmem>>, vector<16xf32>,
        %eq3A_197 = arith.constant 2 : i32
        %eq3A_198 = vector.broadcast %eq3A_197 : i32 to vector<16xi32>
        %eq3A_199 = arith.cmpi eq, %iota3A_71, %eq3A_198 : vector<16xi32>
        %jit3A_200 = arith.constant 0.000000e+00 : f32
        %broadcast_in_dim3A_201 = vector.broadcast %jit3A_200 : f32 to vector<16xf32>
        %select_n3A_202 = arith.select %eq3A_199, %exp3A_182, %broadcast_in_dim3A_201 : vector<16xi1>, vector<16xf32>
        %add3A_203 = arith.addf %add3A_161, %select_n3A_202 : vector<16xf32>
        %get3A_204 = arith.index_cast %scan3A_80 : i32 to index
        %get3A_205 = arith.constant 96 : index
        %get3A_206 = tpu.vector_load %arg17[%get3A_204, %get3A_205] {strides = array<i32>} : memref<32x128xf32, #tpu.memory_space<vmem>>, vector<16xf32>,
        %get3A_207 = arith.index_cast %scan3A_80 : i32 to index
        %get3A_208 = arith.constant 96 : index
        %get3A_209 = tpu.vector_load %arg18[%get3A_207, %get3A_208] {strides = array<i32>} : memref<32x128xf32, #tpu.memory_space<vmem>>, vector<16xf32>,
        %mul3A_210 = arith.mulf %get3A_206, %get3A_209 : vector<16xf32>
        %get3A_211 = arith.index_cast %scan3A_80 : i32 to index
        %get3A_212 = arith.constant 112 : index
        %get3A_213 = tpu.vector_load %arg17[%get3A_211, %get3A_212] {strides = array<i32>} : memref<32x128xf32, #tpu.memory_space<vmem>>, vector<16xf32>,
        %get3A_214 = arith.index_cast %scan3A_80 : i32 to index
        %get3A_215 = arith.constant 112 : index
        %get3A_216 = tpu.vector_load %arg18[%get3A_214, %get3A_215] {strides = array<i32>} : memref<32x128xf32, #tpu.memory_space<vmem>>, vector<16xf32>,
        %mul3A_217 = arith.mulf %get3A_213, %get3A_216 : vector<16xf32>
        %add3A_218 = arith.addf %mul3A_210, %mul3A_217 : vector<16xf32>
        %reduce_sum3A_219 = arith.constant true
        %reduce_sum3A_220 = vector.broadcast %reduce_sum3A_219 : i1 to vector<16xi1>
        %reduce_sum3A_221 = tpu.scan <sum>, %add3A_218 masked %reduce_sum3A_220 : vector<16xf32>, vector<16xi1> -> vector<16xf32>
        %reduce_sum3A_222 = vector.extract %reduce_sum3A_221[15] : f32 from vector<16xf32>
        %broadcast_in_dim3A_223 = vector.broadcast %reduce_sum3A_222 : f32 to vector<16xf32>
        %exp3A_224 = math.exp %broadcast_in_dim3A_223 : vector<16xf32>
        %get3A_225 = arith.index_cast %scan3A_80 : i32 to index
        %get3A_226 = arith.constant 96 : index
        %get3A_227 = tpu.vector_load %arg19[%get3A_225, %get3A_226] {strides = array<i32>} : memref<32x128xf32, #tpu.memory_space<vmem>>, vector<16xf32>,
        %mul3A_228 = arith.mulf %get3A_227, %exp3A_224 : vector<16xf32>
        %swap3A_229 = arith.index_cast %scan3A_80 : i32 to index
        %swap3A_230 = arith.constant 96 : index
        %swap3A_231 = tpu.vector_load %arg17[%swap3A_229, %swap3A_230] {strides = array<i32>} : memref<32x128xf32, #tpu.memory_space<vmem>>, vector<16xf32>,
        tpu.vector_store %arg17[%swap3A_229, %swap3A_230], %mul3A_228 {strides = array<i32>} : memref<32x128xf32, #tpu.memory_space<vmem>>, vector<16xf32>,
        %get3A_232 = arith.index_cast %scan3A_80 : i32 to index
        %get3A_233 = arith.constant 112 : index
        %get3A_234 = tpu.vector_load %arg19[%get3A_232, %get3A_233] {strides = array<i32>} : memref<32x128xf32, #tpu.memory_space<vmem>>, vector<16xf32>,
        %mul3A_235 = arith.mulf %get3A_234, %exp3A_224 : vector<16xf32>
        %swap3A_236 = arith.index_cast %scan3A_80 : i32 to index
        %swap3A_237 = arith.constant 112 : index
        %swap3A_238 = tpu.vector_load %arg17[%swap3A_236, %swap3A_237] {strides = array<i32>} : memref<32x128xf32, #tpu.memory_space<vmem>>, vector<16xf32>,
        tpu.vector_store %arg17[%swap3A_236, %swap3A_237], %mul3A_235 {strides = array<i32>} : memref<32x128xf32, #tpu.memory_space<vmem>>, vector<16xf32>,
        %eq3A_239 = arith.constant 3 : i32
        %eq3A_240 = vector.broadcast %eq3A_239 : i32 to vector<16xi32>
        %eq3A_241 = arith.cmpi eq, %iota3A_71, %eq3A_240 : vector<16xi32>
        %jit3A_242 = arith.constant 0.000000e+00 : f32
        %broadcast_in_dim3A_243 = vector.broadcast %jit3A_242 : f32 to vector<16xf32>
        %select_n3A_244 = arith.select %eq3A_241, %exp3A_224, %broadcast_in_dim3A_243 : vector<16xi1>, vector<16xf32>
        %add3A_245 = arith.addf %add3A_203, %select_n3A_244 : vector<16xf32>
        %swap3A_246 = arith.index_cast %scan3A_80 : i32 to index
        %swap3A_247 = arith.constant 0 : index
        %swap3A_248 = tpu.vector_load %arg20[%swap3A_246, %swap3A_247] {strides = array<i32>} : memref<32x16xf32, #tpu.memory_space<vmem>>, vector<16xf32>,
        tpu.vector_store %arg20[%swap3A_246, %swap3A_247], %add3A_245 {strides = array<i32>} : memref<32x16xf32, #tpu.memory_space<vmem>>, vector<16xf32>,
        %scan3A_249 = arith.constant 0 : i32
        scf.yield %scan3A_249 : i32
      }
      %scan3A_78 = arith.constant 32 : i32
      "tpu.region"() ({
        %run_scoped3A = tpu.sem_alloc : memref<!tpu.dma_semaphore, #tpu.memory_space<semaphore_mem>>
        %dma_start3A_80 = arith.constant 0 : i32
        %dma_start3A_81 = arith.constant 0 : i32
        %dma_start3A_82 = tpu.memref_slice %arg12[%dma_start3A_80, %dma_start3A_81] : memref<10240x128xf32, #tpu.memory_space<vmem_shared>> -> memref<10240x128xf32, #tpu.memory_space<vmem_shared>>
        tpu.enqueue_indirect_dma source(%arg17 : memref<32x128xf32, #tpu.memory_space<vmem>>) target(%dma_start3A_82 : memref<10240x128xf32, #tpu.memory_space<vmem_shared>>) offsets(%arg15 : memref<32xi32, #tpu.memory_space<vmem>>) semaphore(%run_scoped3A : memref<!tpu.dma_semaphore, #tpu.memory_space<semaphore_mem>>) {add = true}
        %dma_wait3A_83 = arith.constant 0 : i32
        %dma_wait3A_84 = arith.constant 0 : i32
        %dma_wait3A_85 = tpu.memref_slice %arg12[%dma_wait3A_83, %dma_wait3A_84] : memref<10240x128xf32, #tpu.memory_space<vmem_shared>> -> memref<10240x128xf32, #tpu.memory_space<vmem_shared>>
        tpu.wait_indirect_dma semaphore(%run_scoped3A : memref<!tpu.dma_semaphore, #tpu.memory_space<semaphore_mem>>) src(%arg17 : memref<32x128xf32, #tpu.memory_space<vmem>>) dst(%dma_wait3A_85 : memref<10240x128xf32, #tpu.memory_space<vmem_shared>>)
        tpu.yield
      }) : () -> ()
      "tpu.region"() ({
        %run_scoped3A = tpu.sem_alloc : memref<!tpu.dma_semaphore, #tpu.memory_space<semaphore_mem>>
        %dma_start3A_80 = arith.constant 0 : i32
        %dma_start3A_81 = arith.constant 0 : i32
        %dma_start3A_82 = tpu.memref_slice %arg13[%dma_start3A_80, %dma_start3A_81] : memref<10240x16xf32, #tpu.memory_space<vmem_shared>> -> memref<10240x16xf32, #tpu.memory_space<vmem_shared>>
        tpu.enqueue_indirect_dma source(%arg20 : memref<32x16xf32, #tpu.memory_space<vmem>>) target(%dma_start3A_82 : memref<10240x16xf32, #tpu.memory_space<vmem_shared>>) offsets(%arg15 : memref<32xi32, #tpu.memory_space<vmem>>) semaphore(%run_scoped3A : memref<!tpu.dma_semaphore, #tpu.memory_space<semaphore_mem>>) {add = true}
        %dma_wait3A_83 = arith.constant 0 : i32
        %dma_wait3A_84 = arith.constant 0 : i32
        %dma_wait3A_85 = tpu.memref_slice %arg13[%dma_wait3A_83, %dma_wait3A_84] : memref<10240x16xf32, #tpu.memory_space<vmem_shared>> -> memref<10240x16xf32, #tpu.memory_space<vmem_shared>>
        tpu.wait_indirect_dma semaphore(%run_scoped3A : memref<!tpu.dma_semaphore, #tpu.memory_space<semaphore_mem>>) src(%arg20 : memref<32x16xf32, #tpu.memory_space<vmem>>) dst(%dma_wait3A_85 : memref<10240x16xf32, #tpu.memory_space<vmem_shared>>)
        tpu.yield
      }) : () -> ()
      %while3A_79 = arith.constant 0 : i32
      scf.yield %while3A_79 : i32
    }
    %barrier3A_40 = arith.constant 0 : index
    tpu.barrier barrier_id(%barrier3A_40)
    %scan3A_41 = arith.constant 0 : i32
    %scan3A_42 = arith.constant 0 : i32
    %scan3A_43 = arith.constant 20 : i32
    %scan3A_44 = arith.addi %scan3A_42, %scan3A_43 : i32
    %scan3A_45 = arith.constant 1 : i32
    %scan3A_46 = scf.for %scan3A_48 = %scan3A_42 to %scan3A_44 step %scan3A_45 iter_args(%scan3A_49 = %scan3A_41) -> (i32)  : i32 {
      %mul3A_50 = arith.constant 32 : i32
      %mul3A_51 = arith.muli %scan3A_48, %mul3A_50 : i32
      %add3A_52 = arith.addi %mul3A_2, %mul3A_51 : i32
      "tpu.region"() ({
        %run_scoped3A = tpu.sem_alloc : memref<!tpu.dma_semaphore, #tpu.memory_space<semaphore_mem>>
        %dma_start3A_70 = tpu.memref_slice %arg7[%add3A_52] : memref<10240xi32, #tpu.memory_space<hbm>> -> memref<32xi32, #tpu.memory_space<hbm>>
        %dma_start3A_71 = tpu.memref_slice %arg7[%add3A_52] : memref<10240xi32, #tpu.memory_space<hbm>> -> memref<32xi32, #tpu.memory_space<hbm>>
        tpu.enqueue_dma source(%dma_start3A_71 : memref<32xi32, #tpu.memory_space<hbm>>) target(%arg16 : memref<32xi32, #tpu.memory_space<vmem>>) target_semaphore(%run_scoped3A : memref<!tpu.dma_semaphore, #tpu.memory_space<semaphore_mem>>)
        %dma_wait3A_72 = tpu.memref_slice %arg7[%add3A_52] : memref<10240xi32, #tpu.memory_space<hbm>> -> memref<32xi32, #tpu.memory_space<hbm>>
        %dma_wait3A_73 = tpu.memref_slice %arg7[%add3A_52] : memref<10240xi32, #tpu.memory_space<hbm>> -> memref<32xi32, #tpu.memory_space<hbm>>
        tpu.wait_dma2 semaphore(%run_scoped3A : memref<!tpu.dma_semaphore, #tpu.memory_space<semaphore_mem>>) src(%dma_wait3A_73 : memref<32xi32, #tpu.memory_space<hbm>>) dst(%arg16 : memref<32xi32, #tpu.memory_space<vmem>>)
        tpu.yield
      }) : () -> ()
      %dma_start3A = arith.constant 0 : i32
      %dma_start3A_53 = arith.constant 0 : i32
      %dma_start3A_54 = tpu.memref_slice %arg12[%dma_start3A, %dma_start3A_53] : memref<10240x128xf32, #tpu.memory_space<vmem_shared>> -> memref<10240x128xf32, #tpu.memory_space<vmem_shared>>
      tpu.enqueue_indirect_dma source(%dma_start3A_54 : memref<10240x128xf32, #tpu.memory_space<vmem_shared>>) target(%arg17 : memref<32x128xf32, #tpu.memory_space<vmem>>) offsets(%arg16 : memref<32xi32, #tpu.memory_space<vmem>>) semaphore(%arg21 : memref<!tpu.dma_semaphore, #tpu.memory_space<semaphore_mem>>)
      %dma_start3A_55 = arith.constant 0 : i32
      %dma_start3A_56 = arith.constant 0 : i32
      %dma_start3A_57 = tpu.memref_slice %arg13[%dma_start3A_55, %dma_start3A_56] : memref<10240x16xf32, #tpu.memory_space<vmem_shared>> -> memref<10240x16xf32, #tpu.memory_space<vmem_shared>>
      tpu.enqueue_indirect_dma source(%dma_start3A_57 : memref<10240x16xf32, #tpu.memory_space<vmem_shared>>) target(%arg20 : memref<32x16xf32, #tpu.memory_space<vmem>>) offsets(%arg16 : memref<32xi32, #tpu.memory_space<vmem>>) semaphore(%arg21 : memref<!tpu.dma_semaphore, #tpu.memory_space<semaphore_mem>>)
      %dma_wait3A = arith.constant 0 : i32
      %dma_wait3A_58 = arith.constant 0 : i32
      %dma_wait3A_59 = tpu.memref_slice %arg12[%dma_wait3A, %dma_wait3A_58] : memref<10240x128xf32, #tpu.memory_space<vmem_shared>> -> memref<10240x128xf32, #tpu.memory_space<vmem_shared>>
      tpu.wait_indirect_dma semaphore(%arg21 : memref<!tpu.dma_semaphore, #tpu.memory_space<semaphore_mem>>) src(%dma_wait3A_59 : memref<10240x128xf32, #tpu.memory_space<vmem_shared>>) dst(%arg17 : memref<32x128xf32, #tpu.memory_space<vmem>>)
      %dma_wait3A_60 = arith.constant 0 : i32
      %dma_wait3A_61 = arith.constant 0 : i32
      %dma_wait3A_62 = tpu.memref_slice %arg13[%dma_wait3A_60, %dma_wait3A_61] : memref<10240x16xf32, #tpu.memory_space<vmem_shared>> -> memref<10240x16xf32, #tpu.memory_space<vmem_shared>>
      tpu.wait_indirect_dma semaphore(%arg21 : memref<!tpu.dma_semaphore, #tpu.memory_space<semaphore_mem>>) src(%dma_wait3A_62 : memref<10240x16xf32, #tpu.memory_space<vmem_shared>>) dst(%arg20 : memref<32x16xf32, #tpu.memory_space<vmem>>)
      %mul3A_63 = arith.constant 32 : i32
      %mul3A_64 = arith.muli %scan3A_48, %mul3A_63 : i32
      %add3A_65 = arith.addi %mul3A_2, %mul3A_64 : i32
      "tpu.region"() ({
        %run_scoped3A = tpu.sem_alloc : memref<!tpu.dma_semaphore, #tpu.memory_space<semaphore_mem>>
        %dma_start3A_70 = arith.constant 0 : i32
        %dma_start3A_71 = tpu.memref_slice %arg10[%arg0, %add3A_65, %dma_start3A_70] : memref<2x10240x128xf32, #tpu.memory_space<hbm>> -> memref<1x32x128xf32, #tpu.memory_space<hbm>>
        %dma_start3A_72 = tpu.memref_squeeze %dma_start3A_71 : memref<1x32x128xf32, #tpu.memory_space<hbm>> -> memref<32x128xf32, #tpu.memory_space<hbm>>
        %dma_start3A_73 = arith.constant 0 : i32
        %dma_start3A_74 = tpu.memref_slice %arg10[%arg0, %add3A_65, %dma_start3A_73] : memref<2x10240x128xf32, #tpu.memory_space<hbm>> -> memref<1x32x128xf32, #tpu.memory_space<hbm>>
        %dma_start3A_75 = tpu.memref_squeeze %dma_start3A_74 : memref<1x32x128xf32, #tpu.memory_space<hbm>> -> memref<32x128xf32, #tpu.memory_space<hbm>>
        tpu.enqueue_dma source(%arg17 : memref<32x128xf32, #tpu.memory_space<vmem>>) target(%dma_start3A_75 : memref<32x128xf32, #tpu.memory_space<hbm>>) target_semaphore(%run_scoped3A : memref<!tpu.dma_semaphore, #tpu.memory_space<semaphore_mem>>)
        %dma_wait3A_76 = arith.constant 0 : i32
        %dma_wait3A_77 = tpu.memref_slice %arg10[%arg0, %add3A_65, %dma_wait3A_76] : memref<2x10240x128xf32, #tpu.memory_space<hbm>> -> memref<1x32x128xf32, #tpu.memory_space<hbm>>
        %dma_wait3A_78 = tpu.memref_squeeze %dma_wait3A_77 : memref<1x32x128xf32, #tpu.memory_space<hbm>> -> memref<32x128xf32, #tpu.memory_space<hbm>>
        %dma_wait3A_79 = arith.constant 0 : i32
        %dma_wait3A_80 = tpu.memref_slice %arg10[%arg0, %add3A_65, %dma_wait3A_79] : memref<2x10240x128xf32, #tpu.memory_space<hbm>> -> memref<1x32x128xf32, #tpu.memory_space<hbm>>
        %dma_wait3A_81 = tpu.memref_squeeze %dma_wait3A_80 : memref<1x32x128xf32, #tpu.memory_space<hbm>> -> memref<32x128xf32, #tpu.memory_space<hbm>>
        tpu.wait_dma2 semaphore(%run_scoped3A : memref<!tpu.dma_semaphore, #tpu.memory_space<semaphore_mem>>) src(%arg17 : memref<32x128xf32, #tpu.memory_space<vmem>>) dst(%dma_wait3A_81 : memref<32x128xf32, #tpu.memory_space<hbm>>)
        tpu.yield
      }) : () -> ()
      %mul3A_66 = arith.constant 32 : i32
      %mul3A_67 = arith.muli %scan3A_48, %mul3A_66 : i32
      %add3A_68 = arith.addi %mul3A_2, %mul3A_67 : i32
      "tpu.region"() ({
        %run_scoped3A = tpu.sem_alloc : memref<!tpu.dma_semaphore, #tpu.memory_space<semaphore_mem>>
        %dma_start3A_70 = arith.constant 0 : i32
        %dma_start3A_71 = tpu.memref_slice %arg11[%arg0, %add3A_68, %dma_start3A_70] : memref<2x10240x16xf32, #tpu.memory_space<hbm>> -> memref<1x32x16xf32, #tpu.memory_space<hbm>>
        %dma_start3A_72 = tpu.memref_squeeze %dma_start3A_71 : memref<1x32x16xf32, #tpu.memory_space<hbm>> -> memref<32x16xf32, #tpu.memory_space<hbm>>
        %dma_start3A_73 = arith.constant 0 : i32
        %dma_start3A_74 = tpu.memref_slice %arg11[%arg0, %add3A_68, %dma_start3A_73] : memref<2x10240x16xf32, #tpu.memory_space<hbm>> -> memref<1x32x16xf32, #tpu.memory_space<hbm>>
        %dma_start3A_75 = tpu.memref_squeeze %dma_start3A_74 : memref<1x32x16xf32, #tpu.memory_space<hbm>> -> memref<32x16xf32, #tpu.memory_space<hbm>>
        tpu.enqueue_dma source(%arg20 : memref<32x16xf32, #tpu.memory_space<vmem>>) target(%dma_start3A_75 : memref<32x16xf32, #tpu.memory_space<hbm>>) target_semaphore(%run_scoped3A : memref<!tpu.dma_semaphore, #tpu.memory_space<semaphore_mem>>)
        %dma_wait3A_76 = arith.constant 0 : i32
        %dma_wait3A_77 = tpu.memref_slice %arg11[%arg0, %add3A_68, %dma_wait3A_76] : memref<2x10240x16xf32, #tpu.memory_space<hbm>> -> memref<1x32x16xf32, #tpu.memory_space<hbm>>
        %dma_wait3A_78 = tpu.memref_squeeze %dma_wait3A_77 : memref<1x32x16xf32, #tpu.memory_space<hbm>> -> memref<32x16xf32, #tpu.memory_space<hbm>>
        %dma_wait3A_79 = arith.constant 0 : i32
        %dma_wait3A_80 = tpu.memref_slice %arg11[%arg0, %add3A_68, %dma_wait3A_79] : memref<2x10240x16xf32, #tpu.memory_space<hbm>> -> memref<1x32x16xf32, #tpu.memory_space<hbm>>
        %dma_wait3A_81 = tpu.memref_squeeze %dma_wait3A_80 : memref<1x32x16xf32, #tpu.memory_space<hbm>> -> memref<32x16xf32, #tpu.memory_space<hbm>>
        tpu.wait_dma2 semaphore(%run_scoped3A : memref<!tpu.dma_semaphore, #tpu.memory_space<semaphore_mem>>) src(%arg20 : memref<32x16xf32, #tpu.memory_space<vmem>>) dst(%dma_wait3A_81 : memref<32x16xf32, #tpu.memory_space<hbm>>)
        tpu.yield
      }) : () -> ()
      %scan3A_69 = arith.constant 0 : i32
      scf.yield %scan3A_69 : i32
    }
    %scan3A_47 = arith.constant 20 : i32
    return
  }
}

#map = affine_map<(d0, d1) -> (0, 0)>
#map1 = affine_map<(d0, d1) -> (0)>
#map2 = affine_map<(d0, d1) -> (0, 0, 0)>
module attributes {stable_mosaic.version = 14 : i64} {
  func.func @_edge_body(%arg0: i32, %arg1: i32, %arg2: memref<10240x128xf32, #tpu.memory_space<hbm>>, %arg3: memref<10240x128xf32, #tpu.memory_space<hbm>>, %arg4: memref<10240x128xf32, #tpu.memory_space<hbm>>, %arg5: memref<160000xi32, #tpu.memory_space<hbm>>, %arg6: memref<160000xi32, #tpu.memory_space<hbm>>, %arg7: memref<10240xi32, #tpu.memory_space<hbm>>, %arg8: memref<32x128xf32, #tpu.memory_space<hbm>>, %arg9: memref<32x16xf32, #tpu.memory_space<hbm>>, %arg10: memref<2x10240x128xf32, #tpu.memory_space<hbm>>, %arg11: memref<2x10240x16xf32, #tpu.memory_space<hbm>>, %arg12: memref<10240x128xf32, #tpu.memory_space<vmem_shared>>, %arg13: memref<10240x16xf32, #tpu.memory_space<vmem_shared>>, %arg14: memref<32xi32, #tpu.memory_space<vmem>>, %arg15: memref<32xi32, #tpu.memory_space<vmem>>, %arg16: memref<32xi32, #tpu.memory_space<vmem>>, %arg17: memref<32x128xf32, #tpu.memory_space<vmem>>, %arg18: memref<32x128xf32, #tpu.memory_space<vmem>>, %arg19: memref<32x128xf32, #tpu.memory_space<vmem>>, %arg20: memref<32x16xf32, #tpu.memory_space<vmem>>, %arg21: memref<!tpu.dma_semaphore, #tpu.memory_space<semaphore_mem>>) attributes {dimension_semantics = [#tpu.dimension_semantics<core_parallel>, #tpu.dimension_semantics<subcore_parallel>], iteration_bounds = array<i64: 2, 16>, scalar_prefetch = 0 : i64, scratch_operands = 10 : i64, tpu.core_type = #tpu.core_type<sc_vector_subcore>, window_params = [{transform_indices = #map}, {transform_indices = #map}, {transform_indices = #map}, {transform_indices = #map1}, {transform_indices = #map1}, {transform_indices = #map1}, {transform_indices = #map}, {transform_indices = #map}, {transform_indices = #map2}, {transform_indices = #map2}]} {
    %mul3A = arith.constant 2 : i32
    %mul3A_0 = arith.muli %arg1, %mul3A : i32
    %add3A = arith.addi %mul3A_0, %arg0 : i32
    %mul3A_1 = arith.constant 640 : i32
    %mul3A_2 = arith.muli %arg1, %mul3A_1 : i32
    %iota3A = tpu.iota {dimensions = array<i32: 0>} : vector<16xi32>
    "tpu.region"() ({
      %run_scoped3A = tpu.sem_alloc : memref<!tpu.dma_semaphore, #tpu.memory_space<semaphore_mem>>
      tpu.enqueue_dma source(%arg8 : memref<32x128xf32, #tpu.memory_space<hbm>>) target(%arg17 : memref<32x128xf32, #tpu.memory_space<vmem>>) target_semaphore(%run_scoped3A : memref<!tpu.dma_semaphore, #tpu.memory_space<semaphore_mem>>)
      tpu.wait_dma2 semaphore(%run_scoped3A : memref<!tpu.dma_semaphore, #tpu.memory_space<semaphore_mem>>) src(%arg8 : memref<32x128xf32, #tpu.memory_space<hbm>>) dst(%arg17 : memref<32x128xf32, #tpu.memory_space<vmem>>)
      tpu.yield
    }) : () -> ()
    "tpu.region"() ({
      %run_scoped3A = tpu.sem_alloc : memref<!tpu.dma_semaphore, #tpu.memory_space<semaphore_mem>>
      tpu.enqueue_dma source(%arg9 : memref<32x16xf32, #tpu.memory_space<hbm>>) target(%arg20 : memref<32x16xf32, #tpu.memory_space<vmem>>) target_semaphore(%run_scoped3A : memref<!tpu.dma_semaphore, #tpu.memory_space<semaphore_mem>>)
      tpu.wait_dma2 semaphore(%run_scoped3A : memref<!tpu.dma_semaphore, #tpu.memory_space<semaphore_mem>>) src(%arg9 : memref<32x16xf32, #tpu.memory_space<hbm>>) dst(%arg20 : memref<32x16xf32, #tpu.memory_space<vmem>>)
      tpu.yield
    }) : () -> ()
    %scan3A = arith.constant 0 : i32
    %scan3A_3 = arith.constant 0 : i32
    %scan3A_4 = arith.constant 20 : i32
    %scan3A_5 = arith.addi %scan3A_3, %scan3A_4 : i32
    %scan3A_6 = arith.constant 1 : i32
    %scan3A_7 = scf.for %scan3A_48 = %scan3A_3 to %scan3A_5 step %scan3A_6 iter_args(%scan3A_49 = %scan3A) -> (i32)  : i32 {
      %mul3A_50 = arith.constant 32 : i32
      %mul3A_51 = arith.muli %scan3A_48, %mul3A_50 : i32
      %add3A_52 = arith.addi %mul3A_2, %mul3A_51 : i32
      "tpu.region"() ({
        %run_scoped3A = tpu.sem_alloc : memref<!tpu.dma_semaphore, #tpu.memory_space<semaphore_mem>>
        %dma_start3A = tpu.memref_slice %arg7[%add3A_52] : memref<10240xi32, #tpu.memory_space<hbm>> -> memref<32xi32, #tpu.memory_space<hbm>>
        %dma_start3A_54 = tpu.memref_slice %arg7[%add3A_52] : memref<10240xi32, #tpu.memory_space<hbm>> -> memref<32xi32, #tpu.memory_space<hbm>>
        tpu.enqueue_dma source(%dma_start3A_54 : memref<32xi32, #tpu.memory_space<hbm>>) target(%arg16 : memref<32xi32, #tpu.memory_space<vmem>>) target_semaphore(%run_scoped3A : memref<!tpu.dma_semaphore, #tpu.memory_space<semaphore_mem>>)
        %dma_wait3A = tpu.memref_slice %arg7[%add3A_52] : memref<10240xi32, #tpu.memory_space<hbm>> -> memref<32xi32, #tpu.memory_space<hbm>>
        %dma_wait3A_55 = tpu.memref_slice %arg7[%add3A_52] : memref<10240xi32, #tpu.memory_space<hbm>> -> memref<32xi32, #tpu.memory_space<hbm>>
        tpu.wait_dma2 semaphore(%run_scoped3A : memref<!tpu.dma_semaphore, #tpu.memory_space<semaphore_mem>>) src(%dma_wait3A_55 : memref<32xi32, #tpu.memory_space<hbm>>) dst(%arg16 : memref<32xi32, #tpu.memory_space<vmem>>)
        tpu.yield
      }) : () -> ()
      "tpu.region"() ({
        %run_scoped3A = tpu.sem_alloc : memref<!tpu.dma_semaphore, #tpu.memory_space<semaphore_mem>>
        %dma_start3A = arith.constant 0 : i32
        %dma_start3A_54 = arith.constant 0 : i32
        %dma_start3A_55 = tpu.memref_slice %arg12[%dma_start3A, %dma_start3A_54] : memref<10240x128xf32, #tpu.memory_space<vmem_shared>> -> memref<10240x128xf32, #tpu.memory_space<vmem_shared>>
        tpu.enqueue_indirect_dma source(%arg17 : memref<32x128xf32, #tpu.memory_space<vmem>>) target(%dma_start3A_55 : memref<10240x128xf32, #tpu.memory_space<vmem_shared>>) offsets(%arg16 : memref<32xi32, #tpu.memory_space<vmem>>) semaphore(%run_scoped3A : memref<!tpu.dma_semaphore, #tpu.memory_space<semaphore_mem>>)
        %dma_wait3A = arith.constant 0 : i32
        %dma_wait3A_56 = arith.constant 0 : i32
        %dma_wait3A_57 = tpu.memref_slice %arg12[%dma_wait3A, %dma_wait3A_56] : memref<10240x128xf32, #tpu.memory_space<vmem_shared>> -> memref<10240x128xf32, #tpu.memory_space<vmem_shared>>
        tpu.wait_indirect_dma semaphore(%run_scoped3A : memref<!tpu.dma_semaphore, #tpu.memory_space<semaphore_mem>>) src(%arg17 : memref<32x128xf32, #tpu.memory_space<vmem>>) dst(%dma_wait3A_57 : memref<10240x128xf32, #tpu.memory_space<vmem_shared>>)
        tpu.yield
      }) : () -> ()
      "tpu.region"() ({
        %run_scoped3A = tpu.sem_alloc : memref<!tpu.dma_semaphore, #tpu.memory_space<semaphore_mem>>
        %dma_start3A = arith.constant 0 : i32
        %dma_start3A_54 = arith.constant 0 : i32
        %dma_start3A_55 = tpu.memref_slice %arg13[%dma_start3A, %dma_start3A_54] : memref<10240x16xf32, #tpu.memory_space<vmem_shared>> -> memref<10240x16xf32, #tpu.memory_space<vmem_shared>>
        tpu.enqueue_indirect_dma source(%arg20 : memref<32x16xf32, #tpu.memory_space<vmem>>) target(%dma_start3A_55 : memref<10240x16xf32, #tpu.memory_space<vmem_shared>>) offsets(%arg16 : memref<32xi32, #tpu.memory_space<vmem>>) semaphore(%run_scoped3A : memref<!tpu.dma_semaphore, #tpu.memory_space<semaphore_mem>>)
        %dma_wait3A = arith.constant 0 : i32
        %dma_wait3A_56 = arith.constant 0 : i32
        %dma_wait3A_57 = tpu.memref_slice %arg13[%dma_wait3A, %dma_wait3A_56] : memref<10240x16xf32, #tpu.memory_space<vmem_shared>> -> memref<10240x16xf32, #tpu.memory_space<vmem_shared>>
        tpu.wait_indirect_dma semaphore(%run_scoped3A : memref<!tpu.dma_semaphore, #tpu.memory_space<semaphore_mem>>) src(%arg20 : memref<32x16xf32, #tpu.memory_space<vmem>>) dst(%dma_wait3A_57 : memref<10240x16xf32, #tpu.memory_space<vmem_shared>>)
        tpu.yield
      }) : () -> ()
      %scan3A_53 = arith.constant 0 : i32
      scf.yield %scan3A_53 : i32
    }
    %scan3A_8 = arith.constant 20 : i32
    %barrier3A = arith.constant 0 : index
    tpu.barrier barrier_id(%barrier3A)
    %sub3A = arith.constant 4999 : i32
    %sub3A_9 = arith.subi %sub3A, %add3A : i32
    %jit3A = arith.constant 32 : i32
    %div3A = arith.divsi %sub3A_9, %jit3A : i32
    %sign3A = arith.constant 0 : i32
    %sign3A_10 = arith.cmpi sgt, %sub3A_9, %sign3A : i32
    %sign3A_11 = arith.extui %sign3A_10 : i1 to i32
    %sign3A_12 = arith.constant 0 : i32
    %sign3A_13 = arith.cmpi slt, %sub3A_9, %sign3A_12 : i32
    %sign3A_14 = arith.extui %sign3A_13 : i1 to i32
    %sign3A_15 = arith.subi %sign3A_11, %sign3A_14 : i32
    %sign3A_16 = arith.constant 0 : i32
    %sign3A_17 = arith.cmpi sgt, %jit3A, %sign3A_16 : i32
    %sign3A_18 = arith.extui %sign3A_17 : i1 to i32
    %sign3A_19 = arith.constant 0 : i32
    %sign3A_20 = arith.cmpi slt, %jit3A, %sign3A_19 : i32
    %sign3A_21 = arith.extui %sign3A_20 : i1 to i32
    %sign3A_22 = arith.subi %sign3A_18, %sign3A_21 : i32
    %ne3A = arith.cmpi ne, %sign3A_15, %sign3A_22 : i32
    %rem3A = arith.remsi %sub3A_9, %jit3A : i32
    %ne3A_23 = arith.constant 0 : i32
    %ne3A_24 = arith.cmpi ne, %rem3A, %ne3A_23 : i32
    %and3A = arith.andi %ne3A, %ne3A_24 : i1
    %sub3A_25 = arith.constant 1 : i32
    %sub3A_26 = arith.subi %div3A, %sub3A_25 : i32
    %select_n3A = arith.select %and3A, %sub3A_26, %div3A : i32
    %add3A_27 = arith.constant 1 : i32
    %add3A_28 = arith.addi %select_n3A, %add3A_27 : i32
    %while3A = arith.constant 0 : i32
    %while3A_29 = arith.constant 0 : i32
    %while3A_30 = arith.subi %add3A_28, %while3A : i32
    %while3A_31 = arith.addi %while3A, %while3A_30 : i32
    %while3A_32 = arith.constant 1 : i32
    %while3A_33 = arith.divsi %while3A_30, %while3A_32 : i32
    %while3A_34 = arith.muli %while3A_33, %while3A_32 : i32
    %while3A_35 = arith.addi %while3A, %while3A_34 : i32
    %while3A_36 = arith.constant 1 : i32
    %while3A_37 = scf.for %while3A_48 = %while3A to %while3A_35 step %while3A_36 iter_args(%while3A_49 = %while3A_29) -> (i32)  : i32 {
      %mul3A_50 = arith.constant 32 : i32
      %mul3A_51 = arith.muli %while3A_48, %mul3A_50 : i32
      %add3A_52 = arith.addi %add3A, %mul3A_51 : i32
      %mul3A_53 = arith.constant 32 : i32
      %mul3A_54 = arith.muli %add3A_52, %mul3A_53 : i32
      "tpu.region"() ({
        %run_scoped3A = tpu.sem_alloc : memref<!tpu.dma_semaphore, #tpu.memory_space<semaphore_mem>>
        %dma_start3A_80 = tpu.memref_slice %arg5[%mul3A_54] : memref<160000xi32, #tpu.memory_space<hbm>> -> memref<32xi32, #tpu.memory_space<hbm>>
        %dma_start3A_81 = tpu.memref_slice %arg5[%mul3A_54] : memref<160000xi32, #tpu.memory_space<hbm>> -> memref<32xi32, #tpu.memory_space<hbm>>
        tpu.enqueue_dma source(%dma_start3A_81 : memref<32xi32, #tpu.memory_space<hbm>>) target(%arg14 : memref<32xi32, #tpu.memory_space<vmem>>) target_semaphore(%run_scoped3A : memref<!tpu.dma_semaphore, #tpu.memory_space<semaphore_mem>>)
        %dma_wait3A_82 = tpu.memref_slice %arg5[%mul3A_54] : memref<160000xi32, #tpu.memory_space<hbm>> -> memref<32xi32, #tpu.memory_space<hbm>>
        %dma_wait3A_83 = tpu.memref_slice %arg5[%mul3A_54] : memref<160000xi32, #tpu.memory_space<hbm>> -> memref<32xi32, #tpu.memory_space<hbm>>
        tpu.wait_dma2 semaphore(%run_scoped3A : memref<!tpu.dma_semaphore, #tpu.memory_space<semaphore_mem>>) src(%dma_wait3A_83 : memref<32xi32, #tpu.memory_space<hbm>>) dst(%arg14 : memref<32xi32, #tpu.memory_space<vmem>>)
        tpu.yield
      }) : () -> ()
      "tpu.region"() ({
        %run_scoped3A = tpu.sem_alloc : memref<!tpu.dma_semaphore, #tpu.memory_space<semaphore_mem>>
        %dma_start3A_80 = tpu.memref_slice %arg6[%mul3A_54] : memref<160000xi32, #tpu.memory_space<hbm>> -> memref<32xi32, #tpu.memory_space<hbm>>
        %dma_start3A_81 = tpu.memref_slice %arg6[%mul3A_54] : memref<160000xi32, #tpu.memory_space<hbm>> -> memref<32xi32, #tpu.memory_space<hbm>>
        tpu.enqueue_dma source(%dma_start3A_81 : memref<32xi32, #tpu.memory_space<hbm>>) target(%arg15 : memref<32xi32, #tpu.memory_space<vmem>>) target_semaphore(%run_scoped3A : memref<!tpu.dma_semaphore, #tpu.memory_space<semaphore_mem>>)
        %dma_wait3A_82 = tpu.memref_slice %arg6[%mul3A_54] : memref<160000xi32, #tpu.memory_space<hbm>> -> memref<32xi32, #tpu.memory_space<hbm>>
        %dma_wait3A_83 = tpu.memref_slice %arg6[%mul3A_54] : memref<160000xi32, #tpu.memory_space<hbm>> -> memref<32xi32, #tpu.memory_space<hbm>>
        tpu.wait_dma2 semaphore(%run_scoped3A : memref<!tpu.dma_semaphore, #tpu.memory_space<semaphore_mem>>) src(%dma_wait3A_83 : memref<32xi32, #tpu.memory_space<hbm>>) dst(%arg15 : memref<32xi32, #tpu.memory_space<vmem>>)
        tpu.yield
      }) : () -> ()
      %dma_start3A = arith.constant 0 : i32
      %dma_start3A_55 = arith.constant 0 : i32
      %dma_start3A_56 = tpu.memref_slice %arg2[%dma_start3A, %dma_start3A_55] : memref<10240x128xf32, #tpu.memory_space<hbm>> -> memref<10240x128xf32, #tpu.memory_space<hbm>>
      tpu.enqueue_indirect_dma source(%dma_start3A_56 : memref<10240x128xf32, #tpu.memory_space<hbm>>) target(%arg17 : memref<32x128xf32, #tpu.memory_space<vmem>>) offsets(%arg15 : memref<32xi32, #tpu.memory_space<vmem>>) semaphore(%arg21 : memref<!tpu.dma_semaphore, #tpu.memory_space<semaphore_mem>>)
      %dma_start3A_57 = arith.constant 0 : i32
      %dma_start3A_58 = arith.constant 0 : i32
      %dma_start3A_59 = tpu.memref_slice %arg3[%dma_start3A_57, %dma_start3A_58] : memref<10240x128xf32, #tpu.memory_space<hbm>> -> memref<10240x128xf32, #tpu.memory_space<hbm>>
      tpu.enqueue_indirect_dma source(%dma_start3A_59 : memref<10240x128xf32, #tpu.memory_space<hbm>>) target(%arg18 : memref<32x128xf32, #tpu.memory_space<vmem>>) offsets(%arg14 : memref<32xi32, #tpu.memory_space<vmem>>) semaphore(%arg21 : memref<!tpu.dma_semaphore, #tpu.memory_space<semaphore_mem>>)
      %dma_start3A_60 = arith.constant 0 : i32
      %dma_start3A_61 = arith.constant 0 : i32
      %dma_start3A_62 = tpu.memref_slice %arg4[%dma_start3A_60, %dma_start3A_61] : memref<10240x128xf32, #tpu.memory_space<hbm>> -> memref<10240x128xf32, #tpu.memory_space<hbm>>
      tpu.enqueue_indirect_dma source(%dma_start3A_62 : memref<10240x128xf32, #tpu.memory_space<hbm>>) target(%arg19 : memref<32x128xf32, #tpu.memory_space<vmem>>) offsets(%arg14 : memref<32xi32, #tpu.memory_space<vmem>>) semaphore(%arg21 : memref<!tpu.dma_semaphore, #tpu.memory_space<semaphore_mem>>)
      %dma_wait3A = arith.constant 0 : i32
      %dma_wait3A_63 = arith.constant 0 : i32
      %dma_wait3A_64 = tpu.memref_slice %arg2[%dma_wait3A, %dma_wait3A_63] : memref<10240x128xf32, #tpu.memory_space<hbm>> -> memref<10240x128xf32, #tpu.memory_space<hbm>>
      tpu.wait_indirect_dma semaphore(%arg21 : memref<!tpu.dma_semaphore, #tpu.memory_space<semaphore_mem>>) src(%dma_wait3A_64 : memref<10240x128xf32, #tpu.memory_space<hbm>>) dst(%arg17 : memref<32x128xf32, #tpu.memory_space<vmem>>)
      %dma_wait3A_65 = arith.constant 0 : i32
      %dma_wait3A_66 = arith.constant 0 : i32
      %dma_wait3A_67 = tpu.memref_slice %arg3[%dma_wait3A_65, %dma_wait3A_66] : memref<10240x128xf32, #tpu.memory_space<hbm>> -> memref<10240x128xf32, #tpu.memory_space<hbm>>
      tpu.wait_indirect_dma semaphore(%arg21 : memref<!tpu.dma_semaphore, #tpu.memory_space<semaphore_mem>>) src(%dma_wait3A_67 : memref<10240x128xf32, #tpu.memory_space<hbm>>) dst(%arg18 : memref<32x128xf32, #tpu.memory_space<vmem>>)
      %dma_wait3A_68 = arith.constant 0 : i32
      %dma_wait3A_69 = arith.constant 0 : i32
      %dma_wait3A_70 = tpu.memref_slice %arg4[%dma_wait3A_68, %dma_wait3A_69] : memref<10240x128xf32, #tpu.memory_space<hbm>> -> memref<10240x128xf32, #tpu.memory_space<hbm>>
      tpu.wait_indirect_dma semaphore(%arg21 : memref<!tpu.dma_semaphore, #tpu.memory_space<semaphore_mem>>) src(%dma_wait3A_70 : memref<10240x128xf32, #tpu.memory_space<hbm>>) dst(%arg19 : memref<32x128xf32, #tpu.memory_space<vmem>>)
      %iota3A_71 = tpu.iota {dimensions = array<i32: 0>} : vector<16xi32>
      %scan3A_72 = arith.constant 0 : i32
      %scan3A_73 = arith.constant 0 : i32
      %scan3A_74 = arith.constant 32 : i32
      %scan3A_75 = arith.addi %scan3A_73, %scan3A_74 : i32
      %scan3A_76 = arith.constant 1 : i32
      %scan3A_77 = scf.for %scan3A_80 = %scan3A_73 to %scan3A_75 step %scan3A_76 iter_args(%scan3A_81 = %scan3A_72) -> (i32)  : i32 {
        %broadcast_in_dim3A = arith.constant 0.000000e+00 : f32
        %broadcast_in_dim3A_82 = vector.broadcast %broadcast_in_dim3A : f32 to vector<16xf32>
        %get3A = arith.index_cast %scan3A_80 : i32 to index
        %get3A_83 = arith.constant 0 : index
        %get3A_84 = tpu.vector_load %arg17[%get3A, %get3A_83] {strides = array<i32>} : memref<32x128xf32, #tpu.memory_space<vmem>>, vector<16xf32>,
        %get3A_85 = arith.index_cast %scan3A_80 : i32 to index
        %get3A_86 = arith.constant 0 : index
        %get3A_87 = tpu.vector_load %arg18[%get3A_85, %get3A_86] {strides = array<i32>} : memref<32x128xf32, #tpu.memory_space<vmem>>, vector<16xf32>,
        %mul3A_88 = arith.mulf %get3A_84, %get3A_87 : vector<16xf32>
        %get3A_89 = arith.index_cast %scan3A_80 : i32 to index
        %get3A_90 = arith.constant 16 : index
        %get3A_91 = tpu.vector_load %arg17[%get3A_89, %get3A_90] {strides = array<i32>} : memref<32x128xf32, #tpu.memory_space<vmem>>, vector<16xf32>,
        %get3A_92 = arith.index_cast %scan3A_80 : i32 to index
        %get3A_93 = arith.constant 16 : index
        %get3A_94 = tpu.vector_load %arg18[%get3A_92, %get3A_93] {strides = array<i32>} : memref<32x128xf32, #tpu.memory_space<vmem>>, vector<16xf32>,
        %mul3A_95 = arith.mulf %get3A_91, %get3A_94 : vector<16xf32>
        %add3A_96 = arith.addf %mul3A_88, %mul3A_95 : vector<16xf32>
        %reduce_sum3A = arith.constant true
        %reduce_sum3A_97 = vector.broadcast %reduce_sum3A : i1 to vector<16xi1>
        %reduce_sum3A_98 = tpu.scan <sum>, %add3A_96 masked %reduce_sum3A_97 : vector<16xf32>, vector<16xi1> -> vector<16xf32>
        %reduce_sum3A_99 = vector.extract %reduce_sum3A_98[15] : f32 from vector<16xf32>
        %broadcast_in_dim3A_100 = vector.broadcast %reduce_sum3A_99 : f32 to vector<16xf32>
        %exp3A = math.exp %broadcast_in_dim3A_100 : vector<16xf32>
        %get3A_101 = arith.index_cast %scan3A_80 : i32 to index
        %get3A_102 = arith.constant 0 : index
        %get3A_103 = tpu.vector_load %arg19[%get3A_101, %get3A_102] {strides = array<i32>} : memref<32x128xf32, #tpu.memory_space<vmem>>, vector<16xf32>,
        %mul3A_104 = arith.mulf %get3A_103, %exp3A : vector<16xf32>
        %swap3A = arith.index_cast %scan3A_80 : i32 to index
        %swap3A_105 = arith.constant 0 : index
        %swap3A_106 = tpu.vector_load %arg17[%swap3A, %swap3A_105] {strides = array<i32>} : memref<32x128xf32, #tpu.memory_space<vmem>>, vector<16xf32>,
        tpu.vector_store %arg17[%swap3A, %swap3A_105], %mul3A_104 {strides = array<i32>} : memref<32x128xf32, #tpu.memory_space<vmem>>, vector<16xf32>,
        %get3A_107 = arith.index_cast %scan3A_80 : i32 to index
        %get3A_108 = arith.constant 16 : index
        %get3A_109 = tpu.vector_load %arg19[%get3A_107, %get3A_108] {strides = array<i32>} : memref<32x128xf32, #tpu.memory_space<vmem>>, vector<16xf32>,
        %mul3A_110 = arith.mulf %get3A_109, %exp3A : vector<16xf32>
        %swap3A_111 = arith.index_cast %scan3A_80 : i32 to index
        %swap3A_112 = arith.constant 16 : index
        %swap3A_113 = tpu.vector_load %arg17[%swap3A_111, %swap3A_112] {strides = array<i32>} : memref<32x128xf32, #tpu.memory_space<vmem>>, vector<16xf32>,
        tpu.vector_store %arg17[%swap3A_111, %swap3A_112], %mul3A_110 {strides = array<i32>} : memref<32x128xf32, #tpu.memory_space<vmem>>, vector<16xf32>,
        %eq3A = arith.constant 0 : i32
        %eq3A_114 = vector.broadcast %eq3A : i32 to vector<16xi32>
        %eq3A_115 = arith.cmpi eq, %iota3A_71, %eq3A_114 : vector<16xi32>
        %jit3A_116 = arith.constant 0.000000e+00 : f32
        %broadcast_in_dim3A_117 = vector.broadcast %jit3A_116 : f32 to vector<16xf32>
        %select_n3A_118 = arith.select %eq3A_115, %exp3A, %broadcast_in_dim3A_117 : vector<16xi1>, vector<16xf32>
        %add3A_119 = arith.addf %broadcast_in_dim3A_82, %select_n3A_118 : vector<16xf32>
        %get3A_120 = arith.index_cast %scan3A_80 : i32 to index
        %get3A_121 = arith.constant 32 : index
        %get3A_122 = tpu.vector_load %arg17[%get3A_120, %get3A_121] {strides = array<i32>} : memref<32x128xf32, #tpu.memory_space<vmem>>, vector<16xf32>,
        %get3A_123 = arith.index_cast %scan3A_80 : i32 to index
        %get3A_124 = arith.constant 32 : index
        %get3A_125 = tpu.vector_load %arg18[%get3A_123, %get3A_124] {strides = array<i32>} : memref<32x128xf32, #tpu.memory_space<vmem>>, vector<16xf32>,
        %mul3A_126 = arith.mulf %get3A_122, %get3A_125 : vector<16xf32>
        %get3A_127 = arith.index_cast %scan3A_80 : i32 to index
        %get3A_128 = arith.constant 48 : index
        %get3A_129 = tpu.vector_load %arg17[%get3A_127, %get3A_128] {strides = array<i32>} : memref<32x128xf32, #tpu.memory_space<vmem>>, vector<16xf32>,
        %get3A_130 = arith.index_cast %scan3A_80 : i32 to index
        %get3A_131 = arith.constant 48 : index
        %get3A_132 = tpu.vector_load %arg18[%get3A_130, %get3A_131] {strides = array<i32>} : memref<32x128xf32, #tpu.memory_space<vmem>>, vector<16xf32>,
        %mul3A_133 = arith.mulf %get3A_129, %get3A_132 : vector<16xf32>
        %add3A_134 = arith.addf %mul3A_126, %mul3A_133 : vector<16xf32>
        %reduce_sum3A_135 = arith.constant true
        %reduce_sum3A_136 = vector.broadcast %reduce_sum3A_135 : i1 to vector<16xi1>
        %reduce_sum3A_137 = tpu.scan <sum>, %add3A_134 masked %reduce_sum3A_136 : vector<16xf32>, vector<16xi1> -> vector<16xf32>
        %reduce_sum3A_138 = vector.extract %reduce_sum3A_137[15] : f32 from vector<16xf32>
        %broadcast_in_dim3A_139 = vector.broadcast %reduce_sum3A_138 : f32 to vector<16xf32>
        %exp3A_140 = math.exp %broadcast_in_dim3A_139 : vector<16xf32>
        %get3A_141 = arith.index_cast %scan3A_80 : i32 to index
        %get3A_142 = arith.constant 32 : index
        %get3A_143 = tpu.vector_load %arg19[%get3A_141, %get3A_142] {strides = array<i32>} : memref<32x128xf32, #tpu.memory_space<vmem>>, vector<16xf32>,
        %mul3A_144 = arith.mulf %get3A_143, %exp3A_140 : vector<16xf32>
        %swap3A_145 = arith.index_cast %scan3A_80 : i32 to index
        %swap3A_146 = arith.constant 32 : index
        %swap3A_147 = tpu.vector_load %arg17[%swap3A_145, %swap3A_146] {strides = array<i32>} : memref<32x128xf32, #tpu.memory_space<vmem>>, vector<16xf32>,
        tpu.vector_store %arg17[%swap3A_145, %swap3A_146], %mul3A_144 {strides = array<i32>} : memref<32x128xf32, #tpu.memory_space<vmem>>, vector<16xf32>,
        %get3A_148 = arith.index_cast %scan3A_80 : i32 to index
        %get3A_149 = arith.constant 48 : index
        %get3A_150 = tpu.vector_load %arg19[%get3A_148, %get3A_149] {strides = array<i32>} : memref<32x128xf32, #tpu.memory_space<vmem>>, vector<16xf32>,
        %mul3A_151 = arith.mulf %get3A_150, %exp3A_140 : vector<16xf32>
        %swap3A_152 = arith.index_cast %scan3A_80 : i32 to index
        %swap3A_153 = arith.constant 48 : index
        %swap3A_154 = tpu.vector_load %arg17[%swap3A_152, %swap3A_153] {strides = array<i32>} : memref<32x128xf32, #tpu.memory_space<vmem>>, vector<16xf32>,
        tpu.vector_store %arg17[%swap3A_152, %swap3A_153], %mul3A_151 {strides = array<i32>} : memref<32x128xf32, #tpu.memory_space<vmem>>, vector<16xf32>,
        %eq3A_155 = arith.constant 1 : i32
        %eq3A_156 = vector.broadcast %eq3A_155 : i32 to vector<16xi32>
        %eq3A_157 = arith.cmpi eq, %iota3A_71, %eq3A_156 : vector<16xi32>
        %jit3A_158 = arith.constant 0.000000e+00 : f32
        %broadcast_in_dim3A_159 = vector.broadcast %jit3A_158 : f32 to vector<16xf32>
        %select_n3A_160 = arith.select %eq3A_157, %exp3A_140, %broadcast_in_dim3A_159 : vector<16xi1>, vector<16xf32>
        %add3A_161 = arith.addf %add3A_119, %select_n3A_160 : vector<16xf32>
        %get3A_162 = arith.index_cast %scan3A_80 : i32 to index
        %get3A_163 = arith.constant 64 : index
        %get3A_164 = tpu.vector_load %arg17[%get3A_162, %get3A_163] {strides = array<i32>} : memref<32x128xf32, #tpu.memory_space<vmem>>, vector<16xf32>,
        %get3A_165 = arith.index_cast %scan3A_80 : i32 to index
        %get3A_166 = arith.constant 64 : index
        %get3A_167 = tpu.vector_load %arg18[%get3A_165, %get3A_166] {strides = array<i32>} : memref<32x128xf32, #tpu.memory_space<vmem>>, vector<16xf32>,
        %mul3A_168 = arith.mulf %get3A_164, %get3A_167 : vector<16xf32>
        %get3A_169 = arith.index_cast %scan3A_80 : i32 to index
        %get3A_170 = arith.constant 80 : index
        %get3A_171 = tpu.vector_load %arg17[%get3A_169, %get3A_170] {strides = array<i32>} : memref<32x128xf32, #tpu.memory_space<vmem>>, vector<16xf32>,
        %get3A_172 = arith.index_cast %scan3A_80 : i32 to index
        %get3A_173 = arith.constant 80 : index
        %get3A_174 = tpu.vector_load %arg18[%get3A_172, %get3A_173] {strides = array<i32>} : memref<32x128xf32, #tpu.memory_space<vmem>>, vector<16xf32>,
        %mul3A_175 = arith.mulf %get3A_171, %get3A_174 : vector<16xf32>
        %add3A_176 = arith.addf %mul3A_168, %mul3A_175 : vector<16xf32>
        %reduce_sum3A_177 = arith.constant true
        %reduce_sum3A_178 = vector.broadcast %reduce_sum3A_177 : i1 to vector<16xi1>
        %reduce_sum3A_179 = tpu.scan <sum>, %add3A_176 masked %reduce_sum3A_178 : vector<16xf32>, vector<16xi1> -> vector<16xf32>
        %reduce_sum3A_180 = vector.extract %reduce_sum3A_179[15] : f32 from vector<16xf32>
        %broadcast_in_dim3A_181 = vector.broadcast %reduce_sum3A_180 : f32 to vector<16xf32>
        %exp3A_182 = math.exp %broadcast_in_dim3A_181 : vector<16xf32>
        %get3A_183 = arith.index_cast %scan3A_80 : i32 to index
        %get3A_184 = arith.constant 64 : index
        %get3A_185 = tpu.vector_load %arg19[%get3A_183, %get3A_184] {strides = array<i32>} : memref<32x128xf32, #tpu.memory_space<vmem>>, vector<16xf32>,
        %mul3A_186 = arith.mulf %get3A_185, %exp3A_182 : vector<16xf32>
        %swap3A_187 = arith.index_cast %scan3A_80 : i32 to index
        %swap3A_188 = arith.constant 64 : index
        %swap3A_189 = tpu.vector_load %arg17[%swap3A_187, %swap3A_188] {strides = array<i32>} : memref<32x128xf32, #tpu.memory_space<vmem>>, vector<16xf32>,
        tpu.vector_store %arg17[%swap3A_187, %swap3A_188], %mul3A_186 {strides = array<i32>} : memref<32x128xf32, #tpu.memory_space<vmem>>, vector<16xf32>,
        %get3A_190 = arith.index_cast %scan3A_80 : i32 to index
        %get3A_191 = arith.constant 80 : index
        %get3A_192 = tpu.vector_load %arg19[%get3A_190, %get3A_191] {strides = array<i32>} : memref<32x128xf32, #tpu.memory_space<vmem>>, vector<16xf32>,
        %mul3A_193 = arith.mulf %get3A_192, %exp3A_182 : vector<16xf32>
        %swap3A_194 = arith.index_cast %scan3A_80 : i32 to index
        %swap3A_195 = arith.constant 80 : index
        %swap3A_196 = tpu.vector_load %arg17[%swap3A_194, %swap3A_195] {strides = array<i32>} : memref<32x128xf32, #tpu.memory_space<vmem>>, vector<16xf32>,
        tpu.vector_store %arg17[%swap3A_194, %swap3A_195], %mul3A_193 {strides = array<i32>} : memref<32x128xf32, #tpu.memory_space<vmem>>, vector<16xf32>,
        %eq3A_197 = arith.constant 2 : i32
        %eq3A_198 = vector.broadcast %eq3A_197 : i32 to vector<16xi32>
        %eq3A_199 = arith.cmpi eq, %iota3A_71, %eq3A_198 : vector<16xi32>
        %jit3A_200 = arith.constant 0.000000e+00 : f32
        %broadcast_in_dim3A_201 = vector.broadcast %jit3A_200 : f32 to vector<16xf32>
        %select_n3A_202 = arith.select %eq3A_199, %exp3A_182, %broadcast_in_dim3A_201 : vector<16xi1>, vector<16xf32>
        %add3A_203 = arith.addf %add3A_161, %select_n3A_202 : vector<16xf32>
        %get3A_204 = arith.index_cast %scan3A_80 : i32 to index
        %get3A_205 = arith.constant 96 : index
        %get3A_206 = tpu.vector_load %arg17[%get3A_204, %get3A_205] {strides = array<i32>} : memref<32x128xf32, #tpu.memory_space<vmem>>, vector<16xf32>,
        %get3A_207 = arith.index_cast %scan3A_80 : i32 to index
        %get3A_208 = arith.constant 96 : index
        %get3A_209 = tpu.vector_load %arg18[%get3A_207, %get3A_208] {strides = array<i32>} : memref<32x128xf32, #tpu.memory_space<vmem>>, vector<16xf32>,
        %mul3A_210 = arith.mulf %get3A_206, %get3A_209 : vector<16xf32>
        %get3A_211 = arith.index_cast %scan3A_80 : i32 to index
        %get3A_212 = arith.constant 112 : index
        %get3A_213 = tpu.vector_load %arg17[%get3A_211, %get3A_212] {strides = array<i32>} : memref<32x128xf32, #tpu.memory_space<vmem>>, vector<16xf32>,
        %get3A_214 = arith.index_cast %scan3A_80 : i32 to index
        %get3A_215 = arith.constant 112 : index
        %get3A_216 = tpu.vector_load %arg18[%get3A_214, %get3A_215] {strides = array<i32>} : memref<32x128xf32, #tpu.memory_space<vmem>>, vector<16xf32>,
        %mul3A_217 = arith.mulf %get3A_213, %get3A_216 : vector<16xf32>
        %add3A_218 = arith.addf %mul3A_210, %mul3A_217 : vector<16xf32>
        %reduce_sum3A_219 = arith.constant true
        %reduce_sum3A_220 = vector.broadcast %reduce_sum3A_219 : i1 to vector<16xi1>
        %reduce_sum3A_221 = tpu.scan <sum>, %add3A_218 masked %reduce_sum3A_220 : vector<16xf32>, vector<16xi1> -> vector<16xf32>
        %reduce_sum3A_222 = vector.extract %reduce_sum3A_221[15] : f32 from vector<16xf32>
        %broadcast_in_dim3A_223 = vector.broadcast %reduce_sum3A_222 : f32 to vector<16xf32>
        %exp3A_224 = math.exp %broadcast_in_dim3A_223 : vector<16xf32>
        %get3A_225 = arith.index_cast %scan3A_80 : i32 to index
        %get3A_226 = arith.constant 96 : index
        %get3A_227 = tpu.vector_load %arg19[%get3A_225, %get3A_226] {strides = array<i32>} : memref<32x128xf32, #tpu.memory_space<vmem>>, vector<16xf32>,
        %mul3A_228 = arith.mulf %get3A_227, %exp3A_224 : vector<16xf32>
        %swap3A_229 = arith.index_cast %scan3A_80 : i32 to index
        %swap3A_230 = arith.constant 96 : index
        %swap3A_231 = tpu.vector_load %arg17[%swap3A_229, %swap3A_230] {strides = array<i32>} : memref<32x128xf32, #tpu.memory_space<vmem>>, vector<16xf32>,
        tpu.vector_store %arg17[%swap3A_229, %swap3A_230], %mul3A_228 {strides = array<i32>} : memref<32x128xf32, #tpu.memory_space<vmem>>, vector<16xf32>,
        %get3A_232 = arith.index_cast %scan3A_80 : i32 to index
        %get3A_233 = arith.constant 112 : index
        %get3A_234 = tpu.vector_load %arg19[%get3A_232, %get3A_233] {strides = array<i32>} : memref<32x128xf32, #tpu.memory_space<vmem>>, vector<16xf32>,
        %mul3A_235 = arith.mulf %get3A_234, %exp3A_224 : vector<16xf32>
        %swap3A_236 = arith.index_cast %scan3A_80 : i32 to index
        %swap3A_237 = arith.constant 112 : index
        %swap3A_238 = tpu.vector_load %arg17[%swap3A_236, %swap3A_237] {strides = array<i32>} : memref<32x128xf32, #tpu.memory_space<vmem>>, vector<16xf32>,
        tpu.vector_store %arg17[%swap3A_236, %swap3A_237], %mul3A_235 {strides = array<i32>} : memref<32x128xf32, #tpu.memory_space<vmem>>, vector<16xf32>,
        %eq3A_239 = arith.constant 3 : i32
        %eq3A_240 = vector.broadcast %eq3A_239 : i32 to vector<16xi32>
        %eq3A_241 = arith.cmpi eq, %iota3A_71, %eq3A_240 : vector<16xi32>
        %jit3A_242 = arith.constant 0.000000e+00 : f32
        %broadcast_in_dim3A_243 = vector.broadcast %jit3A_242 : f32 to vector<16xf32>
        %select_n3A_244 = arith.select %eq3A_241, %exp3A_224, %broadcast_in_dim3A_243 : vector<16xi1>, vector<16xf32>
        %add3A_245 = arith.addf %add3A_203, %select_n3A_244 : vector<16xf32>
        %swap3A_246 = arith.index_cast %scan3A_80 : i32 to index
        %swap3A_247 = arith.constant 0 : index
        %swap3A_248 = tpu.vector_load %arg20[%swap3A_246, %swap3A_247] {strides = array<i32>} : memref<32x16xf32, #tpu.memory_space<vmem>>, vector<16xf32>,
        tpu.vector_store %arg20[%swap3A_246, %swap3A_247], %add3A_245 {strides = array<i32>} : memref<32x16xf32, #tpu.memory_space<vmem>>, vector<16xf32>,
        %scan3A_249 = arith.constant 0 : i32
        scf.yield %scan3A_249 : i32
      }
      %scan3A_78 = arith.constant 32 : i32
      "tpu.region"() ({
        %run_scoped3A = tpu.sem_alloc : memref<!tpu.dma_semaphore, #tpu.memory_space<semaphore_mem>>
        %dma_start3A_80 = arith.constant 0 : i32
        %dma_start3A_81 = arith.constant 0 : i32
        %dma_start3A_82 = tpu.memref_slice %arg12[%dma_start3A_80, %dma_start3A_81] : memref<10240x128xf32, #tpu.memory_space<vmem_shared>> -> memref<10240x128xf32, #tpu.memory_space<vmem_shared>>
        tpu.enqueue_indirect_dma source(%arg17 : memref<32x128xf32, #tpu.memory_space<vmem>>) target(%dma_start3A_82 : memref<10240x128xf32, #tpu.memory_space<vmem_shared>>) offsets(%arg15 : memref<32xi32, #tpu.memory_space<vmem>>) semaphore(%run_scoped3A : memref<!tpu.dma_semaphore, #tpu.memory_space<semaphore_mem>>) {add = true}
        %dma_wait3A_83 = arith.constant 0 : i32
        %dma_wait3A_84 = arith.constant 0 : i32
        %dma_wait3A_85 = tpu.memref_slice %arg12[%dma_wait3A_83, %dma_wait3A_84] : memref<10240x128xf32, #tpu.memory_space<vmem_shared>> -> memref<10240x128xf32, #tpu.memory_space<vmem_shared>>
        tpu.wait_indirect_dma semaphore(%run_scoped3A : memref<!tpu.dma_semaphore, #tpu.memory_space<semaphore_mem>>) src(%arg17 : memref<32x128xf32, #tpu.memory_space<vmem>>) dst(%dma_wait3A_85 : memref<10240x128xf32, #tpu.memory_space<vmem_shared>>)
        tpu.yield
      }) : () -> ()
      "tpu.region"() ({
        %run_scoped3A = tpu.sem_alloc : memref<!tpu.dma_semaphore, #tpu.memory_space<semaphore_mem>>
        %dma_start3A_80 = arith.constant 0 : i32
        %dma_start3A_81 = arith.constant 0 : i32
        %dma_start3A_82 = tpu.memref_slice %arg13[%dma_start3A_80, %dma_start3A_81] : memref<10240x16xf32, #tpu.memory_space<vmem_shared>> -> memref<10240x16xf32, #tpu.memory_space<vmem_shared>>
        tpu.enqueue_indirect_dma source(%arg20 : memref<32x16xf32, #tpu.memory_space<vmem>>) target(%dma_start3A_82 : memref<10240x16xf32, #tpu.memory_space<vmem_shared>>) offsets(%arg15 : memref<32xi32, #tpu.memory_space<vmem>>) semaphore(%run_scoped3A : memref<!tpu.dma_semaphore, #tpu.memory_space<semaphore_mem>>) {add = true}
        %dma_wait3A_83 = arith.constant 0 : i32
        %dma_wait3A_84 = arith.constant 0 : i32
        %dma_wait3A_85 = tpu.memref_slice %arg13[%dma_wait3A_83, %dma_wait3A_84] : memref<10240x16xf32, #tpu.memory_space<vmem_shared>> -> memref<10240x16xf32, #tpu.memory_space<vmem_shared>>
        tpu.wait_indirect_dma semaphore(%run_scoped3A : memref<!tpu.dma_semaphore, #tpu.memory_space<semaphore_mem>>) src(%arg20 : memref<32x16xf32, #tpu.memory_space<vmem>>) dst(%dma_wait3A_85 : memref<10240x16xf32, #tpu.memory_space<vmem_shared>>)
        tpu.yield
      }) : () -> ()
      %while3A_79 = arith.constant 0 : i32
      scf.yield %while3A_79 : i32
    }
    %while3A_38 = arith.constant 1 : i32
    %while3A_39 = scf.for %while3A_48 = %while3A_35 to %while3A_31 step %while3A_38 iter_args(%while3A_49 = %while3A_37) -> (i32)  : i32 {
      %mul3A_50 = arith.constant 32 : i32
      %mul3A_51 = arith.muli %while3A_48, %mul3A_50 : i32
      %add3A_52 = arith.addi %add3A, %mul3A_51 : i32
      %mul3A_53 = arith.constant 32 : i32
      %mul3A_54 = arith.muli %add3A_52, %mul3A_53 : i32
      "tpu.region"() ({
        %run_scoped3A = tpu.sem_alloc : memref<!tpu.dma_semaphore, #tpu.memory_space<semaphore_mem>>
        %dma_start3A_80 = tpu.memref_slice %arg5[%mul3A_54] : memref<160000xi32, #tpu.memory_space<hbm>> -> memref<32xi32, #tpu.memory_space<hbm>>
        %dma_start3A_81 = tpu.memref_slice %arg5[%mul3A_54] : memref<160000xi32, #tpu.memory_space<hbm>> -> memref<32xi32, #tpu.memory_space<hbm>>
        tpu.enqueue_dma source(%dma_start3A_81 : memref<32xi32, #tpu.memory_space<hbm>>) target(%arg14 : memref<32xi32, #tpu.memory_space<vmem>>) target_semaphore(%run_scoped3A : memref<!tpu.dma_semaphore, #tpu.memory_space<semaphore_mem>>)
        %dma_wait3A_82 = tpu.memref_slice %arg5[%mul3A_54] : memref<160000xi32, #tpu.memory_space<hbm>> -> memref<32xi32, #tpu.memory_space<hbm>>
        %dma_wait3A_83 = tpu.memref_slice %arg5[%mul3A_54] : memref<160000xi32, #tpu.memory_space<hbm>> -> memref<32xi32, #tpu.memory_space<hbm>>
        tpu.wait_dma2 semaphore(%run_scoped3A : memref<!tpu.dma_semaphore, #tpu.memory_space<semaphore_mem>>) src(%dma_wait3A_83 : memref<32xi32, #tpu.memory_space<hbm>>) dst(%arg14 : memref<32xi32, #tpu.memory_space<vmem>>)
        tpu.yield
      }) : () -> ()
      "tpu.region"() ({
        %run_scoped3A = tpu.sem_alloc : memref<!tpu.dma_semaphore, #tpu.memory_space<semaphore_mem>>
        %dma_start3A_80 = tpu.memref_slice %arg6[%mul3A_54] : memref<160000xi32, #tpu.memory_space<hbm>> -> memref<32xi32, #tpu.memory_space<hbm>>
        %dma_start3A_81 = tpu.memref_slice %arg6[%mul3A_54] : memref<160000xi32, #tpu.memory_space<hbm>> -> memref<32xi32, #tpu.memory_space<hbm>>
        tpu.enqueue_dma source(%dma_start3A_81 : memref<32xi32, #tpu.memory_space<hbm>>) target(%arg15 : memref<32xi32, #tpu.memory_space<vmem>>) target_semaphore(%run_scoped3A : memref<!tpu.dma_semaphore, #tpu.memory_space<semaphore_mem>>)
        %dma_wait3A_82 = tpu.memref_slice %arg6[%mul3A_54] : memref<160000xi32, #tpu.memory_space<hbm>> -> memref<32xi32, #tpu.memory_space<hbm>>
        %dma_wait3A_83 = tpu.memref_slice %arg6[%mul3A_54] : memref<160000xi32, #tpu.memory_space<hbm>> -> memref<32xi32, #tpu.memory_space<hbm>>
        tpu.wait_dma2 semaphore(%run_scoped3A : memref<!tpu.dma_semaphore, #tpu.memory_space<semaphore_mem>>) src(%dma_wait3A_83 : memref<32xi32, #tpu.memory_space<hbm>>) dst(%arg15 : memref<32xi32, #tpu.memory_space<vmem>>)
        tpu.yield
      }) : () -> ()
      %dma_start3A = arith.constant 0 : i32
      %dma_start3A_55 = arith.constant 0 : i32
      %dma_start3A_56 = tpu.memref_slice %arg2[%dma_start3A, %dma_start3A_55] : memref<10240x128xf32, #tpu.memory_space<hbm>> -> memref<10240x128xf32, #tpu.memory_space<hbm>>
      tpu.enqueue_indirect_dma source(%dma_start3A_56 : memref<10240x128xf32, #tpu.memory_space<hbm>>) target(%arg17 : memref<32x128xf32, #tpu.memory_space<vmem>>) offsets(%arg15 : memref<32xi32, #tpu.memory_space<vmem>>) semaphore(%arg21 : memref<!tpu.dma_semaphore, #tpu.memory_space<semaphore_mem>>)
      %dma_start3A_57 = arith.constant 0 : i32
      %dma_start3A_58 = arith.constant 0 : i32
      %dma_start3A_59 = tpu.memref_slice %arg3[%dma_start3A_57, %dma_start3A_58] : memref<10240x128xf32, #tpu.memory_space<hbm>> -> memref<10240x128xf32, #tpu.memory_space<hbm>>
      tpu.enqueue_indirect_dma source(%dma_start3A_59 : memref<10240x128xf32, #tpu.memory_space<hbm>>) target(%arg18 : memref<32x128xf32, #tpu.memory_space<vmem>>) offsets(%arg14 : memref<32xi32, #tpu.memory_space<vmem>>) semaphore(%arg21 : memref<!tpu.dma_semaphore, #tpu.memory_space<semaphore_mem>>)
      %dma_start3A_60 = arith.constant 0 : i32
      %dma_start3A_61 = arith.constant 0 : i32
      %dma_start3A_62 = tpu.memref_slice %arg4[%dma_start3A_60, %dma_start3A_61] : memref<10240x128xf32, #tpu.memory_space<hbm>> -> memref<10240x128xf32, #tpu.memory_space<hbm>>
      tpu.enqueue_indirect_dma source(%dma_start3A_62 : memref<10240x128xf32, #tpu.memory_space<hbm>>) target(%arg19 : memref<32x128xf32, #tpu.memory_space<vmem>>) offsets(%arg14 : memref<32xi32, #tpu.memory_space<vmem>>) semaphore(%arg21 : memref<!tpu.dma_semaphore, #tpu.memory_space<semaphore_mem>>)
      %dma_wait3A = arith.constant 0 : i32
      %dma_wait3A_63 = arith.constant 0 : i32
      %dma_wait3A_64 = tpu.memref_slice %arg2[%dma_wait3A, %dma_wait3A_63] : memref<10240x128xf32, #tpu.memory_space<hbm>> -> memref<10240x128xf32, #tpu.memory_space<hbm>>
      tpu.wait_indirect_dma semaphore(%arg21 : memref<!tpu.dma_semaphore, #tpu.memory_space<semaphore_mem>>) src(%dma_wait3A_64 : memref<10240x128xf32, #tpu.memory_space<hbm>>) dst(%arg17 : memref<32x128xf32, #tpu.memory_space<vmem>>)
      %dma_wait3A_65 = arith.constant 0 : i32
      %dma_wait3A_66 = arith.constant 0 : i32
      %dma_wait3A_67 = tpu.memref_slice %arg3[%dma_wait3A_65, %dma_wait3A_66] : memref<10240x128xf32, #tpu.memory_space<hbm>> -> memref<10240x128xf32, #tpu.memory_space<hbm>>
      tpu.wait_indirect_dma semaphore(%arg21 : memref<!tpu.dma_semaphore, #tpu.memory_space<semaphore_mem>>) src(%dma_wait3A_67 : memref<10240x128xf32, #tpu.memory_space<hbm>>) dst(%arg18 : memref<32x128xf32, #tpu.memory_space<vmem>>)
      %dma_wait3A_68 = arith.constant 0 : i32
      %dma_wait3A_69 = arith.constant 0 : i32
      %dma_wait3A_70 = tpu.memref_slice %arg4[%dma_wait3A_68, %dma_wait3A_69] : memref<10240x128xf32, #tpu.memory_space<hbm>> -> memref<10240x128xf32, #tpu.memory_space<hbm>>
      tpu.wait_indirect_dma semaphore(%arg21 : memref<!tpu.dma_semaphore, #tpu.memory_space<semaphore_mem>>) src(%dma_wait3A_70 : memref<10240x128xf32, #tpu.memory_space<hbm>>) dst(%arg19 : memref<32x128xf32, #tpu.memory_space<vmem>>)
      %iota3A_71 = tpu.iota {dimensions = array<i32: 0>} : vector<16xi32>
      %scan3A_72 = arith.constant 0 : i32
      %scan3A_73 = arith.constant 0 : i32
      %scan3A_74 = arith.constant 32 : i32
      %scan3A_75 = arith.addi %scan3A_73, %scan3A_74 : i32
      %scan3A_76 = arith.constant 1 : i32
      %scan3A_77 = scf.for %scan3A_80 = %scan3A_73 to %scan3A_75 step %scan3A_76 iter_args(%scan3A_81 = %scan3A_72) -> (i32)  : i32 {
        %broadcast_in_dim3A = arith.constant 0.000000e+00 : f32
        %broadcast_in_dim3A_82 = vector.broadcast %broadcast_in_dim3A : f32 to vector<16xf32>
        %get3A = arith.index_cast %scan3A_80 : i32 to index
        %get3A_83 = arith.constant 0 : index
        %get3A_84 = tpu.vector_load %arg17[%get3A, %get3A_83] {strides = array<i32>} : memref<32x128xf32, #tpu.memory_space<vmem>>, vector<16xf32>,
        %get3A_85 = arith.index_cast %scan3A_80 : i32 to index
        %get3A_86 = arith.constant 0 : index
        %get3A_87 = tpu.vector_load %arg18[%get3A_85, %get3A_86] {strides = array<i32>} : memref<32x128xf32, #tpu.memory_space<vmem>>, vector<16xf32>,
        %mul3A_88 = arith.mulf %get3A_84, %get3A_87 : vector<16xf32>
        %get3A_89 = arith.index_cast %scan3A_80 : i32 to index
        %get3A_90 = arith.constant 16 : index
        %get3A_91 = tpu.vector_load %arg17[%get3A_89, %get3A_90] {strides = array<i32>} : memref<32x128xf32, #tpu.memory_space<vmem>>, vector<16xf32>,
        %get3A_92 = arith.index_cast %scan3A_80 : i32 to index
        %get3A_93 = arith.constant 16 : index
        %get3A_94 = tpu.vector_load %arg18[%get3A_92, %get3A_93] {strides = array<i32>} : memref<32x128xf32, #tpu.memory_space<vmem>>, vector<16xf32>,
        %mul3A_95 = arith.mulf %get3A_91, %get3A_94 : vector<16xf32>
        %add3A_96 = arith.addf %mul3A_88, %mul3A_95 : vector<16xf32>
        %reduce_sum3A = arith.constant true
        %reduce_sum3A_97 = vector.broadcast %reduce_sum3A : i1 to vector<16xi1>
        %reduce_sum3A_98 = tpu.scan <sum>, %add3A_96 masked %reduce_sum3A_97 : vector<16xf32>, vector<16xi1> -> vector<16xf32>
        %reduce_sum3A_99 = vector.extract %reduce_sum3A_98[15] : f32 from vector<16xf32>
        %broadcast_in_dim3A_100 = vector.broadcast %reduce_sum3A_99 : f32 to vector<16xf32>
        %exp3A = math.exp %broadcast_in_dim3A_100 : vector<16xf32>
        %get3A_101 = arith.index_cast %scan3A_80 : i32 to index
        %get3A_102 = arith.constant 0 : index
        %get3A_103 = tpu.vector_load %arg19[%get3A_101, %get3A_102] {strides = array<i32>} : memref<32x128xf32, #tpu.memory_space<vmem>>, vector<16xf32>,
        %mul3A_104 = arith.mulf %get3A_103, %exp3A : vector<16xf32>
        %swap3A = arith.index_cast %scan3A_80 : i32 to index
        %swap3A_105 = arith.constant 0 : index
        %swap3A_106 = tpu.vector_load %arg17[%swap3A, %swap3A_105] {strides = array<i32>} : memref<32x128xf32, #tpu.memory_space<vmem>>, vector<16xf32>,
        tpu.vector_store %arg17[%swap3A, %swap3A_105], %mul3A_104 {strides = array<i32>} : memref<32x128xf32, #tpu.memory_space<vmem>>, vector<16xf32>,
        %get3A_107 = arith.index_cast %scan3A_80 : i32 to index
        %get3A_108 = arith.constant 16 : index
        %get3A_109 = tpu.vector_load %arg19[%get3A_107, %get3A_108] {strides = array<i32>} : memref<32x128xf32, #tpu.memory_space<vmem>>, vector<16xf32>,
        %mul3A_110 = arith.mulf %get3A_109, %exp3A : vector<16xf32>
        %swap3A_111 = arith.index_cast %scan3A_80 : i32 to index
        %swap3A_112 = arith.constant 16 : index
        %swap3A_113 = tpu.vector_load %arg17[%swap3A_111, %swap3A_112] {strides = array<i32>} : memref<32x128xf32, #tpu.memory_space<vmem>>, vector<16xf32>,
        tpu.vector_store %arg17[%swap3A_111, %swap3A_112], %mul3A_110 {strides = array<i32>} : memref<32x128xf32, #tpu.memory_space<vmem>>, vector<16xf32>,
        %eq3A = arith.constant 0 : i32
        %eq3A_114 = vector.broadcast %eq3A : i32 to vector<16xi32>
        %eq3A_115 = arith.cmpi eq, %iota3A_71, %eq3A_114 : vector<16xi32>
        %jit3A_116 = arith.constant 0.000000e+00 : f32
        %broadcast_in_dim3A_117 = vector.broadcast %jit3A_116 : f32 to vector<16xf32>
        %select_n3A_118 = arith.select %eq3A_115, %exp3A, %broadcast_in_dim3A_117 : vector<16xi1>, vector<16xf32>
        %add3A_119 = arith.addf %broadcast_in_dim3A_82, %select_n3A_118 : vector<16xf32>
        %get3A_120 = arith.index_cast %scan3A_80 : i32 to index
        %get3A_121 = arith.constant 32 : index
        %get3A_122 = tpu.vector_load %arg17[%get3A_120, %get3A_121] {strides = array<i32>} : memref<32x128xf32, #tpu.memory_space<vmem>>, vector<16xf32>,
        %get3A_123 = arith.index_cast %scan3A_80 : i32 to index
        %get3A_124 = arith.constant 32 : index
        %get3A_125 = tpu.vector_load %arg18[%get3A_123, %get3A_124] {strides = array<i32>} : memref<32x128xf32, #tpu.memory_space<vmem>>, vector<16xf32>,
        %mul3A_126 = arith.mulf %get3A_122, %get3A_125 : vector<16xf32>
        %get3A_127 = arith.index_cast %scan3A_80 : i32 to index
        %get3A_128 = arith.constant 48 : index
        %get3A_129 = tpu.vector_load %arg17[%get3A_127, %get3A_128] {strides = array<i32>} : memref<32x128xf32, #tpu.memory_space<vmem>>, vector<16xf32>,
        %get3A_130 = arith.index_cast %scan3A_80 : i32 to index
        %get3A_131 = arith.constant 48 : index
        %get3A_132 = tpu.vector_load %arg18[%get3A_130, %get3A_131] {strides = array<i32>} : memref<32x128xf32, #tpu.memory_space<vmem>>, vector<16xf32>,
        %mul3A_133 = arith.mulf %get3A_129, %get3A_132 : vector<16xf32>
        %add3A_134 = arith.addf %mul3A_126, %mul3A_133 : vector<16xf32>
        %reduce_sum3A_135 = arith.constant true
        %reduce_sum3A_136 = vector.broadcast %reduce_sum3A_135 : i1 to vector<16xi1>
        %reduce_sum3A_137 = tpu.scan <sum>, %add3A_134 masked %reduce_sum3A_136 : vector<16xf32>, vector<16xi1> -> vector<16xf32>
        %reduce_sum3A_138 = vector.extract %reduce_sum3A_137[15] : f32 from vector<16xf32>
        %broadcast_in_dim3A_139 = vector.broadcast %reduce_sum3A_138 : f32 to vector<16xf32>
        %exp3A_140 = math.exp %broadcast_in_dim3A_139 : vector<16xf32>
        %get3A_141 = arith.index_cast %scan3A_80 : i32 to index
        %get3A_142 = arith.constant 32 : index
        %get3A_143 = tpu.vector_load %arg19[%get3A_141, %get3A_142] {strides = array<i32>} : memref<32x128xf32, #tpu.memory_space<vmem>>, vector<16xf32>,
        %mul3A_144 = arith.mulf %get3A_143, %exp3A_140 : vector<16xf32>
        %swap3A_145 = arith.index_cast %scan3A_80 : i32 to index
        %swap3A_146 = arith.constant 32 : index
        %swap3A_147 = tpu.vector_load %arg17[%swap3A_145, %swap3A_146] {strides = array<i32>} : memref<32x128xf32, #tpu.memory_space<vmem>>, vector<16xf32>,
        tpu.vector_store %arg17[%swap3A_145, %swap3A_146], %mul3A_144 {strides = array<i32>} : memref<32x128xf32, #tpu.memory_space<vmem>>, vector<16xf32>,
        %get3A_148 = arith.index_cast %scan3A_80 : i32 to index
        %get3A_149 = arith.constant 48 : index
        %get3A_150 = tpu.vector_load %arg19[%get3A_148, %get3A_149] {strides = array<i32>} : memref<32x128xf32, #tpu.memory_space<vmem>>, vector<16xf32>,
        %mul3A_151 = arith.mulf %get3A_150, %exp3A_140 : vector<16xf32>
        %swap3A_152 = arith.index_cast %scan3A_80 : i32 to index
        %swap3A_153 = arith.constant 48 : index
        %swap3A_154 = tpu.vector_load %arg17[%swap3A_152, %swap3A_153] {strides = array<i32>} : memref<32x128xf32, #tpu.memory_space<vmem>>, vector<16xf32>,
        tpu.vector_store %arg17[%swap3A_152, %swap3A_153], %mul3A_151 {strides = array<i32>} : memref<32x128xf32, #tpu.memory_space<vmem>>, vector<16xf32>,
        %eq3A_155 = arith.constant 1 : i32
        %eq3A_156 = vector.broadcast %eq3A_155 : i32 to vector<16xi32>
        %eq3A_157 = arith.cmpi eq, %iota3A_71, %eq3A_156 : vector<16xi32>
        %jit3A_158 = arith.constant 0.000000e+00 : f32
        %broadcast_in_dim3A_159 = vector.broadcast %jit3A_158 : f32 to vector<16xf32>
        %select_n3A_160 = arith.select %eq3A_157, %exp3A_140, %broadcast_in_dim3A_159 : vector<16xi1>, vector<16xf32>
        %add3A_161 = arith.addf %add3A_119, %select_n3A_160 : vector<16xf32>
        %get3A_162 = arith.index_cast %scan3A_80 : i32 to index
        %get3A_163 = arith.constant 64 : index
        %get3A_164 = tpu.vector_load %arg17[%get3A_162, %get3A_163] {strides = array<i32>} : memref<32x128xf32, #tpu.memory_space<vmem>>, vector<16xf32>,
        %get3A_165 = arith.index_cast %scan3A_80 : i32 to index
        %get3A_166 = arith.constant 64 : index
        %get3A_167 = tpu.vector_load %arg18[%get3A_165, %get3A_166] {strides = array<i32>} : memref<32x128xf32, #tpu.memory_space<vmem>>, vector<16xf32>,
        %mul3A_168 = arith.mulf %get3A_164, %get3A_167 : vector<16xf32>
        %get3A_169 = arith.index_cast %scan3A_80 : i32 to index
        %get3A_170 = arith.constant 80 : index
        %get3A_171 = tpu.vector_load %arg17[%get3A_169, %get3A_170] {strides = array<i32>} : memref<32x128xf32, #tpu.memory_space<vmem>>, vector<16xf32>,
        %get3A_172 = arith.index_cast %scan3A_80 : i32 to index
        %get3A_173 = arith.constant 80 : index
        %get3A_174 = tpu.vector_load %arg18[%get3A_172, %get3A_173] {strides = array<i32>} : memref<32x128xf32, #tpu.memory_space<vmem>>, vector<16xf32>,
        %mul3A_175 = arith.mulf %get3A_171, %get3A_174 : vector<16xf32>
        %add3A_176 = arith.addf %mul3A_168, %mul3A_175 : vector<16xf32>
        %reduce_sum3A_177 = arith.constant true
        %reduce_sum3A_178 = vector.broadcast %reduce_sum3A_177 : i1 to vector<16xi1>
        %reduce_sum3A_179 = tpu.scan <sum>, %add3A_176 masked %reduce_sum3A_178 : vector<16xf32>, vector<16xi1> -> vector<16xf32>
        %reduce_sum3A_180 = vector.extract %reduce_sum3A_179[15] : f32 from vector<16xf32>
        %broadcast_in_dim3A_181 = vector.broadcast %reduce_sum3A_180 : f32 to vector<16xf32>
        %exp3A_182 = math.exp %broadcast_in_dim3A_181 : vector<16xf32>
        %get3A_183 = arith.index_cast %scan3A_80 : i32 to index
        %get3A_184 = arith.constant 64 : index
        %get3A_185 = tpu.vector_load %arg19[%get3A_183, %get3A_184] {strides = array<i32>} : memref<32x128xf32, #tpu.memory_space<vmem>>, vector<16xf32>,
        %mul3A_186 = arith.mulf %get3A_185, %exp3A_182 : vector<16xf32>
        %swap3A_187 = arith.index_cast %scan3A_80 : i32 to index
        %swap3A_188 = arith.constant 64 : index
        %swap3A_189 = tpu.vector_load %arg17[%swap3A_187, %swap3A_188] {strides = array<i32>} : memref<32x128xf32, #tpu.memory_space<vmem>>, vector<16xf32>,
        tpu.vector_store %arg17[%swap3A_187, %swap3A_188], %mul3A_186 {strides = array<i32>} : memref<32x128xf32, #tpu.memory_space<vmem>>, vector<16xf32>,
        %get3A_190 = arith.index_cast %scan3A_80 : i32 to index
        %get3A_191 = arith.constant 80 : index
        %get3A_192 = tpu.vector_load %arg19[%get3A_190, %get3A_191] {strides = array<i32>} : memref<32x128xf32, #tpu.memory_space<vmem>>, vector<16xf32>,
        %mul3A_193 = arith.mulf %get3A_192, %exp3A_182 : vector<16xf32>
        %swap3A_194 = arith.index_cast %scan3A_80 : i32 to index
        %swap3A_195 = arith.constant 80 : index
        %swap3A_196 = tpu.vector_load %arg17[%swap3A_194, %swap3A_195] {strides = array<i32>} : memref<32x128xf32, #tpu.memory_space<vmem>>, vector<16xf32>,
        tpu.vector_store %arg17[%swap3A_194, %swap3A_195], %mul3A_193 {strides = array<i32>} : memref<32x128xf32, #tpu.memory_space<vmem>>, vector<16xf32>,
        %eq3A_197 = arith.constant 2 : i32
        %eq3A_198 = vector.broadcast %eq3A_197 : i32 to vector<16xi32>
        %eq3A_199 = arith.cmpi eq, %iota3A_71, %eq3A_198 : vector<16xi32>
        %jit3A_200 = arith.constant 0.000000e+00 : f32
        %broadcast_in_dim3A_201 = vector.broadcast %jit3A_200 : f32 to vector<16xf32>
        %select_n3A_202 = arith.select %eq3A_199, %exp3A_182, %broadcast_in_dim3A_201 : vector<16xi1>, vector<16xf32>
        %add3A_203 = arith.addf %add3A_161, %select_n3A_202 : vector<16xf32>
        %get3A_204 = arith.index_cast %scan3A_80 : i32 to index
        %get3A_205 = arith.constant 96 : index
        %get3A_206 = tpu.vector_load %arg17[%get3A_204, %get3A_205] {strides = array<i32>} : memref<32x128xf32, #tpu.memory_space<vmem>>, vector<16xf32>,
        %get3A_207 = arith.index_cast %scan3A_80 : i32 to index
        %get3A_208 = arith.constant 96 : index
        %get3A_209 = tpu.vector_load %arg18[%get3A_207, %get3A_208] {strides = array<i32>} : memref<32x128xf32, #tpu.memory_space<vmem>>, vector<16xf32>,
        %mul3A_210 = arith.mulf %get3A_206, %get3A_209 : vector<16xf32>
        %get3A_211 = arith.index_cast %scan3A_80 : i32 to index
        %get3A_212 = arith.constant 112 : index
        %get3A_213 = tpu.vector_load %arg17[%get3A_211, %get3A_212] {strides = array<i32>} : memref<32x128xf32, #tpu.memory_space<vmem>>, vector<16xf32>,
        %get3A_214 = arith.index_cast %scan3A_80 : i32 to index
        %get3A_215 = arith.constant 112 : index
        %get3A_216 = tpu.vector_load %arg18[%get3A_214, %get3A_215] {strides = array<i32>} : memref<32x128xf32, #tpu.memory_space<vmem>>, vector<16xf32>,
        %mul3A_217 = arith.mulf %get3A_213, %get3A_216 : vector<16xf32>
        %add3A_218 = arith.addf %mul3A_210, %mul3A_217 : vector<16xf32>
        %reduce_sum3A_219 = arith.constant true
        %reduce_sum3A_220 = vector.broadcast %reduce_sum3A_219 : i1 to vector<16xi1>
        %reduce_sum3A_221 = tpu.scan <sum>, %add3A_218 masked %reduce_sum3A_220 : vector<16xf32>, vector<16xi1> -> vector<16xf32>
        %reduce_sum3A_222 = vector.extract %reduce_sum3A_221[15] : f32 from vector<16xf32>
        %broadcast_in_dim3A_223 = vector.broadcast %reduce_sum3A_222 : f32 to vector<16xf32>
        %exp3A_224 = math.exp %broadcast_in_dim3A_223 : vector<16xf32>
        %get3A_225 = arith.index_cast %scan3A_80 : i32 to index
        %get3A_226 = arith.constant 96 : index
        %get3A_227 = tpu.vector_load %arg19[%get3A_225, %get3A_226] {strides = array<i32>} : memref<32x128xf32, #tpu.memory_space<vmem>>, vector<16xf32>,
        %mul3A_228 = arith.mulf %get3A_227, %exp3A_224 : vector<16xf32>
        %swap3A_229 = arith.index_cast %scan3A_80 : i32 to index
        %swap3A_230 = arith.constant 96 : index
        %swap3A_231 = tpu.vector_load %arg17[%swap3A_229, %swap3A_230] {strides = array<i32>} : memref<32x128xf32, #tpu.memory_space<vmem>>, vector<16xf32>,
        tpu.vector_store %arg17[%swap3A_229, %swap3A_230], %mul3A_228 {strides = array<i32>} : memref<32x128xf32, #tpu.memory_space<vmem>>, vector<16xf32>,
        %get3A_232 = arith.index_cast %scan3A_80 : i32 to index
        %get3A_233 = arith.constant 112 : index
        %get3A_234 = tpu.vector_load %arg19[%get3A_232, %get3A_233] {strides = array<i32>} : memref<32x128xf32, #tpu.memory_space<vmem>>, vector<16xf32>,
        %mul3A_235 = arith.mulf %get3A_234, %exp3A_224 : vector<16xf32>
        %swap3A_236 = arith.index_cast %scan3A_80 : i32 to index
        %swap3A_237 = arith.constant 112 : index
        %swap3A_238 = tpu.vector_load %arg17[%swap3A_236, %swap3A_237] {strides = array<i32>} : memref<32x128xf32, #tpu.memory_space<vmem>>, vector<16xf32>,
        tpu.vector_store %arg17[%swap3A_236, %swap3A_237], %mul3A_235 {strides = array<i32>} : memref<32x128xf32, #tpu.memory_space<vmem>>, vector<16xf32>,
        %eq3A_239 = arith.constant 3 : i32
        %eq3A_240 = vector.broadcast %eq3A_239 : i32 to vector<16xi32>
        %eq3A_241 = arith.cmpi eq, %iota3A_71, %eq3A_240 : vector<16xi32>
        %jit3A_242 = arith.constant 0.000000e+00 : f32
        %broadcast_in_dim3A_243 = vector.broadcast %jit3A_242 : f32 to vector<16xf32>
        %select_n3A_244 = arith.select %eq3A_241, %exp3A_224, %broadcast_in_dim3A_243 : vector<16xi1>, vector<16xf32>
        %add3A_245 = arith.addf %add3A_203, %select_n3A_244 : vector<16xf32>
        %swap3A_246 = arith.index_cast %scan3A_80 : i32 to index
        %swap3A_247 = arith.constant 0 : index
        %swap3A_248 = tpu.vector_load %arg20[%swap3A_246, %swap3A_247] {strides = array<i32>} : memref<32x16xf32, #tpu.memory_space<vmem>>, vector<16xf32>,
        tpu.vector_store %arg20[%swap3A_246, %swap3A_247], %add3A_245 {strides = array<i32>} : memref<32x16xf32, #tpu.memory_space<vmem>>, vector<16xf32>,
        %scan3A_249 = arith.constant 0 : i32
        scf.yield %scan3A_249 : i32
      }
      %scan3A_78 = arith.constant 32 : i32
      "tpu.region"() ({
        %run_scoped3A = tpu.sem_alloc : memref<!tpu.dma_semaphore, #tpu.memory_space<semaphore_mem>>
        %dma_start3A_80 = arith.constant 0 : i32
        %dma_start3A_81 = arith.constant 0 : i32
        %dma_start3A_82 = tpu.memref_slice %arg12[%dma_start3A_80, %dma_start3A_81] : memref<10240x128xf32, #tpu.memory_space<vmem_shared>> -> memref<10240x128xf32, #tpu.memory_space<vmem_shared>>
        tpu.enqueue_indirect_dma source(%arg17 : memref<32x128xf32, #tpu.memory_space<vmem>>) target(%dma_start3A_82 : memref<10240x128xf32, #tpu.memory_space<vmem_shared>>) offsets(%arg15 : memref<32xi32, #tpu.memory_space<vmem>>) semaphore(%run_scoped3A : memref<!tpu.dma_semaphore, #tpu.memory_space<semaphore_mem>>) {add = true}
        %dma_wait3A_83 = arith.constant 0 : i32
        %dma_wait3A_84 = arith.constant 0 : i32
        %dma_wait3A_85 = tpu.memref_slice %arg12[%dma_wait3A_83, %dma_wait3A_84] : memref<10240x128xf32, #tpu.memory_space<vmem_shared>> -> memref<10240x128xf32, #tpu.memory_space<vmem_shared>>
        tpu.wait_indirect_dma semaphore(%run_scoped3A : memref<!tpu.dma_semaphore, #tpu.memory_space<semaphore_mem>>) src(%arg17 : memref<32x128xf32, #tpu.memory_space<vmem>>) dst(%dma_wait3A_85 : memref<10240x128xf32, #tpu.memory_space<vmem_shared>>)
        tpu.yield
      }) : () -> ()
      "tpu.region"() ({
        %run_scoped3A = tpu.sem_alloc : memref<!tpu.dma_semaphore, #tpu.memory_space<semaphore_mem>>
        %dma_start3A_80 = arith.constant 0 : i32
        %dma_start3A_81 = arith.constant 0 : i32
        %dma_start3A_82 = tpu.memref_slice %arg13[%dma_start3A_80, %dma_start3A_81] : memref<10240x16xf32, #tpu.memory_space<vmem_shared>> -> memref<10240x16xf32, #tpu.memory_space<vmem_shared>>
        tpu.enqueue_indirect_dma source(%arg20 : memref<32x16xf32, #tpu.memory_space<vmem>>) target(%dma_start3A_82 : memref<10240x16xf32, #tpu.memory_space<vmem_shared>>) offsets(%arg15 : memref<32xi32, #tpu.memory_space<vmem>>) semaphore(%run_scoped3A : memref<!tpu.dma_semaphore, #tpu.memory_space<semaphore_mem>>) {add = true}
        %dma_wait3A_83 = arith.constant 0 : i32
        %dma_wait3A_84 = arith.constant 0 : i32
        %dma_wait3A_85 = tpu.memref_slice %arg13[%dma_wait3A_83, %dma_wait3A_84] : memref<10240x16xf32, #tpu.memory_space<vmem_shared>> -> memref<10240x16xf32, #tpu.memory_space<vmem_shared>>
        tpu.wait_indirect_dma semaphore(%run_scoped3A : memref<!tpu.dma_semaphore, #tpu.memory_space<semaphore_mem>>) src(%arg20 : memref<32x16xf32, #tpu.memory_space<vmem>>) dst(%dma_wait3A_85 : memref<10240x16xf32, #tpu.memory_space<vmem_shared>>)
        tpu.yield
      }) : () -> ()
      %while3A_79 = arith.constant 0 : i32
      scf.yield %while3A_79 : i32
    }
    %barrier3A_40 = arith.constant 0 : index
    tpu.barrier barrier_id(%barrier3A_40)
    %scan3A_41 = arith.constant 0 : i32
    %scan3A_42 = arith.constant 0 : i32
    %scan3A_43 = arith.constant 20 : i32
    %scan3A_44 = arith.addi %scan3A_42, %scan3A_43 : i32
    %scan3A_45 = arith.constant 1 : i32
    %scan3A_46 = scf.for %scan3A_48 = %scan3A_42 to %scan3A_44 step %scan3A_45 iter_args(%scan3A_49 = %scan3A_41) -> (i32)  : i32 {
      %mul3A_50 = arith.constant 32 : i32
      %mul3A_51 = arith.muli %scan3A_48, %mul3A_50 : i32
      %add3A_52 = arith.addi %mul3A_2, %mul3A_51 : i32
      "tpu.region"() ({
        %run_scoped3A = tpu.sem_alloc : memref<!tpu.dma_semaphore, #tpu.memory_space<semaphore_mem>>
        %dma_start3A_70 = tpu.memref_slice %arg7[%add3A_52] : memref<10240xi32, #tpu.memory_space<hbm>> -> memref<32xi32, #tpu.memory_space<hbm>>
        %dma_start3A_71 = tpu.memref_slice %arg7[%add3A_52] : memref<10240xi32, #tpu.memory_space<hbm>> -> memref<32xi32, #tpu.memory_space<hbm>>
        tpu.enqueue_dma source(%dma_start3A_71 : memref<32xi32, #tpu.memory_space<hbm>>) target(%arg16 : memref<32xi32, #tpu.memory_space<vmem>>) target_semaphore(%run_scoped3A : memref<!tpu.dma_semaphore, #tpu.memory_space<semaphore_mem>>)
        %dma_wait3A_72 = tpu.memref_slice %arg7[%add3A_52] : memref<10240xi32, #tpu.memory_space<hbm>> -> memref<32xi32, #tpu.memory_space<hbm>>
        %dma_wait3A_73 = tpu.memref_slice %arg7[%add3A_52] : memref<10240xi32, #tpu.memory_space<hbm>> -> memref<32xi32, #tpu.memory_space<hbm>>
        tpu.wait_dma2 semaphore(%run_scoped3A : memref<!tpu.dma_semaphore, #tpu.memory_space<semaphore_mem>>) src(%dma_wait3A_73 : memref<32xi32, #tpu.memory_space<hbm>>) dst(%arg16 : memref<32xi32, #tpu.memory_space<vmem>>)
        tpu.yield
      }) : () -> ()
      %dma_start3A = arith.constant 0 : i32
      %dma_start3A_53 = arith.constant 0 : i32
      %dma_start3A_54 = tpu.memref_slice %arg12[%dma_start3A, %dma_start3A_53] : memref<10240x128xf32, #tpu.memory_space<vmem_shared>> -> memref<10240x128xf32, #tpu.memory_space<vmem_shared>>
      tpu.enqueue_indirect_dma source(%dma_start3A_54 : memref<10240x128xf32, #tpu.memory_space<vmem_shared>>) target(%arg17 : memref<32x128xf32, #tpu.memory_space<vmem>>) offsets(%arg16 : memref<32xi32, #tpu.memory_space<vmem>>) semaphore(%arg21 : memref<!tpu.dma_semaphore, #tpu.memory_space<semaphore_mem>>)
      %dma_start3A_55 = arith.constant 0 : i32
      %dma_start3A_56 = arith.constant 0 : i32
      %dma_start3A_57 = tpu.memref_slice %arg13[%dma_start3A_55, %dma_start3A_56] : memref<10240x16xf32, #tpu.memory_space<vmem_shared>> -> memref<10240x16xf32, #tpu.memory_space<vmem_shared>>
      tpu.enqueue_indirect_dma source(%dma_start3A_57 : memref<10240x16xf32, #tpu.memory_space<vmem_shared>>) target(%arg20 : memref<32x16xf32, #tpu.memory_space<vmem>>) offsets(%arg16 : memref<32xi32, #tpu.memory_space<vmem>>) semaphore(%arg21 : memref<!tpu.dma_semaphore, #tpu.memory_space<semaphore_mem>>)
      %dma_wait3A = arith.constant 0 : i32
      %dma_wait3A_58 = arith.constant 0 : i32
      %dma_wait3A_59 = tpu.memref_slice %arg12[%dma_wait3A, %dma_wait3A_58] : memref<10240x128xf32, #tpu.memory_space<vmem_shared>> -> memref<10240x128xf32, #tpu.memory_space<vmem_shared>>
      tpu.wait_indirect_dma semaphore(%arg21 : memref<!tpu.dma_semaphore, #tpu.memory_space<semaphore_mem>>) src(%dma_wait3A_59 : memref<10240x128xf32, #tpu.memory_space<vmem_shared>>) dst(%arg17 : memref<32x128xf32, #tpu.memory_space<vmem>>)
      %dma_wait3A_60 = arith.constant 0 : i32
      %dma_wait3A_61 = arith.constant 0 : i32
      %dma_wait3A_62 = tpu.memref_slice %arg13[%dma_wait3A_60, %dma_wait3A_61] : memref<10240x16xf32, #tpu.memory_space<vmem_shared>> -> memref<10240x16xf32, #tpu.memory_space<vmem_shared>>
      tpu.wait_indirect_dma semaphore(%arg21 : memref<!tpu.dma_semaphore, #tpu.memory_space<semaphore_mem>>) src(%dma_wait3A_62 : memref<10240x16xf32, #tpu.memory_space<vmem_shared>>) dst(%arg20 : memref<32x16xf32, #tpu.memory_space<vmem>>)
      %mul3A_63 = arith.constant 32 : i32
      %mul3A_64 = arith.muli %scan3A_48, %mul3A_63 : i32
      %add3A_65 = arith.addi %mul3A_2, %mul3A_64 : i32
      "tpu.region"() ({
        %run_scoped3A = tpu.sem_alloc : memref<!tpu.dma_semaphore, #tpu.memory_space<semaphore_mem>>
        %dma_start3A_70 = arith.constant 0 : i32
        %dma_start3A_71 = tpu.memref_slice %arg10[%arg0, %add3A_65, %dma_start3A_70] : memref<2x10240x128xf32, #tpu.memory_space<hbm>> -> memref<1x32x128xf32, #tpu.memory_space<hbm>>
        %dma_start3A_72 = tpu.memref_squeeze %dma_start3A_71 : memref<1x32x128xf32, #tpu.memory_space<hbm>> -> memref<32x128xf32, #tpu.memory_space<hbm>>
        %dma_start3A_73 = arith.constant 0 : i32
        %dma_start3A_74 = tpu.memref_slice %arg10[%arg0, %add3A_65, %dma_start3A_73] : memref<2x10240x128xf32, #tpu.memory_space<hbm>> -> memref<1x32x128xf32, #tpu.memory_space<hbm>>
        %dma_start3A_75 = tpu.memref_squeeze %dma_start3A_74 : memref<1x32x128xf32, #tpu.memory_space<hbm>> -> memref<32x128xf32, #tpu.memory_space<hbm>>
        tpu.enqueue_dma source(%arg17 : memref<32x128xf32, #tpu.memory_space<vmem>>) target(%dma_start3A_75 : memref<32x128xf32, #tpu.memory_space<hbm>>) target_semaphore(%run_scoped3A : memref<!tpu.dma_semaphore, #tpu.memory_space<semaphore_mem>>)
        %dma_wait3A_76 = arith.constant 0 : i32
        %dma_wait3A_77 = tpu.memref_slice %arg10[%arg0, %add3A_65, %dma_wait3A_76] : memref<2x10240x128xf32, #tpu.memory_space<hbm>> -> memref<1x32x128xf32, #tpu.memory_space<hbm>>
        %dma_wait3A_78 = tpu.memref_squeeze %dma_wait3A_77 : memref<1x32x128xf32, #tpu.memory_space<hbm>> -> memref<32x128xf32, #tpu.memory_space<hbm>>
        %dma_wait3A_79 = arith.constant 0 : i32
        %dma_wait3A_80 = tpu.memref_slice %arg10[%arg0, %add3A_65, %dma_wait3A_79] : memref<2x10240x128xf32, #tpu.memory_space<hbm>> -> memref<1x32x128xf32, #tpu.memory_space<hbm>>
        %dma_wait3A_81 = tpu.memref_squeeze %dma_wait3A_80 : memref<1x32x128xf32, #tpu.memory_space<hbm>> -> memref<32x128xf32, #tpu.memory_space<hbm>>
        tpu.wait_dma2 semaphore(%run_scoped3A : memref<!tpu.dma_semaphore, #tpu.memory_space<semaphore_mem>>) src(%arg17 : memref<32x128xf32, #tpu.memory_space<vmem>>) dst(%dma_wait3A_81 : memref<32x128xf32, #tpu.memory_space<hbm>>)
        tpu.yield
      }) : () -> ()
      %mul3A_66 = arith.constant 32 : i32
      %mul3A_67 = arith.muli %scan3A_48, %mul3A_66 : i32
      %add3A_68 = arith.addi %mul3A_2, %mul3A_67 : i32
      "tpu.region"() ({
        %run_scoped3A = tpu.sem_alloc : memref<!tpu.dma_semaphore, #tpu.memory_space<semaphore_mem>>
        %dma_start3A_70 = arith.constant 0 : i32
        %dma_start3A_71 = tpu.memref_slice %arg11[%arg0, %add3A_68, %dma_start3A_70] : memref<2x10240x16xf32, #tpu.memory_space<hbm>> -> memref<1x32x16xf32, #tpu.memory_space<hbm>>
        %dma_start3A_72 = tpu.memref_squeeze %dma_start3A_71 : memref<1x32x16xf32, #tpu.memory_space<hbm>> -> memref<32x16xf32, #tpu.memory_space<hbm>>
        %dma_start3A_73 = arith.constant 0 : i32
        %dma_start3A_74 = tpu.memref_slice %arg11[%arg0, %add3A_68, %dma_start3A_73] : memref<2x10240x16xf32, #tpu.memory_space<hbm>> -> memref<1x32x16xf32, #tpu.memory_space<hbm>>
        %dma_start3A_75 = tpu.memref_squeeze %dma_start3A_74 : memref<1x32x16xf32, #tpu.memory_space<hbm>> -> memref<32x16xf32, #tpu.memory_space<hbm>>
        tpu.enqueue_dma source(%arg20 : memref<32x16xf32, #tpu.memory_space<vmem>>) target(%dma_start3A_75 : memref<32x16xf32, #tpu.memory_space<hbm>>) target_semaphore(%run_scoped3A : memref<!tpu.dma_semaphore, #tpu.memory_space<semaphore_mem>>)
        %dma_wait3A_76 = arith.constant 0 : i32
        %dma_wait3A_77 = tpu.memref_slice %arg11[%arg0, %add3A_68, %dma_wait3A_76] : memref<2x10240x16xf32, #tpu.memory_space<hbm>> -> memref<1x32x16xf32, #tpu.memory_space<hbm>>
        %dma_wait3A_78 = tpu.memref_squeeze %dma_wait3A_77 : memref<1x32x16xf32, #tpu.memory_space<hbm>> -> memref<32x16xf32, #tpu.memory_space<hbm>>
        %dma_wait3A_79 = arith.constant 0 : i32
        %dma_wait3A_80 = tpu.memref_slice %arg11[%arg0, %add3A_68, %dma_wait3A_79] : memref<2x10240x16xf32, #tpu.memory_space<hbm>> -> memref<1x32x16xf32, #tpu.memory_space<hbm>>
        %dma_wait3A_81 = tpu.memref_squeeze %dma_wait3A_80 : memref<1x32x16xf32, #tpu.memory_space<hbm>> -> memref<32x16xf32, #tpu.memory_space<hbm>>
        tpu.wait_dma2 semaphore(%run_scoped3A : memref<!tpu.dma_semaphore, #tpu.memory_space<semaphore_mem>>) src(%arg20 : memref<32x16xf32, #tpu.memory_space<vmem>>) dst(%dma_wait3A_81 : memref<32x16xf32, #tpu.memory_space<hbm>>)
        tpu.yield
      }) : () -> ()
      %scan3A_69 = arith.constant 0 : i32
      scf.yield %scan3A_69 : i32
    }
    %scan3A_47 = arith.constant 20 : i32
    return
  }
}

module attributes {stable_mosaic.version = 14 : i64} {
  func.func @_proj_body(%arg0: i32, %arg1: memref<1280x128xf32, #tpu.memory_space<vmem>>, %arg2: memref<128x384xf32, #tpu.memory_space<vmem>>, %arg3: memref<1x384xf32, #tpu.memory_space<vmem>>, %arg4: memref<1280x128xf32, #tpu.memory_space<vmem>>, %arg5: memref<1280x128xf32, #tpu.memory_space<vmem>>, %arg6: memref<1280x128xf32, #tpu.memory_space<vmem>>) attributes {dimension_semantics = [#tpu.dimension_semantics<arbitrary>], iteration_bounds = array<i64: 8>, scalar_prefetch = 0 : i64, scratch_operands = 0 : i64, tpu.core_type = #tpu.core_type<tc>, window_params = [{transform_indices = @transform_0, window_bounds = array<i64: 1280, 128>}, {pipeline_mode = #tpu.pipeline_mode<synchronous>, transform_indices = @transform_1, window_bounds = array<i64: 128, 384>}, {pipeline_mode = #tpu.pipeline_mode<synchronous>, transform_indices = @transform_2, window_bounds = array<i64: 1, 384>}, {transform_indices = @transform_3, window_bounds = array<i64: 1280, 128>}, {transform_indices = @transform_4, window_bounds = array<i64: 1280, 128>}, {transform_indices = @transform_5, window_bounds = array<i64: 1280, 128>}]} {
    %get3A = arith.constant 0 : index
    %get3A_0 = arith.constant 0 : index
    %get3A_1 = vector.load %arg1[%get3A, %get3A_0] : memref<1280x128xf32, #tpu.memory_space<vmem>>, vector<1280x128xf32>
    %get3A_2 = arith.constant 0 : index
    %get3A_3 = arith.constant 0 : index
    %get3A_4 = vector.load %arg2[%get3A_2, %get3A_3] : memref<128x384xf32, #tpu.memory_space<vmem>>, vector<128x384xf32>
    %dot_general3A = arith.constant dense<0.000000e+00> : vector<1280x384xf32>
    %dot_general3A_5 = tpu.matmul %get3A_1, %get3A_4, %dot_general3A {dimension_numbers = #tpu.dot_dimension_numbers<[1], [0], [0], [1], [0, 0, 1, 1], [], []>, transpose_lhs_hint = false} : vector<1280x128xf32>, vector<128x384xf32>, vector<1280x384xf32> -> vector<1280x384xf32>
    %get3A_6 = arith.constant 0 : index
    %get3A_7 = arith.constant 0 : index
    %get3A_8 = vector.load %arg3[%get3A_6, %get3A_7] : memref<1x384xf32, #tpu.memory_space<vmem>>, vector<1x384xf32>
    %add3A = vector.broadcast %get3A_8 : vector<1x384xf32> to vector<1280x384xf32>
    %add3A_9 = arith.addf %dot_general3A_5, %add3A : vector<1280x384xf32>
    %slice3A = vector.extract_strided_slice %add3A_9 {offsets = [0, 0], sizes = [1280, 128], strides = [1, 1]} : vector<1280x384xf32> to vector<1280x128xf32>
    %swap3A = arith.constant 0 : index
    %swap3A_10 = arith.constant 0 : index
    %swap3A_11 = vector.load %arg4[%swap3A, %swap3A_10] : memref<1280x128xf32, #tpu.memory_space<vmem>>, vector<1280x128xf32>
    tpu.vector_store %arg4[%swap3A, %swap3A_10], %slice3A {strides = array<i32>} : memref<1280x128xf32, #tpu.memory_space<vmem>>, vector<1280x128xf32>,
    %slice3A_12 = vector.extract_strided_slice %add3A_9 {offsets = [0, 128], sizes = [1280, 128], strides = [1, 1]} : vector<1280x384xf32> to vector<1280x128xf32>
    %swap3A_13 = arith.constant 0 : index
    %swap3A_14 = arith.constant 0 : index
    %swap3A_15 = vector.load %arg5[%swap3A_13, %swap3A_14] : memref<1280x128xf32, #tpu.memory_space<vmem>>, vector<1280x128xf32>
    tpu.vector_store %arg5[%swap3A_13, %swap3A_14], %slice3A_12 {strides = array<i32>} : memref<1280x128xf32, #tpu.memory_space<vmem>>, vector<1280x128xf32>,
    %slice3A_16 = vector.extract_strided_slice %add3A_9 {offsets = [0, 256], sizes = [1280, 128], strides = [1, 1]} : vector<1280x384xf32> to vector<1280x128xf32>
    %swap3A_17 = arith.constant 0 : index
    %swap3A_18 = arith.constant 0 : index
    %swap3A_19 = vector.load %arg6[%swap3A_17, %swap3A_18] : memref<1280x128xf32, #tpu.memory_space<vmem>>, vector<1280x128xf32>
    tpu.vector_store %arg6[%swap3A_17, %swap3A_18], %slice3A_16 {strides = array<i32>} : memref<1280x128xf32, #tpu.memory_space<vmem>>, vector<1280x128xf32>,
    return
  }
  func.func @transform_0(%arg0: i32) -> (i32, i32) {
    %c0_i32 = arith.constant 0 : i32
    %c0_i32_0 = arith.constant 0 : i32
    return %arg0, %c0_i32 : i32, i32
  }
  func.func @transform_1(%arg0: i32) -> (i32, i32) {
    %c0_i32 = arith.constant 0 : i32
    %c0_i32_0 = arith.constant 0 : i32
    %c0_i32_1 = arith.constant 0 : i32
    return %c0_i32, %c0_i32_0 : i32, i32
  }
  func.func @transform_2(%arg0: i32) -> (i32, i32) {
    %c0_i32 = arith.constant 0 : i32
    %c0_i32_0 = arith.constant 0 : i32
    %c0_i32_1 = arith.constant 0 : i32
    return %c0_i32, %c0_i32_0 : i32, i32
  }
  func.func @transform_3(%arg0: i32) -> (i32, i32) {
    %c0_i32 = arith.constant 0 : i32
    %c0_i32_0 = arith.constant 0 : i32
    return %arg0, %c0_i32 : i32, i32
  }
  func.func @transform_4(%arg0: i32) -> (i32, i32) {
    %c0_i32 = arith.constant 0 : i32
    %c0_i32_0 = arith.constant 0 : i32
    return %arg0, %c0_i32 : i32, i32
  }
  func.func @transform_5(%arg0: i32) -> (i32, i32) {
    %c0_i32 = arith.constant 0 : i32
    %c0_i32_0 = arith.constant 0 : i32
    return %arg0, %c0_i32 : i32, i32
  }
}

module attributes {stable_mosaic.version = 14 : i64} {
  func.func @_out_body(%arg0: i32, %arg1: memref<2x1280x128xf32, #tpu.memory_space<vmem>>, %arg2: memref<2x1280x16xf32, #tpu.memory_space<vmem>>, %arg3: memref<1280x128xf32, #tpu.memory_space<vmem>>, %arg4: memref<128x128xf32, #tpu.memory_space<vmem>>, %arg5: memref<1x128xf32, #tpu.memory_space<vmem>>, %arg6: memref<1x128xf32, #tpu.memory_space<vmem>>, %arg7: memref<1280x128xf32, #tpu.memory_space<vmem>>) attributes {dimension_semantics = [#tpu.dimension_semantics<arbitrary>], iteration_bounds = array<i64: 8>, scalar_prefetch = 0 : i64, scratch_operands = 0 : i64, tpu.core_type = #tpu.core_type<tc>, window_params = [{transform_indices = @transform_0, window_bounds = array<i64: 2, 1280, 128>}, {transform_indices = @transform_1, window_bounds = array<i64: 2, 1280, 16>}, {transform_indices = @transform_2, window_bounds = array<i64: 1280, 128>}, {pipeline_mode = #tpu.pipeline_mode<synchronous>, transform_indices = @transform_3, window_bounds = array<i64: 128, 128>}, {pipeline_mode = #tpu.pipeline_mode<synchronous>, transform_indices = @transform_4, window_bounds = array<i64: 1, 128>}, {pipeline_mode = #tpu.pipeline_mode<synchronous>, transform_indices = @transform_5, window_bounds = array<i64: 1, 128>}, {transform_indices = @transform_6, window_bounds = array<i64: 1280, 128>}]} {
    %get3A = arith.constant 0 : index
    %get3A_0 = arith.constant 0 : index
    %get3A_1 = arith.constant 0 : index
    %get3A_2 = vector.load %arg1[%get3A, %get3A_0, %get3A_1] : memref<2x1280x128xf32, #tpu.memory_space<vmem>>, vector<1x1280x128xf32>
    %get3A_3 = vector.shape_cast %get3A_2 : vector<1x1280x128xf32> to vector<1280x128xf32>
    %get3A_4 = arith.constant 1 : index
    %get3A_5 = arith.constant 0 : index
    %get3A_6 = arith.constant 0 : index
    %get3A_7 = vector.load %arg1[%get3A_4, %get3A_5, %get3A_6] : memref<2x1280x128xf32, #tpu.memory_space<vmem>>, vector<1x1280x128xf32>
    %get3A_8 = vector.shape_cast %get3A_7 : vector<1x1280x128xf32> to vector<1280x128xf32>
    %add3A = arith.addf %get3A_3, %get3A_8 : vector<1280x128xf32>
    %get3A_9 = arith.constant 0 : index
    %get3A_10 = arith.constant 0 : index
    %get3A_11 = arith.constant 0 : index
    %get3A_12 = vector.load %arg2[%get3A_9, %get3A_10, %get3A_11] : memref<2x1280x16xf32, #tpu.memory_space<vmem>>, vector<1x1280x16xf32>
    %get3A_13 = vector.shape_cast %get3A_12 : vector<1x1280x16xf32> to vector<1280x16xf32>
    %get3A_14 = arith.constant 1 : index
    %get3A_15 = arith.constant 0 : index
    %get3A_16 = arith.constant 0 : index
    %get3A_17 = vector.load %arg2[%get3A_14, %get3A_15, %get3A_16] : memref<2x1280x16xf32, #tpu.memory_space<vmem>>, vector<1x1280x16xf32>
    %get3A_18 = vector.shape_cast %get3A_17 : vector<1x1280x16xf32> to vector<1280x16xf32>
    %add3A_19 = arith.addf %get3A_13, %get3A_18 : vector<1280x16xf32>
    %iota3A = tpu.iota {dimensions = array<i32: 0>} : vector<16x128xi32>
    %iota3A_20 = tpu.iota {dimensions = array<i32: 1>} : vector<16x128xi32>
    %jit3A = arith.constant 32 : i32
    %div3A = vector.broadcast %jit3A : i32 to vector<16x128xi32>
    %div3A_21 = arith.divsi %iota3A_20, %div3A : vector<16x128xi32>
    %sign3A = arith.constant 0 : i32
    %sign3A_22 = vector.broadcast %sign3A : i32 to vector<16x128xi32>
    %sign3A_23 = arith.cmpi sgt, %iota3A_20, %sign3A_22 : vector<16x128xi32>
    %sign3A_24 = arith.extui %sign3A_23 : vector<16x128xi1> to vector<16x128xi32>
    %sign3A_25 = arith.constant 0 : i32
    %sign3A_26 = vector.broadcast %sign3A_25 : i32 to vector<16x128xi32>
    %sign3A_27 = arith.cmpi slt, %iota3A_20, %sign3A_26 : vector<16x128xi32>
    %sign3A_28 = arith.extui %sign3A_27 : vector<16x128xi1> to vector<16x128xi32>
    %sign3A_29 = arith.subi %sign3A_24, %sign3A_28 : vector<16x128xi32>
    %sign3A_30 = arith.constant 0 : i32
    %sign3A_31 = arith.cmpi sgt, %jit3A, %sign3A_30 : i32
    %sign3A_32 = arith.extui %sign3A_31 : i1 to i32
    %sign3A_33 = arith.constant 0 : i32
    %sign3A_34 = arith.cmpi slt, %jit3A, %sign3A_33 : i32
    %sign3A_35 = arith.extui %sign3A_34 : i1 to i32
    %sign3A_36 = arith.subi %sign3A_32, %sign3A_35 : i32
    %ne3A = vector.broadcast %sign3A_36 : i32 to vector<16x128xi32>
    %ne3A_37 = arith.cmpi ne, %sign3A_29, %ne3A : vector<16x128xi32>
    %rem3A = vector.broadcast %jit3A : i32 to vector<16x128xi32>
    %rem3A_38 = arith.remsi %iota3A_20, %rem3A : vector<16x128xi32>
    %ne3A_39 = arith.constant 0 : i32
    %ne3A_40 = vector.broadcast %ne3A_39 : i32 to vector<16x128xi32>
    %ne3A_41 = arith.cmpi ne, %rem3A_38, %ne3A_40 : vector<16x128xi32>
    %and3A = arith.andi %ne3A_37, %ne3A_41 : vector<16x128xi1>
    %sub3A = arith.constant 1 : i32
    %sub3A_42 = vector.broadcast %sub3A : i32 to vector<16x128xi32>
    %sub3A_43 = arith.subi %div3A_21, %sub3A_42 : vector<16x128xi32>
    %select_n3A = arith.select %and3A, %sub3A_43, %div3A_21 : vector<16x128xi1>, vector<16x128xi32>
    %eq3A = arith.cmpi eq, %iota3A, %select_n3A : vector<16x128xi32>
    %convert_element_type3A = arith.extui %eq3A : vector<16x128xi1> to vector<16x128xi32>
    %convert_element_type3A_44 = arith.sitofp %convert_element_type3A : vector<16x128xi32> to vector<16x128xf32>
    %dot_general3A = arith.constant dense<0.000000e+00> : vector<1280x128xf32>
    %dot_general3A_45 = tpu.matmul %add3A_19, %convert_element_type3A_44, %dot_general3A {dimension_numbers = #tpu.dot_dimension_numbers<[1], [0], [0], [1], [0, 0, 1, 1], [], []>, transpose_lhs_hint = false} : vector<1280x16xf32>, vector<16x128xf32>, vector<1280x128xf32> -> vector<1280x128xf32>
    %add3A_46 = arith.constant 1.000000e-16 : f32
    %add3A_47 = vector.broadcast %add3A_46 : f32 to vector<1280x128xf32>
    %add3A_48 = arith.addf %dot_general3A_45, %add3A_47 : vector<1280x128xf32>
    %div3A_49 = arith.divf %add3A, %add3A_48 : vector<1280x128xf32>
    %mul3A = arith.constant 4.471500e-02 : f32
    %mul3A_50 = vector.broadcast %mul3A : f32 to vector<1280x128xf32>
    %mul3A_51 = arith.mulf %mul3A_50, %div3A_49 : vector<1280x128xf32>
    %mul3A_52 = arith.mulf %mul3A_51, %div3A_49 : vector<1280x128xf32>
    %mul3A_53 = arith.mulf %mul3A_52, %div3A_49 : vector<1280x128xf32>
    %add3A_54 = arith.addf %div3A_49, %mul3A_53 : vector<1280x128xf32>
    %mul3A_55 = arith.constant 0.797884583 : f32
    %mul3A_56 = vector.broadcast %mul3A_55 : f32 to vector<1280x128xf32>
    %mul3A_57 = arith.mulf %mul3A_56, %add3A_54 : vector<1280x128xf32>
    %tanh3A = math.tanh %mul3A_57 : vector<1280x128xf32>
    %mul3A_58 = arith.constant 5.000000e-01 : f32
    %mul3A_59 = vector.broadcast %mul3A_58 : f32 to vector<1280x128xf32>
    %mul3A_60 = arith.mulf %mul3A_59, %div3A_49 : vector<1280x128xf32>
    %add3A_61 = arith.constant 1.000000e+00 : f32
    %add3A_62 = vector.broadcast %add3A_61 : f32 to vector<1280x128xf32>
    %add3A_63 = arith.addf %add3A_62, %tanh3A : vector<1280x128xf32>
    %mul3A_64 = arith.mulf %mul3A_60, %add3A_63 : vector<1280x128xf32>
    %get3A_65 = arith.constant 0 : index
    %get3A_66 = arith.constant 0 : index
    %get3A_67 = vector.load %arg4[%get3A_65, %get3A_66] : memref<128x128xf32, #tpu.memory_space<vmem>>, vector<128x128xf32>
    %dot_general3A_68 = arith.constant dense<0.000000e+00> : vector<1280x128xf32>
    %dot_general3A_69 = tpu.matmul %mul3A_64, %get3A_67, %dot_general3A_68 {dimension_numbers = #tpu.dot_dimension_numbers<[1], [0], [0], [1], [0, 0, 1, 1], [], []>, transpose_lhs_hint = false} : vector<1280x128xf32>, vector<128x128xf32>, vector<1280x128xf32> -> vector<1280x128xf32>
    %get3A_70 = arith.constant 0 : index
    %get3A_71 = arith.constant 0 : index
    %get3A_72 = vector.load %arg5[%get3A_70, %get3A_71] : memref<1x128xf32, #tpu.memory_space<vmem>>, vector<1x128xf32>
    %add3A_73 = vector.broadcast %get3A_72 : vector<1x128xf32> to vector<1280x128xf32>
    %add3A_74 = arith.addf %dot_general3A_69, %add3A_73 : vector<1280x128xf32>
    %get3A_75 = arith.constant 0 : index
    %get3A_76 = arith.constant 0 : index
    %get3A_77 = vector.load %arg6[%get3A_75, %get3A_76] : memref<1x128xf32, #tpu.memory_space<vmem>>, vector<1x128xf32>
    %mul3A_78 = vector.broadcast %get3A_77 : vector<1x128xf32> to vector<1280x128xf32>
    %mul3A_79 = arith.mulf %mul3A_78, %add3A_74 : vector<1280x128xf32>
    %sub3A_80 = arith.constant 1.000000e+00 : f32
    %sub3A_81 = vector.broadcast %sub3A_80 : f32 to vector<1x128xf32>
    %sub3A_82 = arith.subf %sub3A_81, %get3A_77 : vector<1x128xf32>
    %get3A_83 = arith.constant 0 : index
    %get3A_84 = arith.constant 0 : index
    %get3A_85 = vector.load %arg3[%get3A_83, %get3A_84] : memref<1280x128xf32, #tpu.memory_space<vmem>>, vector<1280x128xf32>
    %mul3A_86 = vector.broadcast %sub3A_82 : vector<1x128xf32> to vector<1280x128xf32>
    %mul3A_87 = arith.mulf %mul3A_86, %get3A_85 : vector<1280x128xf32>
    %add3A_88 = arith.addf %mul3A_79, %mul3A_87 : vector<1280x128xf32>
    %swap3A = arith.constant 0 : index
    %swap3A_89 = arith.constant 0 : index
    %swap3A_90 = vector.load %arg7[%swap3A, %swap3A_89] : memref<1280x128xf32, #tpu.memory_space<vmem>>, vector<1280x128xf32>
    tpu.vector_store %arg7[%swap3A, %swap3A_89], %add3A_88 {strides = array<i32>} : memref<1280x128xf32, #tpu.memory_space<vmem>>, vector<1280x128xf32>,
    return
  }
  func.func @transform_0(%arg0: i32) -> (i32, i32, i32) {
    %c0_i32 = arith.constant 0 : i32
    %c0_i32_0 = arith.constant 0 : i32
    %c0_i32_1 = arith.constant 0 : i32
    return %c0_i32, %arg0, %c0_i32_0 : i32, i32, i32
  }
  func.func @transform_1(%arg0: i32) -> (i32, i32, i32) {
    %c0_i32 = arith.constant 0 : i32
    %c0_i32_0 = arith.constant 0 : i32
    %c0_i32_1 = arith.constant 0 : i32
    return %c0_i32, %arg0, %c0_i32_0 : i32, i32, i32
  }
  func.func @transform_2(%arg0: i32) -> (i32, i32) {
    %c0_i32 = arith.constant 0 : i32
    %c0_i32_0 = arith.constant 0 : i32
    return %arg0, %c0_i32 : i32, i32
  }
  func.func @transform_3(%arg0: i32) -> (i32, i32) {
    %c0_i32 = arith.constant 0 : i32
    %c0_i32_0 = arith.constant 0 : i32
    %c0_i32_1 = arith.constant 0 : i32
    return %c0_i32, %c0_i32_0 : i32, i32
  }
  func.func @transform_4(%arg0: i32) -> (i32, i32) {
    %c0_i32 = arith.constant 0 : i32
    %c0_i32_0 = arith.constant 0 : i32
    %c0_i32_1 = arith.constant 0 : i32
    return %c0_i32, %c0_i32_0 : i32, i32
  }
  func.func @transform_5(%arg0: i32) -> (i32, i32) {
    %c0_i32 = arith.constant 0 : i32
    %c0_i32_0 = arith.constant 0 : i32
    %c0_i32_1 = arith.constant 0 : i32
    return %c0_i32, %c0_i32_0 : i32, i32
  }
  func.func @transform_6(%arg0: i32) -> (i32, i32) {
    %c0_i32 = arith.constant 0 : i32
    %c0_i32_0 = arith.constant 0 : i32
    return %arg0, %c0_i32 : i32, i32
  }
}

</mosaic_0001>

<sc_bundles>
// kernel: kernel.14.cloned.1.call-start
scs
__scs_entry_jumppad:
0x0: {  	(pc) =	sbr.rel $0x88, $3  }
0x1: {  	(tag) =	ssettag $0x0;
	lr =	simm.s32 $0x1  }
0x2: {  	[smem:$0x3F91] =	sst lr;
	_ =	strace $0xD0000000  }
0x3: {  	_ = 	snop  }
0x4: {  	_ = 	snop  }
0x5: {  	_ = 	snop  }
0x6: {  	_ = 	snop  }
0x7: {  	_ = 	snop  }
__scs_overlays_trampoline_lowered:
0x8: {  	[smem:$0x3FA0] =	sst s0  }
0x9: {  	[smem:$0x3FA1] =	sst s1  }
0xa: {  	[smem:$0x3FA2] =	sst s2  }
0xb: {  	[smem:$0x3FA3] =	sst s3  }
0xc: {  	[smem:$0x3FA4] =	sst s4  }
0xd: {  	[smem:$0x3FA5] =	sst s5  }
0xe: {  	[smem:$0x3FA6] =	sst s6  }
0xf: {  	[smem:$0x3FA7] =	sst s7  }
0x10: {  	[smem:$0x3FA8] =	sst s8  }
0x11: {  	[smem:$0x3FA9] =	sst s9;
	s0 =	simm.s32 @!p0 $0x0  }
0x12: {  	s1 =	sld [smem:$0x3F8F];
	s0 =	simm.s32 @p0 $0x1  }
0x13: {  	[smem:$0x3FAA] =	sst s0;
	s0 =	simm.s32 @!p1 $0x0  }
0x14: {  	s2 =	sld [smem:$0x3F8E];
	s0 =	simm.s32 @p1 $0x1  }
0x15: {  	[smem:$0x3FAB] =	sst s0;
	s0 =	simm.s32 @!p2 $0x0  }
0x16: {  	s3 =	sld [smem:$0x3FDB];
	s0 =	simm.s32 @p2 $0x1  }
0x17: {  	s4 =	simm.s32 $0x1BF5;
	[smem:$0x3FAD] =	sst s0  }
0x18: {  	s0 =	sld [smem:$0x3F90];
	_ =	swait.ge [sflag:s4], $0x0  }
0x19: {  	s7 =	sld [smem:$0x3F91]  }
0x1a: {  	s8 =	sadd.s32 $0xFFFFE003, lr  }
0x1b: {  	s9 =	sadd.s32 $0xFFFFFEF7, lr;
	s5 =	simm.s32 $0xFFFFFFFF;
	p2 =	slt.u32 s8, $0xFFFFF086  }
0x1c: {  	p1 =	slt.u32 s9, $0xF7A;
	s5 =	simm.s32 @!p2 $0x0  }
0x1d: {  	s5 =	simm.s32 @p1 $0x1;
	p0 =	seq.s32 s7, s2  }
0x1e: {  	s7 =	smul.u32 @!p0 $0xF7A, s2;
	p2 =	seq.s32 @!p0 s5, $0x0  }
0x1f: {  	s9 =	smul.u32 $0xF7A, s1;
	s8 =	simm.s32 @!p0 $0x1BF5;
	p2 =	por !p2, p0  }
0x20: {  	[sflag:s8] =	ssyncset.s32 @!p0 $0xFFFFF086;
	s6 =	sadd.s32 @!p0 s3, s7;
	s7 =	simm.s32 @!p0 $0x108  }
0x21: {  	s3 =	sadd.s32 s3, s9;
	s6 =	sadd.s32 @!p0 $0x88, s6;
	s7 =	simm.s32 @p2 $0x1082  }
0x22: {  	[simem:s7], [sflag:s8] =	dma.local @!p0 [hbm:s6], $0xF7A  }
0x23: {  	s9 =	sor.u32 $0xD0000000, s2;
	s6 =	simm.s32 $0x108;
	_ =	swait.ge @!p0 [sflag:s8], $0x0  }
0x24: {  	s3 =	sadd.s32 $0x88, s3;
	s6 =	simm.s32 @!p1 $0x1082;
	[sflag:s4] =	ssyncset.s32 $0xFFFFF086  }
0x25: {  	[simem:s6], [sflag:s4] =	dma.local [hbm:s3], $0xF7A  }
0x26: {  	[smem:$0x3F91] =	sst s1;
	(tag) =	ssettag s2;
	_ =	strace s9  }
0x27: {  	s1 =	sld [smem:$0x3FA1]  }
0x28: {  	s2 =	sld [smem:$0x3FA2]  }
0x29: {  	s4 =	sld [smem:$0x3FA4]  }
0x2a: {  	p0 =	seq.s32 s5, $0x0;
	s5 =	sld [smem:$0x3FA5]  }
0x2b: {  	s6 =	sld [smem:$0x3FA6]  }
0x2c: {  	s7 =	sld [smem:$0x3FA7]  }
0x2d: {  	s3 =	simm.s32 $0x108;
	s8 =	sld [smem:$0x3FA8]  }
0x2e: {  	s3 =	simm.s32 @!p0 $0x1082;
	s9 =	sld [smem:$0x3FA9]  }
0x2f: {  	lr =	sadd.s32 s0, s3;
	s0 =	sld [smem:$0x3FA0]  }
0x30: {  	s3 =	sld [smem:$0x3FA3]  }
0x31: {  	[smem:$0x3FAC] =	sst s10  }
0x32: {  	s10 =	sld [smem:$0x3FAA];
	_ =	sdelay $0x3  }
0x33: {  	p0 =	seq.s32 s10, $0x1;
	s10 =	sld [smem:$0x3FAC];
	_ =	sdelay $0x3  }
0x34: {  	[smem:$0x3FAC] =	sst s10  }
0x35: {  	s10 =	sld [smem:$0x3FAB];
	_ =	sdelay $0x3  }
0x36: {  	p1 =	seq.s32 s10, $0x1;
	s10 =	sld [smem:$0x3FAC];
	_ =	sdelay $0x3  }
0x37: {  	[smem:$0x3FAC] =	sst s10  }
0x38: {  	s10 =	sld [smem:$0x3FAD]  }
0x39: {  	_ = 	snop;
	(pc) =	sbr.ind lr, $3  }
0x3a: {  	_ = 	snop  }
0x3b: {  	_ = 	snop  }
0x3c: {  	p2 =	seq.s32 s10, $0x1;
	s10 =	sld [smem:$0x3FAC]  }
0x3d: {  	_ =	shalt  }
0x3e: {  	_ =	shalt  }
0x3f: {  	_ =	shalt  }
0x40: {  	_ =	shalt  }
0x41: {  	_ =	shalt  }
0x42: {  	_ =	shalt  }
0x43: {  	_ =	shalt  }
0x44: {  	_ =	shalt  }
0x45: {  	_ =	shalt  }
0x46: {  	_ =	shalt  }
0x47: {  	_ =	shalt  }
0x48: {  	_ =	shalt  }
0x49: {  	_ =	shalt  }
0x4a: {  	_ =	shalt  }
0x4b: {  	_ =	shalt  }
0x4c: {  	_ =	shalt  }
0x4d: {  	_ =	shalt  }
0x4e: {  	_ =	shalt  }
0x4f: {  	_ =	shalt  }
0x50: {  	_ =	shalt  }
0x51: {  	_ =	shalt  }
0x52: {  	_ =	shalt  }
0x53: {  	_ =	shalt  }
0x54: {  	_ =	shalt  }
0x55: {  	_ =	shalt  }
0x56: {  	_ =	shalt  }
0x57: {  	_ =	shalt  }
0x58: {  	_ =	shalt  }
0x59: {  	_ =	shalt  }
0x5a: {  	_ =	shalt  }
0x5b: {  	_ =	shalt  }
0x5c: {  	_ =	shalt  }
0x5d: {  	_ =	shalt  }
0x5e: {  	_ =	shalt  }
0x5f: {  	_ =	shalt  }
0x60: {  	_ =	shalt  }
0x61: {  	_ =	shalt  }
0x62: {  	_ =	shalt  }
0x63: {  	_ =	shalt  }
0x64: {  	_ =	shalt  }
0x65: {  	_ =	shalt  }
0x66: {  	_ =	shalt  }
0x67: {  	_ =	shalt  }
0x68: {  	_ =	shalt  }
0x69: {  	_ =	shalt  }
0x6a: {  	_ =	shalt  }
0x6b: {  	_ =	shalt  }
0x6c: {  	_ =	shalt  }
0x6d: {  	_ =	shalt  }
0x6e: {  	_ =	shalt  }
0x6f: {  	_ =	shalt  }
0x70: {  	_ =	shalt  }
0x71: {  	_ =	shalt  }
0x72: {  	_ =	shalt  }
0x73: {  	_ =	shalt  }
0x74: {  	_ =	shalt  }
0x75: {  	_ =	shalt  }
0x76: {  	_ =	shalt  }
0x77: {  	_ =	shalt  }
0x78: {  	_ =	shalt  }
0x79: {  	_ =	shalt  }
0x7a: {  	_ =	shalt  }
0x7b: {  	_ =	shalt  }
0x7c: {  	_ =	shalt  }
0x7d: {  	_ =	shalt  }
0x7e: {  	_ =	shalt  }
0x7f: {  	_ =	shalt  }
0x80: {  	_ =	shalt  }
0x81: {  	_ =	shalt  }
0x82: {  	_ =	shalt  }
0x83: {  	_ =	shalt  }
0x84: {  	_ =	shalt  }
0x85: {  	_ =	shalt  }
0x86: {  	_ =	shalt  }
0x87: {  	_ =	shalt  }
.Lfunc_end0:
.L_simem_size_0:
called_computation_lowered:
.L_overlay_start_0:
0x88: {  	s2 =	sld [smem:$0x3FD9]  }
0x89: {  	s3 =	sld [smem:$0x3FFE];
	_ =	sdelay $0x1  }
0x8a: {  	s1 =	srdreg.scid  }
0x8b: {  	s0 =	sand.u32 $0x1, s1  }
0x8c: {  	s15 =	sshll.u32 s0, $0xA;
	s2 =	sadd.s32 s3, s2  }
0x8d: {  	s2 =	sadd.s32 s2, s15  }
0x8e: {  	[smem:$0x3FB8] =	sst s2  }
0x8f: {  	_ = 	snop  }
0x90: {  	s2 =	sld [smem:$0x3FD0];
	_ =	sdelay $0x2  }
0x91: {  	s16 =	simm.s32 $0xB;
	s4 =	simm.s32 $0x10  }
0x92: {  	[smem:s4], [sflag:s16] =	dma.local [hbm:s2], $0x1  }
0x93: {  	_ =	swait.eq [sflag:s16], $0x1  }
0x94: {  	[sflag:s16] =	ssyncset.done $0x0  }
0x95: {  	[sflag:s16] =	ssyncadd.s32 $0xFFFFFFFF  }
0x96: {  	s17 =	sld [smem:$0x10];
	(tm) =	ssettm $0x1  }
0x97: {  	s18 =	sld [smem:$0x3FFB];
	_ =	sdelay $0x3  }
0x98: {  	_ =	strace s18  }
0x99: {  	s2 =	sld [smem:$0x3FFC];
	_ =	sdelay $0x3  }
0x9a: {  	_ =	strace s2  }
0x9b: {  	s2 =	sld [smem:$0x3FFD];
	_ =	sdelay $0x3  }
0x9c: {  	_ =	strace s2  }
0x9d: {  	_ =	strace $0x8FFFFFFF  }
0x9e: {  	s19 =	sld [smem:$0x3FDB];
	_ =	sdelay $0x1  }
0x9f: {  	s20 =	simm.s32 $_scs_section_size  }
0xa0: {  	s5 =	simm.s32 $_size__tile_overlayer_lowered;
	s6 =	simm.s32 $_tile_overlayer_lowered  }
0xa1: {  	s7 =	simm.s32 $0x1BFF;
	s21 =	sshll.u32 s6, $0x1;
	s4 =	sadd.s32 s20, s19  }
0xa2: {  	s22 =	simm.s32 $0x0;
	s5 =	sshll.u32 s5, $0x1;
	s6 =	sadd.s32 s21, s4  }
0xa3: {  	[timem:s22], [sflag:s7] =	dma.local [hbm:s6], s5  }
0xa4: {  	_ =	swait.ge [sflag:s7], s5  }
0xa5: {  	s5 =	ssub.s32 $0x0, s5;
	[sflag:s7] =	ssyncset.done $0x0  }
0xa6: {  	[sflag:s7] =	ssyncadd.s32 s5;
	_ =	sdelay $0x1  }
0xa7: {  	s23 =	simm.s32 $0x1B8B  }
0xa8: {  	_ =	swait.ge [sflag:s23], $0x1  }
0xa9: {  	[sflag:s23] =	ssyncset.done $0x0  }
0xaa: {  	[sflag:s23] =	ssyncadd.s32 $0xFFFFFFFF  }
0xab: {  	s5 =	sld [smem:$0x0]  }
0xac: {  	s6 =	sand.u32 $0xFFFFFFFE, s1  }
0xad: {  	p0 =	sne.s32 s1, s6  }
0xae: {  	s6 =	sshll.u32 @p0 s6, $0xE  }
0xaf: {  	s6 =	sadd.s32 @p0 $0x11B8D, s6;
	s7 =	sshll.u32 @p0 s5, $0x11  }
0xb0: {  	s6 =	sor.u32 @p0 s7, s6  }
0xb1: {  	[sflag:s6] =	ssyncadd.remote.s32 @p0 $0x1;
	_ =	sdelay $0x1  }
0xb2: {  	s6 =	simm.s32 @p0 $0x1B8D  }
0xb3: {  	_ =	swait.eq @p0 [sflag:s6], $0x1  }
0xb4: {  	[sflag:s6] =	ssyncadd.s32 @p0 $0xFFFFFFFF  }
0xb5: {  	s7 =	sshll.u32 @!p0 s1, $0xE  }
0xb6: {  	s7 =	sor.u32 @!p0 $0x4000, s7;
	s6 =	simm.s32 @!p0 $0x1B8D  }
0xb7: {  	s5 =	sshll.u32 @!p0 s5, $0x11;
	s7 =	sadd.s32 @!p0 $0x11B8D, s7;
	_ =	swait.eq @!p0 [sflag:s6], $0x1  }
0xb8: {  	s5 =	sor.u32 @!p0 s5, s7;
	[sflag:s6] =	ssyncadd.s32 @!p0 $0xFFFFFFFF  }
0xb9: {  	s25 =	simm.s32 $0x1B8E;
	s24 =	sld [smem:$0x3FFE];
	[sflag:s5] =	ssyncadd.remote.s32 @!p0 $0x1  }
0xba: {  	s26 =	simm.s32 $execute0_lowered;
	[smem:$0x3FD2] =	sst s25  }
0xbb: {  	s6 =	sshll.u32 s26, $0x1;
	_ =	strace $0x80000049;
	[dreg:$0x1] =	wrdreg $0xFFFFFFFF  }
0xbc: {  	s28 =	simm.s32 $_size_execute0_lowered;
	s4 =	sadd.s32 s4, s6;
	[dreg:$0x0] =	wrdreg $0x0  }
0xbd: {  	s6 =	sshll.u32 s28, $0x1;
	[dreg:$0x2] =	wrdreg s4  }
0xbe: {  	[dreg:$0x3] =	wrdreg s6  }
0xbf: {  	[dreg:$0x4] =	wrdreg $0xC0  }
0xc0: {  	_ =	task [dreg:s22], $0x5FFFF  }
0xc1: {  	[dreg:$0x1] =	wrdreg $0xFFFFFFFF  }
0xc2: {  	[dreg:$0x0] =	wrdreg $0x60  }
0xc3: {  	[dreg:$0x2] =	wrdreg s24  }
0xc4: {  	[dreg:$0x3] =	wrdreg s17  }
0xc5: {  	[dreg:$0x4] =	wrdreg $0x0  }
0xc6: {  	[dreg:$0x5] =	wrdreg $0x140000  }
0xc7: {  	[dreg:$0x6] =	wrdreg $0x9  }
0xc8: {  	_ =	task.clear_ibuf [dreg:s22], $0x7FFFF;
	_ =	strace $0x90000049  }
0xc9: {  	s29 =	simm.s32 $0x9;
	_ =	strace $0x8000004B  }
0xca: {  	_ =	swait.ge [sflag:s29], $0x1  }
0xcb: {  	[sflag:s29] =	ssyncadd.s32 $0xFFFFFFFF  }
0xcc: {  	_ =	strace $0x9000004B  }
0xcd: {  	_ =	sfence  }
0xce: {  	s30 =	sld [smem:$0x0];
	_ =	sdelay $0x2  }
0xcf: {  	s31 =	sshll.u32 s1, $0xD;
	s1 =	sshrl.u32 s1, $0x2  }
0xd0: {  	s4 =	sand.u32 $0x4000, s31;
	s1 =	sadd.s32 s1, s30  }
0xd1: {  	s0 =	sor.u32 s4, s0;
	s1 =	sshll.u32 s1, $0x11  }
0xd2: {  	s0 =	sor.u32 s1, s0  }
0xd3: {  	s0 =	sadd.s32 $0x8F2B, s0  }
0xd4: {  	[sflag:s0] =	ssyncadd.remote.s32 $0x1  }
0xd5: {  	_ =	sfence.sel $0xFFFF  }
0xd6: {  	[dreg:$0x0] =	wrdreg $0xFFFFFFFF;
	(pc) =	sbr.abs _section_cstart, $3  }
0xd7: {  	[dreg:$0x1] =	wrdreg $0xFFFFFFFF  }
0xd8: {  	_ =	task.clear_ibuf [dreg:s22], $0x2FFFF;
	_ =	strace $0x9FFFFFFF  }
0xd9: {  	(tm) =	ssettm $0x7FFFFFFF  }
tec
execute0_lowered:
.L_overlay_start_1:
0x0: {  	(tag) =	ssettag $0x1  }
0x1: {  	s0 =	rddreg [dreg:$0x0]  }
0x2: {  	s1 =	rddreg [dreg:$0x1]  }
0x3: {  	s2 =	rddreg [dreg:$0x2]  }
0x4: {  	s3 =	rddreg [dreg:$0x3]  }
0x5: {  	s5 =	simm.s32 $0x0;
	s13 =	stileid.u32;
	s4 =	srdreg.scid  }
0x6: {  	s18 =	simm.s32 $0x16980;
	s19 =	simm.s32 $0x2;
	s20 =	simm.s32 $0x19980  }
0x7: {  	s21 =	simm.s32 $0x16900;
	s22 =	simm.s32 $0x20;
	s28 =	simm.s32 $0x1  }
0x8: {  	s29 =	simm.s32 $0x0;
	s30 =	simm.s32 $0x0;
	s6 =	sadd.s32 $0x122A00, s0  }
0x9: {  	[smem:$0x7FF] =	sst s5;
	s10 =	smul.u32 $0x50, s13;
	s7 =	sadd.s32 $0x14AA00, s0  }
0xa: {  	s4 =	sand.u32 $0x1, s4;
	s8 =	sadd.s32 $0x172A00, s0;
	s12 =	smul.u32 $0x14000, s13  }
0xb: {  	s9 =	sadd.s32 $0x19AA00, s0;
	s14 =	sadd.s32 $0x82800, s0;
	s23 =	sadd.s32 $0x82600, s0  }
0xc: {  	s24 =	sshll.u32 s13, $0x1;
	_ =	strace $0x8000004A;
	[dreg:$0x5] =	wrdreg s14  }
0xd: {  	s11 =	smul.u32 $0x140000, s4;
	[dreg:$0x6] =	wrdreg s23;
	s25 =	ssub.s32 $0x2, s4  }
0xe: {  	s4 =	sor.u32 s4, s24;
	s23 =	simm.s32 $0x16800;
	s24 =	simm.s32 $0x16880  }
0xf: {  	s10 =	sadd.s32 s10, s0;
	s26 =	sshrl.u32 s25, $0x1;
	s11 =	sadd.s32 s12, s11  }
0x10: {  	s31 =	ssub.s32 $0x1387, s4;
	s12 =	sshll.u32 s4, $0x5;
	s11 =	sshrl.u32 s11, $0x3  }
0x11: {  	s13 =	sshrl.u32 s31, $0x5;
	s15 =	sadd.s32 $0x19FA00, s10;
	s0 =	sadd.s32 s11, s0  }
0x12: {  	vm0 =	vmmov $0x1;
	s11 =	ssub.s32 s25, s26;
	s25 =	simm.s32 $0x17980;
	s26 =	simm.s32 $0x18980  }
0x13: {  	vm1 =	vcmask $0x308;
	vm2 =	vcmask $0x70C;
	vm3 =	vcmask $0xB10;
	s14 =	smax.u32 s11, $0x1;
	s16 =	sadd.s32 $0x1F0000, s0;
	s17 =	sadd.s32 $0x1A0000, s0  }
.LBB2_1:
0x14: {  	s0 =	rddreg [dreg:$0x5]  }
0x15: {  	[tilespmem:s18], [sflag:$0x2] =	stream.linear.gather [hbm4b:s0+s5], $0x1000, $0x38;
	[tilespmem:$0x1A980] =	vst v63  }
0x16: {  	_ =	swait.ge [sflag:s19], $0x1000  }
0x17: {  	[sflag:s19] =	ssyncset.done $0x0  }
0x18: {  	s11 =	rddreg [dreg:$0x6];
	[sflag:s19] =	ssyncadd.s32 $0xFFFFF000  }
0x19: {  	[tilespmem:s20], [sflag:$0x2] =	stream.linear.gather [hbm4b:s11+s5], $0x1000, $0x38;
	[tilespmem:$0x1A980] =	vst v63  }
0x1a: {  	_ =	swait.ge [sflag:s19], $0x1000  }
0x1b: {  	[sflag:s19] =	ssyncset.done $0x0  }
0x1c: {  	s31 =	sadd.s32 $0x0, s15;
	[sflag:s19] =	ssyncadd.s32 $0xFFFFF000  }
0x1d: {  	[tilespmem:s21], [sflag:$0x2] =	stream.linear.gather [hbm4b:s31+s5], $0x20, $0x38;
	[tilespmem:$0x1A980] =	vst v63  }
0x1e: {  	_ =	swait.ge [sflag:s19], $0x20  }
0x1f: {  	[sflag:s19] =	ssyncset.done $0x0  }
0x20: {  	[sflag:s19] =	ssyncadd.s32 $0xFFFFFFE0  }
0x21: {  	[spmem:s2] =	stream.indirect.scatter [tilespmem:s18], [sflag:$0x2], $0x80, s21, s22, $0xb8;
	[tilespmem:$0x1A980] =	vst v63  }
0x22: {  	_ =	swait.ge [sflag:s19], $0x1000  }
0x23: {  	[sflag:s19] =	ssyncset.done $0x0  }
0x24: {  	[sflag:s19] =	ssyncadd.s32 $0xFFFFF000  }
0x25: {  	[spmem:s3] =	stream.indirect.scatter [tilespmem:s20], [sflag:$0x2], $0x10, s21, s22, $0xb8;
	[tilespmem:$0x1A980] =	vst v63  }
0x26: {  	_ =	swait.ge [sflag:s19], $0x200  }
0x27: {  	s4 =	simm.s32 $0x8;
	s0 =	simm.s32 $0x4;
	[sflag:s19] =	ssyncset.done $0x0  }
.LBB2_2:
0x28: {  	s10 =	sadd.s32 s0, s15  }
0x29: {  	[sflag:s19] =	ssyncadd.s32 $0xFFFFFE00;
	s0 =	smov.u32 s4;
	s11 =	sadd.s32 $0x4, s4  }
0x2a: {  	[tilespmem:s21], [sflag:$0x2] =	stream.linear.gather [hbm4b:s10+s5], $0x20, $0x38;
	[tilespmem:$0x1A980] =	vst v63  }
0x2b: {  	p0 =	sne.s32 s4, $0x4C;
	_ =	swait.ge [sflag:s19], $0x20  }
0x2c: {  	[sflag:s19] =	ssyncset.done $0x0  }
0x2d: {  	[sflag:s19] =	ssyncadd.s32 $0xFFFFFFE0  }
0x2e: {  	[spmem:s2] =	stream.indirect.scatter [tilespmem:s18], [sflag:$0x2], $0x80, s21, s22, $0xb8;
	[tilespmem:$0x1A980] =	vst v63  }
0x2f: {  	_ =	swait.ge [sflag:s19], $0x1000  }
.Ltmp0:
0x30: {  	[sflag:s19] =	ssyncset.done $0x0;
	(pc) =	sbr.rel @p0 .LBB2_2-.Ltmp0, $4  }
0x31: {  	[sflag:s19] =	ssyncadd.s32 $0xFFFFF000  }
0x32: {  	[spmem:s3] =	stream.indirect.scatter [tilespmem:s20], [sflag:$0x2], $0x10, s21, s22, $0xb8;
	[tilespmem:$0x1A980] =	vst v63  }
0x33: {  	_ =	swait.ge [sflag:s19], $0x200  }
0x34: {  	s4 =	smov.u32 s11;
	[sflag:s19] =	ssyncset.done $0x0  }
0x35: {  	s0 =	sadd.s32 s0, s15;
	[sflag:s19] =	ssyncadd.s32 $0xFFFFFE00  }
0x36: {  	[tilespmem:s21], [sflag:$0x2] =	stream.linear.gather [hbm4b:s0+s5], $0x20, $0x38;
	[tilespmem:$0x1A980] =	vst v63  }
0x37: {  	_ =	swait.ge [sflag:s19], $0x20  }
0x38: {  	[sflag:s19] =	ssyncset.done $0x0  }
0x39: {  	[sflag:s19] =	ssyncadd.s32 $0xFFFFFFE0  }
0x3a: {  	[spmem:s2] =	stream.indirect.scatter [tilespmem:s18], [sflag:$0x2], $0x80, s21, s22, $0xb8;
	[tilespmem:$0x1A980] =	vst v63  }
0x3b: {  	_ =	swait.ge [sflag:s19], $0x1000  }
0x3c: {  	[sflag:s19] =	ssyncset.done $0x0  }
0x3d: {  	[sflag:s19] =	ssyncadd.s32 $0xFFFFF000  }
0x3e: {  	[spmem:s3] =	stream.indirect.scatter [tilespmem:s20], [sflag:$0x2], $0x10, s21, s22, $0xb8;
	[tilespmem:$0x1A980] =	vst v63  }
0x3f: {  	_ =	swait.ge [sflag:s19], $0x200  }
0x40: {  	[sflag:s19] =	ssyncset.done $0x0  }
0x41: {  	[sflag:s19] =	ssyncadd.s32 $0xFFFFFE00  }
0x42: {  	s31 =	simm.s32 $0x0;
	[bflag:$0x0] =	sbarrier.arrive $0xFFFF  }
.LBB2_4:
0x43: {  	s0 =	sshll.u32 s31, $0xA  }
0x44: {  	s0 =	sor.u32 s12, s0  }
0x45: {  	s0 =	sshrl.u32 s0, $0x3  }
0x46: {  	s4 =	sadd.s32 s9, s0  }
0x47: {  	[tilespmem:s23], [sflag:$0x2] =	stream.linear.gather [hbm4b:s4+s30], $0x20, $0x38;
	[tilespmem:$0x1A980] =	vst v63  }
0x48: {  	_ =	swait.ge [sflag:s19], $0x20  }
0x49: {  	[sflag:s19] =	ssyncset.done $0x0  }
0x4a: {  	s0 =	sadd.s32 s1, s0;
	[sflag:s19] =	ssyncadd.s32 $0xFFFFFFE0  }
0x4b: {  	[tilespmem:s24], [sflag:$0x2] =	stream.linear.gather [hbm4b:s0+s30], $0x20, $0x38;
	[tilespmem:$0x1A980] =	vst v63  }
0x4c: {  	_ =	swait.ge [sflag:s19], $0x20  }
0x4d: {  	[sflag:s19] =	ssyncset.done $0x0  }
0x4e: {  	[sflag:s19] =	ssyncadd.s32 $0xFFFFFFE0  }
0x4f: {  	[tilespmem:s18], [sflag:$0x1] =	stream.indirect.gather [hbm4b:s6+s22], $0x80, s24, s22, $0xb8;
	[tilespmem:$0x1A980] =	vst v63  }
0x50: {  	_ = 	snop  }
0x51: {  	[tilespmem:s25], [sflag:$0x1] =	stream.indirect.gather [hbm4b:s7+s22], $0x80, s23, s22, $0xb8;
	[tilespmem:$0x1A980] =	vst v63  }
0x52: {  	_ = 	snop  }
0x53: {  	[tilespmem:s26], [sflag:$0x1] =	stream.indirect.gather [hbm4b:s8+s22], $0x80, s23, s22, $0xb8;
	[tilespmem:$0x1A980] =	vst v63  }
0x54: {  	_ =	swait.ge [sflag:s28], $0x1000  }
0x55: {  	[sflag:s28] =	ssyncset.done $0x0  }
0x56: {  	[sflag:s28] =	ssyncadd.s32 $0xFFFFF000  }
0x57: {  	_ =	swait.ge [sflag:s28], $0x1000  }
0x58: {  	[sflag:s28] =	ssyncset.done $0x0  }
0x59: {  	[sflag:s28] =	ssyncadd.s32 $0xFFFFF000  }
0x5a: {  	_ =	swait.ge [sflag:s28], $0x1000  }
0x5b: {  	[sflag:s28] =	ssyncset.done $0x0  }
0x5c: {  	s0 =	simm.s32 $0x0;
	[sflag:s28] =	ssyncadd.s32 $0xFFFFF000  }
0x5d: {  	v0 =	vld [tilespmem:s0+$0x179F0]  }
0x5e: {  	v1 =	vld [tilespmem:s0+$0x179D0]  }
0x5f: {  	v2 =	vld [tilespmem:s0+$0x179E0]  }
0x60: {  	v3 =	vld [tilespmem:s0+$0x169F0]  }
0x61: {  	v4 =	vld [tilespmem:s0+$0x169E0]  }
0x62: {  	v5 =	vld [tilespmem:s0+$0x179C0]  }
0x63: {  	v6 =	vld [tilespmem:s0+$0x169D0]  }
0x64: {  	v7 =	vld [tilespmem:s0+$0x169C0];
	_ =	sdelay $0x1  }
0x65: {  	v0 =	vmul.f32 v0, v3;
	v2 =	vmul.f32 v2, v4  }
0x66: {  	v8 =	vld [tilespmem:s0+$0x17990]  }
0x67: {  	v3 =	vld [tilespmem:s0+$0x179B0];
	v0 =	vadd.f32 v0, v2  }
0x68: {  	v4 =	vld [tilespmem:s0+$0x179A0];
	v1 =	vmul.f32 v1, v6;
	v5 =	vmul.f32 v5, v7  }
0x69: {  	v6 =	vld [tilespmem:s0+$0x169A0];
	(xrf2) =	vadd.scan.msk.f32 $0xffff, v0  }
0x6a: {  	v2 =	vld [tilespmem:s0+$0x169B0];
	v1 =	vadd.f32 v1, v5  }
0x6b: {  	v7 =	vld [tilespmem:s0+$0x16990]  }
0x6c: {  	v5 =	vld [tilespmem:s0+$0x16980];
	(xrf2) =	vadd.scan.msk.f32 $0xffff, v1  }
0x6d: {  	v0 =	vld [tilespmem:s0+$0x17980];
	_ =	sdelay $0x1  }
0x6e: {  	v1 =	vmul.f32 v3, v2;
	v2 =	vmul.f32 v4, v6;
	_ =	sdelay $0x1  }
0x6f: {  	v1 =	vadd.f32 v1, v2  }
0x70: {  	v3 =	vmul.f32 v8, v7;
	v0 =	vmul.f32 v0, v5  }
0x71: {  	v2, _, _ =	vpop (xrf2);
	(xrf2) =	vadd.scan.msk.f32 $0xffff, v1  }
0x72: {  	v0 =	vadd.f32 v3, v0  }
0x73: {  	v1 =	vmul.f32 $1.442695020e+00, v2  }
0x74: {  	(xrf2) =	vadd.scan.msk.f32 $0xffff, v0;
	v2, _, _ =	vpop (xrf2)  }
0x75: {  	v2 =	vmul.f32 $1.442695020e+00, v2;
	v1 =	vbroadcast v1, $0xF;
	_ =	sdelay $0x1  }
0x76: {  	(erf) = vpow2.f32 v1;
	v1 =	vbroadcast v2, $0xF;
	_ =	sdelay $0x2  }
0x77: {  	v13 =	vld [tilespmem:s0+$0x189E0]  }
0x78: {  	v11 =	vld [tilespmem:s0+$0x189C0];
	(erf) = vpow2.f32 v1;
	v1, _, _ =	vpop (xrf2)  }
0x79: {  	v12 =	vld [tilespmem:s0+$0x189D0];
	v1 =	vmul.f32 $1.442695020e+00, v1  }
0x7a: {  	s4 =	simm.s32 $0x80;
	v4 =	vld [tilespmem:s0+$0x189F0]  }
0x7b: {  	v9 =	vld [tilespmem:s4+$0x179F0];
	v2, _, _ =	vpop (xrf2);
	v10 =	vbroadcast v1, $0xF  }
0x7c: {  	v6 =	vld [tilespmem:s0+$0x189A0];
	v5 =	vmul.f32 $1.442695020e+00, v2  }
0x7d: {  	v8 =	vld [tilespmem:s0+$0x189B0];
	(erf) = vpow2.f32 v10  }
0x7e: {  	v7 =	vld [tilespmem:s4+$0x179D0];
	v14 =	vbroadcast v5, $0xF;
	v1 =	vpop (erf)  }
0x7f: {  	v3 =	vld [tilespmem:s0+$0x18990];
	v4 =	vmul.f32 v1, v4  }
0x80: {  	v0 =	vld [tilespmem:s0+$0x18980];
	(erf) = vpow2.f32 v14  }
0x81: {  	v2 =	vld [tilespmem:s4+$0x17990]  }
0x82: {  	v5 =	vld [tilespmem:s4+$0x179B0];
	v13 =	vmul.f32 v1, v13  }
0x83: {  	s10 =	simm.s32 $0x400;
	v10 =	vld [tilespmem:s4+$0x179E0];
	[tilespmem:s0+$0x169F0] =	vst v4;
	v4 =	vpop (erf)  }
.LBB2_5:
0x84: {  	p0 =	sne.s32 s10, $0x3E00;
	v14 =	vld [tilespmem:s4+$0x169F0];
	v11 =	vmul.f32 v4, v11;
	v16 =	vmul.f32 v4, v12;
	[tilespmem:s0+$0x169E0] =	vst v13;
	s11 =	smov.u32 s10;
	s10 =	sadd.s32 $0x200, s10  }
0x85: {  	v13 =	vld [tilespmem:s4+$0x169E0]  }
0x86: {  	v15 =	vld [tilespmem:s4+$0x179C0];
	[tilespmem:s0+$0x169D0] =	vst v16;
	v12 =	vpop (erf)  }
0x87: {  	v16 =	vld [tilespmem:s4+$0x169D0];
	v6 =	vmul.f32 v12, v6;
	v18 =	vmul.f32 v12, v8;
	[tilespmem:s0+$0x169C0] =	vst v11  }
0x88: {  	v11 =	vld [tilespmem:s4+$0x169C0]  }
0x89: {  	v17 =	vld [tilespmem:s4+$0x179A0];
	v9 =	vmul.f32 v9, v14;
	[tilespmem:s0+$0x169B0] =	vst v18;
	v8 =	vpop (erf)  }
0x8a: {  	v14 =	vld [tilespmem:s4+$0x169B0];
	v10 =	vmul.f32 v10, v13;
	v0 =	vmul.f32 v8, v0;
	v13 =	vnsel vm0, $0x0, v8;
	[tilespmem:s0+$0x169A0] =	vst v6  }
0x8b: {  	v12 =	vsel vm1, $0x0, v12;
	v3 =	vmul.f32 v8, v3;
	v6 =	vld [tilespmem:s4+$0x169A0];
	v8 =	vadd.f32 $0.0e+00, v13  }
0x8c: {  	v13 =	vld [tilespmem:s4+$0x17980];
	v7 =	vmul.f32 v7, v16;
	v9 =	vadd.f32 v9, v10;
	[tilespmem:s0+$0x16980] =	vst v0  }
0x8d: {  	v4 =	vsel vm2, $0x0, v4;
	v10 =	vld [tilespmem:s4+$0x16980];
	v11 =	vmul.f32 v15, v11;
	[tilespmem:s0+$0x16990] =	vst v3;
	v3 =	vadd.f32 v12, v8  }
0x8e: {  	v1 =	vsel vm3, $0x0, v1;
	v8 =	vld [tilespmem:s4+$0x16990];
	(xrf2) =	vadd.scan.msk.f32 $0xffff, v9  }
0x8f: {  	v0 =	vld [tilespmem:s4+$0x18980];
	v5 =	vmul.f32 v5, v14;
	v7 =	vadd.f32 v7, v11;
	v3 =	vadd.f32 v4, v3  }
0x90: {  	v4 =	vmul.f32 v17, v6  }
0x91: {  	(xrf2) =	vadd.scan.msk.f32 $0xffff, v7;
	v1 =	vadd.f32 v1, v3  }
0x92: {  	v3 =	vadd.f32 v5, v4  }
0x93: {  	v4 =	vmul.f32 v13, v10;
	v2 =	vmul.f32 v2, v8;
	[tilespmem:s0+$0x19980] =	vst v1;
	s0 =	smov.u32 s4  }
0x94: {  	(xrf2) =	vadd.scan.msk.f32 $0xffff, v3  }
0x95: {  	v2 =	vadd.f32 v2, v4;
	_ =	sdelay $0x1  }
0x96: {  	(xrf2) =	vadd.scan.msk.f32 $0xffff, v2  }
0x97: {  	v1, _, _ =	vpop (xrf2)  }
0x98: {  	v1 =	vmul.f32 $1.442695020e+00, v1;
	_ =	sdelay $0x1  }
0x99: {  	v1 =	vbroadcast v1, $0xF;
	v2, _, _ =	vpop (xrf2)  }
0x9a: {  	v4 =	vmul.f32 $1.442695020e+00, v2  }
0x9b: {  	(erf) = vpow2.f32 v1  }
0x9c: {  	v3 =	vld [tilespmem:s0+$0x18990];
	v1 =	vbroadcast v4, $0xF;
	v2, _, _ =	vpop (xrf2)  }
0x9d: {  	v5 =	vmul.f32 $1.442695020e+00, v2;
	v6 =	vld [tilespmem:s0+$0x189A0]  }
0x9e: {  	v8 =	vld [tilespmem:s0+$0x189B0];
	(erf) = vpow2.f32 v1  }
0x9f: {  	v1 =	vbroadcast v5, $0xF;
	v4 =	vld [tilespmem:s0+$0x189F0];
	v2, _, _ =	vpop (xrf2)  }
0xa0: {  	v2 =	vmul.f32 $1.442695020e+00, v2;
	v5 =	vld [tilespmem:s0+$0x189E0]  }
0xa1: {  	v11 =	vld [tilespmem:s0+$0x189C0];
	(erf) = vpow2.f32 v1  }
0xa2: {  	s4 =	sshra.s32 s11, $0x2;
	v7 =	vbroadcast v2, $0xF;
	v12 =	vld [tilespmem:s0+$0x189D0]  }
.Ltmp1:
0xa3: {  	v9 =	vld [tilespmem:s4+$0x179F0];
	(pc) =	sbr.rel @p0 .LBB2_5-.Ltmp1, $4  }
0xa4: {  	v2 =	vld [tilespmem:s4+$0x17990];
	(erf) = vpow2.f32 v7;
	v1 =	vpop (erf)  }
0xa5: {  	v7 =	vld [tilespmem:s4+$0x179D0];
	v13 =	vmul.f32 v1, v5;
	v14 =	vmul.f32 v1, v4  }
0xa6: {  	v5 =	vld [tilespmem:s4+$0x179B0]  }
0xa7: {  	v10 =	vld [tilespmem:s4+$0x179E0];
	[tilespmem:s0+$0x169F0] =	vst v14;
	v4 =	vpop (erf)  }
0xa8: {  	v14 =	vld [tilespmem:s4+$0x169F0];
	[tilespmem:s0+$0x169E0] =	vst v13;
	v12 =	vmul.f32 v4, v12  }
0xa9: {  	v11 =	vmul.f32 v4, v11;
	v13 =	vld [tilespmem:s4+$0x169E0]  }
0xaa: {  	v15 =	vld [tilespmem:s4+$0x179C0];
	[tilespmem:s0+$0x169D0] =	vst v12;
	v16 =	vpop (erf)  }
0xab: {  	v12 =	vld [tilespmem:s4+$0x169D0];
	[tilespmem:s0+$0x169C0] =	vst v11;
	v8 =	vmul.f32 v16, v8  }
0xac: {  	v6 =	vmul.f32 v16, v6;
	v11 =	vld [tilespmem:s4+$0x169C0]  }
0xad: {  	v17 =	vld [tilespmem:s4+$0x179A0];
	[tilespmem:s0+$0x169B0] =	vst v8;
	v18 =	vpop (erf)  }
0xae: {  	v8 =	vld [tilespmem:s4+$0x169B0];
	[tilespmem:s0+$0x169A0] =	vst v6;
	v0 =	vmul.f32 v18, v0  }
0xaf: {  	v3 =	vmul.f32 v18, v3;
	v6 =	vld [tilespmem:s4+$0x169A0]  }
0xb0: {  	v19 =	vld [tilespmem:s4+$0x17980];
	[tilespmem:s0+$0x16980] =	vst v0  }
0xb1: {  	v0 =	vld [tilespmem:s4+$0x16980];
	[tilespmem:s0+$0x16990] =	vst v3  }
0xb2: {  	v3 =	vld [tilespmem:s4+$0x16990];
	_ =	sdelay $0x1  }
0xb3: {  	v9 =	vmul.f32 v9, v14;
	v10 =	vmul.f32 v10, v13  }
0xb4: {  	v7 =	vmul.f32 v7, v12;
	v11 =	vmul.f32 v15, v11  }
0xb5: {  	v9 =	vadd.f32 v9, v10;
	v5 =	vmul.f32 v5, v8;
	v6 =	vmul.f32 v17, v6  }
0xb6: {  	v7 =	vadd.f32 v7, v11;
	v0 =	vmul.f32 v19, v0;
	v2 =	vmul.f32 v2, v3  }
0xb7: {  	(xrf2) =	vadd.scan.msk.f32 $0xffff, v9;
	v30 =	vadd.f32 v5, v6  }
0xb8: {  	(xrf2) =	vadd.scan.msk.f32 $0xffff, v7;
	v0 =	vadd.f32 v2, v0  }
0xb9: {  	(xrf2) =	vadd.scan.msk.f32 $0xffff, v30  }
0xba: {  	(xrf2) =	vadd.scan.msk.f32 $0xffff, v0;
	_ =	sdelay $0x6  }
0xbb: {  	v31, _, _ =	vpop (xrf2)  }
0xbc: {  	v0 =	vmul.f32 $1.442695020e+00, v31;
	v32, _, _ =	vpop (xrf2)  }
0xbd: {  	v33 =	vnsel vm0, $0x0, v18;
	v2 =	vmul.f32 $1.442695020e+00, v32;
	v34, _, _ =	vpop (xrf2)  }
0xbe: {  	v3 =	vadd.f32 $0.0e+00, v33;
	v0 =	vbroadcast v0, $0xF;
	v5 =	vmul.f32 $1.442695020e+00, v34;
	v35, _, _ =	vpop (xrf2)  }
0xbf: {  	v36 =	vsel vm1, $0x0, v16;
	v2 =	vbroadcast v2, $0xF;
	v6 =	vmul.f32 $1.442695020e+00, v35  }
0xc0: {  	v3 =	vadd.f32 v36, v3;
	(erf) = vpow2.f32 v0;
	v37 =	vbroadcast v5, $0xF  }
0xc1: {  	v38 =	vsel vm2, $0x0, v4;
	(erf) = vpow2.f32 v2;
	v39 =	vbroadcast v6, $0xF  }
0xc2: {  	v3 =	vadd.f32 v38, v3;
	(erf) = vpow2.f32 v37  }
0xc3: {  	v40 =	vsel vm3, $0x0, v1;
	(erf) = vpow2.f32 v39  }
0xc4: {  	v0 =	vadd.f32 v40, v3;
	_ =	sdelay $0x1  }
0xc5: {  	v41 =	vld [tilespmem:s4+$0x18980];
	[tilespmem:s0+$0x19980] =	vst v0  }
0xc6: {  	v0 =	vld [tilespmem:s4+$0x189F0]  }
0xc7: {  	v42 =	vld [tilespmem:s4+$0x189E0]  }
0xc8: {  	v43 =	vld [tilespmem:s4+$0x189D0];
	v44 =	vpop (erf)  }
0xc9: {  	v45 =	vld [tilespmem:s4+$0x189C0];
	v46 =	vpop (erf)  }
0xca: {  	v47 =	vld [tilespmem:s4+$0x189B0];
	v48 =	vpop (erf)  }
0xcb: {  	v49 =	vld [tilespmem:s4+$0x189A0];
	v0 =	vmul.f32 v44, v0;
	v50 =	vpop (erf)  }
0xcc: {  	v2 =	vmul.f32 v44, v42;
	v52 =	vnsel vm0, $0x0, v50  }
0xcd: {  	v51 =	vld [tilespmem:s4+$0x18990];
	[tilespmem:s4+$0x169F0] =	vst v0;
	v53 =	vmul.f32 v46, v43;
	v54 =	vadd.f32 $0.0e+00, v52  }
0xce: {  	[tilespmem:s4+$0x169E0] =	vst v2;
	v5 =	vmul.f32 v46, v45;
	v55 =	vsel vm1, $0x0, v48  }
0xcf: {  	[tilespmem:s4+$0x169D0] =	vst v53;
	v56 =	vmul.f32 v48, v47;
	v2 =	vadd.f32 v55, v54  }
0xd0: {  	v58 =	vsel vm2, $0x0, v46;
	[tilespmem:s4+$0x169C0] =	vst v5;
	v57 =	vmul.f32 v48, v49  }
0xd1: {  	[tilespmem:s4+$0x169B0] =	vst v56;
	v59 =	vmul.f32 v50, v41;
	v60 =	vadd.f32 v58, v2  }
0xd2: {  	v62 =	vsel vm3, $0x0, v44;
	[tilespmem:s4+$0x169A0] =	vst v57;
	v61 =	vmul.f32 v50, v51  }
0xd3: {  	[tilespmem:s4+$0x16980] =	vst v59;
	v63 =	vadd.f32 v62, v60  }
0xd4: {  	[tilespmem:s4+$0x16990] =	vst v61  }
0xd5: {  	[tilespmem:s4+$0x19980] =	vst v63  }
0xd6: {  	[spmem:s2] =	stream.indirect.scatter.add.f32 [tilespmem:s18], [sflag:$0x2], $0x80, s24, s22, $0xb8;
	[tilespmem:$0x1A980] =	vst v63  }
0xd7: {  	_ =	swait.ge [sflag:s19], $0x1000  }
0xd8: {  	p0 =	sne.s32 s31, s13;
	[sflag:s19] =	ssyncset.done $0x0  }
.Ltmp2:
0xd9: {  	[sflag:s19] =	ssyncadd.s32 $0xFFFFF000;
	(pc) =	sbr.rel @p0 .LBB2_4-.Ltmp2, $4  }
0xda: {  	[spmem:s3] =	stream.indirect.scatter.add.f32 [tilespmem:s20], [sflag:$0x2], $0x10, s24, s22, $0xb8;
	[tilespmem:$0x1A980] =	vst v63  }
0xdb: {  	_ =	swait.ge [sflag:s19], $0x200  }
0xdc: {  	s11 =	sadd.s32 $0x1, s31;
	[sflag:s19] =	ssyncset.done $0x0  }
0xdd: {  	s31 =	smov.u32 s11;
	[sflag:s19] =	ssyncadd.s32 $0xFFFFFE00  }
0xde: {  	[bflag:$0x0] =	sbarrier.arrive $0xFFFF  }
0xdf: {  	[tilespmem:s21], [sflag:$0x2] =	stream.linear.gather [hbm4b:s15+s5], $0x20, $0x38;
	[tilespmem:$0x1A980] =	vst v63  }
0xe0: {  	_ =	swait.ge [sflag:s19], $0x20  }
0xe1: {  	[sflag:s19] =	ssyncset.done $0x0  }
0xe2: {  	[sflag:s19] =	ssyncadd.s32 $0xFFFFFFE0  }
0xe3: {  	[tilespmem:s18], [sflag:$0x1] =	stream.indirect.gather [spmem:s2], $0x80, s21, s22, $0xb8;
	[tilespmem:$0x1A980] =	vst v63  }
0xe4: {  	_ = 	snop  }
0xe5: {  	[tilespmem:s20], [sflag:$0x1] =	stream.indirect.gather [spmem:s3], $0x10, s21, s22, $0xb8;
	[tilespmem:$0x1A980] =	vst v63  }
0xe6: {  	_ =	swait.ge [sflag:s28], $0x1000  }
0xe7: {  	[sflag:s28] =	ssyncset.done $0x0  }
0xe8: {  	[sflag:s28] =	ssyncadd.s32 $0xFFFFF000  }
0xe9: {  	_ =	swait.ge [sflag:s28], $0x200  }
0xea: {  	[sflag:s28] =	ssyncset.done $0x0  }
0xeb: {  	s0 =	sadd.s32 $0x0, s17;
	[sflag:s28] =	ssyncadd.s32 $0xFFFFFE00  }
0xec: {  	[hbm4b:s0+s5] =	stream.linear.scatter [tilespmem:s18], [sflag:$0x2], $0x1000, $0x38;
	[tilespmem:$0x1A980] =	vst v63  }
0xed: {  	_ =	swait.ge [sflag:s19], $0x1000  }
0xee: {  	[sflag:s19] =	ssyncset.done $0x0  }
0xef: {  	s31 =	sadd.s32 $0x0, s16;
	[sflag:s19] =	ssyncadd.s32 $0xFFFFF000  }
0xf0: {  	[hbm4b:s31+s5] =	stream.linear.scatter [tilespmem:s20], [sflag:$0x2], $0x1000, $0x38;
	[tilespmem:$0x1A980] =	vst v63  }
0xf1: {  	_ =	swait.ge [sflag:s19], $0x1000  }
0xf2: {  	s4 =	smov.u32 s15;
	s0 =	simm.s32 $0x200;
	[sflag:s19] =	ssyncset.done $0x0  }
.LBB2_8:
0xf3: {  	p0 =	sne.s32 s0, $0x2600;
	[sflag:s19] =	ssyncadd.s32 $0xFFFFF000;
	s4 =	sadd.s32 $0x4, s4  }
0xf4: {  	[tilespmem:s21], [sflag:$0x2] =	stream.linear.gather [hbm4b:s4+s5], $0x20, $0x38;
	[tilespmem:$0x1A980] =	vst v63  }
0xf5: {  	s10 =	smov.u32 s0;
	s0 =	sadd.s32 $0x200, s0;
	_ =	swait.ge [sflag:s19], $0x20  }
0xf6: {  	[sflag:s19] =	ssyncset.done $0x0  }
0xf7: {  	[sflag:s19] =	ssyncadd.s32 $0xFFFFFFE0  }
0xf8: {  	[tilespmem:s18], [sflag:$0x1] =	stream.indirect.gather [spmem:s2], $0x80, s21, s22, $0xb8;
	[tilespmem:$0x1A980] =	vst v63  }
0xf9: {  	_ = 	snop  }
0xfa: {  	[tilespmem:s20], [sflag:$0x1] =	stream.indirect.gather [spmem:s3], $0x10, s21, s22, $0xb8;
	[tilespmem:$0x1A980] =	vst v63  }
0xfb: {  	_ =	swait.ge [sflag:s28], $0x1000  }
0xfc: {  	[sflag:s28] =	ssyncset.done $0x0  }
0xfd: {  	[sflag:s28] =	ssyncadd.s32 $0xFFFFF000  }
0xfe: {  	_ =	swait.ge [sflag:s28], $0x200  }
0xff: {  	[sflag:s28] =	ssyncset.done $0x0  }
0x100: {  	s11 =	sadd.s32 s10, s17;
	[sflag:s28] =	ssyncadd.s32 $0xFFFFFE00  }
0x101: {  	[hbm4b:s11+s5] =	stream.linear.scatter [tilespmem:s18], [sflag:$0x2], $0x1000, $0x38;
	[tilespmem:$0x1A980] =	vst v63  }
0x102: {  	_ =	swait.ge [sflag:s19], $0x1000  }
.Ltmp3:
0x103: {  	[sflag:s19] =	ssyncset.done $0x0;
	(pc) =	sbr.rel @p0 .LBB2_8-.Ltmp3, $4  }
0x104: {  	s10 =	sadd.s32 s10, s16;
	[sflag:s19] =	ssyncadd.s32 $0xFFFFF000  }
0x105: {  	[hbm4b:s10+s5] =	stream.linear.scatter [tilespmem:s20], [sflag:$0x2], $0x1000, $0x38;
	[tilespmem:$0x1A980] =	vst v63  }
0x106: {  	_ =	swait.ge [sflag:s19], $0x1000  }
0x107: {  	[sflag:s19] =	ssyncset.done $0x0  }
0x108: {  	s29 =	sadd.s32 $0x1, s29  }
0x109: {  	p0 =	sne.s32 s29, s14  }
.Ltmp4:
0x10a: {  	_ = 	snop;
	(pc) =	sbr.rel @p0 .LBB2_1-.Ltmp4, $2  }
0x10b: {  	_ =	sdelay $0x2  }
0x10c: {  	[sflag:s19] =	ssyncadd.s32 $0xFFFFF000  }
0x10d: {  	_ =	sfence.sel $0x180000  }
0x10e: {  	[bflag:$0x0] =	sbarrier.arrive $0xFFFF  }
0x10f: {  	_ =	strace $0x9000004A  }
0x110: {  	s0 =	stileid.u32;
	[bflag:$0x2] =	sbarrier.arrive $0xFFFF  }
0x111: {  	p0 =	sne.s32 s0, $0x0;
	s0 =	rddreg [dreg:$0x4]  }
0x112: {  	s0 =	sadd.s32 @!p0 $0x100000, s0  }
0x113: {  	[sflag:s0] =	ssyncadd.tile.s32 @!p0 $0x1;
	_ =	shalt  }
.Lfunc_end2:
_tile_overlayer_lowered:
.L_overlay_start_2:
0x114: {  	(tag) =	ssettag $0x2  }
0x115: {  	s0 =	rddreg [dreg:$0x0];
	s2 =	stileid.u32  }
0x116: {  	s1 =	rddreg [dreg:$0x1];
	p0 =	sne.s32 s2, $0x0  }
0x117: {  	s3 =	rddreg [dreg:$0x2];
	[bflag:$0x3] =	sbarrier.arrive $0xFFFF;
	s2 =	simm.s32 @!p0 $0x1C02  }
0x118: {  	[timem:s3], [sflag:s2] =	dma.local @!p0 [hbm:s0], s1  }
0x119: {  	s0 =	simm.s32 @!p0 $0x2  }
0x11a: {  	_ =	swait.ge @!p0 [sflag:s0], s1  }
0x11b: {  	s1 =	ssub.s32 @!p0 $0x0, s1;
	[sflag:s0] =	ssyncset.done @!p0 $0x0  }
0x11c: {  	[sflag:s0] =	ssyncadd.s32 @!p0 s1  }
0x11d: {  	[bflag:$0x3] =	sbarrier.arrive $0xFFFF  }
0x11e: {  	_ =	shalt  }

// kernel: kernel.17.cloned.1.call-start
scs
__scs_entry_jumppad:
0x0: {  	(pc) =	sbr.rel $0x88, $3  }
0x1: {  	(tag) =	ssettag $0x0;
	lr =	simm.s32 $0x1  }
0x2: {  	[smem:$0x3F91] =	sst lr;
	_ =	strace $0xD0000000  }
0x3: {  	_ = 	snop  }
0x4: {  	_ = 	snop  }
0x5: {  	_ = 	snop  }
0x6: {  	_ = 	snop  }
0x7: {  	_ = 	snop  }
__scs_overlays_trampoline_lowered:
0x8: {  	[smem:$0x3FA0] =	sst s0  }
0x9: {  	[smem:$0x3FA1] =	sst s1  }
0xa: {  	[smem:$0x3FA2] =	sst s2  }
0xb: {  	[smem:$0x3FA3] =	sst s3  }
0xc: {  	[smem:$0x3FA4] =	sst s4  }
0xd: {  	[smem:$0x3FA5] =	sst s5  }
0xe: {  	[smem:$0x3FA6] =	sst s6  }
0xf: {  	[smem:$0x3FA7] =	sst s7  }
0x10: {  	[smem:$0x3FA8] =	sst s8  }
0x11: {  	[smem:$0x3FA9] =	sst s9;
	s0 =	simm.s32 @!p0 $0x0  }
0x12: {  	s1 =	sld [smem:$0x3F8F];
	s0 =	simm.s32 @p0 $0x1  }
0x13: {  	[smem:$0x3FAA] =	sst s0;
	s0 =	simm.s32 @!p1 $0x0  }
0x14: {  	s2 =	sld [smem:$0x3F8E];
	s0 =	simm.s32 @p1 $0x1  }
0x15: {  	[smem:$0x3FAB] =	sst s0;
	s0 =	simm.s32 @!p2 $0x0  }
0x16: {  	s3 =	sld [smem:$0x3FDB];
	s0 =	simm.s32 @p2 $0x1  }
0x17: {  	s4 =	simm.s32 $0x1BF5;
	[smem:$0x3FAD] =	sst s0  }
0x18: {  	s0 =	sld [smem:$0x3F90];
	_ =	swait.ge [sflag:s4], $0x0  }
0x19: {  	s7 =	sld [smem:$0x3F91]  }
0x1a: {  	s8 =	sadd.s32 $0xFFFFE003, lr  }
0x1b: {  	s9 =	sadd.s32 $0xFFFFFEF7, lr;
	s5 =	simm.s32 $0xFFFFFFFF;
	p2 =	slt.u32 s8, $0xFFFFF086  }
0x1c: {  	p1 =	slt.u32 s9, $0xF7A;
	s5 =	simm.s32 @!p2 $0x0  }
0x1d: {  	s5 =	simm.s32 @p1 $0x1;
	p0 =	seq.s32 s7, s2  }
0x1e: {  	s7 =	smul.u32 @!p0 $0xF7A, s2;
	p2 =	seq.s32 @!p0 s5, $0x0  }
0x1f: {  	s9 =	smul.u32 $0xF7A, s1;
	s8 =	simm.s32 @!p0 $0x1BF5;
	p2 =	por !p2, p0  }
0x20: {  	[sflag:s8] =	ssyncset.s32 @!p0 $0xFFFFF086;
	s6 =	sadd.s32 @!p0 s3, s7;
	s7 =	simm.s32 @!p0 $0x108  }
0x21: {  	s3 =	sadd.s32 s3, s9;
	s6 =	sadd.s32 @!p0 $0x88, s6;
	s7 =	simm.s32 @p2 $0x1082  }
0x22: {  	[simem:s7], [sflag:s8] =	dma.local @!p0 [hbm:s6], $0xF7A  }
0x23: {  	s9 =	sor.u32 $0xD0000000, s2;
	s6 =	simm.s32 $0x108;
	_ =	swait.ge @!p0 [sflag:s8], $0x0  }
0x24: {  	s3 =	sadd.s32 $0x88, s3;
	s6 =	simm.s32 @!p1 $0x1082;
	[sflag:s4] =	ssyncset.s32 $0xFFFFF086  }
0x25: {  	[simem:s6], [sflag:s4] =	dma.local [hbm:s3], $0xF7A  }
0x26: {  	[smem:$0x3F91] =	sst s1;
	(tag) =	ssettag s2;
	_ =	strace s9  }
0x27: {  	s1 =	sld [smem:$0x3FA1]  }
0x28: {  	s2 =	sld [smem:$0x3FA2]  }
0x29: {  	s4 =	sld [smem:$0x3FA4]  }
0x2a: {  	p0 =	seq.s32 s5, $0x0;
	s5 =	sld [smem:$0x3FA5]  }
0x2b: {  	s6 =	sld [smem:$0x3FA6]  }
0x2c: {  	s7 =	sld [smem:$0x3FA7]  }
0x2d: {  	s3 =	simm.s32 $0x108;
	s8 =	sld [smem:$0x3FA8]  }
0x2e: {  	s3 =	simm.s32 @!p0 $0x1082;
	s9 =	sld [smem:$0x3FA9]  }
0x2f: {  	lr =	sadd.s32 s0, s3;
	s0 =	sld [smem:$0x3FA0]  }
0x30: {  	s3 =	sld [smem:$0x3FA3]  }
0x31: {  	[smem:$0x3FAC] =	sst s10  }
0x32: {  	s10 =	sld [smem:$0x3FAA];
	_ =	sdelay $0x3  }
0x33: {  	p0 =	seq.s32 s10, $0x1;
	s10 =	sld [smem:$0x3FAC];
	_ =	sdelay $0x3  }
0x34: {  	[smem:$0x3FAC] =	sst s10  }
0x35: {  	s10 =	sld [smem:$0x3FAB];
	_ =	sdelay $0x3  }
0x36: {  	p1 =	seq.s32 s10, $0x1;
	s10 =	sld [smem:$0x3FAC];
	_ =	sdelay $0x3  }
0x37: {  	[smem:$0x3FAC] =	sst s10  }
0x38: {  	s10 =	sld [smem:$0x3FAD]  }
0x39: {  	_ = 	snop;
	(pc) =	sbr.ind lr, $3  }
0x3a: {  	_ = 	snop  }
0x3b: {  	_ = 	snop  }
0x3c: {  	p2 =	seq.s32 s10, $0x1;
	s10 =	sld [smem:$0x3FAC]  }
0x3d: {  	_ =	shalt  }
0x3e: {  	_ =	shalt  }
0x3f: {  	_ =	shalt  }
0x40: {  	_ =	shalt  }
0x41: {  	_ =	shalt  }
0x42: {  	_ =	shalt  }
0x43: {  	_ =	shalt  }
0x44: {  	_ =	shalt  }
0x45: {  	_ =	shalt  }
0x46: {  	_ =	shalt  }
0x47: {  	_ =	shalt  }
0x48: {  	_ =	shalt  }
0x49: {  	_ =	shalt  }
0x4a: {  	_ =	shalt  }
0x4b: {  	_ =	shalt  }
0x4c: {  	_ =	shalt  }
0x4d: {  	_ =	shalt  }
0x4e: {  	_ =	shalt  }
0x4f: {  	_ =	shalt  }
0x50: {  	_ =	shalt  }
0x51: {  	_ =	shalt  }
0x52: {  	_ =	shalt  }
0x53: {  	_ =	shalt  }
0x54: {  	_ =	shalt  }
0x55: {  	_ =	shalt  }
0x56: {  	_ =	shalt  }
0x57: {  	_ =	shalt  }
0x58: {  	_ =	shalt  }
0x59: {  	_ =	shalt  }
0x5a: {  	_ =	shalt  }
0x5b: {  	_ =	shalt  }
0x5c: {  	_ =	shalt  }
0x5d: {  	_ =	shalt  }
0x5e: {  	_ =	shalt  }
0x5f: {  	_ =	shalt  }
0x60: {  	_ =	shalt  }
0x61: {  	_ =	shalt  }
0x62: {  	_ =	shalt  }
0x63: {  	_ =	shalt  }
0x64: {  	_ =	shalt  }
0x65: {  	_ =	shalt  }
0x66: {  	_ =	shalt  }
0x67: {  	_ =	shalt  }
0x68: {  	_ =	shalt  }
0x69: {  	_ =	shalt  }
0x6a: {  	_ =	shalt  }
0x6b: {  	_ =	shalt  }
0x6c: {  	_ =	shalt  }
0x6d: {  	_ =	shalt  }
0x6e: {  	_ =	shalt  }
0x6f: {  	_ =	shalt  }
0x70: {  	_ =	shalt  }
0x71: {  	_ =	shalt  }
0x72: {  	_ =	shalt  }
0x73: {  	_ =	shalt  }
0x74: {  	_ =	shalt  }
0x75: {  	_ =	shalt  }
0x76: {  	_ =	shalt  }
0x77: {  	_ =	shalt  }
0x78: {  	_ =	shalt  }
0x79: {  	_ =	shalt  }
0x7a: {  	_ =	shalt  }
0x7b: {  	_ =	shalt  }
0x7c: {  	_ =	shalt  }
0x7d: {  	_ =	shalt  }
0x7e: {  	_ =	shalt  }
0x7f: {  	_ =	shalt  }
0x80: {  	_ =	shalt  }
0x81: {  	_ =	shalt  }
0x82: {  	_ =	shalt  }
0x83: {  	_ =	shalt  }
0x84: {  	_ =	shalt  }
0x85: {  	_ =	shalt  }
0x86: {  	_ =	shalt  }
0x87: {  	_ =	shalt  }
.Lfunc_end0:
.L_simem_size_0:
called_computation.1_lowered:
.L_overlay_start_0:
0x88: {  	s2 =	sld [smem:$0x3FD9]  }
0x89: {  	s3 =	sld [smem:$0x3FFE];
	_ =	sdelay $0x1  }
0x8a: {  	s1 =	srdreg.scid  }
0x8b: {  	s0 =	sand.u32 $0x1, s1  }
0x8c: {  	s14 =	sshll.u32 s0, $0xA;
	s2 =	sadd.s32 s3, s2  }
0x8d: {  	s2 =	sadd.s32 s2, s14  }
0x8e: {  	[smem:$0x3FB8] =	sst s2  }
0x8f: {  	_ = 	snop  }
0x90: {  	s2 =	sld [smem:$0x3FD0];
	_ =	sdelay $0x2  }
0x91: {  	s15 =	simm.s32 $0xB;
	s4 =	simm.s32 $0x10  }
0x92: {  	[smem:s4], [sflag:s15] =	dma.local [hbm:s2], $0x1  }
0x93: {  	_ =	swait.eq [sflag:s15], $0x1  }
0x94: {  	[sflag:s15] =	ssyncset.done $0x0  }
0x95: {  	[sflag:s15] =	ssyncadd.s32 $0xFFFFFFFF  }
0x96: {  	s16 =	sld [smem:$0x11];
	(tm) =	ssettm $0x1  }
0x97: {  	s17 =	sld [smem:$0x3FFB];
	_ =	sdelay $0x3  }
0x98: {  	_ =	strace s17  }
0x99: {  	s3 =	sld [smem:$0x3FFC];
	_ =	sdelay $0x3  }
0x9a: {  	_ =	strace s3  }
0x9b: {  	s3 =	sld [smem:$0x3FFD];
	_ =	sdelay $0x3  }
0x9c: {  	_ =	strace s3  }
0x9d: {  	_ =	strace $0x8FFFFFFF  }
0x9e: {  	s18 =	sld [smem:$0x3FDB];
	_ =	sdelay $0x1  }
0x9f: {  	s19 =	simm.s32 $_scs_section_size  }
0xa0: {  	s5 =	simm.s32 $_size__tile_overlayer_lowered;
	s6 =	simm.s32 $_tile_overlayer_lowered  }
0xa1: {  	s22 =	simm.s32 $0x1BFF;
	s21 =	sshll.u32 s6, $0x1;
	s3 =	sadd.s32 s19, s18  }
0xa2: {  	s7 =	simm.s32 $0x0;
	s20 =	sshll.u32 s5, $0x1;
	s5 =	sadd.s32 s21, s3  }
0xa3: {  	[timem:s7], [sflag:s22] =	dma.local [hbm:s5], s20  }
0xa4: {  	_ =	swait.ge [sflag:s22], s20  }
0xa5: {  	s4 =	ssub.s32 $0x0, s20;
	[sflag:s22] =	ssyncset.done $0x0  }
0xa6: {  	[sflag:s22] =	ssyncadd.s32 s4;
	_ =	sdelay $0x1  }
0xa7: {  	s23 =	simm.s32 $0x1B8B  }
0xa8: {  	_ =	swait.ge [sflag:s23], $0x1  }
0xa9: {  	[sflag:s23] =	ssyncset.done $0x0  }
0xaa: {  	s25 =	simm.s32 $0x1B8E;
	s24 =	sld [smem:$0x3FFE];
	[sflag:s23] =	ssyncadd.s32 $0xFFFFFFFF  }
0xab: {  	s26 =	simm.s32 $execute0_lowered;
	[smem:$0x3FD2] =	sst s25  }
0xac: {  	s5 =	sshll.u32 s26, $0x1;
	_ =	strace $0x80000046;
	[dreg:$0x1] =	wrdreg $0xFFFFFFFF  }
0xad: {  	s28 =	simm.s32 $_size_execute0_lowered;
	s3 =	sadd.s32 s3, s5;
	[dreg:$0x0] =	wrdreg $0x0  }
0xae: {  	s5 =	sshll.u32 s28, $0x1;
	[dreg:$0x2] =	wrdreg s3  }
0xaf: {  	[dreg:$0x3] =	wrdreg s5  }
0xb0: {  	[dreg:$0x4] =	wrdreg $0xC0  }
0xb1: {  	_ =	task [dreg:s7], $0x5FFFF  }
0xb2: {  	[dreg:$0x1] =	wrdreg $0xFFFFFFFF  }
0xb3: {  	[dreg:$0x0] =	wrdreg $0x60  }
0xb4: {  	[dreg:$0x2] =	wrdreg s24  }
0xb5: {  	[dreg:$0x3] =	wrdreg s16  }
0xb6: {  	[dreg:$0x4] =	wrdreg $0x0  }
0xb7: {  	[dreg:$0x5] =	wrdreg $0x140000  }
0xb8: {  	[dreg:$0x6] =	wrdreg $0xA  }
0xb9: {  	_ =	task.clear_ibuf [dreg:s7], $0x7FFFF;
	_ =	strace $0x90000046  }
0xba: {  	s29 =	simm.s32 $0xA;
	_ =	strace $0x80000048  }
0xbb: {  	_ =	swait.ge [sflag:s29], $0x1  }
0xbc: {  	[sflag:s29] =	ssyncadd.s32 $0xFFFFFFFF  }
0xbd: {  	_ =	strace $0x90000048  }
0xbe: {  	_ =	sfence  }
0xbf: {  	s30 =	sld [smem:$0x0];
	_ =	sdelay $0x2  }
0xc0: {  	s31 =	sshll.u32 s1, $0xD;
	s1 =	sshrl.u32 s1, $0x2  }
0xc1: {  	s3 =	sand.u32 $0x4000, s31;
	s1 =	sadd.s32 s1, s30  }
0xc2: {  	s0 =	sor.u32 s3, s0;
	s1 =	sshll.u32 s1, $0x11  }
0xc3: {  	s0 =	sor.u32 s1, s0  }
0xc4: {  	s0 =	sadd.s32 $0x8F2B, s0  }
0xc5: {  	[sflag:s0] =	ssyncadd.remote.s32 $0x1  }
0xc6: {  	_ =	sfence.sel $0xFFFF  }
0xc7: {  	[dreg:$0x0] =	wrdreg $0xFFFFFFFF;
	(pc) =	sbr.abs _section_cstart, $3  }
0xc8: {  	[dreg:$0x1] =	wrdreg $0xFFFFFFFF  }
0xc9: {  	_ =	task.clear_ibuf [dreg:s7], $0x2FFFF;
	_ =	strace $0x9FFFFFFF  }
0xca: {  	(tm) =	ssettm $0x7FFFFFFF  }
0xcb: {  	_ =	shalt  }
tec
execute0_lowered:
.L_overlay_start_1:
0x0: {  	(tag) =	ssettag $0x1  }
0x1: {  	s0 =	rddreg [dreg:$0x0]  }
0x2: {  	s1 =	rddreg [dreg:$0x1]  }
0x3: {  	s3 =	rddreg [dreg:$0x2]  }
0x4: {  	s4 =	rddreg [dreg:$0x3]  }
0x5: {  	s5 =	simm.s32 $0x0;
	s13 =	stileid.u32;
	s2 =	srdreg.scid  }
0x6: {  	s18 =	simm.s32 $0x16980;
	s19 =	simm.s32 $0x2;
	s20 =	simm.s32 $0x19980  }
0x7: {  	s21 =	simm.s32 $0x16900;
	s22 =	simm.s32 $0x20;
	s28 =	simm.s32 $0x1  }
0x8: {  	s29 =	simm.s32 $0x0;
	s30 =	simm.s32 $0x0;
	[smem:$0x7FF] =	sst s5  }
0x9: {  	s10 =	smul.u32 $0x50, s13;
	s2 =	sand.u32 $0x1, s2;
	s6 =	sadd.s32 $0xA000, s0  }
0xa: {  	s7 =	sadd.s32 $0x32000, s0;
	s8 =	sadd.s32 $0x5A000, s0;
	s12 =	smul.u32 $0x14000, s13  }
0xb: {  	s9 =	sadd.s32 $0x5000, s0;
	s14 =	sadd.s32 $0x82800, s0;
	s23 =	sadd.s32 $0x82600, s0  }
0xc: {  	s24 =	sshll.u32 s13, $0x1;
	_ =	strace $0x80000047;
	[dreg:$0x5] =	wrdreg s14  }
0xd: {  	s11 =	smul.u32 $0x140000, s2;
	[dreg:$0x6] =	wrdreg s23;
	s25 =	ssub.s32 $0x2, s2  }
0xe: {  	s2 =	sor.u32 s2, s24;
	s23 =	simm.s32 $0x16800;
	s24 =	simm.s32 $0x16880  }
0xf: {  	s10 =	sadd.s32 s10, s0;
	s26 =	sshrl.u32 s25, $0x1;
	s11 =	sadd.s32 s12, s11  }
0x10: {  	s31 =	ssub.s32 $0x1387, s2;
	s12 =	sshll.u32 s2, $0x5;
	s11 =	sshrl.u32 s11, $0x3  }
0x11: {  	s13 =	sshrl.u32 s31, $0x5;
	s15 =	sadd.s32 $0x82000, s10;
	s0 =	sadd.s32 s11, s0  }
0x12: {  	vm0 =	vmmov $0x1;
	s11 =	ssub.s32 s25, s26;
	s25 =	simm.s32 $0x17980;
	s26 =	simm.s32 $0x18980  }
0x13: {  	vm1 =	vcmask $0x308;
	vm2 =	vcmask $0x70C;
	vm3 =	vcmask $0xB10;
	s14 =	smax.u32 s11, $0x1;
	s16 =	sadd.s32 $0xD2A00, s0;
	s17 =	sadd.s32 $0x82A00, s0  }
.LBB2_1:
0x14: {  	s0 =	rddreg [dreg:$0x5]  }
0x15: {  	[tilespmem:s18], [sflag:$0x2] =	stream.linear.gather [hbm4b:s0+s5], $0x1000, $0x38;
	[tilespmem:$0x1A980] =	vst v63  }
0x16: {  	_ =	swait.ge [sflag:s19], $0x1000  }
0x17: {  	[sflag:s19] =	ssyncset.done $0x0  }
0x18: {  	s11 =	rddreg [dreg:$0x6];
	[sflag:s19] =	ssyncadd.s32 $0xFFFFF000  }
0x19: {  	[tilespmem:s20], [sflag:$0x2] =	stream.linear.gather [hbm4b:s11+s5], $0x1000, $0x38;
	[tilespmem:$0x1A980] =	vst v63  }
0x1a: {  	_ =	swait.ge [sflag:s19], $0x1000  }
0x1b: {  	[sflag:s19] =	ssyncset.done $0x0  }
0x1c: {  	s31 =	sadd.s32 $0x0, s15;
	[sflag:s19] =	ssyncadd.s32 $0xFFFFF000  }
0x1d: {  	[tilespmem:s21], [sflag:$0x2] =	stream.linear.gather [hbm4b:s31+s5], $0x20, $0x38;
	[tilespmem:$0x1A980] =	vst v63  }
0x1e: {  	_ =	swait.ge [sflag:s19], $0x20  }
0x1f: {  	[sflag:s19] =	ssyncset.done $0x0  }
0x20: {  	[sflag:s19] =	ssyncadd.s32 $0xFFFFFFE0  }
0x21: {  	[spmem:s3] =	stream.indirect.scatter [tilespmem:s18], [sflag:$0x2], $0x80, s21, s22, $0xb8;
	[tilespmem:$0x1A980] =	vst v63  }
0x22: {  	_ =	swait.ge [sflag:s19], $0x1000  }
0x23: {  	[sflag:s19] =	ssyncset.done $0x0  }
0x24: {  	[sflag:s19] =	ssyncadd.s32 $0xFFFFF000  }
0x25: {  	[spmem:s4] =	stream.indirect.scatter [tilespmem:s20], [sflag:$0x2], $0x10, s21, s22, $0xb8;
	[tilespmem:$0x1A980] =	vst v63  }
0x26: {  	_ =	swait.ge [sflag:s19], $0x200  }
0x27: {  	s2 =	simm.s32 $0x8;
	s0 =	simm.s32 $0x4;
	[sflag:s19] =	ssyncset.done $0x0  }
.LBB2_2:
0x28: {  	s10 =	sadd.s32 s0, s15  }
0x29: {  	[sflag:s19] =	ssyncadd.s32 $0xFFFFFE00;
	s0 =	smov.u32 s2;
	s11 =	sadd.s32 $0x4, s2  }
0x2a: {  	[tilespmem:s21], [sflag:$0x2] =	stream.linear.gather [hbm4b:s10+s5], $0x20, $0x38;
	[tilespmem:$0x1A980] =	vst v63  }
0x2b: {  	p0 =	sne.s32 s2, $0x4C;
	_ =	swait.ge [sflag:s19], $0x20  }
0x2c: {  	[sflag:s19] =	ssyncset.done $0x0  }
0x2d: {  	[sflag:s19] =	ssyncadd.s32 $0xFFFFFFE0  }
0x2e: {  	[spmem:s3] =	stream.indirect.scatter [tilespmem:s18], [sflag:$0x2], $0x80, s21, s22, $0xb8;
	[tilespmem:$0x1A980] =	vst v63  }
0x2f: {  	_ =	swait.ge [sflag:s19], $0x1000  }
.Ltmp0:
0x30: {  	[sflag:s19] =	ssyncset.done $0x0;
	(pc) =	sbr.rel @p0 .LBB2_2-.Ltmp0, $4  }
0x31: {  	[sflag:s19] =	ssyncadd.s32 $0xFFFFF000  }
0x32: {  	[spmem:s4] =	stream.indirect.scatter [tilespmem:s20], [sflag:$0x2], $0x10, s21, s22, $0xb8;
	[tilespmem:$0x1A980] =	vst v63  }
0x33: {  	_ =	swait.ge [sflag:s19], $0x200  }
0x34: {  	s2 =	smov.u32 s11;
	[sflag:s19] =	ssyncset.done $0x0  }
0x35: {  	s0 =	sadd.s32 s0, s15;
	[sflag:s19] =	ssyncadd.s32 $0xFFFFFE00  }
0x36: {  	[tilespmem:s21], [sflag:$0x2] =	stream.linear.gather [hbm4b:s0+s5], $0x20, $0x38;
	[tilespmem:$0x1A980] =	vst v63  }
0x37: {  	_ =	swait.ge [sflag:s19], $0x20  }
0x38: {  	[sflag:s19] =	ssyncset.done $0x0  }
0x39: {  	[sflag:s19] =	ssyncadd.s32 $0xFFFFFFE0  }
0x3a: {  	[spmem:s3] =	stream.indirect.scatter [tilespmem:s18], [sflag:$0x2], $0x80, s21, s22, $0xb8;
	[tilespmem:$0x1A980] =	vst v63  }
0x3b: {  	_ =	swait.ge [sflag:s19], $0x1000  }
0x3c: {  	[sflag:s19] =	ssyncset.done $0x0  }
0x3d: {  	[sflag:s19] =	ssyncadd.s32 $0xFFFFF000  }
0x3e: {  	[spmem:s4] =	stream.indirect.scatter [tilespmem:s20], [sflag:$0x2], $0x10, s21, s22, $0xb8;
	[tilespmem:$0x1A980] =	vst v63  }
0x3f: {  	_ =	swait.ge [sflag:s19], $0x200  }
0x40: {  	[sflag:s19] =	ssyncset.done $0x0  }
0x41: {  	[sflag:s19] =	ssyncadd.s32 $0xFFFFFE00  }
0x42: {  	s31 =	simm.s32 $0x0;
	[bflag:$0x0] =	sbarrier.arrive $0xFFFF  }
.LBB2_4:
0x43: {  	s0 =	sshll.u32 s31, $0xA  }
0x44: {  	s0 =	sor.u32 s12, s0  }
0x45: {  	s0 =	sshrl.u32 s0, $0x3  }
0x46: {  	s2 =	sadd.s32 s9, s0  }
0x47: {  	[tilespmem:s23], [sflag:$0x2] =	stream.linear.gather [hbm4b:s2+s30], $0x20, $0x38;
	[tilespmem:$0x1A980] =	vst v63  }
0x48: {  	_ =	swait.ge [sflag:s19], $0x20  }
0x49: {  	[sflag:s19] =	ssyncset.done $0x0  }
0x4a: {  	s0 =	sadd.s32 s1, s0;
	[sflag:s19] =	ssyncadd.s32 $0xFFFFFFE0  }
0x4b: {  	[tilespmem:s24], [sflag:$0x2] =	stream.linear.gather [hbm4b:s0+s30], $0x20, $0x38;
	[tilespmem:$0x1A980] =	vst v63  }
0x4c: {  	_ =	swait.ge [sflag:s19], $0x20  }
0x4d: {  	[sflag:s19] =	ssyncset.done $0x0  }
0x4e: {  	[sflag:s19] =	ssyncadd.s32 $0xFFFFFFE0  }
0x4f: {  	[tilespmem:s18], [sflag:$0x1] =	stream.indirect.gather [hbm4b:s6+s22], $0x80, s24, s22, $0xb8;
	[tilespmem:$0x1A980] =	vst v63  }
0x50: {  	_ = 	snop  }
0x51: {  	[tilespmem:s25], [sflag:$0x1] =	stream.indirect.gather [hbm4b:s7+s22], $0x80, s23, s22, $0xb8;
	[tilespmem:$0x1A980] =	vst v63  }
0x52: {  	_ = 	snop  }
0x53: {  	[tilespmem:s26], [sflag:$0x1] =	stream.indirect.gather [hbm4b:s8+s22], $0x80, s23, s22, $0xb8;
	[tilespmem:$0x1A980] =	vst v63  }
0x54: {  	_ =	swait.ge [sflag:s28], $0x1000  }
0x55: {  	[sflag:s28] =	ssyncset.done $0x0  }
0x56: {  	[sflag:s28] =	ssyncadd.s32 $0xFFFFF000  }
0x57: {  	_ =	swait.ge [sflag:s28], $0x1000  }
0x58: {  	[sflag:s28] =	ssyncset.done $0x0  }
0x59: {  	[sflag:s28] =	ssyncadd.s32 $0xFFFFF000  }
0x5a: {  	_ =	swait.ge [sflag:s28], $0x1000  }
0x5b: {  	[sflag:s28] =	ssyncset.done $0x0  }
0x5c: {  	s0 =	simm.s32 $0x0;
	[sflag:s28] =	ssyncadd.s32 $0xFFFFF000  }
0x5d: {  	v0 =	vld [tilespmem:s0+$0x179F0]  }
0x5e: {  	v1 =	vld [tilespmem:s0+$0x179D0]  }
0x5f: {  	v2 =	vld [tilespmem:s0+$0x179E0]  }
0x60: {  	v3 =	vld [tilespmem:s0+$0x169F0]  }
0x61: {  	v4 =	vld [tilespmem:s0+$0x169E0]  }
0x62: {  	v5 =	vld [tilespmem:s0+$0x179C0]  }
0x63: {  	v6 =	vld [tilespmem:s0+$0x169D0]  }
0x64: {  	v7 =	vld [tilespmem:s0+$0x169C0];
	_ =	sdelay $0x1  }
0x65: {  	v0 =	vmul.f32 v0, v3;
	v2 =	vmul.f32 v2, v4  }
0x66: {  	v8 =	vld [tilespmem:s0+$0x17990]  }
0x67: {  	v3 =	vld [tilespmem:s0+$0x179B0];
	v0 =	vadd.f32 v0, v2  }
0x68: {  	v4 =	vld [tilespmem:s0+$0x179A0];
	v1 =	vmul.f32 v1, v6;
	v5 =	vmul.f32 v5, v7  }
0x69: {  	v6 =	vld [tilespmem:s0+$0x169A0];
	(xrf2) =	vadd.scan.msk.f32 $0xffff, v0  }
0x6a: {  	v2 =	vld [tilespmem:s0+$0x169B0];
	v1 =	vadd.f32 v1, v5  }
0x6b: {  	v7 =	vld [tilespmem:s0+$0x16990]  }
0x6c: {  	v5 =	vld [tilespmem:s0+$0x16980];
	(xrf2) =	vadd.scan.msk.f32 $0xffff, v1  }
0x6d: {  	v0 =	vld [tilespmem:s0+$0x17980];
	_ =	sdelay $0x1  }
0x6e: {  	v1 =	vmul.f32 v3, v2;
	v2 =	vmul.f32 v4, v6;
	_ =	sdelay $0x1  }
0x6f: {  	v1 =	vadd.f32 v1, v2  }
0x70: {  	v3 =	vmul.f32 v8, v7;
	v0 =	vmul.f32 v0, v5  }
0x71: {  	v2, _, _ =	vpop (xrf2);
	(xrf2) =	vadd.scan.msk.f32 $0xffff, v1  }
0x72: {  	v0 =	vadd.f32 v3, v0  }
0x73: {  	v1 =	vmul.f32 $1.442695020e+00, v2  }
0x74: {  	(xrf2) =	vadd.scan.msk.f32 $0xffff, v0;
	v2, _, _ =	vpop (xrf2)  }
0x75: {  	v2 =	vmul.f32 $1.442695020e+00, v2;
	v1 =	vbroadcast v1, $0xF;
	_ =	sdelay $0x1  }
0x76: {  	(erf) = vpow2.f32 v1;
	v1 =	vbroadcast v2, $0xF;
	_ =	sdelay $0x2  }
0x77: {  	v13 =	vld [tilespmem:s0+$0x189E0]  }
0x78: {  	v11 =	vld [tilespmem:s0+$0x189C0];
	(erf) = vpow2.f32 v1;
	v1, _, _ =	vpop (xrf2)  }
0x79: {  	v12 =	vld [tilespmem:s0+$0x189D0];
	v1 =	vmul.f32 $1.442695020e+00, v1  }
0x7a: {  	s2 =	simm.s32 $0x80;
	v4 =	vld [tilespmem:s0+$0x189F0]  }
0x7b: {  	v9 =	vld [tilespmem:s2+$0x179F0];
	v2, _, _ =	vpop (xrf2);
	v10 =	vbroadcast v1, $0xF  }
0x7c: {  	v6 =	vld [tilespmem:s0+$0x189A0];
	v5 =	vmul.f32 $1.442695020e+00, v2  }
0x7d: {  	v8 =	vld [tilespmem:s0+$0x189B0];
	(erf) = vpow2.f32 v10  }
0x7e: {  	v7 =	vld [tilespmem:s2+$0x179D0];
	v14 =	vbroadcast v5, $0xF;
	v1 =	vpop (erf)  }
0x7f: {  	v3 =	vld [tilespmem:s0+$0x18990];
	v4 =	vmul.f32 v1, v4  }
0x80: {  	v0 =	vld [tilespmem:s0+$0x18980];
	(erf) = vpow2.f32 v14  }
0x81: {  	v2 =	vld [tilespmem:s2+$0x17990]  }
0x82: {  	v5 =	vld [tilespmem:s2+$0x179B0];
	v13 =	vmul.f32 v1, v13  }
0x83: {  	s10 =	simm.s32 $0x400;
	v10 =	vld [tilespmem:s2+$0x179E0];
	[tilespmem:s0+$0x169F0] =	vst v4;
	v4 =	vpop (erf)  }
.LBB2_5:
0x84: {  	p0 =	sne.s32 s10, $0x3E00;
	v14 =	vld [tilespmem:s2+$0x169F0];
	v11 =	vmul.f32 v4, v11;
	v16 =	vmul.f32 v4, v12;
	[tilespmem:s0+$0x169E0] =	vst v13;
	s11 =	smov.u32 s10;
	s10 =	sadd.s32 $0x200, s10  }
0x85: {  	v13 =	vld [tilespmem:s2+$0x169E0]  }
0x86: {  	v15 =	vld [tilespmem:s2+$0x179C0];
	[tilespmem:s0+$0x169D0] =	vst v16;
	v12 =	vpop (erf)  }
0x87: {  	v16 =	vld [tilespmem:s2+$0x169D0];
	v6 =	vmul.f32 v12, v6;
	v18 =	vmul.f32 v12, v8;
	[tilespmem:s0+$0x169C0] =	vst v11  }
0x88: {  	v11 =	vld [tilespmem:s2+$0x169C0]  }
0x89: {  	v17 =	vld [tilespmem:s2+$0x179A0];
	v9 =	vmul.f32 v9, v14;
	[tilespmem:s0+$0x169B0] =	vst v18;
	v8 =	vpop (erf)  }
0x8a: {  	v14 =	vld [tilespmem:s2+$0x169B0];
	v10 =	vmul.f32 v10, v13;
	v0 =	vmul.f32 v8, v0;
	v13 =	vnsel vm0, $0x0, v8;
	[tilespmem:s0+$0x169A0] =	vst v6  }
0x8b: {  	v12 =	vsel vm1, $0x0, v12;
	v3 =	vmul.f32 v8, v3;
	v6 =	vld [tilespmem:s2+$0x169A0];
	v8 =	vadd.f32 $0.0e+00, v13  }
0x8c: {  	v13 =	vld [tilespmem:s2+$0x17980];
	v7 =	vmul.f32 v7, v16;
	v9 =	vadd.f32 v9, v10;
	[tilespmem:s0+$0x16980] =	vst v0  }
0x8d: {  	v4 =	vsel vm2, $0x0, v4;
	v10 =	vld [tilespmem:s2+$0x16980];
	v11 =	vmul.f32 v15, v11;
	[tilespmem:s0+$0x16990] =	vst v3;
	v3 =	vadd.f32 v12, v8  }
0x8e: {  	v1 =	vsel vm3, $0x0, v1;
	v8 =	vld [tilespmem:s2+$0x16990];
	(xrf2) =	vadd.scan.msk.f32 $0xffff, v9  }
0x8f: {  	v0 =	vld [tilespmem:s2+$0x18980];
	v5 =	vmul.f32 v5, v14;
	v7 =	vadd.f32 v7, v11;
	v3 =	vadd.f32 v4, v3  }
0x90: {  	v4 =	vmul.f32 v17, v6  }
0x91: {  	(xrf2) =	vadd.scan.msk.f32 $0xffff, v7;
	v1 =	vadd.f32 v1, v3  }
0x92: {  	v3 =	vadd.f32 v5, v4  }
0x93: {  	v4 =	vmul.f32 v13, v10;
	v2 =	vmul.f32 v2, v8;
	[tilespmem:s0+$0x19980] =	vst v1;
	s0 =	smov.u32 s2  }
0x94: {  	(xrf2) =	vadd.scan.msk.f32 $0xffff, v3  }
0x95: {  	v2 =	vadd.f32 v2, v4;
	_ =	sdelay $0x1  }
0x96: {  	(xrf2) =	vadd.scan.msk.f32 $0xffff, v2  }
0x97: {  	v1, _, _ =	vpop (xrf2)  }
0x98: {  	v1 =	vmul.f32 $1.442695020e+00, v1;
	_ =	sdelay $0x1  }
0x99: {  	v1 =	vbroadcast v1, $0xF;
	v2, _, _ =	vpop (xrf2)  }
0x9a: {  	v4 =	vmul.f32 $1.442695020e+00, v2  }
0x9b: {  	(erf) = vpow2.f32 v1  }
0x9c: {  	v3 =	vld [tilespmem:s0+$0x18990];
	v1 =	vbroadcast v4, $0xF;
	v2, _, _ =	vpop (xrf2)  }
0x9d: {  	v5 =	vmul.f32 $1.442695020e+00, v2;
	v6 =	vld [tilespmem:s0+$0x189A0]  }
0x9e: {  	v8 =	vld [tilespmem:s0+$0x189B0];
	(erf) = vpow2.f32 v1  }
0x9f: {  	v1 =	vbroadcast v5, $0xF;
	v4 =	vld [tilespmem:s0+$0x189F0];
	v2, _, _ =	vpop (xrf2)  }
0xa0: {  	v2 =	vmul.f32 $1.442695020e+00, v2;
	v5 =	vld [tilespmem:s0+$0x189E0]  }
0xa1: {  	v11 =	vld [tilespmem:s0+$0x189C0];
	(erf) = vpow2.f32 v1  }
0xa2: {  	s2 =	sshra.s32 s11, $0x2;
	v7 =	vbroadcast v2, $0xF;
	v12 =	vld [tilespmem:s0+$0x189D0]  }
.Ltmp1:
0xa3: {  	v9 =	vld [tilespmem:s2+$0x179F0];
	(pc) =	sbr.rel @p0 .LBB2_5-.Ltmp1, $4  }
0xa4: {  	v2 =	vld [tilespmem:s2+$0x17990];
	(erf) = vpow2.f32 v7;
	v1 =	vpop (erf)  }
0xa5: {  	v7 =	vld [tilespmem:s2+$0x179D0];
	v13 =	vmul.f32 v1, v5;
	v14 =	vmul.f32 v1, v4  }
0xa6: {  	v5 =	vld [tilespmem:s2+$0x179B0]  }
0xa7: {  	v10 =	vld [tilespmem:s2+$0x179E0];
	[tilespmem:s0+$0x169F0] =	vst v14;
	v4 =	vpop (erf)  }
0xa8: {  	v14 =	vld [tilespmem:s2+$0x169F0];
	[tilespmem:s0+$0x169E0] =	vst v13;
	v12 =	vmul.f32 v4, v12  }
0xa9: {  	v11 =	vmul.f32 v4, v11;
	v13 =	vld [tilespmem:s2+$0x169E0]  }
0xaa: {  	v15 =	vld [tilespmem:s2+$0x179C0];
	[tilespmem:s0+$0x169D0] =	vst v12;
	v16 =	vpop (erf)  }
0xab: {  	v12 =	vld [tilespmem:s2+$0x169D0];
	[tilespmem:s0+$0x169C0] =	vst v11;
	v8 =	vmul.f32 v16, v8  }
0xac: {  	v6 =	vmul.f32 v16, v6;
	v11 =	vld [tilespmem:s2+$0x169C0]  }
0xad: {  	v17 =	vld [tilespmem:s2+$0x179A0];
	[tilespmem:s0+$0x169B0] =	vst v8;
	v18 =	vpop (erf)  }
0xae: {  	v8 =	vld [tilespmem:s2+$0x169B0];
	[tilespmem:s0+$0x169A0] =	vst v6;
	v0 =	vmul.f32 v18, v0  }
0xaf: {  	v3 =	vmul.f32 v18, v3;
	v6 =	vld [tilespmem:s2+$0x169A0]  }
0xb0: {  	v19 =	vld [tilespmem:s2+$0x17980];
	[tilespmem:s0+$0x16980] =	vst v0  }
0xb1: {  	v0 =	vld [tilespmem:s2+$0x16980];
	[tilespmem:s0+$0x16990] =	vst v3  }
0xb2: {  	v3 =	vld [tilespmem:s2+$0x16990];
	_ =	sdelay $0x1  }
0xb3: {  	v9 =	vmul.f32 v9, v14;
	v10 =	vmul.f32 v10, v13  }
0xb4: {  	v7 =	vmul.f32 v7, v12;
	v11 =	vmul.f32 v15, v11  }
0xb5: {  	v9 =	vadd.f32 v9, v10;
	v5 =	vmul.f32 v5, v8;
	v6 =	vmul.f32 v17, v6  }
0xb6: {  	v7 =	vadd.f32 v7, v11;
	v0 =	vmul.f32 v19, v0;
	v2 =	vmul.f32 v2, v3  }
0xb7: {  	(xrf2) =	vadd.scan.msk.f32 $0xffff, v9;
	v30 =	vadd.f32 v5, v6  }
0xb8: {  	(xrf2) =	vadd.scan.msk.f32 $0xffff, v7;
	v0 =	vadd.f32 v2, v0  }
0xb9: {  	(xrf2) =	vadd.scan.msk.f32 $0xffff, v30  }
0xba: {  	(xrf2) =	vadd.scan.msk.f32 $0xffff, v0;
	_ =	sdelay $0x6  }
0xbb: {  	v31, _, _ =	vpop (xrf2)  }
0xbc: {  	v0 =	vmul.f32 $1.442695020e+00, v31;
	v32, _, _ =	vpop (xrf2)  }
0xbd: {  	v33 =	vnsel vm0, $0x0, v18;
	v2 =	vmul.f32 $1.442695020e+00, v32;
	v34, _, _ =	vpop (xrf2)  }
0xbe: {  	v3 =	vadd.f32 $0.0e+00, v33;
	v0 =	vbroadcast v0, $0xF;
	v5 =	vmul.f32 $1.442695020e+00, v34;
	v35, _, _ =	vpop (xrf2)  }
0xbf: {  	v36 =	vsel vm1, $0x0, v16;
	v2 =	vbroadcast v2, $0xF;
	v6 =	vmul.f32 $1.442695020e+00, v35  }
0xc0: {  	v3 =	vadd.f32 v36, v3;
	(erf) = vpow2.f32 v0;
	v37 =	vbroadcast v5, $0xF  }
0xc1: {  	v38 =	vsel vm2, $0x0, v4;
	(erf) = vpow2.f32 v2;
	v39 =	vbroadcast v6, $0xF  }
0xc2: {  	v3 =	vadd.f32 v38, v3;
	(erf) = vpow2.f32 v37  }
0xc3: {  	v40 =	vsel vm3, $0x0, v1;
	(erf) = vpow2.f32 v39  }
0xc4: {  	v0 =	vadd.f32 v40, v3;
	_ =	sdelay $0x1  }
0xc5: {  	v41 =	vld [tilespmem:s2+$0x18980];
	[tilespmem:s0+$0x19980] =	vst v0  }
0xc6: {  	v0 =	vld [tilespmem:s2+$0x189F0]  }
0xc7: {  	v42 =	vld [tilespmem:s2+$0x189E0]  }
0xc8: {  	v43 =	vld [tilespmem:s2+$0x189D0];
	v44 =	vpop (erf)  }
0xc9: {  	v45 =	vld [tilespmem:s2+$0x189C0];
	v46 =	vpop (erf)  }
0xca: {  	v47 =	vld [tilespmem:s2+$0x189B0];
	v48 =	vpop (erf)  }
0xcb: {  	v49 =	vld [tilespmem:s2+$0x189A0];
	v0 =	vmul.f32 v44, v0;
	v50 =	vpop (erf)  }
0xcc: {  	v2 =	vmul.f32 v44, v42;
	v52 =	vnsel vm0, $0x0, v50  }
0xcd: {  	v51 =	vld [tilespmem:s2+$0x18990];
	[tilespmem:s2+$0x169F0] =	vst v0;
	v53 =	vmul.f32 v46, v43;
	v54 =	vadd.f32 $0.0e+00, v52  }
0xce: {  	[tilespmem:s2+$0x169E0] =	vst v2;
	v5 =	vmul.f32 v46, v45;
	v55 =	vsel vm1, $0x0, v48  }
0xcf: {  	[tilespmem:s2+$0x169D0] =	vst v53;
	v56 =	vmul.f32 v48, v47;
	v2 =	vadd.f32 v55, v54  }
0xd0: {  	v58 =	vsel vm2, $0x0, v46;
	[tilespmem:s2+$0x169C0] =	vst v5;
	v57 =	vmul.f32 v48, v49  }
0xd1: {  	[tilespmem:s2+$0x169B0] =	vst v56;
	v59 =	vmul.f32 v50, v41;
	v60 =	vadd.f32 v58, v2  }
0xd2: {  	v62 =	vsel vm3, $0x0, v44;
	[tilespmem:s2+$0x169A0] =	vst v57;
	v61 =	vmul.f32 v50, v51  }
0xd3: {  	[tilespmem:s2+$0x16980] =	vst v59;
	v63 =	vadd.f32 v62, v60  }
0xd4: {  	[tilespmem:s2+$0x16990] =	vst v61  }
0xd5: {  	[tilespmem:s2+$0x19980] =	vst v63  }
0xd6: {  	[spmem:s3] =	stream.indirect.scatter.add.f32 [tilespmem:s18], [sflag:$0x2], $0x80, s24, s22, $0xb8;
	[tilespmem:$0x1A980] =	vst v63  }
0xd7: {  	_ =	swait.ge [sflag:s19], $0x1000  }
0xd8: {  	p0 =	sne.s32 s31, s13;
	[sflag:s19] =	ssyncset.done $0x0  }
.Ltmp2:
0xd9: {  	[sflag:s19] =	ssyncadd.s32 $0xFFFFF000;
	(pc) =	sbr.rel @p0 .LBB2_4-.Ltmp2, $4  }
0xda: {  	[spmem:s4] =	stream.indirect.scatter.add.f32 [tilespmem:s20], [sflag:$0x2], $0x10, s24, s22, $0xb8;
	[tilespmem:$0x1A980] =	vst v63  }
0xdb: {  	_ =	swait.ge [sflag:s19], $0x200  }
0xdc: {  	s11 =	sadd.s32 $0x1, s31;
	[sflag:s19] =	ssyncset.done $0x0  }
0xdd: {  	s31 =	smov.u32 s11;
	[sflag:s19] =	ssyncadd.s32 $0xFFFFFE00  }
0xde: {  	[bflag:$0x0] =	sbarrier.arrive $0xFFFF  }
0xdf: {  	[tilespmem:s21], [sflag:$0x2] =	stream.linear.gather [hbm4b:s15+s5], $0x20, $0x38;
	[tilespmem:$0x1A980] =	vst v63  }
0xe0: {  	_ =	swait.ge [sflag:s19], $0x20  }
0xe1: {  	[sflag:s19] =	ssyncset.done $0x0  }
0xe2: {  	[sflag:s19] =	ssyncadd.s32 $0xFFFFFFE0  }
0xe3: {  	[tilespmem:s18], [sflag:$0x1] =	stream.indirect.gather [spmem:s3], $0x80, s21, s22, $0xb8;
	[tilespmem:$0x1A980] =	vst v63  }
0xe4: {  	_ = 	snop  }
0xe5: {  	[tilespmem:s20], [sflag:$0x1] =	stream.indirect.gather [spmem:s4], $0x10, s21, s22, $0xb8;
	[tilespmem:$0x1A980] =	vst v63  }
0xe6: {  	_ =	swait.ge [sflag:s28], $0x1000  }
0xe7: {  	[sflag:s28] =	ssyncset.done $0x0  }
0xe8: {  	[sflag:s28] =	ssyncadd.s32 $0xFFFFF000  }
0xe9: {  	_ =	swait.ge [sflag:s28], $0x200  }
0xea: {  	[sflag:s28] =	ssyncset.done $0x0  }
0xeb: {  	s0 =	sadd.s32 $0x0, s17;
	[sflag:s28] =	ssyncadd.s32 $0xFFFFFE00  }
0xec: {  	[hbm4b:s0+s5] =	stream.linear.scatter [tilespmem:s18], [sflag:$0x2], $0x1000, $0x38;
	[tilespmem:$0x1A980] =	vst v63  }
0xed: {  	_ =	swait.ge [sflag:s19], $0x1000  }
0xee: {  	[sflag:s19] =	ssyncset.done $0x0  }
0xef: {  	s31 =	sadd.s32 $0x0, s16;
	[sflag:s19] =	ssyncadd.s32 $0xFFFFF000  }
0xf0: {  	[hbm4b:s31+s5] =	stream.linear.scatter [tilespmem:s20], [sflag:$0x2], $0x1000, $0x38;
	[tilespmem:$0x1A980] =	vst v63  }
0xf1: {  	_ =	swait.ge [sflag:s19], $0x1000  }
0xf2: {  	s2 =	smov.u32 s15;
	s0 =	simm.s32 $0x200;
	[sflag:s19] =	ssyncset.done $0x0  }
.LBB2_8:
0xf3: {  	p0 =	sne.s32 s0, $0x2600;
	[sflag:s19] =	ssyncadd.s32 $0xFFFFF000;
	s2 =	sadd.s32 $0x4, s2  }
0xf4: {  	[tilespmem:s21], [sflag:$0x2] =	stream.linear.gather [hbm4b:s2+s5], $0x20, $0x38;
	[tilespmem:$0x1A980] =	vst v63  }
0xf5: {  	s10 =	smov.u32 s0;
	s0 =	sadd.s32 $0x200, s0;
	_ =	swait.ge [sflag:s19], $0x20  }
0xf6: {  	[sflag:s19] =	ssyncset.done $0x0  }
0xf7: {  	[sflag:s19] =	ssyncadd.s32 $0xFFFFFFE0  }
0xf8: {  	[tilespmem:s18], [sflag:$0x1] =	stream.indirect.gather [spmem:s3], $0x80, s21, s22, $0xb8;
	[tilespmem:$0x1A980] =	vst v63  }
0xf9: {  	_ = 	snop  }
0xfa: {  	[tilespmem:s20], [sflag:$0x1] =	stream.indirect.gather [spmem:s4], $0x10, s21, s22, $0xb8;
	[tilespmem:$0x1A980] =	vst v63  }
0xfb: {  	_ =	swait.ge [sflag:s28], $0x1000  }
0xfc: {  	[sflag:s28] =	ssyncset.done $0x0  }
0xfd: {  	[sflag:s28] =	ssyncadd.s32 $0xFFFFF000  }
0xfe: {  	_ =	swait.ge [sflag:s28], $0x200  }
0xff: {  	[sflag:s28] =	ssyncset.done $0x0  }
0x100: {  	s11 =	sadd.s32 s10, s17;
	[sflag:s28] =	ssyncadd.s32 $0xFFFFFE00  }
0x101: {  	[hbm4b:s11+s5] =	stream.linear.scatter [tilespmem:s18], [sflag:$0x2], $0x1000, $0x38;
	[tilespmem:$0x1A980] =	vst v63  }
0x102: {  	_ =	swait.ge [sflag:s19], $0x1000  }
.Ltmp3:
0x103: {  	[sflag:s19] =	ssyncset.done $0x0;
	(pc) =	sbr.rel @p0 .LBB2_8-.Ltmp3, $4  }
0x104: {  	s10 =	sadd.s32 s10, s16;
	[sflag:s19] =	ssyncadd.s32 $0xFFFFF000  }
0x105: {  	[hbm4b:s10+s5] =	stream.linear.scatter [tilespmem:s20], [sflag:$0x2], $0x1000, $0x38;
	[tilespmem:$0x1A980] =	vst v63  }
0x106: {  	_ =	swait.ge [sflag:s19], $0x1000  }
0x107: {  	[sflag:s19] =	ssyncset.done $0x0  }
0x108: {  	s29 =	sadd.s32 $0x1, s29  }
0x109: {  	p0 =	sne.s32 s29, s14  }
.Ltmp4:
0x10a: {  	_ = 	snop;
	(pc) =	sbr.rel @p0 .LBB2_1-.Ltmp4, $2  }
0x10b: {  	_ =	sdelay $0x2  }
0x10c: {  	[sflag:s19] =	ssyncadd.s32 $0xFFFFF000  }
0x10d: {  	_ =	sfence.sel $0x180000  }
0x10e: {  	[bflag:$0x0] =	sbarrier.arrive $0xFFFF  }
0x10f: {  	_ =	strace $0x90000047  }
0x110: {  	s0 =	stileid.u32;
	[bflag:$0x2] =	sbarrier.arrive $0xFFFF  }
0x111: {  	p0 =	sne.s32 s0, $0x0;
	s0 =	rddreg [dreg:$0x4]  }
0x112: {  	s0 =	sadd.s32 @!p0 $0x100000, s0  }
0x113: {  	[sflag:s0] =	ssyncadd.tile.s32 @!p0 $0x1;
	_ =	shalt  }
.Lfunc_end2:
_tile_overlayer_lowered:
.L_overlay_start_2:
0x114: {  	(tag) =	ssettag $0x2  }
0x115: {  	s0 =	rddreg [dreg:$0x0];
	s2 =	stileid.u32  }
0x116: {  	s1 =	rddreg [dreg:$0x1];
	p0 =	sne.s32 s2, $0x0  }
0x117: {  	s3 =	rddreg [dreg:$0x2];
	[bflag:$0x3] =	sbarrier.arrive $0xFFFF;
	s2 =	simm.s32 @!p0 $0x1C02  }
0x118: {  	[timem:s3], [sflag:s2] =	dma.local @!p0 [hbm:s0], s1  }
0x119: {  	s0 =	simm.s32 @!p0 $0x2  }
0x11a: {  	_ =	swait.ge @!p0 [sflag:s0], s1  }
0x11b: {  	s1 =	ssub.s32 @!p0 $0x0, s1;
	[sflag:s0] =	ssyncset.done @!p0 $0x0  }
0x11c: {  	[sflag:s0] =	ssyncadd.s32 @!p0 s1  }
0x11d: {  	[bflag:$0x3] =	sbarrier.arrive $0xFFFF  }
0x11e: {  	_ =	shalt  }

// kernel: kernel.20.cloned.1.call-start
scs
__scs_entry_jumppad:
0x0: {  	(pc) =	sbr.rel $0x88, $3  }
0x1: {  	(tag) =	ssettag $0x0;
	lr =	simm.s32 $0x1  }
0x2: {  	[smem:$0x3F91] =	sst lr;
	_ =	strace $0xD0000000  }
0x3: {  	_ = 	snop  }
0x4: {  	_ = 	snop  }
0x5: {  	_ = 	snop  }
0x6: {  	_ = 	snop  }
0x7: {  	_ = 	snop  }
__scs_overlays_trampoline_lowered:
0x8: {  	[smem:$0x3FA0] =	sst s0  }
0x9: {  	[smem:$0x3FA1] =	sst s1  }
0xa: {  	[smem:$0x3FA2] =	sst s2  }
0xb: {  	[smem:$0x3FA3] =	sst s3  }
0xc: {  	[smem:$0x3FA4] =	sst s4  }
0xd: {  	[smem:$0x3FA5] =	sst s5  }
0xe: {  	[smem:$0x3FA6] =	sst s6  }
0xf: {  	[smem:$0x3FA7] =	sst s7  }
0x10: {  	[smem:$0x3FA8] =	sst s8  }
0x11: {  	[smem:$0x3FA9] =	sst s9;
	s0 =	simm.s32 @!p0 $0x0  }
0x12: {  	s1 =	sld [smem:$0x3F8F];
	s0 =	simm.s32 @p0 $0x1  }
0x13: {  	[smem:$0x3FAA] =	sst s0;
	s0 =	simm.s32 @!p1 $0x0  }
0x14: {  	s2 =	sld [smem:$0x3F8E];
	s0 =	simm.s32 @p1 $0x1  }
0x15: {  	[smem:$0x3FAB] =	sst s0;
	s0 =	simm.s32 @!p2 $0x0  }
0x16: {  	s3 =	sld [smem:$0x3FDB];
	s0 =	simm.s32 @p2 $0x1  }
0x17: {  	s4 =	simm.s32 $0x1BF5;
	[smem:$0x3FAD] =	sst s0  }
0x18: {  	s0 =	sld [smem:$0x3F90];
	_ =	swait.ge [sflag:s4], $0x0  }
0x19: {  	s7 =	sld [smem:$0x3F91]  }
0x1a: {  	s8 =	sadd.s32 $0xFFFFE003, lr  }
0x1b: {  	s9 =	sadd.s32 $0xFFFFFEF7, lr;
	s5 =	simm.s32 $0xFFFFFFFF;
	p2 =	slt.u32 s8, $0xFFFFF086  }
0x1c: {  	p1 =	slt.u32 s9, $0xF7A;
	s5 =	simm.s32 @!p2 $0x0  }
0x1d: {  	s5 =	simm.s32 @p1 $0x1;
	p0 =	seq.s32 s7, s2  }
0x1e: {  	s7 =	smul.u32 @!p0 $0xF7A, s2;
	p2 =	seq.s32 @!p0 s5, $0x0  }
0x1f: {  	s9 =	smul.u32 $0xF7A, s1;
	s8 =	simm.s32 @!p0 $0x1BF5;
	p2 =	por !p2, p0  }
0x20: {  	[sflag:s8] =	ssyncset.s32 @!p0 $0xFFFFF086;
	s6 =	sadd.s32 @!p0 s3, s7;
	s7 =	simm.s32 @!p0 $0x108  }
0x21: {  	s3 =	sadd.s32 s3, s9;
	s6 =	sadd.s32 @!p0 $0x88, s6;
	s7 =	simm.s32 @p2 $0x1082  }
0x22: {  	[simem:s7], [sflag:s8] =	dma.local @!p0 [hbm:s6], $0xF7A  }
0x23: {  	s9 =	sor.u32 $0xD0000000, s2;
	s6 =	simm.s32 $0x108;
	_ =	swait.ge @!p0 [sflag:s8], $0x0  }
0x24: {  	s3 =	sadd.s32 $0x88, s3;
	s6 =	simm.s32 @!p1 $0x1082;
	[sflag:s4] =	ssyncset.s32 $0xFFFFF086  }
0x25: {  	[simem:s6], [sflag:s4] =	dma.local [hbm:s3], $0xF7A  }
0x26: {  	[smem:$0x3F91] =	sst s1;
	(tag) =	ssettag s2;
	_ =	strace s9  }
0x27: {  	s1 =	sld [smem:$0x3FA1]  }
0x28: {  	s2 =	sld [smem:$0x3FA2]  }
0x29: {  	s4 =	sld [smem:$0x3FA4]  }
0x2a: {  	p0 =	seq.s32 s5, $0x0;
	s5 =	sld [smem:$0x3FA5]  }
0x2b: {  	s6 =	sld [smem:$0x3FA6]  }
0x2c: {  	s7 =	sld [smem:$0x3FA7]  }
0x2d: {  	s3 =	simm.s32 $0x108;
	s8 =	sld [smem:$0x3FA8]  }
0x2e: {  	s3 =	simm.s32 @!p0 $0x1082;
	s9 =	sld [smem:$0x3FA9]  }
0x2f: {  	lr =	sadd.s32 s0, s3;
	s0 =	sld [smem:$0x3FA0]  }
0x30: {  	s3 =	sld [smem:$0x3FA3]  }
0x31: {  	[smem:$0x3FAC] =	sst s10  }
0x32: {  	s10 =	sld [smem:$0x3FAA];
	_ =	sdelay $0x3  }
0x33: {  	p0 =	seq.s32 s10, $0x1;
	s10 =	sld [smem:$0x3FAC];
	_ =	sdelay $0x3  }
0x34: {  	[smem:$0x3FAC] =	sst s10  }
0x35: {  	s10 =	sld [smem:$0x3FAB];
	_ =	sdelay $0x3  }
0x36: {  	p1 =	seq.s32 s10, $0x1;
	s10 =	sld [smem:$0x3FAC];
	_ =	sdelay $0x3  }
0x37: {  	[smem:$0x3FAC] =	sst s10  }
0x38: {  	s10 =	sld [smem:$0x3FAD]  }
0x39: {  	_ = 	snop;
	(pc) =	sbr.ind lr, $3  }
0x3a: {  	_ = 	snop  }
0x3b: {  	_ = 	snop  }
0x3c: {  	p2 =	seq.s32 s10, $0x1;
	s10 =	sld [smem:$0x3FAC]  }
0x3d: {  	_ =	shalt  }
0x3e: {  	_ =	shalt  }
0x3f: {  	_ =	shalt  }
0x40: {  	_ =	shalt  }
0x41: {  	_ =	shalt  }
0x42: {  	_ =	shalt  }
0x43: {  	_ =	shalt  }
0x44: {  	_ =	shalt  }
0x45: {  	_ =	shalt  }
0x46: {  	_ =	shalt  }
0x47: {  	_ =	shalt  }
0x48: {  	_ =	shalt  }
0x49: {  	_ =	shalt  }
0x4a: {  	_ =	shalt  }
0x4b: {  	_ =	shalt  }
0x4c: {  	_ =	shalt  }
0x4d: {  	_ =	shalt  }
0x4e: {  	_ =	shalt  }
0x4f: {  	_ =	shalt  }
0x50: {  	_ =	shalt  }
0x51: {  	_ =	shalt  }
0x52: {  	_ =	shalt  }
0x53: {  	_ =	shalt  }
0x54: {  	_ =	shalt  }
0x55: {  	_ =	shalt  }
0x56: {  	_ =	shalt  }
0x57: {  	_ =	shalt  }
0x58: {  	_ =	shalt  }
0x59: {  	_ =	shalt  }
0x5a: {  	_ =	shalt  }
0x5b: {  	_ =	shalt  }
0x5c: {  	_ =	shalt  }
0x5d: {  	_ =	shalt  }
0x5e: {  	_ =	shalt  }
0x5f: {  	_ =	shalt  }
0x60: {  	_ =	shalt  }
0x61: {  	_ =	shalt  }
0x62: {  	_ =	shalt  }
0x63: {  	_ =	shalt  }
0x64: {  	_ =	shalt  }
0x65: {  	_ =	shalt  }
0x66: {  	_ =	shalt  }
0x67: {  	_ =	shalt  }
0x68: {  	_ =	shalt  }
0x69: {  	_ =	shalt  }
0x6a: {  	_ =	shalt  }
0x6b: {  	_ =	shalt  }
0x6c: {  	_ =	shalt  }
0x6d: {  	_ =	shalt  }
0x6e: {  	_ =	shalt  }
0x6f: {  	_ =	shalt  }
0x70: {  	_ =	shalt  }
0x71: {  	_ =	shalt  }
0x72: {  	_ =	shalt  }
0x73: {  	_ =	shalt  }
0x74: {  	_ =	shalt  }
0x75: {  	_ =	shalt  }
0x76: {  	_ =	shalt  }
0x77: {  	_ =	shalt  }
0x78: {  	_ =	shalt  }
0x79: {  	_ =	shalt  }
0x7a: {  	_ =	shalt  }
0x7b: {  	_ =	shalt  }
0x7c: {  	_ =	shalt  }
0x7d: {  	_ =	shalt  }
0x7e: {  	_ =	shalt  }
0x7f: {  	_ =	shalt  }
0x80: {  	_ =	shalt  }
0x81: {  	_ =	shalt  }
0x82: {  	_ =	shalt  }
0x83: {  	_ =	shalt  }
0x84: {  	_ =	shalt  }
0x85: {  	_ =	shalt  }
0x86: {  	_ =	shalt  }
0x87: {  	_ =	shalt  }
.Lfunc_end0:
.L_simem_size_0:
called_computation.2_lowered:
.L_overlay_start_0:
0x88: {  	s2 =	sld [smem:$0x3FD9]  }
0x89: {  	s3 =	sld [smem:$0x3FFE];
	_ =	sdelay $0x1  }
0x8a: {  	s1 =	srdreg.scid  }
0x8b: {  	s0 =	sand.u32 $0x1, s1  }
0x8c: {  	s15 =	sshll.u32 s0, $0xA;
	s2 =	sadd.s32 s3, s2  }
0x8d: {  	s2 =	sadd.s32 s2, s15  }
0x8e: {  	[smem:$0x3FB8] =	sst s2  }
0x8f: {  	_ = 	snop  }
0x90: {  	s2 =	sld [smem:$0x3FD0];
	_ =	sdelay $0x2  }
0x91: {  	s16 =	simm.s32 $0xB;
	s4 =	simm.s32 $0x10  }
0x92: {  	[smem:s4], [sflag:s16] =	dma.local [hbm:s2], $0x1  }
0x93: {  	_ =	swait.eq [sflag:s16], $0x1  }
0x94: {  	[sflag:s16] =	ssyncset.done $0x0  }
0x95: {  	[sflag:s16] =	ssyncadd.s32 $0xFFFFFFFF  }
0x96: {  	s17 =	sld [smem:$0x10];
	(tm) =	ssettm $0x1  }
0x97: {  	s18 =	sld [smem:$0x3FFB];
	_ =	sdelay $0x3  }
0x98: {  	_ =	strace s18  }
0x99: {  	s2 =	sld [smem:$0x3FFC];
	_ =	sdelay $0x3  }
0x9a: {  	_ =	strace s2  }
0x9b: {  	s2 =	sld [smem:$0x3FFD];
	_ =	sdelay $0x3  }
0x9c: {  	_ =	strace s2  }
0x9d: {  	_ =	strace $0x8FFFFFFF  }
0x9e: {  	s19 =	sld [smem:$0x3FDB];
	_ =	sdelay $0x1  }
0x9f: {  	s20 =	simm.s32 $_scs_section_size  }
0xa0: {  	s5 =	simm.s32 $_size__tile_overlayer_lowered;
	s6 =	simm.s32 $_tile_overlayer_lowered  }
0xa1: {  	s7 =	simm.s32 $0x1BFF;
	s21 =	sshll.u32 s6, $0x1;
	s4 =	sadd.s32 s20, s19  }
0xa2: {  	s22 =	simm.s32 $0x0;
	s5 =	sshll.u32 s5, $0x1;
	s6 =	sadd.s32 s21, s4  }
0xa3: {  	[timem:s22], [sflag:s7] =	dma.local [hbm:s6], s5  }
0xa4: {  	_ =	swait.ge [sflag:s7], s5  }
0xa5: {  	s5 =	ssub.s32 $0x0, s5;
	[sflag:s7] =	ssyncset.done $0x0  }
0xa6: {  	[sflag:s7] =	ssyncadd.s32 s5;
	_ =	sdelay $0x1  }
0xa7: {  	s23 =	simm.s32 $0x1B8B  }
0xa8: {  	_ =	swait.ge [sflag:s23], $0x1  }
0xa9: {  	[sflag:s23] =	ssyncset.done $0x0  }
0xaa: {  	[sflag:s23] =	ssyncadd.s32 $0xFFFFFFFF  }
0xab: {  	s5 =	sld [smem:$0x0]  }
0xac: {  	s6 =	sand.u32 $0xFFFFFFFE, s1  }
0xad: {  	p0 =	sne.s32 s1, s6  }
0xae: {  	s6 =	sshll.u32 @p0 s6, $0xE  }
0xaf: {  	s6 =	sadd.s32 @p0 $0x11B8D, s6;
	s7 =	sshll.u32 @p0 s5, $0x11  }
0xb0: {  	s6 =	sor.u32 @p0 s7, s6  }
0xb1: {  	[sflag:s6] =	ssyncadd.remote.s32 @p0 $0x1;
	_ =	sdelay $0x1  }
0xb2: {  	s6 =	simm.s32 @p0 $0x1B8D  }
0xb3: {  	_ =	swait.eq @p0 [sflag:s6], $0x1  }
0xb4: {  	[sflag:s6] =	ssyncadd.s32 @p0 $0xFFFFFFFF  }
0xb5: {  	s7 =	sshll.u32 @!p0 s1, $0xE  }
0xb6: {  	s7 =	sor.u32 @!p0 $0x4000, s7;
	s6 =	simm.s32 @!p0 $0x1B8D  }
0xb7: {  	s5 =	sshll.u32 @!p0 s5, $0x11;
	s7 =	sadd.s32 @!p0 $0x11B8D, s7;
	_ =	swait.eq @!p0 [sflag:s6], $0x1  }
0xb8: {  	s5 =	sor.u32 @!p0 s5, s7;
	[sflag:s6] =	ssyncadd.s32 @!p0 $0xFFFFFFFF  }
0xb9: {  	s25 =	simm.s32 $0x1B8E;
	s24 =	sld [smem:$0x3FFE];
	[sflag:s5] =	ssyncadd.remote.s32 @!p0 $0x1  }
0xba: {  	s26 =	simm.s32 $execute0_lowered;
	[smem:$0x3FD2] =	sst s25  }
0xbb: {  	s6 =	sshll.u32 s26, $0x1;
	_ =	strace $0x8000004F;
	[dreg:$0x1] =	wrdreg $0xFFFFFFFF  }
0xbc: {  	s28 =	simm.s32 $_size_execute0_lowered;
	s4 =	sadd.s32 s4, s6;
	[dreg:$0x0] =	wrdreg $0x0  }
0xbd: {  	s6 =	sshll.u32 s28, $0x1;
	[dreg:$0x2] =	wrdreg s4  }
0xbe: {  	[dreg:$0x3] =	wrdreg s6  }
0xbf: {  	[dreg:$0x4] =	wrdreg $0xC0  }
0xc0: {  	_ =	task [dreg:s22], $0x5FFFF  }
0xc1: {  	[dreg:$0x1] =	wrdreg $0xFFFFFFFF  }
0xc2: {  	[dreg:$0x0] =	wrdreg $0x60  }
0xc3: {  	[dreg:$0x2] =	wrdreg s24  }
0xc4: {  	[dreg:$0x3] =	wrdreg s17  }
0xc5: {  	[dreg:$0x4] =	wrdreg $0x0  }
0xc6: {  	[dreg:$0x5] =	wrdreg $0x140000  }
0xc7: {  	[dreg:$0x6] =	wrdreg $0x9  }
0xc8: {  	_ =	task.clear_ibuf [dreg:s22], $0x7FFFF;
	_ =	strace $0x9000004F  }
0xc9: {  	s29 =	simm.s32 $0x9;
	_ =	strace $0x80000051  }
0xca: {  	_ =	swait.ge [sflag:s29], $0x1  }
0xcb: {  	[sflag:s29] =	ssyncadd.s32 $0xFFFFFFFF  }
0xcc: {  	_ =	strace $0x90000051  }
0xcd: {  	_ =	sfence  }
0xce: {  	s30 =	sld [smem:$0x0];
	_ =	sdelay $0x2  }
0xcf: {  	s31 =	sshll.u32 s1, $0xD;
	s1 =	sshrl.u32 s1, $0x2  }
0xd0: {  	s4 =	sand.u32 $0x4000, s31;
	s1 =	sadd.s32 s1, s30  }
0xd1: {  	s0 =	sor.u32 s4, s0;
	s1 =	sshll.u32 s1, $0x11  }
0xd2: {  	s0 =	sor.u32 s1, s0  }
0xd3: {  	s0 =	sadd.s32 $0x8F2B, s0  }
0xd4: {  	[sflag:s0] =	ssyncadd.remote.s32 $0x1  }
0xd5: {  	_ =	sfence.sel $0xFFFF  }
0xd6: {  	[dreg:$0x0] =	wrdreg $0xFFFFFFFF;
	(pc) =	sbr.abs _section_cstart, $3  }
0xd7: {  	[dreg:$0x1] =	wrdreg $0xFFFFFFFF  }
0xd8: {  	_ =	task.clear_ibuf [dreg:s22], $0x2FFFF;
	_ =	strace $0x9FFFFFFF  }
0xd9: {  	(tm) =	ssettm $0x7FFFFFFF  }
tec
execute0_lowered:
.L_overlay_start_1:
0x0: {  	(tag) =	ssettag $0x1  }
0x1: {  	s0 =	rddreg [dreg:$0x0]  }
0x2: {  	s1 =	rddreg [dreg:$0x1]  }
0x3: {  	s2 =	rddreg [dreg:$0x2]  }
0x4: {  	s3 =	rddreg [dreg:$0x3]  }
0x5: {  	s5 =	simm.s32 $0x0;
	s13 =	stileid.u32;
	s4 =	srdreg.scid  }
0x6: {  	s18 =	simm.s32 $0x16980;
	s19 =	simm.s32 $0x2;
	s20 =	simm.s32 $0x19980  }
0x7: {  	s21 =	simm.s32 $0x16900;
	s22 =	simm.s32 $0x20;
	s28 =	simm.s32 $0x1  }
0x8: {  	s29 =	simm.s32 $0x0;
	s30 =	simm.s32 $0x0;
	s6 =	sadd.s32 $0x122A00, s0  }
0x9: {  	[smem:$0x7FF] =	sst s5;
	s10 =	smul.u32 $0x50, s13;
	s7 =	sadd.s32 $0x14AA00, s0  }
0xa: {  	s4 =	sand.u32 $0x1, s4;
	s8 =	sadd.s32 $0x172A00, s0;
	s12 =	smul.u32 $0x14000, s13  }
0xb: {  	s9 =	sadd.s32 $0x19AA00, s0;
	s14 =	sadd.s32 $0x82800, s0;
	s23 =	sadd.s32 $0x82600, s0  }
0xc: {  	s24 =	sshll.u32 s13, $0x1;
	_ =	strace $0x80000050;
	[dreg:$0x5] =	wrdreg s14  }
0xd: {  	s11 =	smul.u32 $0x140000, s4;
	[dreg:$0x6] =	wrdreg s23;
	s25 =	ssub.s32 $0x2, s4  }
0xe: {  	s4 =	sor.u32 s4, s24;
	s23 =	simm.s32 $0x16800;
	s24 =	simm.s32 $0x16880  }
0xf: {  	s10 =	sadd.s32 s10, s0;
	s26 =	sshrl.u32 s25, $0x1;
	s11 =	sadd.s32 s12, s11  }
0x10: {  	s31 =	ssub.s32 $0x1387, s4;
	s12 =	sshll.u32 s4, $0x5;
	s11 =	sshrl.u32 s11, $0x3  }
0x11: {  	s13 =	sshrl.u32 s31, $0x5;
	s15 =	sadd.s32 $0x19FA00, s10;
	s0 =	sadd.s32 s11, s0  }
0x12: {  	vm0 =	vmmov $0x1;
	s11 =	ssub.s32 s25, s26;
	s25 =	simm.s32 $0x17980;
	s26 =	simm.s32 $0x18980  }
0x13: {  	vm1 =	vcmask $0x308;
	vm2 =	vcmask $0x70C;
	vm3 =	vcmask $0xB10;
	s14 =	smax.u32 s11, $0x1;
	s16 =	sadd.s32 $0x1F0000, s0;
	s17 =	sadd.s32 $0x1A0000, s0  }
.LBB2_1:
0x14: {  	s0 =	rddreg [dreg:$0x5]  }
0x15: {  	[tilespmem:s18], [sflag:$0x2] =	stream.linear.gather [hbm4b:s0+s5], $0x1000, $0x38;
	[tilespmem:$0x1A980] =	vst v63  }
0x16: {  	_ =	swait.ge [sflag:s19], $0x1000  }
0x17: {  	[sflag:s19] =	ssyncset.done $0x0  }
0x18: {  	s11 =	rddreg [dreg:$0x6];
	[sflag:s19] =	ssyncadd.s32 $0xFFFFF000  }
0x19: {  	[tilespmem:s20], [sflag:$0x2] =	stream.linear.gather [hbm4b:s11+s5], $0x1000, $0x38;
	[tilespmem:$0x1A980] =	vst v63  }
0x1a: {  	_ =	swait.ge [sflag:s19], $0x1000  }
0x1b: {  	[sflag:s19] =	ssyncset.done $0x0  }
0x1c: {  	s31 =	sadd.s32 $0x0, s15;
	[sflag:s19] =	ssyncadd.s32 $0xFFFFF000  }
0x1d: {  	[tilespmem:s21], [sflag:$0x2] =	stream.linear.gather [hbm4b:s31+s5], $0x20, $0x38;
	[tilespmem:$0x1A980] =	vst v63  }
0x1e: {  	_ =	swait.ge [sflag:s19], $0x20  }
0x1f: {  	[sflag:s19] =	ssyncset.done $0x0  }
0x20: {  	[sflag:s19] =	ssyncadd.s32 $0xFFFFFFE0  }
0x21: {  	[spmem:s2] =	stream.indirect.scatter [tilespmem:s18], [sflag:$0x2], $0x80, s21, s22, $0xb8;
	[tilespmem:$0x1A980] =	vst v63  }
0x22: {  	_ =	swait.ge [sflag:s19], $0x1000  }
0x23: {  	[sflag:s19] =	ssyncset.done $0x0  }
0x24: {  	[sflag:s19] =	ssyncadd.s32 $0xFFFFF000  }
0x25: {  	[spmem:s3] =	stream.indirect.scatter [tilespmem:s20], [sflag:$0x2], $0x10, s21, s22, $0xb8;
	[tilespmem:$0x1A980] =	vst v63  }
0x26: {  	_ =	swait.ge [sflag:s19], $0x200  }
0x27: {  	s4 =	simm.s32 $0x8;
	s0 =	simm.s32 $0x4;
	[sflag:s19] =	ssyncset.done $0x0  }
.LBB2_2:
0x28: {  	s10 =	sadd.s32 s0, s15  }
0x29: {  	[sflag:s19] =	ssyncadd.s32 $0xFFFFFE00;
	s0 =	smov.u32 s4;
	s11 =	sadd.s32 $0x4, s4  }
0x2a: {  	[tilespmem:s21], [sflag:$0x2] =	stream.linear.gather [hbm4b:s10+s5], $0x20, $0x38;
	[tilespmem:$0x1A980] =	vst v63  }
0x2b: {  	p0 =	sne.s32 s4, $0x4C;
	_ =	swait.ge [sflag:s19], $0x20  }
0x2c: {  	[sflag:s19] =	ssyncset.done $0x0  }
0x2d: {  	[sflag:s19] =	ssyncadd.s32 $0xFFFFFFE0  }
0x2e: {  	[spmem:s2] =	stream.indirect.scatter [tilespmem:s18], [sflag:$0x2], $0x80, s21, s22, $0xb8;
	[tilespmem:$0x1A980] =	vst v63  }
0x2f: {  	_ =	swait.ge [sflag:s19], $0x1000  }
.Ltmp0:
0x30: {  	[sflag:s19] =	ssyncset.done $0x0;
	(pc) =	sbr.rel @p0 .LBB2_2-.Ltmp0, $4  }
0x31: {  	[sflag:s19] =	ssyncadd.s32 $0xFFFFF000  }
0x32: {  	[spmem:s3] =	stream.indirect.scatter [tilespmem:s20], [sflag:$0x2], $0x10, s21, s22, $0xb8;
	[tilespmem:$0x1A980] =	vst v63  }
0x33: {  	_ =	swait.ge [sflag:s19], $0x200  }
0x34: {  	s4 =	smov.u32 s11;
	[sflag:s19] =	ssyncset.done $0x0  }
0x35: {  	s0 =	sadd.s32 s0, s15;
	[sflag:s19] =	ssyncadd.s32 $0xFFFFFE00  }
0x36: {  	[tilespmem:s21], [sflag:$0x2] =	stream.linear.gather [hbm4b:s0+s5], $0x20, $0x38;
	[tilespmem:$0x1A980] =	vst v63  }
0x37: {  	_ =	swait.ge [sflag:s19], $0x20  }
0x38: {  	[sflag:s19] =	ssyncset.done $0x0  }
0x39: {  	[sflag:s19] =	ssyncadd.s32 $0xFFFFFFE0  }
0x3a: {  	[spmem:s2] =	stream.indirect.scatter [tilespmem:s18], [sflag:$0x2], $0x80, s21, s22, $0xb8;
	[tilespmem:$0x1A980] =	vst v63  }
0x3b: {  	_ =	swait.ge [sflag:s19], $0x1000  }
0x3c: {  	[sflag:s19] =	ssyncset.done $0x0  }
0x3d: {  	[sflag:s19] =	ssyncadd.s32 $0xFFFFF000  }
0x3e: {  	[spmem:s3] =	stream.indirect.scatter [tilespmem:s20], [sflag:$0x2], $0x10, s21, s22, $0xb8;
	[tilespmem:$0x1A980] =	vst v63  }
0x3f: {  	_ =	swait.ge [sflag:s19], $0x200  }
0x40: {  	[sflag:s19] =	ssyncset.done $0x0  }
0x41: {  	[sflag:s19] =	ssyncadd.s32 $0xFFFFFE00  }
0x42: {  	s31 =	simm.s32 $0x0;
	[bflag:$0x0] =	sbarrier.arrive $0xFFFF  }
.LBB2_4:
0x43: {  	s0 =	sshll.u32 s31, $0xA  }
0x44: {  	s0 =	sor.u32 s12, s0  }
0x45: {  	s0 =	sshrl.u32 s0, $0x3  }
0x46: {  	s4 =	sadd.s32 s9, s0  }
0x47: {  	[tilespmem:s23], [sflag:$0x2] =	stream.linear.gather [hbm4b:s4+s30], $0x20, $0x38;
	[tilespmem:$0x1A980] =	vst v63  }
0x48: {  	_ =	swait.ge [sflag:s19], $0x20  }
0x49: {  	[sflag:s19] =	ssyncset.done $0x0  }
0x4a: {  	s0 =	sadd.s32 s1, s0;
	[sflag:s19] =	ssyncadd.s32 $0xFFFFFFE0  }
0x4b: {  	[tilespmem:s24], [sflag:$0x2] =	stream.linear.gather [hbm4b:s0+s30], $0x20, $0x38;
	[tilespmem:$0x1A980] =	vst v63  }
0x4c: {  	_ =	swait.ge [sflag:s19], $0x20  }
0x4d: {  	[sflag:s19] =	ssyncset.done $0x0  }
0x4e: {  	[sflag:s19] =	ssyncadd.s32 $0xFFFFFFE0  }
0x4f: {  	[tilespmem:s18], [sflag:$0x1] =	stream.indirect.gather [hbm4b:s6+s22], $0x80, s24, s22, $0xb8;
	[tilespmem:$0x1A980] =	vst v63  }
0x50: {  	_ = 	snop  }
0x51: {  	[tilespmem:s25], [sflag:$0x1] =	stream.indirect.gather [hbm4b:s7+s22], $0x80, s23, s22, $0xb8;
	[tilespmem:$0x1A980] =	vst v63  }
0x52: {  	_ = 	snop  }
0x53: {  	[tilespmem:s26], [sflag:$0x1] =	stream.indirect.gather [hbm4b:s8+s22], $0x80, s23, s22, $0xb8;
	[tilespmem:$0x1A980] =	vst v63  }
0x54: {  	_ =	swait.ge [sflag:s28], $0x1000  }
0x55: {  	[sflag:s28] =	ssyncset.done $0x0  }
0x56: {  	[sflag:s28] =	ssyncadd.s32 $0xFFFFF000  }
0x57: {  	_ =	swait.ge [sflag:s28], $0x1000  }
0x58: {  	[sflag:s28] =	ssyncset.done $0x0  }
0x59: {  	[sflag:s28] =	ssyncadd.s32 $0xFFFFF000  }
0x5a: {  	_ =	swait.ge [sflag:s28], $0x1000  }
0x5b: {  	[sflag:s28] =	ssyncset.done $0x0  }
0x5c: {  	s0 =	simm.s32 $0x0;
	[sflag:s28] =	ssyncadd.s32 $0xFFFFF000  }
0x5d: {  	v0 =	vld [tilespmem:s0+$0x179F0]  }
0x5e: {  	v1 =	vld [tilespmem:s0+$0x179D0]  }
0x5f: {  	v2 =	vld [tilespmem:s0+$0x179E0]  }
0x60: {  	v3 =	vld [tilespmem:s0+$0x169F0]  }
0x61: {  	v4 =	vld [tilespmem:s0+$0x169E0]  }
0x62: {  	v5 =	vld [tilespmem:s0+$0x179C0]  }
0x63: {  	v6 =	vld [tilespmem:s0+$0x169D0]  }
0x64: {  	v7 =	vld [tilespmem:s0+$0x169C0];
	_ =	sdelay $0x1  }
0x65: {  	v0 =	vmul.f32 v0, v3;
	v2 =	vmul.f32 v2, v4  }
0x66: {  	v8 =	vld [tilespmem:s0+$0x17990]  }
0x67: {  	v3 =	vld [tilespmem:s0+$0x179B0];
	v0 =	vadd.f32 v0, v2  }
0x68: {  	v4 =	vld [tilespmem:s0+$0x179A0];
	v1 =	vmul.f32 v1, v6;
	v5 =	vmul.f32 v5, v7  }
0x69: {  	v6 =	vld [tilespmem:s0+$0x169A0];
	(xrf2) =	vadd.scan.msk.f32 $0xffff, v0  }
0x6a: {  	v2 =	vld [tilespmem:s0+$0x169B0];
	v1 =	vadd.f32 v1, v5  }
0x6b: {  	v7 =	vld [tilespmem:s0+$0x16990]  }
0x6c: {  	v5 =	vld [tilespmem:s0+$0x16980];
	(xrf2) =	vadd.scan.msk.f32 $0xffff, v1  }
0x6d: {  	v0 =	vld [tilespmem:s0+$0x17980];
	_ =	sdelay $0x1  }
0x6e: {  	v1 =	vmul.f32 v3, v2;
	v2 =	vmul.f32 v4, v6;
	_ =	sdelay $0x1  }
0x6f: {  	v1 =	vadd.f32 v1, v2  }
0x70: {  	v3 =	vmul.f32 v8, v7;
	v0 =	vmul.f32 v0, v5  }
0x71: {  	v2, _, _ =	vpop (xrf2);
	(xrf2) =	vadd.scan.msk.f32 $0xffff, v1  }
0x72: {  	v0 =	vadd.f32 v3, v0  }
0x73: {  	v1 =	vmul.f32 $1.442695020e+00, v2  }
0x74: {  	(xrf2) =	vadd.scan.msk.f32 $0xffff, v0;
	v2, _, _ =	vpop (xrf2)  }
0x75: {  	v2 =	vmul.f32 $1.442695020e+00, v2;
	v1 =	vbroadcast v1, $0xF;
	_ =	sdelay $0x1  }
0x76: {  	(erf) = vpow2.f32 v1;
	v1 =	vbroadcast v2, $0xF;
	_ =	sdelay $0x2  }
0x77: {  	v13 =	vld [tilespmem:s0+$0x189E0]  }
0x78: {  	v11 =	vld [tilespmem:s0+$0x189C0];
	(erf) = vpow2.f32 v1;
	v1, _, _ =	vpop (xrf2)  }
0x79: {  	v12 =	vld [tilespmem:s0+$0x189D0];
	v1 =	vmul.f32 $1.442695020e+00, v1  }
0x7a: {  	s4 =	simm.s32 $0x80;
	v4 =	vld [tilespmem:s0+$0x189F0]  }
0x7b: {  	v9 =	vld [tilespmem:s4+$0x179F0];
	v2, _, _ =	vpop (xrf2);
	v10 =	vbroadcast v1, $0xF  }
0x7c: {  	v6 =	vld [tilespmem:s0+$0x189A0];
	v5 =	vmul.f32 $1.442695020e+00, v2  }
0x7d: {  	v8 =	vld [tilespmem:s0+$0x189B0];
	(erf) = vpow2.f32 v10  }
0x7e: {  	v7 =	vld [tilespmem:s4+$0x179D0];
	v14 =	vbroadcast v5, $0xF;
	v1 =	vpop (erf)  }
0x7f: {  	v3 =	vld [tilespmem:s0+$0x18990];
	v4 =	vmul.f32 v1, v4  }
0x80: {  	v0 =	vld [tilespmem:s0+$0x18980];
	(erf) = vpow2.f32 v14  }
0x81: {  	v2 =	vld [tilespmem:s4+$0x17990]  }
0x82: {  	v5 =	vld [tilespmem:s4+$0x179B0];
	v13 =	vmul.f32 v1, v13  }
0x83: {  	s10 =	simm.s32 $0x400;
	v10 =	vld [tilespmem:s4+$0x179E0];
	[tilespmem:s0+$0x169F0] =	vst v4;
	v4 =	vpop (erf)  }
.LBB2_5:
0x84: {  	p0 =	sne.s32 s10, $0x3E00;
	v14 =	vld [tilespmem:s4+$0x169F0];
	v11 =	vmul.f32 v4, v11;
	v16 =	vmul.f32 v4, v12;
	[tilespmem:s0+$0x169E0] =	vst v13;
	s11 =	smov.u32 s10;
	s10 =	sadd.s32 $0x200, s10  }
0x85: {  	v13 =	vld [tilespmem:s4+$0x169E0]  }
0x86: {  	v15 =	vld [tilespmem:s4+$0x179C0];
	[tilespmem:s0+$0x169D0] =	vst v16;
	v12 =	vpop (erf)  }
0x87: {  	v16 =	vld [tilespmem:s4+$0x169D0];
	v6 =	vmul.f32 v12, v6;
	v18 =	vmul.f32 v12, v8;
	[tilespmem:s0+$0x169C0] =	vst v11  }
0x88: {  	v11 =	vld [tilespmem:s4+$0x169C0]  }
0x89: {  	v17 =	vld [tilespmem:s4+$0x179A0];
	v9 =	vmul.f32 v9, v14;
	[tilespmem:s0+$0x169B0] =	vst v18;
	v8 =	vpop (erf)  }
0x8a: {  	v14 =	vld [tilespmem:s4+$0x169B0];
	v10 =	vmul.f32 v10, v13;
	v0 =	vmul.f32 v8, v0;
	v13 =	vnsel vm0, $0x0, v8;
	[tilespmem:s0+$0x169A0] =	vst v6  }
0x8b: {  	v12 =	vsel vm1, $0x0, v12;
	v3 =	vmul.f32 v8, v3;
	v6 =	vld [tilespmem:s4+$0x169A0];
	v8 =	vadd.f32 $0.0e+00, v13  }
0x8c: {  	v13 =	vld [tilespmem:s4+$0x17980];
	v7 =	vmul.f32 v7, v16;
	v9 =	vadd.f32 v9, v10;
	[tilespmem:s0+$0x16980] =	vst v0  }
0x8d: {  	v4 =	vsel vm2, $0x0, v4;
	v10 =	vld [tilespmem:s4+$0x16980];
	v11 =	vmul.f32 v15, v11;
	[tilespmem:s0+$0x16990] =	vst v3;
	v3 =	vadd.f32 v12, v8  }
0x8e: {  	v1 =	vsel vm3, $0x0, v1;
	v8 =	vld [tilespmem:s4+$0x16990];
	(xrf2) =	vadd.scan.msk.f32 $0xffff, v9  }
0x8f: {  	v0 =	vld [tilespmem:s4+$0x18980];
	v5 =	vmul.f32 v5, v14;
	v7 =	vadd.f32 v7, v11;
	v3 =	vadd.f32 v4, v3  }
0x90: {  	v4 =	vmul.f32 v17, v6  }
0x91: {  	(xrf2) =	vadd.scan.msk.f32 $0xffff, v7;
	v1 =	vadd.f32 v1, v3  }
0x92: {  	v3 =	vadd.f32 v5, v4  }
0x93: {  	v4 =	vmul.f32 v13, v10;
	v2 =	vmul.f32 v2, v8;
	[tilespmem:s0+$0x19980] =	vst v1;
	s0 =	smov.u32 s4  }
0x94: {  	(xrf2) =	vadd.scan.msk.f32 $0xffff, v3  }
0x95: {  	v2 =	vadd.f32 v2, v4;
	_ =	sdelay $0x1  }
0x96: {  	(xrf2) =	vadd.scan.msk.f32 $0xffff, v2  }
0x97: {  	v1, _, _ =	vpop (xrf2)  }
0x98: {  	v1 =	vmul.f32 $1.442695020e+00, v1;
	_ =	sdelay $0x1  }
0x99: {  	v1 =	vbroadcast v1, $0xF;
	v2, _, _ =	vpop (xrf2)  }
0x9a: {  	v4 =	vmul.f32 $1.442695020e+00, v2  }
0x9b: {  	(erf) = vpow2.f32 v1  }
0x9c: {  	v3 =	vld [tilespmem:s0+$0x18990];
	v1 =	vbroadcast v4, $0xF;
	v2, _, _ =	vpop (xrf2)  }
0x9d: {  	v5 =	vmul.f32 $1.442695020e+00, v2;
	v6 =	vld [tilespmem:s0+$0x189A0]  }
0x9e: {  	v8 =	vld [tilespmem:s0+$0x189B0];
	(erf) = vpow2.f32 v1  }
0x9f: {  	v1 =	vbroadcast v5, $0xF;
	v4 =	vld [tilespmem:s0+$0x189F0];
	v2, _, _ =	vpop (xrf2)  }
0xa0: {  	v2 =	vmul.f32 $1.442695020e+00, v2;
	v5 =	vld [tilespmem:s0+$0x189E0]  }
0xa1: {  	v11 =	vld [tilespmem:s0+$0x189C0];
	(erf) = vpow2.f32 v1  }
0xa2: {  	s4 =	sshra.s32 s11, $0x2;
	v7 =	vbroadcast v2, $0xF;
	v12 =	vld [tilespmem:s0+$0x189D0]  }
.Ltmp1:
0xa3: {  	v9 =	vld [tilespmem:s4+$0x179F0];
	(pc) =	sbr.rel @p0 .LBB2_5-.Ltmp1, $4  }
0xa4: {  	v2 =	vld [tilespmem:s4+$0x17990];
	(erf) = vpow2.f32 v7;
	v1 =	vpop (erf)  }
0xa5: {  	v7 =	vld [tilespmem:s4+$0x179D0];
	v13 =	vmul.f32 v1, v5;
	v14 =	vmul.f32 v1, v4  }
0xa6: {  	v5 =	vld [tilespmem:s4+$0x179B0]  }
0xa7: {  	v10 =	vld [tilespmem:s4+$0x179E0];
	[tilespmem:s0+$0x169F0] =	vst v14;
	v4 =	vpop (erf)  }
0xa8: {  	v14 =	vld [tilespmem:s4+$0x169F0];
	[tilespmem:s0+$0x169E0] =	vst v13;
	v12 =	vmul.f32 v4, v12  }
0xa9: {  	v11 =	vmul.f32 v4, v11;
	v13 =	vld [tilespmem:s4+$0x169E0]  }
0xaa: {  	v15 =	vld [tilespmem:s4+$0x179C0];
	[tilespmem:s0+$0x169D0] =	vst v12;
	v16 =	vpop (erf)  }
0xab: {  	v12 =	vld [tilespmem:s4+$0x169D0];
	[tilespmem:s0+$0x169C0] =	vst v11;
	v8 =	vmul.f32 v16, v8  }
0xac: {  	v6 =	vmul.f32 v16, v6;
	v11 =	vld [tilespmem:s4+$0x169C0]  }
0xad: {  	v17 =	vld [tilespmem:s4+$0x179A0];
	[tilespmem:s0+$0x169B0] =	vst v8;
	v18 =	vpop (erf)  }
0xae: {  	v8 =	vld [tilespmem:s4+$0x169B0];
	[tilespmem:s0+$0x169A0] =	vst v6;
	v0 =	vmul.f32 v18, v0  }
0xaf: {  	v3 =	vmul.f32 v18, v3;
	v6 =	vld [tilespmem:s4+$0x169A0]  }
0xb0: {  	v19 =	vld [tilespmem:s4+$0x17980];
	[tilespmem:s0+$0x16980] =	vst v0  }
0xb1: {  	v0 =	vld [tilespmem:s4+$0x16980];
	[tilespmem:s0+$0x16990] =	vst v3  }
0xb2: {  	v3 =	vld [tilespmem:s4+$0x16990];
	_ =	sdelay $0x1  }
0xb3: {  	v9 =	vmul.f32 v9, v14;
	v10 =	vmul.f32 v10, v13  }
0xb4: {  	v7 =	vmul.f32 v7, v12;
	v11 =	vmul.f32 v15, v11  }
0xb5: {  	v9 =	vadd.f32 v9, v10;
	v5 =	vmul.f32 v5, v8;
	v6 =	vmul.f32 v17, v6  }
0xb6: {  	v7 =	vadd.f32 v7, v11;
	v0 =	vmul.f32 v19, v0;
	v2 =	vmul.f32 v2, v3  }
0xb7: {  	(xrf2) =	vadd.scan.msk.f32 $0xffff, v9;
	v30 =	vadd.f32 v5, v6  }
0xb8: {  	(xrf2) =	vadd.scan.msk.f32 $0xffff, v7;
	v0 =	vadd.f32 v2, v0  }
0xb9: {  	(xrf2) =	vadd.scan.msk.f32 $0xffff, v30  }
0xba: {  	(xrf2) =	vadd.scan.msk.f32 $0xffff, v0;
	_ =	sdelay $0x6  }
0xbb: {  	v31, _, _ =	vpop (xrf2)  }
0xbc: {  	v0 =	vmul.f32 $1.442695020e+00, v31;
	v32, _, _ =	vpop (xrf2)  }
0xbd: {  	v33 =	vnsel vm0, $0x0, v18;
	v2 =	vmul.f32 $1.442695020e+00, v32;
	v34, _, _ =	vpop (xrf2)  }
0xbe: {  	v3 =	vadd.f32 $0.0e+00, v33;
	v0 =	vbroadcast v0, $0xF;
	v5 =	vmul.f32 $1.442695020e+00, v34;
	v35, _, _ =	vpop (xrf2)  }
0xbf: {  	v36 =	vsel vm1, $0x0, v16;
	v2 =	vbroadcast v2, $0xF;
	v6 =	vmul.f32 $1.442695020e+00, v35  }
0xc0: {  	v3 =	vadd.f32 v36, v3;
	(erf) = vpow2.f32 v0;
	v37 =	vbroadcast v5, $0xF  }
0xc1: {  	v38 =	vsel vm2, $0x0, v4;
	(erf) = vpow2.f32 v2;
	v39 =	vbroadcast v6, $0xF  }
0xc2: {  	v3 =	vadd.f32 v38, v3;
	(erf) = vpow2.f32 v37  }
0xc3: {  	v40 =	vsel vm3, $0x0, v1;
	(erf) = vpow2.f32 v39  }
0xc4: {  	v0 =	vadd.f32 v40, v3;
	_ =	sdelay $0x1  }
0xc5: {  	v41 =	vld [tilespmem:s4+$0x18980];
	[tilespmem:s0+$0x19980] =	vst v0  }
0xc6: {  	v0 =	vld [tilespmem:s4+$0x189F0]  }
0xc7: {  	v42 =	vld [tilespmem:s4+$0x189E0]  }
0xc8: {  	v43 =	vld [tilespmem:s4+$0x189D0];
	v44 =	vpop (erf)  }
0xc9: {  	v45 =	vld [tilespmem:s4+$0x189C0];
	v46 =	vpop (erf)  }
0xca: {  	v47 =	vld [tilespmem:s4+$0x189B0];
	v48 =	vpop (erf)  }
0xcb: {  	v49 =	vld [tilespmem:s4+$0x189A0];
	v0 =	vmul.f32 v44, v0;
	v50 =	vpop (erf)  }
0xcc: {  	v2 =	vmul.f32 v44, v42;
	v52 =	vnsel vm0, $0x0, v50  }
0xcd: {  	v51 =	vld [tilespmem:s4+$0x18990];
	[tilespmem:s4+$0x169F0] =	vst v0;
	v53 =	vmul.f32 v46, v43;
	v54 =	vadd.f32 $0.0e+00, v52  }
0xce: {  	[tilespmem:s4+$0x169E0] =	vst v2;
	v5 =	vmul.f32 v46, v45;
	v55 =	vsel vm1, $0x0, v48  }
0xcf: {  	[tilespmem:s4+$0x169D0] =	vst v53;
	v56 =	vmul.f32 v48, v47;
	v2 =	vadd.f32 v55, v54  }
0xd0: {  	v58 =	vsel vm2, $0x0, v46;
	[tilespmem:s4+$0x169C0] =	vst v5;
	v57 =	vmul.f32 v48, v49  }
0xd1: {  	[tilespmem:s4+$0x169B0] =	vst v56;
	v59 =	vmul.f32 v50, v41;
	v60 =	vadd.f32 v58, v2  }
0xd2: {  	v62 =	vsel vm3, $0x0, v44;
	[tilespmem:s4+$0x169A0] =	vst v57;
	v61 =	vmul.f32 v50, v51  }
0xd3: {  	[tilespmem:s4+$0x16980] =	vst v59;
	v63 =	vadd.f32 v62, v60  }
0xd4: {  	[tilespmem:s4+$0x16990] =	vst v61  }
0xd5: {  	[tilespmem:s4+$0x19980] =	vst v63  }
0xd6: {  	[spmem:s2] =	stream.indirect.scatter.add.f32 [tilespmem:s18], [sflag:$0x2], $0x80, s24, s22, $0xb8;
	[tilespmem:$0x1A980] =	vst v63  }
0xd7: {  	_ =	swait.ge [sflag:s19], $0x1000  }
0xd8: {  	p0 =	sne.s32 s31, s13;
	[sflag:s19] =	ssyncset.done $0x0  }
.Ltmp2:
0xd9: {  	[sflag:s19] =	ssyncadd.s32 $0xFFFFF000;
	(pc) =	sbr.rel @p0 .LBB2_4-.Ltmp2, $4  }
0xda: {  	[spmem:s3] =	stream.indirect.scatter.add.f32 [tilespmem:s20], [sflag:$0x2], $0x10, s24, s22, $0xb8;
	[tilespmem:$0x1A980] =	vst v63  }
0xdb: {  	_ =	swait.ge [sflag:s19], $0x200  }
0xdc: {  	s11 =	sadd.s32 $0x1, s31;
	[sflag:s19] =	ssyncset.done $0x0  }
0xdd: {  	s31 =	smov.u32 s11;
	[sflag:s19] =	ssyncadd.s32 $0xFFFFFE00  }
0xde: {  	[bflag:$0x0] =	sbarrier.arrive $0xFFFF  }
0xdf: {  	[tilespmem:s21], [sflag:$0x2] =	stream.linear.gather [hbm4b:s15+s5], $0x20, $0x38;
	[tilespmem:$0x1A980] =	vst v63  }
0xe0: {  	_ =	swait.ge [sflag:s19], $0x20  }
0xe1: {  	[sflag:s19] =	ssyncset.done $0x0  }
0xe2: {  	[sflag:s19] =	ssyncadd.s32 $0xFFFFFFE0  }
0xe3: {  	[tilespmem:s18], [sflag:$0x1] =	stream.indirect.gather [spmem:s2], $0x80, s21, s22, $0xb8;
	[tilespmem:$0x1A980] =	vst v63  }
0xe4: {  	_ = 	snop  }
0xe5: {  	[tilespmem:s20], [sflag:$0x1] =	stream.indirect.gather [spmem:s3], $0x10, s21, s22, $0xb8;
	[tilespmem:$0x1A980] =	vst v63  }
0xe6: {  	_ =	swait.ge [sflag:s28], $0x1000  }
0xe7: {  	[sflag:s28] =	ssyncset.done $0x0  }
0xe8: {  	[sflag:s28] =	ssyncadd.s32 $0xFFFFF000  }
0xe9: {  	_ =	swait.ge [sflag:s28], $0x200  }
0xea: {  	[sflag:s28] =	ssyncset.done $0x0  }
0xeb: {  	s0 =	sadd.s32 $0x0, s17;
	[sflag:s28] =	ssyncadd.s32 $0xFFFFFE00  }
0xec: {  	[hbm4b:s0+s5] =	stream.linear.scatter [tilespmem:s18], [sflag:$0x2], $0x1000, $0x38;
	[tilespmem:$0x1A980] =	vst v63  }
0xed: {  	_ =	swait.ge [sflag:s19], $0x1000  }
0xee: {  	[sflag:s19] =	ssyncset.done $0x0  }
0xef: {  	s31 =	sadd.s32 $0x0, s16;
	[sflag:s19] =	ssyncadd.s32 $0xFFFFF000  }
0xf0: {  	[hbm4b:s31+s5] =	stream.linear.scatter [tilespmem:s20], [sflag:$0x2], $0x1000, $0x38;
	[tilespmem:$0x1A980] =	vst v63  }
0xf1: {  	_ =	swait.ge [sflag:s19], $0x1000  }
0xf2: {  	s4 =	smov.u32 s15;
	s0 =	simm.s32 $0x200;
	[sflag:s19] =	ssyncset.done $0x0  }
.LBB2_8:
0xf3: {  	p0 =	sne.s32 s0, $0x2600;
	[sflag:s19] =	ssyncadd.s32 $0xFFFFF000;
	s4 =	sadd.s32 $0x4, s4  }
0xf4: {  	[tilespmem:s21], [sflag:$0x2] =	stream.linear.gather [hbm4b:s4+s5], $0x20, $0x38;
	[tilespmem:$0x1A980] =	vst v63  }
0xf5: {  	s10 =	smov.u32 s0;
	s0 =	sadd.s32 $0x200, s0;
	_ =	swait.ge [sflag:s19], $0x20  }
0xf6: {  	[sflag:s19] =	ssyncset.done $0x0  }
0xf7: {  	[sflag:s19] =	ssyncadd.s32 $0xFFFFFFE0  }
0xf8: {  	[tilespmem:s18], [sflag:$0x1] =	stream.indirect.gather [spmem:s2], $0x80, s21, s22, $0xb8;
	[tilespmem:$0x1A980] =	vst v63  }
0xf9: {  	_ = 	snop  }
0xfa: {  	[tilespmem:s20], [sflag:$0x1] =	stream.indirect.gather [spmem:s3], $0x10, s21, s22, $0xb8;
	[tilespmem:$0x1A980] =	vst v63  }
0xfb: {  	_ =	swait.ge [sflag:s28], $0x1000  }
0xfc: {  	[sflag:s28] =	ssyncset.done $0x0  }
0xfd: {  	[sflag:s28] =	ssyncadd.s32 $0xFFFFF000  }
0xfe: {  	_ =	swait.ge [sflag:s28], $0x200  }
0xff: {  	[sflag:s28] =	ssyncset.done $0x0  }
0x100: {  	s11 =	sadd.s32 s10, s17;
	[sflag:s28] =	ssyncadd.s32 $0xFFFFFE00  }
0x101: {  	[hbm4b:s11+s5] =	stream.linear.scatter [tilespmem:s18], [sflag:$0x2], $0x1000, $0x38;
	[tilespmem:$0x1A980] =	vst v63  }
0x102: {  	_ =	swait.ge [sflag:s19], $0x1000  }
.Ltmp3:
0x103: {  	[sflag:s19] =	ssyncset.done $0x0;
	(pc) =	sbr.rel @p0 .LBB2_8-.Ltmp3, $4  }
0x104: {  	s10 =	sadd.s32 s10, s16;
	[sflag:s19] =	ssyncadd.s32 $0xFFFFF000  }
0x105: {  	[hbm4b:s10+s5] =	stream.linear.scatter [tilespmem:s20], [sflag:$0x2], $0x1000, $0x38;
	[tilespmem:$0x1A980] =	vst v63  }
0x106: {  	_ =	swait.ge [sflag:s19], $0x1000  }
0x107: {  	[sflag:s19] =	ssyncset.done $0x0  }
0x108: {  	s29 =	sadd.s32 $0x1, s29  }
0x109: {  	p0 =	sne.s32 s29, s14  }
.Ltmp4:
0x10a: {  	_ = 	snop;
	(pc) =	sbr.rel @p0 .LBB2_1-.Ltmp4, $2  }
0x10b: {  	_ =	sdelay $0x2  }
0x10c: {  	[sflag:s19] =	ssyncadd.s32 $0xFFFFF000  }
0x10d: {  	_ =	sfence.sel $0x180000  }
0x10e: {  	[bflag:$0x0] =	sbarrier.arrive $0xFFFF  }
0x10f: {  	_ =	strace $0x90000050  }
0x110: {  	s0 =	stileid.u32;
	[bflag:$0x2] =	sbarrier.arrive $0xFFFF  }
0x111: {  	p0 =	sne.s32 s0, $0x0;
	s0 =	rddreg [dreg:$0x4]  }
0x112: {  	s0 =	sadd.s32 @!p0 $0x100000, s0  }
0x113: {  	[sflag:s0] =	ssyncadd.tile.s32 @!p0 $0x1;
	_ =	shalt  }
.Lfunc_end2:
_tile_overlayer_lowered:
.L_overlay_start_2:
0x114: {  	(tag) =	ssettag $0x2  }
0x115: {  	s0 =	rddreg [dreg:$0x0];
	s2 =	stileid.u32  }
0x116: {  	s1 =	rddreg [dreg:$0x1];
	p0 =	sne.s32 s2, $0x0  }
0x117: {  	s3 =	rddreg [dreg:$0x2];
	[bflag:$0x3] =	sbarrier.arrive $0xFFFF;
	s2 =	simm.s32 @!p0 $0x1C02  }
0x118: {  	[timem:s3], [sflag:s2] =	dma.local @!p0 [hbm:s0], s1  }
0x119: {  	s0 =	simm.s32 @!p0 $0x2  }
0x11a: {  	_ =	swait.ge @!p0 [sflag:s0], s1  }
0x11b: {  	s1 =	ssub.s32 @!p0 $0x0, s1;
	[sflag:s0] =	ssyncset.done @!p0 $0x0  }
0x11c: {  	[sflag:s0] =	ssyncadd.s32 @!p0 s1  }
0x11d: {  	[bflag:$0x3] =	sbarrier.arrive $0xFFFF  }
0x11e: {  	_ =	shalt  }

// kernel: kernel.23.cloned.1.call-start
scs
__scs_entry_jumppad:
0x0: {  	(pc) =	sbr.rel $0x88, $3  }
0x1: {  	(tag) =	ssettag $0x0;
	lr =	simm.s32 $0x1  }
0x2: {  	[smem:$0x3F91] =	sst lr;
	_ =	strace $0xD0000000  }
0x3: {  	_ = 	snop  }
0x4: {  	_ = 	snop  }
0x5: {  	_ = 	snop  }
0x6: {  	_ = 	snop  }
0x7: {  	_ = 	snop  }
__scs_overlays_trampoline_lowered:
0x8: {  	[smem:$0x3FA0] =	sst s0  }
0x9: {  	[smem:$0x3FA1] =	sst s1  }
0xa: {  	[smem:$0x3FA2] =	sst s2  }
0xb: {  	[smem:$0x3FA3] =	sst s3  }
0xc: {  	[smem:$0x3FA4] =	sst s4  }
0xd: {  	[smem:$0x3FA5] =	sst s5  }
0xe: {  	[smem:$0x3FA6] =	sst s6  }
0xf: {  	[smem:$0x3FA7] =	sst s7  }
0x10: {  	[smem:$0x3FA8] =	sst s8  }
0x11: {  	[smem:$0x3FA9] =	sst s9;
	s0 =	simm.s32 @!p0 $0x0  }
0x12: {  	s1 =	sld [smem:$0x3F8F];
	s0 =	simm.s32 @p0 $0x1  }
0x13: {  	[smem:$0x3FAA] =	sst s0;
	s0 =	simm.s32 @!p1 $0x0  }
0x14: {  	s2 =	sld [smem:$0x3F8E];
	s0 =	simm.s32 @p1 $0x1  }
0x15: {  	[smem:$0x3FAB] =	sst s0;
	s0 =	simm.s32 @!p2 $0x0  }
0x16: {  	s3 =	sld [smem:$0x3FDB];
	s0 =	simm.s32 @p2 $0x1  }
0x17: {  	s4 =	simm.s32 $0x1BF5;
	[smem:$0x3FAD] =	sst s0  }
0x18: {  	s0 =	sld [smem:$0x3F90];
	_ =	swait.ge [sflag:s4], $0x0  }
0x19: {  	s7 =	sld [smem:$0x3F91]  }
0x1a: {  	s8 =	sadd.s32 $0xFFFFE003, lr  }
0x1b: {  	s9 =	sadd.s32 $0xFFFFFEF7, lr;
	s5 =	simm.s32 $0xFFFFFFFF;
	p2 =	slt.u32 s8, $0xFFFFF086  }
0x1c: {  	p1 =	slt.u32 s9, $0xF7A;
	s5 =	simm.s32 @!p2 $0x0  }
0x1d: {  	s5 =	simm.s32 @p1 $0x1;
	p0 =	seq.s32 s7, s2  }
0x1e: {  	s7 =	smul.u32 @!p0 $0xF7A, s2;
	p2 =	seq.s32 @!p0 s5, $0x0  }
0x1f: {  	s9 =	smul.u32 $0xF7A, s1;
	s8 =	simm.s32 @!p0 $0x1BF5;
	p2 =	por !p2, p0  }
0x20: {  	[sflag:s8] =	ssyncset.s32 @!p0 $0xFFFFF086;
	s6 =	sadd.s32 @!p0 s3, s7;
	s7 =	simm.s32 @!p0 $0x108  }
0x21: {  	s3 =	sadd.s32 s3, s9;
	s6 =	sadd.s32 @!p0 $0x88, s6;
	s7 =	simm.s32 @p2 $0x1082  }
0x22: {  	[simem:s7], [sflag:s8] =	dma.local @!p0 [hbm:s6], $0xF7A  }
0x23: {  	s9 =	sor.u32 $0xD0000000, s2;
	s6 =	simm.s32 $0x108;
	_ =	swait.ge @!p0 [sflag:s8], $0x0  }
0x24: {  	s3 =	sadd.s32 $0x88, s3;
	s6 =	simm.s32 @!p1 $0x1082;
	[sflag:s4] =	ssyncset.s32 $0xFFFFF086  }
0x25: {  	[simem:s6], [sflag:s4] =	dma.local [hbm:s3], $0xF7A  }
0x26: {  	[smem:$0x3F91] =	sst s1;
	(tag) =	ssettag s2;
	_ =	strace s9  }
0x27: {  	s1 =	sld [smem:$0x3FA1]  }
0x28: {  	s2 =	sld [smem:$0x3FA2]  }
0x29: {  	s4 =	sld [smem:$0x3FA4]  }
0x2a: {  	p0 =	seq.s32 s5, $0x0;
	s5 =	sld [smem:$0x3FA5]  }
0x2b: {  	s6 =	sld [smem:$0x3FA6]  }
0x2c: {  	s7 =	sld [smem:$0x3FA7]  }
0x2d: {  	s3 =	simm.s32 $0x108;
	s8 =	sld [smem:$0x3FA8]  }
0x2e: {  	s3 =	simm.s32 @!p0 $0x1082;
	s9 =	sld [smem:$0x3FA9]  }
0x2f: {  	lr =	sadd.s32 s0, s3;
	s0 =	sld [smem:$0x3FA0]  }
0x30: {  	s3 =	sld [smem:$0x3FA3]  }
0x31: {  	[smem:$0x3FAC] =	sst s10  }
0x32: {  	s10 =	sld [smem:$0x3FAA];
	_ =	sdelay $0x3  }
0x33: {  	p0 =	seq.s32 s10, $0x1;
	s10 =	sld [smem:$0x3FAC];
	_ =	sdelay $0x3  }
0x34: {  	[smem:$0x3FAC] =	sst s10  }
0x35: {  	s10 =	sld [smem:$0x3FAB];
	_ =	sdelay $0x3  }
0x36: {  	p1 =	seq.s32 s10, $0x1;
	s10 =	sld [smem:$0x3FAC];
	_ =	sdelay $0x3  }
0x37: {  	[smem:$0x3FAC] =	sst s10  }
0x38: {  	s10 =	sld [smem:$0x3FAD]  }
0x39: {  	_ = 	snop;
	(pc) =	sbr.ind lr, $3  }
0x3a: {  	_ = 	snop  }
0x3b: {  	_ = 	snop  }
0x3c: {  	p2 =	seq.s32 s10, $0x1;
	s10 =	sld [smem:$0x3FAC]  }
0x3d: {  	_ =	shalt  }
0x3e: {  	_ =	shalt  }
0x3f: {  	_ =	shalt  }
0x40: {  	_ =	shalt  }
0x41: {  	_ =	shalt  }
0x42: {  	_ =	shalt  }
0x43: {  	_ =	shalt  }
0x44: {  	_ =	shalt  }
0x45: {  	_ =	shalt  }
0x46: {  	_ =	shalt  }
0x47: {  	_ =	shalt  }
0x48: {  	_ =	shalt  }
0x49: {  	_ =	shalt  }
0x4a: {  	_ =	shalt  }
0x4b: {  	_ =	shalt  }
0x4c: {  	_ =	shalt  }
0x4d: {  	_ =	shalt  }
0x4e: {  	_ =	shalt  }
0x4f: {  	_ =	shalt  }
0x50: {  	_ =	shalt  }
0x51: {  	_ =	shalt  }
0x52: {  	_ =	shalt  }
0x53: {  	_ =	shalt  }
0x54: {  	_ =	shalt  }
0x55: {  	_ =	shalt  }
0x56: {  	_ =	shalt  }
0x57: {  	_ =	shalt  }
0x58: {  	_ =	shalt  }
0x59: {  	_ =	shalt  }
0x5a: {  	_ =	shalt  }
0x5b: {  	_ =	shalt  }
0x5c: {  	_ =	shalt  }
0x5d: {  	_ =	shalt  }
0x5e: {  	_ =	shalt  }
0x5f: {  	_ =	shalt  }
0x60: {  	_ =	shalt  }
0x61: {  	_ =	shalt  }
0x62: {  	_ =	shalt  }
0x63: {  	_ =	shalt  }
0x64: {  	_ =	shalt  }
0x65: {  	_ =	shalt  }
0x66: {  	_ =	shalt  }
0x67: {  	_ =	shalt  }
0x68: {  	_ =	shalt  }
0x69: {  	_ =	shalt  }
0x6a: {  	_ =	shalt  }
0x6b: {  	_ =	shalt  }
0x6c: {  	_ =	shalt  }
0x6d: {  	_ =	shalt  }
0x6e: {  	_ =	shalt  }
0x6f: {  	_ =	shalt  }
0x70: {  	_ =	shalt  }
0x71: {  	_ =	shalt  }
0x72: {  	_ =	shalt  }
0x73: {  	_ =	shalt  }
0x74: {  	_ =	shalt  }
0x75: {  	_ =	shalt  }
0x76: {  	_ =	shalt  }
0x77: {  	_ =	shalt  }
0x78: {  	_ =	shalt  }
0x79: {  	_ =	shalt  }
0x7a: {  	_ =	shalt  }
0x7b: {  	_ =	shalt  }
0x7c: {  	_ =	shalt  }
0x7d: {  	_ =	shalt  }
0x7e: {  	_ =	shalt  }
0x7f: {  	_ =	shalt  }
0x80: {  	_ =	shalt  }
0x81: {  	_ =	shalt  }
0x82: {  	_ =	shalt  }
0x83: {  	_ =	shalt  }
0x84: {  	_ =	shalt  }
0x85: {  	_ =	shalt  }
0x86: {  	_ =	shalt  }
0x87: {  	_ =	shalt  }
.Lfunc_end0:
.L_simem_size_0:
called_computation.3_lowered:
.L_overlay_start_0:
0x88: {  	s2 =	sld [smem:$0x3FD9]  }
0x89: {  	s3 =	sld [smem:$0x3FFE];
	_ =	sdelay $0x1  }
0x8a: {  	s1 =	srdreg.scid  }
0x8b: {  	s0 =	sand.u32 $0x1, s1  }
0x8c: {  	s15 =	sshll.u32 s0, $0xA;
	s2 =	sadd.s32 s3, s2  }
0x8d: {  	s2 =	sadd.s32 s2, s15  }
0x8e: {  	[smem:$0x3FB8] =	sst s2  }
0x8f: {  	_ = 	snop  }
0x90: {  	s2 =	sld [smem:$0x3FD0];
	_ =	sdelay $0x2  }
0x91: {  	s16 =	simm.s32 $0xB;
	s4 =	simm.s32 $0x10  }
0x92: {  	[smem:s4], [sflag:s16] =	dma.local [hbm:s2], $0x1  }
0x93: {  	_ =	swait.eq [sflag:s16], $0x1  }
0x94: {  	[sflag:s16] =	ssyncset.done $0x0  }
0x95: {  	[sflag:s16] =	ssyncadd.s32 $0xFFFFFFFF  }
0x96: {  	s17 =	sld [smem:$0x11];
	(tm) =	ssettm $0x1  }
0x97: {  	s18 =	sld [smem:$0x3FFB];
	_ =	sdelay $0x3  }
0x98: {  	_ =	strace s18  }
0x99: {  	s2 =	sld [smem:$0x3FFC];
	_ =	sdelay $0x3  }
0x9a: {  	_ =	strace s2  }
0x9b: {  	s2 =	sld [smem:$0x3FFD];
	_ =	sdelay $0x3  }
0x9c: {  	_ =	strace s2  }
0x9d: {  	_ =	strace $0x8FFFFFFF  }
0x9e: {  	s19 =	sld [smem:$0x3FDB];
	_ =	sdelay $0x1  }
0x9f: {  	s20 =	simm.s32 $_scs_section_size  }
0xa0: {  	s5 =	simm.s32 $_size__tile_overlayer_lowered;
	s6 =	simm.s32 $_tile_overlayer_lowered  }
0xa1: {  	s7 =	simm.s32 $0x1BFF;
	s21 =	sshll.u32 s6, $0x1;
	s4 =	sadd.s32 s20, s19  }
0xa2: {  	s22 =	simm.s32 $0x0;
	s5 =	sshll.u32 s5, $0x1;
	s6 =	sadd.s32 s21, s4  }
0xa3: {  	[timem:s22], [sflag:s7] =	dma.local [hbm:s6], s5  }
0xa4: {  	_ =	swait.ge [sflag:s7], s5  }
0xa5: {  	s5 =	ssub.s32 $0x0, s5;
	[sflag:s7] =	ssyncset.done $0x0  }
0xa6: {  	[sflag:s7] =	ssyncadd.s32 s5;
	_ =	sdelay $0x1  }
0xa7: {  	s23 =	simm.s32 $0x1B8B  }
0xa8: {  	_ =	swait.ge [sflag:s23], $0x1  }
0xa9: {  	[sflag:s23] =	ssyncset.done $0x0  }
0xaa: {  	[sflag:s23] =	ssyncadd.s32 $0xFFFFFFFF  }
0xab: {  	s5 =	sld [smem:$0x0]  }
0xac: {  	s6 =	sand.u32 $0xFFFFFFFE, s1  }
0xad: {  	p0 =	sne.s32 s1, s6  }
0xae: {  	s6 =	sshll.u32 @p0 s6, $0xE  }
0xaf: {  	s6 =	sadd.s32 @p0 $0x11B8D, s6;
	s7 =	sshll.u32 @p0 s5, $0x11  }
0xb0: {  	s6 =	sor.u32 @p0 s7, s6  }
0xb1: {  	[sflag:s6] =	ssyncadd.remote.s32 @p0 $0x1;
	_ =	sdelay $0x1  }
0xb2: {  	s6 =	simm.s32 @p0 $0x1B8D  }
0xb3: {  	_ =	swait.eq @p0 [sflag:s6], $0x1  }
0xb4: {  	[sflag:s6] =	ssyncadd.s32 @p0 $0xFFFFFFFF  }
0xb5: {  	s7 =	sshll.u32 @!p0 s1, $0xE  }
0xb6: {  	s7 =	sor.u32 @!p0 $0x4000, s7;
	s6 =	simm.s32 @!p0 $0x1B8D  }
0xb7: {  	s5 =	sshll.u32 @!p0 s5, $0x11;
	s7 =	sadd.s32 @!p0 $0x11B8D, s7;
	_ =	swait.eq @!p0 [sflag:s6], $0x1  }
0xb8: {  	s5 =	sor.u32 @!p0 s5, s7;
	[sflag:s6] =	ssyncadd.s32 @!p0 $0xFFFFFFFF  }
0xb9: {  	s25 =	simm.s32 $0x1B8E;
	s24 =	sld [smem:$0x3FFE];
	[sflag:s5] =	ssyncadd.remote.s32 @!p0 $0x1  }
0xba: {  	s26 =	simm.s32 $execute0_lowered;
	[smem:$0x3FD2] =	sst s25  }
0xbb: {  	s6 =	sshll.u32 s26, $0x1;
	_ =	strace $0x8000004C;
	[dreg:$0x1] =	wrdreg $0xFFFFFFFF  }
0xbc: {  	s28 =	simm.s32 $_size_execute0_lowered;
	s4 =	sadd.s32 s4, s6;
	[dreg:$0x0] =	wrdreg $0x0  }
0xbd: {  	s6 =	sshll.u32 s28, $0x1;
	[dreg:$0x2] =	wrdreg s4  }
0xbe: {  	[dreg:$0x3] =	wrdreg s6  }
0xbf: {  	[dreg:$0x4] =	wrdreg $0xC0  }
0xc0: {  	_ =	task [dreg:s22], $0x5FFFF  }
0xc1: {  	[dreg:$0x1] =	wrdreg $0xFFFFFFFF  }
0xc2: {  	[dreg:$0x0] =	wrdreg $0x60  }
0xc3: {  	[dreg:$0x2] =	wrdreg s24  }
0xc4: {  	[dreg:$0x3] =	wrdreg s17  }
0xc5: {  	[dreg:$0x4] =	wrdreg $0x0  }
0xc6: {  	[dreg:$0x5] =	wrdreg $0x140000  }
0xc7: {  	[dreg:$0x6] =	wrdreg $0xA  }
0xc8: {  	_ =	task.clear_ibuf [dreg:s22], $0x7FFFF;
	_ =	strace $0x9000004C  }
0xc9: {  	s29 =	simm.s32 $0xA;
	_ =	strace $0x8000004E  }
0xca: {  	_ =	swait.ge [sflag:s29], $0x1  }
0xcb: {  	[sflag:s29] =	ssyncadd.s32 $0xFFFFFFFF  }
0xcc: {  	_ =	strace $0x9000004E  }
0xcd: {  	_ =	sfence  }
0xce: {  	s30 =	sld [smem:$0x0];
	_ =	sdelay $0x2  }
0xcf: {  	s31 =	sshll.u32 s1, $0xD;
	s1 =	sshrl.u32 s1, $0x2  }
0xd0: {  	s4 =	sand.u32 $0x4000, s31;
	s1 =	sadd.s32 s1, s30  }
0xd1: {  	s0 =	sor.u32 s4, s0;
	s1 =	sshll.u32 s1, $0x11  }
0xd2: {  	s0 =	sor.u32 s1, s0  }
0xd3: {  	s0 =	sadd.s32 $0x8F2B, s0  }
0xd4: {  	[sflag:s0] =	ssyncadd.remote.s32 $0x1  }
0xd5: {  	_ =	sfence.sel $0xFFFF  }
0xd6: {  	[dreg:$0x0] =	wrdreg $0xFFFFFFFF;
	(pc) =	sbr.abs _section_cstart, $3  }
0xd7: {  	[dreg:$0x1] =	wrdreg $0xFFFFFFFF  }
0xd8: {  	_ =	task.clear_ibuf [dreg:s22], $0x2FFFF;
	_ =	strace $0x9FFFFFFF  }
0xd9: {  	(tm) =	ssettm $0x7FFFFFFF  }
tec
execute0_lowered:
.L_overlay_start_1:
0x0: {  	(tag) =	ssettag $0x1  }
0x1: {  	s0 =	rddreg [dreg:$0x0]  }
0x2: {  	s1 =	rddreg [dreg:$0x1]  }
0x3: {  	s3 =	rddreg [dreg:$0x2]  }
0x4: {  	s4 =	rddreg [dreg:$0x3]  }
0x5: {  	s5 =	simm.s32 $0x0;
	s13 =	stileid.u32;
	s2 =	srdreg.scid  }
0x6: {  	s18 =	simm.s32 $0x16980;
	s19 =	simm.s32 $0x2;
	s20 =	simm.s32 $0x19980  }
0x7: {  	s21 =	simm.s32 $0x16900;
	s22 =	simm.s32 $0x20;
	s28 =	simm.s32 $0x1  }
0x8: {  	s29 =	simm.s32 $0x0;
	s30 =	simm.s32 $0x0;
	[smem:$0x7FF] =	sst s5  }
0x9: {  	s10 =	smul.u32 $0x50, s13;
	s2 =	sand.u32 $0x1, s2;
	s6 =	sadd.s32 $0x32000, s0  }
0xa: {  	s7 =	sadd.s32 $0x5A000, s0;
	s8 =	sadd.s32 $0x82A00, s0;
	s12 =	smul.u32 $0x14000, s13  }
0xb: {  	s9 =	sadd.s32 $0x5000, s0;
	s14 =	sadd.s32 $0x82800, s0;
	s23 =	sadd.s32 $0x82600, s0  }
0xc: {  	s24 =	sshll.u32 s13, $0x1;
	_ =	strace $0x8000004D;
	[dreg:$0x5] =	wrdreg s14  }
0xd: {  	s11 =	smul.u32 $0x140000, s2;
	[dreg:$0x6] =	wrdreg s23;
	s25 =	ssub.s32 $0x2, s2  }
0xe: {  	s2 =	sor.u32 s2, s24;
	s23 =	simm.s32 $0x16800;
	s24 =	simm.s32 $0x16880  }
0xf: {  	s10 =	sadd.s32 s10, s0;
	s26 =	sshrl.u32 s25, $0x1;
	s11 =	sadd.s32 s12, s11  }
0x10: {  	s31 =	ssub.s32 $0x1387, s2;
	s12 =	sshll.u32 s2, $0x5;
	s11 =	sshrl.u32 s11, $0x3  }
0x11: {  	s13 =	sshrl.u32 s31, $0x5;
	s15 =	sadd.s32 $0x82000, s10;
	s0 =	sadd.s32 s11, s0  }
0x12: {  	vm0 =	vmmov $0x1;
	s11 =	ssub.s32 s25, s26;
	s25 =	simm.s32 $0x17980;
	s26 =	simm.s32 $0x18980  }
0x13: {  	vm1 =	vcmask $0x308;
	vm2 =	vcmask $0x70C;
	vm3 =	vcmask $0xB10;
	s14 =	smax.u32 s11, $0x1;
	s16 =	sadd.s32 $0x240800, s0;
	s17 =	sadd.s32 $0xAAA00, s0  }
.LBB2_1:
0x14: {  	s0 =	rddreg [dreg:$0x5]  }
0x15: {  	[tilespmem:s18], [sflag:$0x2] =	stream.linear.gather [hbm4b:s0+s5], $0x1000, $0x38;
	[tilespmem:$0x1A980] =	vst v63  }
0x16: {  	_ =	swait.ge [sflag:s19], $0x1000  }
0x17: {  	[sflag:s19] =	ssyncset.done $0x0  }
0x18: {  	s11 =	rddreg [dreg:$0x6];
	[sflag:s19] =	ssyncadd.s32 $0xFFFFF000  }
0x19: {  	[tilespmem:s20], [sflag:$0x2] =	stream.linear.gather [hbm4b:s11+s5], $0x1000, $0x38;
	[tilespmem:$0x1A980] =	vst v63  }
0x1a: {  	_ =	swait.ge [sflag:s19], $0x1000  }
0x1b: {  	[sflag:s19] =	ssyncset.done $0x0  }
0x1c: {  	s31 =	sadd.s32 $0x0, s15;
	[sflag:s19] =	ssyncadd.s32 $0xFFFFF000  }
0x1d: {  	[tilespmem:s21], [sflag:$0x2] =	stream.linear.gather [hbm4b:s31+s5], $0x20, $0x38;
	[tilespmem:$0x1A980] =	vst v63  }
0x1e: {  	_ =	swait.ge [sflag:s19], $0x20  }
0x1f: {  	[sflag:s19] =	ssyncset.done $0x0  }
0x20: {  	[sflag:s19] =	ssyncadd.s32 $0xFFFFFFE0  }
0x21: {  	[spmem:s3] =	stream.indirect.scatter [tilespmem:s18], [sflag:$0x2], $0x80, s21, s22, $0xb8;
	[tilespmem:$0x1A980] =	vst v63  }
0x22: {  	_ =	swait.ge [sflag:s19], $0x1000  }
0x23: {  	[sflag:s19] =	ssyncset.done $0x0  }
0x24: {  	[sflag:s19] =	ssyncadd.s32 $0xFFFFF000  }
0x25: {  	[spmem:s4] =	stream.indirect.scatter [tilespmem:s20], [sflag:$0x2], $0x10, s21, s22, $0xb8;
	[tilespmem:$0x1A980] =	vst v63  }
0x26: {  	_ =	swait.ge [sflag:s19], $0x200  }
0x27: {  	s2 =	simm.s32 $0x8;
	s0 =	simm.s32 $0x4;
	[sflag:s19] =	ssyncset.done $0x0  }
.LBB2_2:
0x28: {  	s10 =	sadd.s32 s0, s15  }
0x29: {  	[sflag:s19] =	ssyncadd.s32 $0xFFFFFE00;
	s0 =	smov.u32 s2;
	s11 =	sadd.s32 $0x4, s2  }
0x2a: {  	[tilespmem:s21], [sflag:$0x2] =	stream.linear.gather [hbm4b:s10+s5], $0x20, $0x38;
	[tilespmem:$0x1A980] =	vst v63  }
0x2b: {  	p0 =	sne.s32 s2, $0x4C;
	_ =	swait.ge [sflag:s19], $0x20  }
0x2c: {  	[sflag:s19] =	ssyncset.done $0x0  }
0x2d: {  	[sflag:s19] =	ssyncadd.s32 $0xFFFFFFE0  }
0x2e: {  	[spmem:s3] =	stream.indirect.scatter [tilespmem:s18], [sflag:$0x2], $0x80, s21, s22, $0xb8;
	[tilespmem:$0x1A980] =	vst v63  }
0x2f: {  	_ =	swait.ge [sflag:s19], $0x1000  }
.Ltmp0:
0x30: {  	[sflag:s19] =	ssyncset.done $0x0;
	(pc) =	sbr.rel @p0 .LBB2_2-.Ltmp0, $4  }
0x31: {  	[sflag:s19] =	ssyncadd.s32 $0xFFFFF000  }
0x32: {  	[spmem:s4] =	stream.indirect.scatter [tilespmem:s20], [sflag:$0x2], $0x10, s21, s22, $0xb8;
	[tilespmem:$0x1A980] =	vst v63  }
0x33: {  	_ =	swait.ge [sflag:s19], $0x200  }
0x34: {  	s2 =	smov.u32 s11;
	[sflag:s19] =	ssyncset.done $0x0  }
0x35: {  	s0 =	sadd.s32 s0, s15;
	[sflag:s19] =	ssyncadd.s32 $0xFFFFFE00  }
0x36: {  	[tilespmem:s21], [sflag:$0x2] =	stream.linear.gather [hbm4b:s0+s5], $0x20, $0x38;
	[tilespmem:$0x1A980] =	vst v63  }
0x37: {  	_ =	swait.ge [sflag:s19], $0x20  }
0x38: {  	[sflag:s19] =	ssyncset.done $0x0  }
0x39: {  	[sflag:s19] =	ssyncadd.s32 $0xFFFFFFE0  }
0x3a: {  	[spmem:s3] =	stream.indirect.scatter [tilespmem:s18], [sflag:$0x2], $0x80, s21, s22, $0xb8;
	[tilespmem:$0x1A980] =	vst v63  }
0x3b: {  	_ =	swait.ge [sflag:s19], $0x1000  }
0x3c: {  	[sflag:s19] =	ssyncset.done $0x0  }
0x3d: {  	[sflag:s19] =	ssyncadd.s32 $0xFFFFF000  }
0x3e: {  	[spmem:s4] =	stream.indirect.scatter [tilespmem:s20], [sflag:$0x2], $0x10, s21, s22, $0xb8;
	[tilespmem:$0x1A980] =	vst v63  }
0x3f: {  	_ =	swait.ge [sflag:s19], $0x200  }
0x40: {  	[sflag:s19] =	ssyncset.done $0x0  }
0x41: {  	[sflag:s19] =	ssyncadd.s32 $0xFFFFFE00  }
0x42: {  	s31 =	simm.s32 $0x0;
	[bflag:$0x0] =	sbarrier.arrive $0xFFFF  }
.LBB2_4:
0x43: {  	s0 =	sshll.u32 s31, $0xA  }
0x44: {  	s0 =	sor.u32 s12, s0  }
0x45: {  	s0 =	sshrl.u32 s0, $0x3  }
0x46: {  	s2 =	sadd.s32 s9, s0  }
0x47: {  	[tilespmem:s23], [sflag:$0x2] =	stream.linear.gather [hbm4b:s2+s30], $0x20, $0x38;
	[tilespmem:$0x1A980] =	vst v63  }
0x48: {  	_ =	swait.ge [sflag:s19], $0x20  }
0x49: {  	[sflag:s19] =	ssyncset.done $0x0  }
0x4a: {  	s0 =	sadd.s32 s1, s0;
	[sflag:s19] =	ssyncadd.s32 $0xFFFFFFE0  }
0x4b: {  	[tilespmem:s24], [sflag:$0x2] =	stream.linear.gather [hbm4b:s0+s30], $0x20, $0x38;
	[tilespmem:$0x1A980] =	vst v63  }
0x4c: {  	_ =	swait.ge [sflag:s19], $0x20  }
0x4d: {  	[sflag:s19] =	ssyncset.done $0x0  }
0x4e: {  	[sflag:s19] =	ssyncadd.s32 $0xFFFFFFE0  }
0x4f: {  	[tilespmem:s18], [sflag:$0x1] =	stream.indirect.gather [hbm4b:s6+s22], $0x80, s24, s22, $0xb8;
	[tilespmem:$0x1A980] =	vst v63  }
0x50: {  	_ = 	snop  }
0x51: {  	[tilespmem:s25], [sflag:$0x1] =	stream.indirect.gather [hbm4b:s7+s22], $0x80, s23, s22, $0xb8;
	[tilespmem:$0x1A980] =	vst v63  }
0x52: {  	_ = 	snop  }
0x53: {  	[tilespmem:s26], [sflag:$0x1] =	stream.indirect.gather [hbm4b:s8+s22], $0x80, s23, s22, $0xb8;
	[tilespmem:$0x1A980] =	vst v63  }
0x54: {  	_ =	swait.ge [sflag:s28], $0x1000  }
0x55: {  	[sflag:s28] =	ssyncset.done $0x0  }
0x56: {  	[sflag:s28] =	ssyncadd.s32 $0xFFFFF000  }
0x57: {  	_ =	swait.ge [sflag:s28], $0x1000  }
0x58: {  	[sflag:s28] =	ssyncset.done $0x0  }
0x59: {  	[sflag:s28] =	ssyncadd.s32 $0xFFFFF000  }
0x5a: {  	_ =	swait.ge [sflag:s28], $0x1000  }
0x5b: {  	[sflag:s28] =	ssyncset.done $0x0  }
0x5c: {  	s0 =	simm.s32 $0x0;
	[sflag:s28] =	ssyncadd.s32 $0xFFFFF000  }
0x5d: {  	v0 =	vld [tilespmem:s0+$0x179F0]  }
0x5e: {  	v1 =	vld [tilespmem:s0+$0x179D0]  }
0x5f: {  	v2 =	vld [tilespmem:s0+$0x179E0]  }
0x60: {  	v3 =	vld [tilespmem:s0+$0x169F0]  }
0x61: {  	v4 =	vld [tilespmem:s0+$0x169E0]  }
0x62: {  	v5 =	vld [tilespmem:s0+$0x179C0]  }
0x63: {  	v6 =	vld [tilespmem:s0+$0x169D0]  }
0x64: {  	v7 =	vld [tilespmem:s0+$0x169C0];
	_ =	sdelay $0x1  }
0x65: {  	v0 =	vmul.f32 v0, v3;
	v2 =	vmul.f32 v2, v4  }
0x66: {  	v8 =	vld [tilespmem:s0+$0x17990]  }
0x67: {  	v3 =	vld [tilespmem:s0+$0x179B0];
	v0 =	vadd.f32 v0, v2  }
0x68: {  	v4 =	vld [tilespmem:s0+$0x179A0];
	v1 =	vmul.f32 v1, v6;
	v5 =	vmul.f32 v5, v7  }
0x69: {  	v6 =	vld [tilespmem:s0+$0x169A0];
	(xrf2) =	vadd.scan.msk.f32 $0xffff, v0  }
0x6a: {  	v2 =	vld [tilespmem:s0+$0x169B0];
	v1 =	vadd.f32 v1, v5  }
0x6b: {  	v7 =	vld [tilespmem:s0+$0x16990]  }
0x6c: {  	v5 =	vld [tilespmem:s0+$0x16980];
	(xrf2) =	vadd.scan.msk.f32 $0xffff, v1  }
0x6d: {  	v0 =	vld [tilespmem:s0+$0x17980];
	_ =	sdelay $0x1  }
0x6e: {  	v1 =	vmul.f32 v3, v2;
	v2 =	vmul.f32 v4, v6;
	_ =	sdelay $0x1  }
0x6f: {  	v1 =	vadd.f32 v1, v2  }
0x70: {  	v3 =	vmul.f32 v8, v7;
	v0 =	vmul.f32 v0, v5  }
0x71: {  	v2, _, _ =	vpop (xrf2);
	(xrf2) =	vadd.scan.msk.f32 $0xffff, v1  }
0x72: {  	v0 =	vadd.f32 v3, v0  }
0x73: {  	v1 =	vmul.f32 $1.442695020e+00, v2  }
0x74: {  	(xrf2) =	vadd.scan.msk.f32 $0xffff, v0;
	v2, _, _ =	vpop (xrf2)  }
0x75: {  	v2 =	vmul.f32 $1.442695020e+00, v2;
	v1 =	vbroadcast v1, $0xF;
	_ =	sdelay $0x1  }
0x76: {  	(erf) = vpow2.f32 v1;
	v1 =	vbroadcast v2, $0xF;
	_ =	sdelay $0x2  }
0x77: {  	v13 =	vld [tilespmem:s0+$0x189E0]  }
0x78: {  	v11 =	vld [tilespmem:s0+$0x189C0];
	(erf) = vpow2.f32 v1;
	v1, _, _ =	vpop (xrf2)  }
0x79: {  	v12 =	vld [tilespmem:s0+$0x189D0];
	v1 =	vmul.f32 $1.442695020e+00, v1  }
0x7a: {  	s2 =	simm.s32 $0x80;
	v4 =	vld [tilespmem:s0+$0x189F0]  }
0x7b: {  	v9 =	vld [tilespmem:s2+$0x179F0];
	v2, _, _ =	vpop (xrf2);
	v10 =	vbroadcast v1, $0xF  }
0x7c: {  	v6 =	vld [tilespmem:s0+$0x189A0];
	v5 =	vmul.f32 $1.442695020e+00, v2  }
0x7d: {  	v8 =	vld [tilespmem:s0+$0x189B0];
	(erf) = vpow2.f32 v10  }
0x7e: {  	v7 =	vld [tilespmem:s2+$0x179D0];
	v14 =	vbroadcast v5, $0xF;
	v1 =	vpop (erf)  }
0x7f: {  	v3 =	vld [tilespmem:s0+$0x18990];
	v4 =	vmul.f32 v1, v4  }
0x80: {  	v0 =	vld [tilespmem:s0+$0x18980];
	(erf) = vpow2.f32 v14  }
0x81: {  	v2 =	vld [tilespmem:s2+$0x17990]  }
0x82: {  	v5 =	vld [tilespmem:s2+$0x179B0];
	v13 =	vmul.f32 v1, v13  }
0x83: {  	s10 =	simm.s32 $0x400;
	v10 =	vld [tilespmem:s2+$0x179E0];
	[tilespmem:s0+$0x169F0] =	vst v4;
	v4 =	vpop (erf)  }
.LBB2_5:
0x84: {  	p0 =	sne.s32 s10, $0x3E00;
	v14 =	vld [tilespmem:s2+$0x169F0];
	v11 =	vmul.f32 v4, v11;
	v16 =	vmul.f32 v4, v12;
	[tilespmem:s0+$0x169E0] =	vst v13;
	s11 =	smov.u32 s10;
	s10 =	sadd.s32 $0x200, s10  }
0x85: {  	v13 =	vld [tilespmem:s2+$0x169E0]  }
0x86: {  	v15 =	vld [tilespmem:s2+$0x179C0];
	[tilespmem:s0+$0x169D0] =	vst v16;
	v12 =	vpop (erf)  }
0x87: {  	v16 =	vld [tilespmem:s2+$0x169D0];
	v6 =	vmul.f32 v12, v6;
	v18 =	vmul.f32 v12, v8;
	[tilespmem:s0+$0x169C0] =	vst v11  }
0x88: {  	v11 =	vld [tilespmem:s2+$0x169C0]  }
0x89: {  	v17 =	vld [tilespmem:s2+$0x179A0];
	v9 =	vmul.f32 v9, v14;
	[tilespmem:s0+$0x169B0] =	vst v18;
	v8 =	vpop (erf)  }
0x8a: {  	v14 =	vld [tilespmem:s2+$0x169B0];
	v10 =	vmul.f32 v10, v13;
	v0 =	vmul.f32 v8, v0;
	v13 =	vnsel vm0, $0x0, v8;
	[tilespmem:s0+$0x169A0] =	vst v6  }
0x8b: {  	v12 =	vsel vm1, $0x0, v12;
	v3 =	vmul.f32 v8, v3;
	v6 =	vld [tilespmem:s2+$0x169A0];
	v8 =	vadd.f32 $0.0e+00, v13  }
0x8c: {  	v13 =	vld [tilespmem:s2+$0x17980];
	v7 =	vmul.f32 v7, v16;
	v9 =	vadd.f32 v9, v10;
	[tilespmem:s0+$0x16980] =	vst v0  }
0x8d: {  	v4 =	vsel vm2, $0x0, v4;
	v10 =	vld [tilespmem:s2+$0x16980];
	v11 =	vmul.f32 v15, v11;
	[tilespmem:s0+$0x16990] =	vst v3;
	v3 =	vadd.f32 v12, v8  }
0x8e: {  	v1 =	vsel vm3, $0x0, v1;
	v8 =	vld [tilespmem:s2+$0x16990];
	(xrf2) =	vadd.scan.msk.f32 $0xffff, v9  }
0x8f: {  	v0 =	vld [tilespmem:s2+$0x18980];
	v5 =	vmul.f32 v5, v14;
	v7 =	vadd.f32 v7, v11;
	v3 =	vadd.f32 v4, v3  }
0x90: {  	v4 =	vmul.f32 v17, v6  }
0x91: {  	(xrf2) =	vadd.scan.msk.f32 $0xffff, v7;
	v1 =	vadd.f32 v1, v3  }
0x92: {  	v3 =	vadd.f32 v5, v4  }
0x93: {  	v4 =	vmul.f32 v13, v10;
	v2 =	vmul.f32 v2, v8;
	[tilespmem:s0+$0x19980] =	vst v1;
	s0 =	smov.u32 s2  }
0x94: {  	(xrf2) =	vadd.scan.msk.f32 $0xffff, v3  }
0x95: {  	v2 =	vadd.f32 v2, v4;
	_ =	sdelay $0x1  }
0x96: {  	(xrf2) =	vadd.scan.msk.f32 $0xffff, v2  }
0x97: {  	v1, _, _ =	vpop (xrf2)  }
0x98: {  	v1 =	vmul.f32 $1.442695020e+00, v1;
	_ =	sdelay $0x1  }
0x99: {  	v1 =	vbroadcast v1, $0xF;
	v2, _, _ =	vpop (xrf2)  }
0x9a: {  	v4 =	vmul.f32 $1.442695020e+00, v2  }
0x9b: {  	(erf) = vpow2.f32 v1  }
0x9c: {  	v3 =	vld [tilespmem:s0+$0x18990];
	v1 =	vbroadcast v4, $0xF;
	v2, _, _ =	vpop (xrf2)  }
0x9d: {  	v5 =	vmul.f32 $1.442695020e+00, v2;
	v6 =	vld [tilespmem:s0+$0x189A0]  }
0x9e: {  	v8 =	vld [tilespmem:s0+$0x189B0];
	(erf) = vpow2.f32 v1  }
0x9f: {  	v1 =	vbroadcast v5, $0xF;
	v4 =	vld [tilespmem:s0+$0x189F0];
	v2, _, _ =	vpop (xrf2)  }
0xa0: {  	v2 =	vmul.f32 $1.442695020e+00, v2;
	v5 =	vld [tilespmem:s0+$0x189E0]  }
0xa1: {  	v11 =	vld [tilespmem:s0+$0x189C0];
	(erf) = vpow2.f32 v1  }
0xa2: {  	s2 =	sshra.s32 s11, $0x2;
	v7 =	vbroadcast v2, $0xF;
	v12 =	vld [tilespmem:s0+$0x189D0]  }
.Ltmp1:
0xa3: {  	v9 =	vld [tilespmem:s2+$0x179F0];
	(pc) =	sbr.rel @p0 .LBB2_5-.Ltmp1, $4  }
0xa4: {  	v2 =	vld [tilespmem:s2+$0x17990];
	(erf) = vpow2.f32 v7;
	v1 =	vpop (erf)  }
0xa5: {  	v7 =	vld [tilespmem:s2+$0x179D0];
	v13 =	vmul.f32 v1, v5;
	v14 =	vmul.f32 v1, v4  }
0xa6: {  	v5 =	vld [tilespmem:s2+$0x179B0]  }
0xa7: {  	v10 =	vld [tilespmem:s2+$0x179E0];
	[tilespmem:s0+$0x169F0] =	vst v14;
	v4 =	vpop (erf)  }
0xa8: {  	v14 =	vld [tilespmem:s2+$0x169F0];
	[tilespmem:s0+$0x169E0] =	vst v13;
	v12 =	vmul.f32 v4, v12  }
0xa9: {  	v11 =	vmul.f32 v4, v11;
	v13 =	vld [tilespmem:s2+$0x169E0]  }
0xaa: {  	v15 =	vld [tilespmem:s2+$0x179C0];
	[tilespmem:s0+$0x169D0] =	vst v12;
	v16 =	vpop (erf)  }
0xab: {  	v12 =	vld [tilespmem:s2+$0x169D0];
	[tilespmem:s0+$0x169C0] =	vst v11;
	v8 =	vmul.f32 v16, v8  }
0xac: {  	v6 =	vmul.f32 v16, v6;
	v11 =	vld [tilespmem:s2+$0x169C0]  }
0xad: {  	v17 =	vld [tilespmem:s2+$0x179A0];
	[tilespmem:s0+$0x169B0] =	vst v8;
	v18 =	vpop (erf)  }
0xae: {  	v8 =	vld [tilespmem:s2+$0x169B0];
	[tilespmem:s0+$0x169A0] =	vst v6;
	v0 =	vmul.f32 v18, v0  }
0xaf: {  	v3 =	vmul.f32 v18, v3;
	v6 =	vld [tilespmem:s2+$0x169A0]  }
0xb0: {  	v19 =	vld [tilespmem:s2+$0x17980];
	[tilespmem:s0+$0x16980] =	vst v0  }
0xb1: {  	v0 =	vld [tilespmem:s2+$0x16980];
	[tilespmem:s0+$0x16990] =	vst v3  }
0xb2: {  	v3 =	vld [tilespmem:s2+$0x16990];
	_ =	sdelay $0x1  }
0xb3: {  	v9 =	vmul.f32 v9, v14;
	v10 =	vmul.f32 v10, v13  }
0xb4: {  	v7 =	vmul.f32 v7, v12;
	v11 =	vmul.f32 v15, v11  }
0xb5: {  	v9 =	vadd.f32 v9, v10;
	v5 =	vmul.f32 v5, v8;
	v6 =	vmul.f32 v17, v6  }
0xb6: {  	v7 =	vadd.f32 v7, v11;
	v0 =	vmul.f32 v19, v0;
	v2 =	vmul.f32 v2, v3  }
0xb7: {  	(xrf2) =	vadd.scan.msk.f32 $0xffff, v9;
	v30 =	vadd.f32 v5, v6  }
0xb8: {  	(xrf2) =	vadd.scan.msk.f32 $0xffff, v7;
	v0 =	vadd.f32 v2, v0  }
0xb9: {  	(xrf2) =	vadd.scan.msk.f32 $0xffff, v30  }
0xba: {  	(xrf2) =	vadd.scan.msk.f32 $0xffff, v0;
	_ =	sdelay $0x6  }
0xbb: {  	v31, _, _ =	vpop (xrf2)  }
0xbc: {  	v0 =	vmul.f32 $1.442695020e+00, v31;
	v32, _, _ =	vpop (xrf2)  }
0xbd: {  	v33 =	vnsel vm0, $0x0, v18;
	v2 =	vmul.f32 $1.442695020e+00, v32;
	v34, _, _ =	vpop (xrf2)  }
0xbe: {  	v3 =	vadd.f32 $0.0e+00, v33;
	v0 =	vbroadcast v0, $0xF;
	v5 =	vmul.f32 $1.442695020e+00, v34;
	v35, _, _ =	vpop (xrf2)  }
0xbf: {  	v36 =	vsel vm1, $0x0, v16;
	v2 =	vbroadcast v2, $0xF;
	v6 =	vmul.f32 $1.442695020e+00, v35  }
0xc0: {  	v3 =	vadd.f32 v36, v3;
	(erf) = vpow2.f32 v0;
	v37 =	vbroadcast v5, $0xF  }
0xc1: {  	v38 =	vsel vm2, $0x0, v4;
	(erf) = vpow2.f32 v2;
	v39 =	vbroadcast v6, $0xF  }
0xc2: {  	v3 =	vadd.f32 v38, v3;
	(erf) = vpow2.f32 v37  }
0xc3: {  	v40 =	vsel vm3, $0x0, v1;
	(erf) = vpow2.f32 v39  }
0xc4: {  	v0 =	vadd.f32 v40, v3;
	_ =	sdelay $0x1  }
0xc5: {  	v41 =	vld [tilespmem:s2+$0x18980];
	[tilespmem:s0+$0x19980] =	vst v0  }
0xc6: {  	v0 =	vld [tilespmem:s2+$0x189F0]  }
0xc7: {  	v42 =	vld [tilespmem:s2+$0x189E0]  }
0xc8: {  	v43 =	vld [tilespmem:s2+$0x189D0];
	v44 =	vpop (erf)  }
0xc9: {  	v45 =	vld [tilespmem:s2+$0x189C0];
	v46 =	vpop (erf)  }
0xca: {  	v47 =	vld [tilespmem:s2+$0x189B0];
	v48 =	vpop (erf)  }
0xcb: {  	v49 =	vld [tilespmem:s2+$0x189A0];
	v0 =	vmul.f32 v44, v0;
	v50 =	vpop (erf)  }
0xcc: {  	v2 =	vmul.f32 v44, v42;
	v52 =	vnsel vm0, $0x0, v50  }
0xcd: {  	v51 =	vld [tilespmem:s2+$0x18990];
	[tilespmem:s2+$0x169F0] =	vst v0;
	v53 =	vmul.f32 v46, v43;
	v54 =	vadd.f32 $0.0e+00, v52  }
0xce: {  	[tilespmem:s2+$0x169E0] =	vst v2;
	v5 =	vmul.f32 v46, v45;
	v55 =	vsel vm1, $0x0, v48  }
0xcf: {  	[tilespmem:s2+$0x169D0] =	vst v53;
	v56 =	vmul.f32 v48, v47;
	v2 =	vadd.f32 v55, v54  }
0xd0: {  	v58 =	vsel vm2, $0x0, v46;
	[tilespmem:s2+$0x169C0] =	vst v5;
	v57 =	vmul.f32 v48, v49  }
0xd1: {  	[tilespmem:s2+$0x169B0] =	vst v56;
	v59 =	vmul.f32 v50, v41;
	v60 =	vadd.f32 v58, v2  }
0xd2: {  	v62 =	vsel vm3, $0x0, v44;
	[tilespmem:s2+$0x169A0] =	vst v57;
	v61 =	vmul.f32 v50, v51  }
0xd3: {  	[tilespmem:s2+$0x16980] =	vst v59;
	v63 =	vadd.f32 v62, v60  }
0xd4: {  	[tilespmem:s2+$0x16990] =	vst v61  }
0xd5: {  	[tilespmem:s2+$0x19980] =	vst v63  }
0xd6: {  	[spmem:s3] =	stream.indirect.scatter.add.f32 [tilespmem:s18], [sflag:$0x2], $0x80, s24, s22, $0xb8;
	[tilespmem:$0x1A980] =	vst v63  }
0xd7: {  	_ =	swait.ge [sflag:s19], $0x1000  }
0xd8: {  	p0 =	sne.s32 s31, s13;
	[sflag:s19] =	ssyncset.done $0x0  }
.Ltmp2:
0xd9: {  	[sflag:s19] =	ssyncadd.s32 $0xFFFFF000;
	(pc) =	sbr.rel @p0 .LBB2_4-.Ltmp2, $4  }
0xda: {  	[spmem:s4] =	stream.indirect.scatter.add.f32 [tilespmem:s20], [sflag:$0x2], $0x10, s24, s22, $0xb8;
	[tilespmem:$0x1A980] =	vst v63  }
0xdb: {  	_ =	swait.ge [sflag:s19], $0x200  }
0xdc: {  	s11 =	sadd.s32 $0x1, s31;
	[sflag:s19] =	ssyncset.done $0x0  }
0xdd: {  	s31 =	smov.u32 s11;
	[sflag:s19] =	ssyncadd.s32 $0xFFFFFE00  }
0xde: {  	[bflag:$0x0] =	sbarrier.arrive $0xFFFF  }
0xdf: {  	[tilespmem:s21], [sflag:$0x2] =	stream.linear.gather [hbm4b:s15+s5], $0x20, $0x38;
	[tilespmem:$0x1A980] =	vst v63  }
0xe0: {  	_ =	swait.ge [sflag:s19], $0x20  }
0xe1: {  	[sflag:s19] =	ssyncset.done $0x0  }
0xe2: {  	[sflag:s19] =	ssyncadd.s32 $0xFFFFFFE0  }
0xe3: {  	[tilespmem:s18], [sflag:$0x1] =	stream.indirect.gather [spmem:s3], $0x80, s21, s22, $0xb8;
	[tilespmem:$0x1A980] =	vst v63  }
0xe4: {  	_ = 	snop  }
0xe5: {  	[tilespmem:s20], [sflag:$0x1] =	stream.indirect.gather [spmem:s4], $0x10, s21, s22, $0xb8;
	[tilespmem:$0x1A980] =	vst v63  }
0xe6: {  	_ =	swait.ge [sflag:s28], $0x1000  }
0xe7: {  	[sflag:s28] =	ssyncset.done $0x0  }
0xe8: {  	[sflag:s28] =	ssyncadd.s32 $0xFFFFF000  }
0xe9: {  	_ =	swait.ge [sflag:s28], $0x200  }
0xea: {  	[sflag:s28] =	ssyncset.done $0x0  }
0xeb: {  	s0 =	sadd.s32 $0x0, s17;
	[sflag:s28] =	ssyncadd.s32 $0xFFFFFE00  }
0xec: {  	[hbm4b:s0+s5] =	stream.linear.scatter [tilespmem:s18], [sflag:$0x2], $0x1000, $0x38;
	[tilespmem:$0x1A980] =	vst v63  }
0xed: {  	_ =	swait.ge [sflag:s19], $0x1000  }
0xee: {  	[sflag:s19] =	ssyncset.done $0x0  }
0xef: {  	s31 =	sadd.s32 $0x0, s16;
	[sflag:s19] =	ssyncadd.s32 $0xFFFFF000  }
0xf0: {  	[hbm4b:s31+s5] =	stream.linear.scatter [tilespmem:s20], [sflag:$0x2], $0x1000, $0x38;
	[tilespmem:$0x1A980] =	vst v63  }
0xf1: {  	_ =	swait.ge [sflag:s19], $0x1000  }
0xf2: {  	s2 =	smov.u32 s15;
	s0 =	simm.s32 $0x200;
	[sflag:s19] =	ssyncset.done $0x0  }
.LBB2_8:
0xf3: {  	p0 =	sne.s32 s0, $0x2600;
	[sflag:s19] =	ssyncadd.s32 $0xFFFFF000;
	s2 =	sadd.s32 $0x4, s2  }
0xf4: {  	[tilespmem:s21], [sflag:$0x2] =	stream.linear.gather [hbm4b:s2+s5], $0x20, $0x38;
	[tilespmem:$0x1A980] =	vst v63  }
0xf5: {  	s10 =	smov.u32 s0;
	s0 =	sadd.s32 $0x200, s0;
	_ =	swait.ge [sflag:s19], $0x20  }
0xf6: {  	[sflag:s19] =	ssyncset.done $0x0  }
0xf7: {  	[sflag:s19] =	ssyncadd.s32 $0xFFFFFFE0  }
0xf8: {  	[tilespmem:s18], [sflag:$0x1] =	stream.indirect.gather [spmem:s3], $0x80, s21, s22, $0xb8;
	[tilespmem:$0x1A980] =	vst v63  }
0xf9: {  	_ = 	snop  }
0xfa: {  	[tilespmem:s20], [sflag:$0x1] =	stream.indirect.gather [spmem:s4], $0x10, s21, s22, $0xb8;
	[tilespmem:$0x1A980] =	vst v63  }
0xfb: {  	_ =	swait.ge [sflag:s28], $0x1000  }
0xfc: {  	[sflag:s28] =	ssyncset.done $0x0  }
0xfd: {  	[sflag:s28] =	ssyncadd.s32 $0xFFFFF000  }
0xfe: {  	_ =	swait.ge [sflag:s28], $0x200  }
0xff: {  	[sflag:s28] =	ssyncset.done $0x0  }
0x100: {  	s11 =	sadd.s32 s10, s17;
	[sflag:s28] =	ssyncadd.s32 $0xFFFFFE00  }
0x101: {  	[hbm4b:s11+s5] =	stream.linear.scatter [tilespmem:s18], [sflag:$0x2], $0x1000, $0x38;
	[tilespmem:$0x1A980] =	vst v63  }
0x102: {  	_ =	swait.ge [sflag:s19], $0x1000  }
.Ltmp3:
0x103: {  	[sflag:s19] =	ssyncset.done $0x0;
	(pc) =	sbr.rel @p0 .LBB2_8-.Ltmp3, $4  }
0x104: {  	s10 =	sadd.s32 s10, s16;
	[sflag:s19] =	ssyncadd.s32 $0xFFFFF000  }
0x105: {  	[hbm4b:s10+s5] =	stream.linear.scatter [tilespmem:s20], [sflag:$0x2], $0x1000, $0x38;
	[tilespmem:$0x1A980] =	vst v63  }
0x106: {  	_ =	swait.ge [sflag:s19], $0x1000  }
0x107: {  	[sflag:s19] =	ssyncset.done $0x0  }
0x108: {  	s29 =	sadd.s32 $0x1, s29  }
0x109: {  	p0 =	sne.s32 s29, s14  }
.Ltmp4:
0x10a: {  	_ = 	snop;
	(pc) =	sbr.rel @p0 .LBB2_1-.Ltmp4, $2  }
0x10b: {  	_ =	sdelay $0x2  }
0x10c: {  	[sflag:s19] =	ssyncadd.s32 $0xFFFFF000  }
0x10d: {  	_ =	sfence.sel $0x180000  }
0x10e: {  	[bflag:$0x0] =	sbarrier.arrive $0xFFFF  }
0x10f: {  	_ =	strace $0x9000004D  }
0x110: {  	s0 =	stileid.u32;
	[bflag:$0x2] =	sbarrier.arrive $0xFFFF  }
0x111: {  	p0 =	sne.s32 s0, $0x0;
	s0 =	rddreg [dreg:$0x4]  }
0x112: {  	s0 =	sadd.s32 @!p0 $0x100000, s0  }
0x113: {  	[sflag:s0] =	ssyncadd.tile.s32 @!p0 $0x1;
	_ =	shalt  }
.Lfunc_end2:
_tile_overlayer_lowered:
.L_overlay_start_2:
0x114: {  	(tag) =	ssettag $0x2  }
0x115: {  	s0 =	rddreg [dreg:$0x0];
	s2 =	stileid.u32  }
0x116: {  	s1 =	rddreg [dreg:$0x1];
	p0 =	sne.s32 s2, $0x0  }
0x117: {  	s3 =	rddreg [dreg:$0x2];
	[bflag:$0x3] =	sbarrier.arrive $0xFFFF;
	s2 =	simm.s32 @!p0 $0x1C02  }
0x118: {  	[timem:s3], [sflag:s2] =	dma.local @!p0 [hbm:s0], s1  }
0x119: {  	s0 =	simm.s32 @!p0 $0x2  }
0x11a: {  	_ =	swait.ge @!p0 [sflag:s0], s1  }
0x11b: {  	s1 =	ssub.s32 @!p0 $0x0, s1;
	[sflag:s0] =	ssyncset.done @!p0 $0x0  }
0x11c: {  	[sflag:s0] =	ssyncadd.s32 @!p0 s1  }
0x11d: {  	[bflag:$0x3] =	sbarrier.arrive $0xFFFF  }
0x11e: {  	_ =	shalt  }

</sc_bundles>
